<compile_context>
chip_gen: v7x
topology: tpu7x:2x2x1
jax: 0.10.2.dev20260603
libtpu: 0.0.44.dev20260713+nightly
codegen_flags: <defaults>
</compile_context>

<pallas_src>
import jax
import jax.numpy as jnp
from jax import lax
from jax.experimental import pallas as pl
from jax.experimental.pallas import tpu as pltpu
from jax.experimental.pallas import tpu_sc as plsc

N = 10000
B = 16
KP = 65
NC, NS = 2, 16
HB = B // NC
EP = 65
NPW = 640
N_PAD = NS * NPW
CN = 16
EC = CN * EP
NCHUNK = NPW // CN
NPAIR = NCHUNK // 2
TEC_E = NPW * EP
ACC_W = N_PAD * HB
SECT = 2048
NSEC = N_PAD // SECT
SECW = SECT + 9


def _sc_body(x_hbm, meta_hbm, zeros_hbm, out_hbm,
             acc_v, xloc_v, meta_c, outt_v, semz, sem0, sem1):
    c = lax.axis_index("c")
    s = lax.axis_index("s")
    wid = s * NC + c
    node0 = pl.multiple_of(s * NPW, NPW)
    ebase0 = pl.multiple_of(s * TEC_E, TEC_E)
    sems = (sem0, sem1)

    zcp = pltpu.async_copy(zeros_hbm, acc_v, semz)
    pltpu.sync_copy(x_hbm.at[:, pl.ds(node0, NPW)], xloc_v)
    zcp.wait()

    iota16 = lax.iota(jnp.int32, 16)
    half01 = iota16 // 8
    iota88 = iota16 - half01 * 8
    dupsel = iota88 + c * HB

    def fire(ci, buf):
        ebase = pl.multiple_of(ebase0 + ci * EC, EC)
        pltpu.async_copy(meta_hbm.at[pl.ds(ebase, EC)],
                         meta_c.at[buf, pl.ds(0, EC)], sems[buf])

    def wait(ci, buf):
        ebase = pl.multiple_of(ebase0 + ci * EC, EC)
        pltpu.make_async_copy(meta_hbm.at[pl.ds(ebase, EC)],
                              meta_c.at[buf, pl.ds(0, EC)],
                              sems[buf]).wait()

    def compute(ci, buf):
        @plsc.parallel_loop(0, CN, unroll=2)
        def node_body(nn, carry2=None):
            raw = plsc.load_gather(xloc_v, [iota16, jnp.zeros(
                (16,), jnp.int32) + (ci * CN + nn)])
            row = raw.at[dupsel].get(mode="promise_in_bounds")
            for o in (0, 16, 32, 48):
                pv = meta_c[buf, pl.ds(nn * EP + o, 16)]
                for p in range(8):
                    sel = half01 + (2 * p)
                    g = pv.at[sel].get(mode="promise_in_bounds")
                    wval = plsc.bitcast(
                        g & jnp.int32(-65536), jnp.float32) * row
                    widx = ((g << 3) & 0x1FFF8) + iota88
                    plsc.addupdate_scatter(acc_v, [widx], wval)
            pv = meta_c[buf, pl.ds(nn * EP + 56, 16)]
            g = pv.at[jnp.zeros((16,), jnp.int32) + 8].get(
                mode="promise_in_bounds")
            wval = plsc.bitcast(g & jnp.int32(-65536), jnp.float32) * row
            widx = ((g << 3) & 0x1FFF8) + iota88
            plsc.addupdate_scatter(acc_v, [widx], wval, mask=half01 == 0)

    fire(0, 0)

    def pair_body(pi, carry):
        a = 2 * pi
        wait(a, 0)
        fire(a + 1, 1)
        compute(a, 0)
        wait(a + 1, 1)

        @pl.when(pi < NPAIR - 1)
        def _():
            fire(a + 2, 0)

        compute(a + 1, 1)
        return carry

    lax.fori_loop(0, NPAIR, pair_body, 0)

    def sec_body(sec, carry):
        def tp_body(ti, carry2):
            for u in range(8):
                t2 = ti * 8 + u
                ld = acc_v[pl.ds((sec * SECT + t2 * 2) * HB, 16)]
                plsc.store_scatter(outt_v, [iota88, half01 + t2 * 2], ld)
            return carry2

        lax.fori_loop(0, SECT // 16, tp_body, 0)
        pltpu.sync_copy(
            outt_v.at[:, pl.ds(0, SECT)],
            out_hbm.at[wid, :, pl.ds(sec * SECT, SECT)])
        return carry

    lax.fori_loop(0, NSEC, sec_body, 0)


@jax.jit
def _sc_spmm(xp, meta_flat, zeros):
    mesh = plsc.VectorSubcoreMesh(
        core_axis_name="c", subcore_axis_name="s",
        num_cores=NC, num_subcores=NS)
    f = pl.kernel(
        _sc_body,
        out_type=jax.ShapeDtypeStruct((NC * NS, HB, N_PAD), jnp.float32),
        mesh=mesh,
        scratch_types=[
            pltpu.VMEM((ACC_W,), jnp.float32),
            pltpu.VMEM((B, NPW), jnp.float32),
            pltpu.VMEM((2, EC + 16), jnp.int32),
            pltpu.VMEM((HB, SECW), jnp.float32),
            pltpu.SemaphoreType.DMA,
            pltpu.SemaphoreType.DMA,
            pltpu.SemaphoreType.DMA,
        ],
        compiler_params=pltpu.CompilerParams(
            use_tc_tiling_on_sc=False, needs_layout_passes=False),
    )
    return f(xp, meta_flat, zeros)


def kernel(x, values, indices_row, indices_col):
    xp = jnp.pad(x, ((0, 0), (0, N_PAD - N)))
    vbits = jax.lax.bitcast_convert_type(
        values.astype(jnp.bfloat16), jnp.uint16).astype(jnp.int32) << 16
    meta = vbits | indices_row.astype(jnp.int32)
    meta2 = jnp.pad(meta.reshape(N, KP), ((0, N_PAD - N), (0, 0)))
    zeros = jnp.zeros((ACC_W,), jnp.float32)
    parts = _sc_spmm(xp, meta2.reshape(-1), zeros)
    q = parts.reshape(NS, NC, HB, N_PAD).sum(0)
    return q.reshape(B, N_PAD)[:, :N]

# --- scband reference (transcript-rebuilt; emitter-appended) ---
"""Pipeline reference for scband-topographical-cortical-cell-8194797601536 (READ-ONLY COPY).

The authoritative reference and input builder live on the scoring server;
editing this copy changes nothing except your own understanding.
"""

import jax, jax.numpy as jnp
import numpy as np

SHEET = (100, 100)
K = 64
STD = 10.0
N = SHEET[0] * SHEET[1]
B = 16


def _build_sparse():
    # Replicates TopographicalCorticalCell.__init__ connectivity construction
    # (vectorized): for each neuron at (i, j), draw K gaussian-offset synapse
    # targets, clamp to the sheet, add a self-connection, flatten to 1D ids.
    rng = np.random.RandomState(0)
    ii, jj = np.meshgrid(np.arange(SHEET[0]), np.arange(SHEET[1]), indexing='ij')
    coords = np.stack([ii.ravel(), jj.ravel()], axis=1)  # [N, 2]
    syn = (rng.randn(N, 2, K) * STD + coords[:, :, None]).astype(np.int64)
    syn[:, 0, :] = np.clip(syn[:, 0, :], 0, SHEET[0] - 1)
    syn[:, 1, :] = np.clip(syn[:, 1, :], 0, SHEET[1] - 1)
    syn_1d = syn[:, 0, :] * SHEET[1] + syn[:, 1, :]  # [N, K] (idx_2D_to_1D)
    self_idx = coords[:, 0] * SHEET[1] + coords[:, 1]  # [N]
    # indices = stack((synapses, synapse_root)): row 0 = target, row 1 = root
    targets = np.concatenate([syn_1d, self_idx[:, None]], axis=1).ravel()
    roots = np.repeat(self_idx, K + 1)
    # 'he' initialization: randn(nnz) * sqrt(2 / synapses_per_neuron)
    values = (rng.randn(targets.shape[0]) * np.sqrt(2.0 / K)).astype(np.float32)
    return targets.astype(np.int64), roots.astype(np.int64), values


def setup_inputs(seed: int = 0) -> dict:
    key = jax.random.key(seed)
    rows, cols, values = _build_sparse()
    x = jax.random.normal(key, (B, N), dtype=jnp.float32)
    return {
        'x': x,
        'values': jnp.asarray(values),
        'indices_row': jnp.asarray(rows),
        'indices_col': jnp.asarray(cols),
    }


def reference(x, values, indices_row, indices_col):
    # forward: batch_first -> x.t(); out = W @ x^T; out.t()
    # W is sparse [N, N] with W[row, col] = value (duplicates sum, as in coalesce)
    y = x.T  # [N, B]
    gathered = jnp.take(y, indices_col, axis=0) * values[:, None]  # [nnz, B]
    out = jax.ops.segment_sum(gathered, indices_row, num_segments=N)  # [N, B]
    return out.T  # [B, N]

if __name__ == "__main__":
    import jax
    _d = setup_inputs()
    print(jax.jit(kernel)(*tuple(_d.values())))

</pallas_src>

<mosaic_0001>
#map = affine_map<(d0, d1) -> (0, 0)>
#map1 = affine_map<(d0, d1) -> (0)>
#map2 = affine_map<(d0, d1) -> (0, 0, 0)>
module attributes {stable_mosaic.version = 14 : i64} {
  func.func @_sc_body(%arg0: i32, %arg1: i32, %arg2: memref<16x10240xf32, #tpu.memory_space<hbm>>, %arg3: memref<665600xi32, #tpu.memory_space<hbm>>, %arg4: memref<81920xf32, #tpu.memory_space<hbm>>, %arg5: memref<32x8x10240xf32, #tpu.memory_space<hbm>>, %arg6: memref<81920xf32, #tpu.memory_space<vmem>>, %arg7: memref<16x640xf32, #tpu.memory_space<vmem>>, %arg8: memref<2x1056xi32, #tpu.memory_space<vmem>>, %arg9: memref<8x2057xf32, #tpu.memory_space<vmem>>, %arg10: memref<!tpu.dma_semaphore, #tpu.memory_space<semaphore_mem>>, %arg11: memref<!tpu.dma_semaphore, #tpu.memory_space<semaphore_mem>>, %arg12: memref<!tpu.dma_semaphore, #tpu.memory_space<semaphore_mem>>) attributes {dimension_semantics = [#tpu.dimension_semantics<core_parallel>, #tpu.dimension_semantics<subcore_parallel>], iteration_bounds = array<i64: 2, 16>, scalar_prefetch = 0 : i64, scratch_operands = 7 : i64, tpu.core_type = #tpu.core_type<sc_vector_subcore>, window_params = [{transform_indices = #map}, {transform_indices = #map1}, {transform_indices = #map1}, {transform_indices = #map2}]} {
    %mul3A = arith.constant 2 : i32
    %mul3A_0 = arith.muli %arg1, %mul3A : i32
    %add3A = arith.addi %mul3A_0, %arg0 : i32
    %mul3A_1 = arith.constant 640 : i32
    %mul3A_2 = arith.muli %arg1, %mul3A_1 : i32
    %multiple_of3A = tpu.assume_multiple %mul3A_2, 640 : i32
    %mul3A_3 = arith.constant 41600 : i32
    %mul3A_4 = arith.muli %arg1, %mul3A_3 : i32
    %multiple_of3A_5 = tpu.assume_multiple %mul3A_4, 41600 : i32
    tpu.enqueue_dma source(%arg4 : memref<81920xf32, #tpu.memory_space<hbm>>) target(%arg6 : memref<81920xf32, #tpu.memory_space<vmem>>) target_semaphore(%arg10 : memref<!tpu.dma_semaphore, #tpu.memory_space<semaphore_mem>>)
    "tpu.region"() ({
      %run_scoped3A = tpu.sem_alloc : memref<!tpu.dma_semaphore, #tpu.memory_space<semaphore_mem>>
      %dma_start3A_59 = arith.constant 0 : i32
      %dma_start3A_60 = tpu.memref_slice %arg2[%dma_start3A_59, %multiple_of3A] : memref<16x10240xf32, #tpu.memory_space<hbm>> -> memref<16x640xf32, #tpu.memory_space<hbm>>
      %dma_start3A_61 = arith.constant 0 : i32
      %dma_start3A_62 = tpu.memref_slice %arg2[%dma_start3A_61, %multiple_of3A] : memref<16x10240xf32, #tpu.memory_space<hbm>> -> memref<16x640xf32, #tpu.memory_space<hbm>>
      tpu.enqueue_dma source(%dma_start3A_62 : memref<16x640xf32, #tpu.memory_space<hbm>>) target(%arg7 : memref<16x640xf32, #tpu.memory_space<vmem>>) target_semaphore(%run_scoped3A : memref<!tpu.dma_semaphore, #tpu.memory_space<semaphore_mem>>)
      %dma_wait3A = arith.constant 0 : i32
      %dma_wait3A_63 = tpu.memref_slice %arg2[%dma_wait3A, %multiple_of3A] : memref<16x10240xf32, #tpu.memory_space<hbm>> -> memref<16x640xf32, #tpu.memory_space<hbm>>
      %dma_wait3A_64 = arith.constant 0 : i32
      %dma_wait3A_65 = tpu.memref_slice %arg2[%dma_wait3A_64, %multiple_of3A] : memref<16x10240xf32, #tpu.memory_space<hbm>> -> memref<16x640xf32, #tpu.memory_space<hbm>>
      tpu.wait_dma2 semaphore(%run_scoped3A : memref<!tpu.dma_semaphore, #tpu.memory_space<semaphore_mem>>) src(%dma_wait3A_65 : memref<16x640xf32, #tpu.memory_space<hbm>>) dst(%arg7 : memref<16x640xf32, #tpu.memory_space<vmem>>)
      tpu.yield
    }) : () -> ()
    tpu.wait_dma2 semaphore(%arg10 : memref<!tpu.dma_semaphore, #tpu.memory_space<semaphore_mem>>) src(%arg4 : memref<81920xf32, #tpu.memory_space<hbm>>) dst(%arg6 : memref<81920xf32, #tpu.memory_space<vmem>>)
    %iota3A = tpu.iota {dimensions = array<i32: 0>} : vector<16xi32>
    %jit3A = arith.constant 8 : i32
    %div3A = vector.broadcast %jit3A : i32 to vector<16xi32>
    %div3A_6 = arith.divsi %iota3A, %div3A : vector<16xi32>
    %sign3A = arith.constant 0 : i32
    %sign3A_7 = vector.broadcast %sign3A : i32 to vector<16xi32>
    %sign3A_8 = arith.cmpi sgt, %iota3A, %sign3A_7 : vector<16xi32>
    %sign3A_9 = arith.extui %sign3A_8 : vector<16xi1> to vector<16xi32>
    %sign3A_10 = arith.constant 0 : i32
    %sign3A_11 = vector.broadcast %sign3A_10 : i32 to vector<16xi32>
    %sign3A_12 = arith.cmpi slt, %iota3A, %sign3A_11 : vector<16xi32>
    %sign3A_13 = arith.extui %sign3A_12 : vector<16xi1> to vector<16xi32>
    %sign3A_14 = arith.subi %sign3A_9, %sign3A_13 : vector<16xi32>
    %sign3A_15 = arith.constant 0 : i32
    %sign3A_16 = arith.cmpi sgt, %jit3A, %sign3A_15 : i32
    %sign3A_17 = arith.extui %sign3A_16 : i1 to i32
    %sign3A_18 = arith.constant 0 : i32
    %sign3A_19 = arith.cmpi slt, %jit3A, %sign3A_18 : i32
    %sign3A_20 = arith.extui %sign3A_19 : i1 to i32
    %sign3A_21 = arith.subi %sign3A_17, %sign3A_20 : i32
    %ne3A = vector.broadcast %sign3A_21 : i32 to vector<16xi32>
    %ne3A_22 = arith.cmpi ne, %sign3A_14, %ne3A : vector<16xi32>
    %rem3A = vector.broadcast %jit3A : i32 to vector<16xi32>
    %rem3A_23 = arith.remsi %iota3A, %rem3A : vector<16xi32>
    %ne3A_24 = arith.constant 0 : i32
    %ne3A_25 = vector.broadcast %ne3A_24 : i32 to vector<16xi32>
    %ne3A_26 = arith.cmpi ne, %rem3A_23, %ne3A_25 : vector<16xi32>
    %and3A = arith.andi %ne3A_22, %ne3A_26 : vector<16xi1>
    %sub3A = arith.constant 1 : i32
    %sub3A_27 = vector.broadcast %sub3A : i32 to vector<16xi32>
    %sub3A_28 = arith.subi %div3A_6, %sub3A_27 : vector<16xi32>
    %select_n3A = arith.select %and3A, %sub3A_28, %div3A_6 : vector<16xi1>, vector<16xi32>
    %mul3A_29 = arith.constant 8 : i32
    %mul3A_30 = vector.broadcast %mul3A_29 : i32 to vector<16xi32>
    %mul3A_31 = arith.muli %select_n3A, %mul3A_30 : vector<16xi32>
    %sub3A_32 = arith.subi %iota3A, %mul3A_31 : vector<16xi32>
    %mul3A_33 = arith.constant 8 : i32
    %mul3A_34 = arith.muli %arg0, %mul3A_33 : i32
    %add3A_35 = vector.broadcast %mul3A_34 : i32 to vector<16xi32>
    %add3A_36 = arith.addi %sub3A_32, %add3A_35 : vector<16xi32>
    %add3A_37 = arith.constant 0 : i32
    %add3A_38 = arith.addi %multiple_of3A_5, %add3A_37 : i32
    %multiple_of3A_39 = tpu.assume_multiple %add3A_38, 1040 : i32
    %dma_start3A = arith.constant 0 : i32
    %dma_start3A_40 = arith.constant 0 : i32
    %dma_start3A_41 = tpu.memref_slice %arg8[%dma_start3A, %dma_start3A_40] : memref<2x1056xi32, #tpu.memory_space<vmem>> -> memref<1x1040xi32, #tpu.memory_space<vmem>>
    %dma_start3A_42 = tpu.memref_squeeze %dma_start3A_41 : memref<1x1040xi32, #tpu.memory_space<vmem>> -> memref<1040xi32, #tpu.memory_space<vmem>>
    %dma_start3A_43 = tpu.memref_slice %arg3[%multiple_of3A_39] : memref<665600xi32, #tpu.memory_space<hbm>> -> memref<1040xi32, #tpu.memory_space<hbm>>
    %dma_start3A_44 = arith.constant 0 : i32
    %dma_start3A_45 = tpu.memref_slice %arg8[%dma_start3A, %dma_start3A_44] : memref<2x1056xi32, #tpu.memory_space<vmem>> -> memref<1x1040xi32, #tpu.memory_space<vmem>>
    %dma_start3A_46 = tpu.memref_squeeze %dma_start3A_45 : memref<1x1040xi32, #tpu.memory_space<vmem>> -> memref<1040xi32, #tpu.memory_space<vmem>>
    %dma_start3A_47 = tpu.memref_slice %arg3[%multiple_of3A_39] : memref<665600xi32, #tpu.memory_space<hbm>> -> memref<1040xi32, #tpu.memory_space<hbm>>
    tpu.enqueue_dma source(%dma_start3A_47 : memref<1040xi32, #tpu.memory_space<hbm>>) target(%dma_start3A_46 : memref<1040xi32, #tpu.memory_space<vmem>>) target_semaphore(%arg11 : memref<!tpu.dma_semaphore, #tpu.memory_space<semaphore_mem>>)
    %scan3A = arith.constant 0 : i32
    %scan3A_48 = arith.constant 0 : i32
    %scan3A_49 = arith.constant 20 : i32
    %scan3A_50 = arith.addi %scan3A_48, %scan3A_49 : i32
    %scan3A_51 = arith.constant 1 : i32
    scf.for %scan3A_59 = %scan3A_48 to %scan3A_50 step %scan3A_51  : i32 {
      %mul3A_60 = arith.constant 2 : i32
      %mul3A_61 = arith.muli %mul3A_60, %scan3A_59 : i32
      %mul3A_62 = arith.constant 1040 : i32
      %mul3A_63 = arith.muli %mul3A_61, %mul3A_62 : i32
      %add3A_64 = arith.addi %multiple_of3A_5, %mul3A_63 : i32
      %multiple_of3A_65 = tpu.assume_multiple %add3A_64, 1040 : i32
      %dma_wait3A = arith.constant 0 : i32
      %dma_wait3A_66 = arith.constant 0 : i32
      %dma_wait3A_67 = tpu.memref_slice %arg8[%dma_wait3A, %dma_wait3A_66] : memref<2x1056xi32, #tpu.memory_space<vmem>> -> memref<1x1040xi32, #tpu.memory_space<vmem>>
      %dma_wait3A_68 = tpu.memref_squeeze %dma_wait3A_67 : memref<1x1040xi32, #tpu.memory_space<vmem>> -> memref<1040xi32, #tpu.memory_space<vmem>>
      %dma_wait3A_69 = tpu.memref_slice %arg3[%multiple_of3A_65] : memref<665600xi32, #tpu.memory_space<hbm>> -> memref<1040xi32, #tpu.memory_space<hbm>>
      %dma_wait3A_70 = arith.constant 0 : i32
      %dma_wait3A_71 = tpu.memref_slice %arg8[%dma_wait3A, %dma_wait3A_70] : memref<2x1056xi32, #tpu.memory_space<vmem>> -> memref<1x1040xi32, #tpu.memory_space<vmem>>
      %dma_wait3A_72 = tpu.memref_squeeze %dma_wait3A_71 : memref<1x1040xi32, #tpu.memory_space<vmem>> -> memref<1040xi32, #tpu.memory_space<vmem>>
      %dma_wait3A_73 = tpu.memref_slice %arg3[%multiple_of3A_65] : memref<665600xi32, #tpu.memory_space<hbm>> -> memref<1040xi32, #tpu.memory_space<hbm>>
      tpu.wait_dma2 semaphore(%arg11 : memref<!tpu.dma_semaphore, #tpu.memory_space<semaphore_mem>>) src(%dma_wait3A_73 : memref<1040xi32, #tpu.memory_space<hbm>>) dst(%dma_wait3A_72 : memref<1040xi32, #tpu.memory_space<vmem>>)
      %add3A_74 = arith.constant 1 : i32
      %add3A_75 = arith.addi %mul3A_61, %add3A_74 : i32
      %mul3A_76 = arith.constant 1040 : i32
      %mul3A_77 = arith.muli %add3A_75, %mul3A_76 : i32
      %add3A_78 = arith.addi %multiple_of3A_5, %mul3A_77 : i32
      %multiple_of3A_79 = tpu.assume_multiple %add3A_78, 1040 : i32
      %dma_start3A_80 = arith.constant 1 : i32
      %dma_start3A_81 = arith.constant 0 : i32
      %dma_start3A_82 = tpu.memref_slice %arg8[%dma_start3A_80, %dma_start3A_81] : memref<2x1056xi32, #tpu.memory_space<vmem>> -> memref<1x1040xi32, #tpu.memory_space<vmem>>
      %dma_start3A_83 = tpu.memref_squeeze %dma_start3A_82 : memref<1x1040xi32, #tpu.memory_space<vmem>> -> memref<1040xi32, #tpu.memory_space<vmem>>
      %dma_start3A_84 = tpu.memref_slice %arg3[%multiple_of3A_79] : memref<665600xi32, #tpu.memory_space<hbm>> -> memref<1040xi32, #tpu.memory_space<hbm>>
      %dma_start3A_85 = arith.constant 0 : i32
      %dma_start3A_86 = tpu.memref_slice %arg8[%dma_start3A_80, %dma_start3A_85] : memref<2x1056xi32, #tpu.memory_space<vmem>> -> memref<1x1040xi32, #tpu.memory_space<vmem>>
      %dma_start3A_87 = tpu.memref_squeeze %dma_start3A_86 : memref<1x1040xi32, #tpu.memory_space<vmem>> -> memref<1040xi32, #tpu.memory_space<vmem>>
      %dma_start3A_88 = tpu.memref_slice %arg3[%multiple_of3A_79] : memref<665600xi32, #tpu.memory_space<hbm>> -> memref<1040xi32, #tpu.memory_space<hbm>>
      tpu.enqueue_dma source(%dma_start3A_88 : memref<1040xi32, #tpu.memory_space<hbm>>) target(%dma_start3A_87 : memref<1040xi32, #tpu.memory_space<vmem>>) target_semaphore(%arg12 : memref<!tpu.dma_semaphore, #tpu.memory_space<semaphore_mem>>)
      %parallel_loop3A = arith.constant 0 : i32
      %parallel_loop3A_89 = arith.constant 16 : i32
      %parallel_loop3A_90 = arith.constant 1 : i32
      scf.for %parallel_loop3A_113 = %parallel_loop3A to %parallel_loop3A_89 step %parallel_loop3A_90  : i32 {
        %parallel_loop3A_114 = arith.constant 0 : i32
        %parallel_loop3A_115 = vector.broadcast %parallel_loop3A_114 : i32 to vector<16xi32>
        %parallel_loop3A_116 = arith.constant 16 : i32
        %parallel_loop3A_117 = arith.muli %mul3A_61, %parallel_loop3A_116 : i32
        %parallel_loop3A_118 = arith.addi %parallel_loop3A_117, %parallel_loop3A_113 : i32
        %parallel_loop3A_119 = vector.broadcast %parallel_loop3A_118 : i32 to vector<16xi32>
        %parallel_loop3A_120 = arith.addi %parallel_loop3A_115, %parallel_loop3A_119 : vector<16xi32>
        %parallel_loop3A_121 = tpu.vector_load_idx %arg7[%iota3A, %parallel_loop3A_120] : memref<16x640xf32, #tpu.memory_space<vmem>>[vector<16xi32>, vector<16xi32>], vector<16xf32>,
        %parallel_loop3A_122 = arith.constant 0 : i32
        %parallel_loop3A_123 = vector.broadcast %parallel_loop3A_122 : i32 to vector<16xi32>
        %parallel_loop3A_124 = arith.cmpi slt, %add3A_36, %parallel_loop3A_123 : vector<16xi32>
        %parallel_loop3A_125 = arith.constant 16 : i32
        %parallel_loop3A_126 = vector.broadcast %parallel_loop3A_125 : i32 to vector<16xi32>
        %parallel_loop3A_127 = arith.addi %add3A_36, %parallel_loop3A_126 : vector<16xi32>
        %parallel_loop3A_128 = arith.select %parallel_loop3A_124, %parallel_loop3A_127, %add3A_36 : vector<16xi1>, vector<16xi32>
        %parallel_loop3A_129 = vector.shape_cast %parallel_loop3A_128 : vector<16xi32> to vector<16x1xi32>
        %parallel_loop3A_130 = vector.shape_cast %parallel_loop3A_129 : vector<16x1xi32> to vector<16xi32>
        %parallel_loop3A_131 = tpu.dynamic_gather %parallel_loop3A_121[%parallel_loop3A_130] in [0] : vector<16xf32>, vector<16xi32> -> vector<16xf32>
        %parallel_loop3A_132 = arith.constant 65 : i32
        %parallel_loop3A_133 = arith.muli %parallel_loop3A_113, %parallel_loop3A_132 : i32
        %parallel_loop3A_134 = arith.constant 0 : i32
        %parallel_loop3A_135 = arith.addi %parallel_loop3A_133, %parallel_loop3A_134 : i32
        %parallel_loop3A_136 = arith.constant 0 : i32
        %parallel_loop3A_137 = arith.index_cast %parallel_loop3A_136 : i32 to index
        %parallel_loop3A_138 = arith.index_cast %parallel_loop3A_135 : i32 to index
        %parallel_loop3A_139 = tpu.vector_load %arg8[%parallel_loop3A_137, %parallel_loop3A_138] {strides = array<i32>} : memref<2x1056xi32, #tpu.memory_space<vmem>>, vector<16xi32>,
        %parallel_loop3A_140 = arith.constant 0 : i32
        %parallel_loop3A_141 = vector.broadcast %parallel_loop3A_140 : i32 to vector<16xi32>
        %parallel_loop3A_142 = arith.addi %select_n3A, %parallel_loop3A_141 : vector<16xi32>
        %parallel_loop3A_143 = arith.constant 0 : i32
        %parallel_loop3A_144 = vector.broadcast %parallel_loop3A_143 : i32 to vector<16xi32>
        %parallel_loop3A_145 = arith.cmpi slt, %parallel_loop3A_142, %parallel_loop3A_144 : vector<16xi32>
        %parallel_loop3A_146 = arith.constant 16 : i32
        %parallel_loop3A_147 = vector.broadcast %parallel_loop3A_146 : i32 to vector<16xi32>
        %parallel_loop3A_148 = arith.addi %parallel_loop3A_142, %parallel_loop3A_147 : vector<16xi32>
        %parallel_loop3A_149 = arith.select %parallel_loop3A_145, %parallel_loop3A_148, %parallel_loop3A_142 : vector<16xi1>, vector<16xi32>
        %parallel_loop3A_150 = vector.shape_cast %parallel_loop3A_149 : vector<16xi32> to vector<16x1xi32>
        %parallel_loop3A_151 = vector.shape_cast %parallel_loop3A_150 : vector<16x1xi32> to vector<16xi32>
        %parallel_loop3A_152 = tpu.dynamic_gather %parallel_loop3A_139[%parallel_loop3A_151] in [0] : vector<16xi32>, vector<16xi32> -> vector<16xi32>
        %parallel_loop3A_153 = arith.constant -65536 : i32
        %parallel_loop3A_154 = vector.broadcast %parallel_loop3A_153 : i32 to vector<16xi32>
        %parallel_loop3A_155 = arith.andi %parallel_loop3A_152, %parallel_loop3A_154 : vector<16xi32>
        %parallel_loop3A_156 = vector.bitcast %parallel_loop3A_155 : vector<16xi32> to vector<16xf32>
        %parallel_loop3A_157 = arith.mulf %parallel_loop3A_156, %parallel_loop3A_131 : vector<16xf32>
        %parallel_loop3A_158 = arith.constant 3 : i32
        %parallel_loop3A_159 = vector.broadcast %parallel_loop3A_158 : i32 to vector<16xi32>
        %parallel_loop3A_160 = arith.shli %parallel_loop3A_152, %parallel_loop3A_159 : vector<16xi32>
        %parallel_loop3A_161 = arith.constant 131064 : i32
        %parallel_loop3A_162 = vector.broadcast %parallel_loop3A_161 : i32 to vector<16xi32>
        %parallel_loop3A_163 = arith.andi %parallel_loop3A_160, %parallel_loop3A_162 : vector<16xi32>
        %parallel_loop3A_164 = arith.addi %parallel_loop3A_163, %sub3A_32 : vector<16xi32>
        tpu.vector_store_idx %arg6[%parallel_loop3A_164], %parallel_loop3A_157 {add = true} : memref<81920xf32, #tpu.memory_space<vmem>>[vector<16xi32>], vector<16xf32>,
        %parallel_loop3A_165 = arith.constant 2 : i32
        %parallel_loop3A_166 = vector.broadcast %parallel_loop3A_165 : i32 to vector<16xi32>
        %parallel_loop3A_167 = arith.addi %select_n3A, %parallel_loop3A_166 : vector<16xi32>
        %parallel_loop3A_168 = arith.constant 0 : i32
        %parallel_loop3A_169 = vector.broadcast %parallel_loop3A_168 : i32 to vector<16xi32>
        %parallel_loop3A_170 = arith.cmpi slt, %parallel_loop3A_167, %parallel_loop3A_169 : vector<16xi32>
        %parallel_loop3A_171 = arith.constant 16 : i32
        %parallel_loop3A_172 = vector.broadcast %parallel_loop3A_171 : i32 to vector<16xi32>
        %parallel_loop3A_173 = arith.addi %parallel_loop3A_167, %parallel_loop3A_172 : vector<16xi32>
        %parallel_loop3A_174 = arith.select %parallel_loop3A_170, %parallel_loop3A_173, %parallel_loop3A_167 : vector<16xi1>, vector<16xi32>
        %parallel_loop3A_175 = vector.shape_cast %parallel_loop3A_174 : vector<16xi32> to vector<16x1xi32>
        %parallel_loop3A_176 = vector.shape_cast %parallel_loop3A_175 : vector<16x1xi32> to vector<16xi32>
        %parallel_loop3A_177 = tpu.dynamic_gather %parallel_loop3A_139[%parallel_loop3A_176] in [0] : vector<16xi32>, vector<16xi32> -> vector<16xi32>
        %parallel_loop3A_178 = arith.constant -65536 : i32
        %parallel_loop3A_179 = vector.broadcast %parallel_loop3A_178 : i32 to vector<16xi32>
        %parallel_loop3A_180 = arith.andi %parallel_loop3A_177, %parallel_loop3A_179 : vector<16xi32>
        %parallel_loop3A_181 = vector.bitcast %parallel_loop3A_180 : vector<16xi32> to vector<16xf32>
        %parallel_loop3A_182 = arith.mulf %parallel_loop3A_181, %parallel_loop3A_131 : vector<16xf32>
        %parallel_loop3A_183 = arith.constant 3 : i32
        %parallel_loop3A_184 = vector.broadcast %parallel_loop3A_183 : i32 to vector<16xi32>
        %parallel_loop3A_185 = arith.shli %parallel_loop3A_177, %parallel_loop3A_184 : vector<16xi32>
        %parallel_loop3A_186 = arith.constant 131064 : i32
        %parallel_loop3A_187 = vector.broadcast %parallel_loop3A_186 : i32 to vector<16xi32>
        %parallel_loop3A_188 = arith.andi %parallel_loop3A_185, %parallel_loop3A_187 : vector<16xi32>
        %parallel_loop3A_189 = arith.addi %parallel_loop3A_188, %sub3A_32 : vector<16xi32>
        tpu.vector_store_idx %arg6[%parallel_loop3A_189], %parallel_loop3A_182 {add = true} : memref<81920xf32, #tpu.memory_space<vmem>>[vector<16xi32>], vector<16xf32>,
        %parallel_loop3A_190 = arith.constant 4 : i32
        %parallel_loop3A_191 = vector.broadcast %parallel_loop3A_190 : i32 to vector<16xi32>
        %parallel_loop3A_192 = arith.addi %select_n3A, %parallel_loop3A_191 : vector<16xi32>
        %parallel_loop3A_193 = arith.constant 0 : i32
        %parallel_loop3A_194 = vector.broadcast %parallel_loop3A_193 : i32 to vector<16xi32>
        %parallel_loop3A_195 = arith.cmpi slt, %parallel_loop3A_192, %parallel_loop3A_194 : vector<16xi32>
        %parallel_loop3A_196 = arith.constant 16 : i32
        %parallel_loop3A_197 = vector.broadcast %parallel_loop3A_196 : i32 to vector<16xi32>
        %parallel_loop3A_198 = arith.addi %parallel_loop3A_192, %parallel_loop3A_197 : vector<16xi32>
        %parallel_loop3A_199 = arith.select %parallel_loop3A_195, %parallel_loop3A_198, %parallel_loop3A_192 : vector<16xi1>, vector<16xi32>
        %parallel_loop3A_200 = vector.shape_cast %parallel_loop3A_199 : vector<16xi32> to vector<16x1xi32>
        %parallel_loop3A_201 = vector.shape_cast %parallel_loop3A_200 : vector<16x1xi32> to vector<16xi32>
        %parallel_loop3A_202 = tpu.dynamic_gather %parallel_loop3A_139[%parallel_loop3A_201] in [0] : vector<16xi32>, vector<16xi32> -> vector<16xi32>
        %parallel_loop3A_203 = arith.constant -65536 : i32
        %parallel_loop3A_204 = vector.broadcast %parallel_loop3A_203 : i32 to vector<16xi32>
        %parallel_loop3A_205 = arith.andi %parallel_loop3A_202, %parallel_loop3A_204 : vector<16xi32>
        %parallel_loop3A_206 = vector.bitcast %parallel_loop3A_205 : vector<16xi32> to vector<16xf32>
        %parallel_loop3A_207 = arith.mulf %parallel_loop3A_206, %parallel_loop3A_131 : vector<16xf32>
        %parallel_loop3A_208 = arith.constant 3 : i32
        %parallel_loop3A_209 = vector.broadcast %parallel_loop3A_208 : i32 to vector<16xi32>
        %parallel_loop3A_210 = arith.shli %parallel_loop3A_202, %parallel_loop3A_209 : vector<16xi32>
        %parallel_loop3A_211 = arith.constant 131064 : i32
        %parallel_loop3A_212 = vector.broadcast %parallel_loop3A_211 : i32 to vector<16xi32>
        %parallel_loop3A_213 = arith.andi %parallel_loop3A_210, %parallel_loop3A_212 : vector<16xi32>
        %parallel_loop3A_214 = arith.addi %parallel_loop3A_213, %sub3A_32 : vector<16xi32>
        tpu.vector_store_idx %arg6[%parallel_loop3A_214], %parallel_loop3A_207 {add = true} : memref<81920xf32, #tpu.memory_space<vmem>>[vector<16xi32>], vector<16xf32>,
        %parallel_loop3A_215 = arith.constant 6 : i32
        %parallel_loop3A_216 = vector.broadcast %parallel_loop3A_215 : i32 to vector<16xi32>
        %parallel_loop3A_217 = arith.addi %select_n3A, %parallel_loop3A_216 : vector<16xi32>
        %parallel_loop3A_218 = arith.constant 0 : i32
        %parallel_loop3A_219 = vector.broadcast %parallel_loop3A_218 : i32 to vector<16xi32>
        %parallel_loop3A_220 = arith.cmpi slt, %parallel_loop3A_217, %parallel_loop3A_219 : vector<16xi32>
        %parallel_loop3A_221 = arith.constant 16 : i32
        %parallel_loop3A_222 = vector.broadcast %parallel_loop3A_221 : i32 to vector<16xi32>
        %parallel_loop3A_223 = arith.addi %parallel_loop3A_217, %parallel_loop3A_222 : vector<16xi32>
        %parallel_loop3A_224 = arith.select %parallel_loop3A_220, %parallel_loop3A_223, %parallel_loop3A_217 : vector<16xi1>, vector<16xi32>
        %parallel_loop3A_225 = vector.shape_cast %parallel_loop3A_224 : vector<16xi32> to vector<16x1xi32>
        %parallel_loop3A_226 = vector.shape_cast %parallel_loop3A_225 : vector<16x1xi32> to vector<16xi32>
        %parallel_loop3A_227 = tpu.dynamic_gather %parallel_loop3A_139[%parallel_loop3A_226] in [0] : vector<16xi32>, vector<16xi32> -> vector<16xi32>
        %parallel_loop3A_228 = arith.constant -65536 : i32
        %parallel_loop3A_229 = vector.broadcast %parallel_loop3A_228 : i32 to vector<16xi32>
        %parallel_loop3A_230 = arith.andi %parallel_loop3A_227, %parallel_loop3A_229 : vector<16xi32>
        %parallel_loop3A_231 = vector.bitcast %parallel_loop3A_230 : vector<16xi32> to vector<16xf32>
        %parallel_loop3A_232 = arith.mulf %parallel_loop3A_231, %parallel_loop3A_131 : vector<16xf32>
        %parallel_loop3A_233 = arith.constant 3 : i32
        %parallel_loop3A_234 = vector.broadcast %parallel_loop3A_233 : i32 to vector<16xi32>
        %parallel_loop3A_235 = arith.shli %parallel_loop3A_227, %parallel_loop3A_234 : vector<16xi32>
        %parallel_loop3A_236 = arith.constant 131064 : i32
        %parallel_loop3A_237 = vector.broadcast %parallel_loop3A_236 : i32 to vector<16xi32>
        %parallel_loop3A_238 = arith.andi %parallel_loop3A_235, %parallel_loop3A_237 : vector<16xi32>
        %parallel_loop3A_239 = arith.addi %parallel_loop3A_238, %sub3A_32 : vector<16xi32>
        tpu.vector_store_idx %arg6[%parallel_loop3A_239], %parallel_loop3A_232 {add = true} : memref<81920xf32, #tpu.memory_space<vmem>>[vector<16xi32>], vector<16xf32>,
        %parallel_loop3A_240 = arith.constant 8 : i32
        %parallel_loop3A_241 = vector.broadcast %parallel_loop3A_240 : i32 to vector<16xi32>
        %parallel_loop3A_242 = arith.addi %select_n3A, %parallel_loop3A_241 : vector<16xi32>
        %parallel_loop3A_243 = arith.constant 0 : i32
        %parallel_loop3A_244 = vector.broadcast %parallel_loop3A_243 : i32 to vector<16xi32>
        %parallel_loop3A_245 = arith.cmpi slt, %parallel_loop3A_242, %parallel_loop3A_244 : vector<16xi32>
        %parallel_loop3A_246 = arith.constant 16 : i32
        %parallel_loop3A_247 = vector.broadcast %parallel_loop3A_246 : i32 to vector<16xi32>
        %parallel_loop3A_248 = arith.addi %parallel_loop3A_242, %parallel_loop3A_247 : vector<16xi32>
        %parallel_loop3A_249 = arith.select %parallel_loop3A_245, %parallel_loop3A_248, %parallel_loop3A_242 : vector<16xi1>, vector<16xi32>
        %parallel_loop3A_250 = vector.shape_cast %parallel_loop3A_249 : vector<16xi32> to vector<16x1xi32>
        %parallel_loop3A_251 = vector.shape_cast %parallel_loop3A_250 : vector<16x1xi32> to vector<16xi32>
        %parallel_loop3A_252 = tpu.dynamic_gather %parallel_loop3A_139[%parallel_loop3A_251] in [0] : vector<16xi32>, vector<16xi32> -> vector<16xi32>
        %parallel_loop3A_253 = arith.constant -65536 : i32
        %parallel_loop3A_254 = vector.broadcast %parallel_loop3A_253 : i32 to vector<16xi32>
        %parallel_loop3A_255 = arith.andi %parallel_loop3A_252, %parallel_loop3A_254 : vector<16xi32>
        %parallel_loop3A_256 = vector.bitcast %parallel_loop3A_255 : vector<16xi32> to vector<16xf32>
        %parallel_loop3A_257 = arith.mulf %parallel_loop3A_256, %parallel_loop3A_131 : vector<16xf32>
        %parallel_loop3A_258 = arith.constant 3 : i32
        %parallel_loop3A_259 = vector.broadcast %parallel_loop3A_258 : i32 to vector<16xi32>
        %parallel_loop3A_260 = arith.shli %parallel_loop3A_252, %parallel_loop3A_259 : vector<16xi32>
        %parallel_loop3A_261 = arith.constant 131064 : i32
        %parallel_loop3A_262 = vector.broadcast %parallel_loop3A_261 : i32 to vector<16xi32>
        %parallel_loop3A_263 = arith.andi %parallel_loop3A_260, %parallel_loop3A_262 : vector<16xi32>
        %parallel_loop3A_264 = arith.addi %parallel_loop3A_263, %sub3A_32 : vector<16xi32>
        tpu.vector_store_idx %arg6[%parallel_loop3A_264], %parallel_loop3A_257 {add = true} : memref<81920xf32, #tpu.memory_space<vmem>>[vector<16xi32>], vector<16xf32>,
        %parallel_loop3A_265 = arith.constant 10 : i32
        %parallel_loop3A_266 = vector.broadcast %parallel_loop3A_265 : i32 to vector<16xi32>
        %parallel_loop3A_267 = arith.addi %select_n3A, %parallel_loop3A_266 : vector<16xi32>
        %parallel_loop3A_268 = arith.constant 0 : i32
        %parallel_loop3A_269 = vector.broadcast %parallel_loop3A_268 : i32 to vector<16xi32>
        %parallel_loop3A_270 = arith.cmpi slt, %parallel_loop3A_267, %parallel_loop3A_269 : vector<16xi32>
        %parallel_loop3A_271 = arith.constant 16 : i32
        %parallel_loop3A_272 = vector.broadcast %parallel_loop3A_271 : i32 to vector<16xi32>
        %parallel_loop3A_273 = arith.addi %parallel_loop3A_267, %parallel_loop3A_272 : vector<16xi32>
        %parallel_loop3A_274 = arith.select %parallel_loop3A_270, %parallel_loop3A_273, %parallel_loop3A_267 : vector<16xi1>, vector<16xi32>
        %parallel_loop3A_275 = vector.shape_cast %parallel_loop3A_274 : vector<16xi32> to vector<16x1xi32>
        %parallel_loop3A_276 = vector.shape_cast %parallel_loop3A_275 : vector<16x1xi32> to vector<16xi32>
        %parallel_loop3A_277 = tpu.dynamic_gather %parallel_loop3A_139[%parallel_loop3A_276] in [0] : vector<16xi32>, vector<16xi32> -> vector<16xi32>
        %parallel_loop3A_278 = arith.constant -65536 : i32
        %parallel_loop3A_279 = vector.broadcast %parallel_loop3A_278 : i32 to vector<16xi32>
        %parallel_loop3A_280 = arith.andi %parallel_loop3A_277, %parallel_loop3A_279 : vector<16xi32>
        %parallel_loop3A_281 = vector.bitcast %parallel_loop3A_280 : vector<16xi32> to vector<16xf32>
        %parallel_loop3A_282 = arith.mulf %parallel_loop3A_281, %parallel_loop3A_131 : vector<16xf32>
        %parallel_loop3A_283 = arith.constant 3 : i32
        %parallel_loop3A_284 = vector.broadcast %parallel_loop3A_283 : i32 to vector<16xi32>
        %parallel_loop3A_285 = arith.shli %parallel_loop3A_277, %parallel_loop3A_284 : vector<16xi32>
        %parallel_loop3A_286 = arith.constant 131064 : i32
        %parallel_loop3A_287 = vector.broadcast %parallel_loop3A_286 : i32 to vector<16xi32>
        %parallel_loop3A_288 = arith.andi %parallel_loop3A_285, %parallel_loop3A_287 : vector<16xi32>
        %parallel_loop3A_289 = arith.addi %parallel_loop3A_288, %sub3A_32 : vector<16xi32>
        tpu.vector_store_idx %arg6[%parallel_loop3A_289], %parallel_loop3A_282 {add = true} : memref<81920xf32, #tpu.memory_space<vmem>>[vector<16xi32>], vector<16xf32>,
        %parallel_loop3A_290 = arith.constant 12 : i32
        %parallel_loop3A_291 = vector.broadcast %parallel_loop3A_290 : i32 to vector<16xi32>
        %parallel_loop3A_292 = arith.addi %select_n3A, %parallel_loop3A_291 : vector<16xi32>
        %parallel_loop3A_293 = arith.constant 0 : i32
        %parallel_loop3A_294 = vector.broadcast %parallel_loop3A_293 : i32 to vector<16xi32>
        %parallel_loop3A_295 = arith.cmpi slt, %parallel_loop3A_292, %parallel_loop3A_294 : vector<16xi32>
        %parallel_loop3A_296 = arith.constant 16 : i32
        %parallel_loop3A_297 = vector.broadcast %parallel_loop3A_296 : i32 to vector<16xi32>
        %parallel_loop3A_298 = arith.addi %parallel_loop3A_292, %parallel_loop3A_297 : vector<16xi32>
        %parallel_loop3A_299 = arith.select %parallel_loop3A_295, %parallel_loop3A_298, %parallel_loop3A_292 : vector<16xi1>, vector<16xi32>
        %parallel_loop3A_300 = vector.shape_cast %parallel_loop3A_299 : vector<16xi32> to vector<16x1xi32>
        %parallel_loop3A_301 = vector.shape_cast %parallel_loop3A_300 : vector<16x1xi32> to vector<16xi32>
        %parallel_loop3A_302 = tpu.dynamic_gather %parallel_loop3A_139[%parallel_loop3A_301] in [0] : vector<16xi32>, vector<16xi32> -> vector<16xi32>
        %parallel_loop3A_303 = arith.constant -65536 : i32
        %parallel_loop3A_304 = vector.broadcast %parallel_loop3A_303 : i32 to vector<16xi32>
        %parallel_loop3A_305 = arith.andi %parallel_loop3A_302, %parallel_loop3A_304 : vector<16xi32>
        %parallel_loop3A_306 = vector.bitcast %parallel_loop3A_305 : vector<16xi32> to vector<16xf32>
        %parallel_loop3A_307 = arith.mulf %parallel_loop3A_306, %parallel_loop3A_131 : vector<16xf32>
        %parallel_loop3A_308 = arith.constant 3 : i32
        %parallel_loop3A_309 = vector.broadcast %parallel_loop3A_308 : i32 to vector<16xi32>
        %parallel_loop3A_310 = arith.shli %parallel_loop3A_302, %parallel_loop3A_309 : vector<16xi32>
        %parallel_loop3A_311 = arith.constant 131064 : i32
        %parallel_loop3A_312 = vector.broadcast %parallel_loop3A_311 : i32 to vector<16xi32>
        %parallel_loop3A_313 = arith.andi %parallel_loop3A_310, %parallel_loop3A_312 : vector<16xi32>
        %parallel_loop3A_314 = arith.addi %parallel_loop3A_313, %sub3A_32 : vector<16xi32>
        tpu.vector_store_idx %arg6[%parallel_loop3A_314], %parallel_loop3A_307 {add = true} : memref<81920xf32, #tpu.memory_space<vmem>>[vector<16xi32>], vector<16xf32>,
        %parallel_loop3A_315 = arith.constant 14 : i32
        %parallel_loop3A_316 = vector.broadcast %parallel_loop3A_315 : i32 to vector<16xi32>
        %parallel_loop3A_317 = arith.addi %select_n3A, %parallel_loop3A_316 : vector<16xi32>
        %parallel_loop3A_318 = arith.constant 0 : i32
        %parallel_loop3A_319 = vector.broadcast %parallel_loop3A_318 : i32 to vector<16xi32>
        %parallel_loop3A_320 = arith.cmpi slt, %parallel_loop3A_317, %parallel_loop3A_319 : vector<16xi32>
        %parallel_loop3A_321 = arith.constant 16 : i32
        %parallel_loop3A_322 = vector.broadcast %parallel_loop3A_321 : i32 to vector<16xi32>
        %parallel_loop3A_323 = arith.addi %parallel_loop3A_317, %parallel_loop3A_322 : vector<16xi32>
        %parallel_loop3A_324 = arith.select %parallel_loop3A_320, %parallel_loop3A_323, %parallel_loop3A_317 : vector<16xi1>, vector<16xi32>
        %parallel_loop3A_325 = vector.shape_cast %parallel_loop3A_324 : vector<16xi32> to vector<16x1xi32>
        %parallel_loop3A_326 = vector.shape_cast %parallel_loop3A_325 : vector<16x1xi32> to vector<16xi32>
        %parallel_loop3A_327 = tpu.dynamic_gather %parallel_loop3A_139[%parallel_loop3A_326] in [0] : vector<16xi32>, vector<16xi32> -> vector<16xi32>
        %parallel_loop3A_328 = arith.constant -65536 : i32
        %parallel_loop3A_329 = vector.broadcast %parallel_loop3A_328 : i32 to vector<16xi32>
        %parallel_loop3A_330 = arith.andi %parallel_loop3A_327, %parallel_loop3A_329 : vector<16xi32>
        %parallel_loop3A_331 = vector.bitcast %parallel_loop3A_330 : vector<16xi32> to vector<16xf32>
        %parallel_loop3A_332 = arith.mulf %parallel_loop3A_331, %parallel_loop3A_131 : vector<16xf32>
        %parallel_loop3A_333 = arith.constant 3 : i32
        %parallel_loop3A_334 = vector.broadcast %parallel_loop3A_333 : i32 to vector<16xi32>
        %parallel_loop3A_335 = arith.shli %parallel_loop3A_327, %parallel_loop3A_334 : vector<16xi32>
        %parallel_loop3A_336 = arith.constant 131064 : i32
        %parallel_loop3A_337 = vector.broadcast %parallel_loop3A_336 : i32 to vector<16xi32>
        %parallel_loop3A_338 = arith.andi %parallel_loop3A_335, %parallel_loop3A_337 : vector<16xi32>
        %parallel_loop3A_339 = arith.addi %parallel_loop3A_338, %sub3A_32 : vector<16xi32>
        tpu.vector_store_idx %arg6[%parallel_loop3A_339], %parallel_loop3A_332 {add = true} : memref<81920xf32, #tpu.memory_space<vmem>>[vector<16xi32>], vector<16xf32>,
        %parallel_loop3A_340 = arith.constant 65 : i32
        %parallel_loop3A_341 = arith.muli %parallel_loop3A_113, %parallel_loop3A_340 : i32
        %parallel_loop3A_342 = arith.constant 16 : i32
        %parallel_loop3A_343 = arith.addi %parallel_loop3A_341, %parallel_loop3A_342 : i32
        %parallel_loop3A_344 = arith.constant 0 : i32
        %parallel_loop3A_345 = arith.index_cast %parallel_loop3A_344 : i32 to index
        %parallel_loop3A_346 = arith.index_cast %parallel_loop3A_343 : i32 to index
        %parallel_loop3A_347 = tpu.vector_load %arg8[%parallel_loop3A_345, %parallel_loop3A_346] {strides = array<i32>} : memref<2x1056xi32, #tpu.memory_space<vmem>>, vector<16xi32>,
        %parallel_loop3A_348 = arith.constant 0 : i32
        %parallel_loop3A_349 = vector.broadcast %parallel_loop3A_348 : i32 to vector<16xi32>
        %parallel_loop3A_350 = arith.addi %select_n3A, %parallel_loop3A_349 : vector<16xi32>
        %parallel_loop3A_351 = arith.constant 0 : i32
        %parallel_loop3A_352 = vector.broadcast %parallel_loop3A_351 : i32 to vector<16xi32>
        %parallel_loop3A_353 = arith.cmpi slt, %parallel_loop3A_350, %parallel_loop3A_352 : vector<16xi32>
        %parallel_loop3A_354 = arith.constant 16 : i32
        %parallel_loop3A_355 = vector.broadcast %parallel_loop3A_354 : i32 to vector<16xi32>
        %parallel_loop3A_356 = arith.addi %parallel_loop3A_350, %parallel_loop3A_355 : vector<16xi32>
        %parallel_loop3A_357 = arith.select %parallel_loop3A_353, %parallel_loop3A_356, %parallel_loop3A_350 : vector<16xi1>, vector<16xi32>
        %parallel_loop3A_358 = vector.shape_cast %parallel_loop3A_357 : vector<16xi32> to vector<16x1xi32>
        %parallel_loop3A_359 = vector.shape_cast %parallel_loop3A_358 : vector<16x1xi32> to vector<16xi32>
        %parallel_loop3A_360 = tpu.dynamic_gather %parallel_loop3A_347[%parallel_loop3A_359] in [0] : vector<16xi32>, vector<16xi32> -> vector<16xi32>
        %parallel_loop3A_361 = arith.constant -65536 : i32
        %parallel_loop3A_362 = vector.broadcast %parallel_loop3A_361 : i32 to vector<16xi32>
        %parallel_loop3A_363 = arith.andi %parallel_loop3A_360, %parallel_loop3A_362 : vector<16xi32>
        %parallel_loop3A_364 = vector.bitcast %parallel_loop3A_363 : vector<16xi32> to vector<16xf32>
        %parallel_loop3A_365 = arith.mulf %parallel_loop3A_364, %parallel_loop3A_131 : vector<16xf32>
        %parallel_loop3A_366 = arith.constant 3 : i32
        %parallel_loop3A_367 = vector.broadcast %parallel_loop3A_366 : i32 to vector<16xi32>
        %parallel_loop3A_368 = arith.shli %parallel_loop3A_360, %parallel_loop3A_367 : vector<16xi32>
        %parallel_loop3A_369 = arith.constant 131064 : i32
        %parallel_loop3A_370 = vector.broadcast %parallel_loop3A_369 : i32 to vector<16xi32>
        %parallel_loop3A_371 = arith.andi %parallel_loop3A_368, %parallel_loop3A_370 : vector<16xi32>
        %parallel_loop3A_372 = arith.addi %parallel_loop3A_371, %sub3A_32 : vector<16xi32>
        tpu.vector_store_idx %arg6[%parallel_loop3A_372], %parallel_loop3A_365 {add = true} : memref<81920xf32, #tpu.memory_space<vmem>>[vector<16xi32>], vector<16xf32>,
        %parallel_loop3A_373 = arith.constant 2 : i32
        %parallel_loop3A_374 = vector.broadcast %parallel_loop3A_373 : i32 to vector<16xi32>
        %parallel_loop3A_375 = arith.addi %select_n3A, %parallel_loop3A_374 : vector<16xi32>
        %parallel_loop3A_376 = arith.constant 0 : i32
        %parallel_loop3A_377 = vector.broadcast %parallel_loop3A_376 : i32 to vector<16xi32>
        %parallel_loop3A_378 = arith.cmpi slt, %parallel_loop3A_375, %parallel_loop3A_377 : vector<16xi32>
        %parallel_loop3A_379 = arith.constant 16 : i32
        %parallel_loop3A_380 = vector.broadcast %parallel_loop3A_379 : i32 to vector<16xi32>
        %parallel_loop3A_381 = arith.addi %parallel_loop3A_375, %parallel_loop3A_380 : vector<16xi32>
        %parallel_loop3A_382 = arith.select %parallel_loop3A_378, %parallel_loop3A_381, %parallel_loop3A_375 : vector<16xi1>, vector<16xi32>
        %parallel_loop3A_383 = vector.shape_cast %parallel_loop3A_382 : vector<16xi32> to vector<16x1xi32>
        %parallel_loop3A_384 = vector.shape_cast %parallel_loop3A_383 : vector<16x1xi32> to vector<16xi32>
        %parallel_loop3A_385 = tpu.dynamic_gather %parallel_loop3A_347[%parallel_loop3A_384] in [0] : vector<16xi32>, vector<16xi32> -> vector<16xi32>
        %parallel_loop3A_386 = arith.constant -65536 : i32
        %parallel_loop3A_387 = vector.broadcast %parallel_loop3A_386 : i32 to vector<16xi32>
        %parallel_loop3A_388 = arith.andi %parallel_loop3A_385, %parallel_loop3A_387 : vector<16xi32>
        %parallel_loop3A_389 = vector.bitcast %parallel_loop3A_388 : vector<16xi32> to vector<16xf32>
        %parallel_loop3A_390 = arith.mulf %parallel_loop3A_389, %parallel_loop3A_131 : vector<16xf32>
        %parallel_loop3A_391 = arith.constant 3 : i32
        %parallel_loop3A_392 = vector.broadcast %parallel_loop3A_391 : i32 to vector<16xi32>
        %parallel_loop3A_393 = arith.shli %parallel_loop3A_385, %parallel_loop3A_392 : vector<16xi32>
        %parallel_loop3A_394 = arith.constant 131064 : i32
        %parallel_loop3A_395 = vector.broadcast %parallel_loop3A_394 : i32 to vector<16xi32>
        %parallel_loop3A_396 = arith.andi %parallel_loop3A_393, %parallel_loop3A_395 : vector<16xi32>
        %parallel_loop3A_397 = arith.addi %parallel_loop3A_396, %sub3A_32 : vector<16xi32>
        tpu.vector_store_idx %arg6[%parallel_loop3A_397], %parallel_loop3A_390 {add = true} : memref<81920xf32, #tpu.memory_space<vmem>>[vector<16xi32>], vector<16xf32>,
        %parallel_loop3A_398 = arith.constant 4 : i32
        %parallel_loop3A_399 = vector.broadcast %parallel_loop3A_398 : i32 to vector<16xi32>
        %parallel_loop3A_400 = arith.addi %select_n3A, %parallel_loop3A_399 : vector<16xi32>
        %parallel_loop3A_401 = arith.constant 0 : i32
        %parallel_loop3A_402 = vector.broadcast %parallel_loop3A_401 : i32 to vector<16xi32>
        %parallel_loop3A_403 = arith.cmpi slt, %parallel_loop3A_400, %parallel_loop3A_402 : vector<16xi32>
        %parallel_loop3A_404 = arith.constant 16 : i32
        %parallel_loop3A_405 = vector.broadcast %parallel_loop3A_404 : i32 to vector<16xi32>
        %parallel_loop3A_406 = arith.addi %parallel_loop3A_400, %parallel_loop3A_405 : vector<16xi32>
        %parallel_loop3A_407 = arith.select %parallel_loop3A_403, %parallel_loop3A_406, %parallel_loop3A_400 : vector<16xi1>, vector<16xi32>
        %parallel_loop3A_408 = vector.shape_cast %parallel_loop3A_407 : vector<16xi32> to vector<16x1xi32>
        %parallel_loop3A_409 = vector.shape_cast %parallel_loop3A_408 : vector<16x1xi32> to vector<16xi32>
        %parallel_loop3A_410 = tpu.dynamic_gather %parallel_loop3A_347[%parallel_loop3A_409] in [0] : vector<16xi32>, vector<16xi32> -> vector<16xi32>
        %parallel_loop3A_411 = arith.constant -65536 : i32
        %parallel_loop3A_412 = vector.broadcast %parallel_loop3A_411 : i32 to vector<16xi32>
        %parallel_loop3A_413 = arith.andi %parallel_loop3A_410, %parallel_loop3A_412 : vector<16xi32>
        %parallel_loop3A_414 = vector.bitcast %parallel_loop3A_413 : vector<16xi32> to vector<16xf32>
        %parallel_loop3A_415 = arith.mulf %parallel_loop3A_414, %parallel_loop3A_131 : vector<16xf32>
        %parallel_loop3A_416 = arith.constant 3 : i32
        %parallel_loop3A_417 = vector.broadcast %parallel_loop3A_416 : i32 to vector<16xi32>
        %parallel_loop3A_418 = arith.shli %parallel_loop3A_410, %parallel_loop3A_417 : vector<16xi32>
        %parallel_loop3A_419 = arith.constant 131064 : i32
        %parallel_loop3A_420 = vector.broadcast %parallel_loop3A_419 : i32 to vector<16xi32>
        %parallel_loop3A_421 = arith.andi %parallel_loop3A_418, %parallel_loop3A_420 : vector<16xi32>
        %parallel_loop3A_422 = arith.addi %parallel_loop3A_421, %sub3A_32 : vector<16xi32>
        tpu.vector_store_idx %arg6[%parallel_loop3A_422], %parallel_loop3A_415 {add = true} : memref<81920xf32, #tpu.memory_space<vmem>>[vector<16xi32>], vector<16xf32>,
        %parallel_loop3A_423 = arith.constant 6 : i32
        %parallel_loop3A_424 = vector.broadcast %parallel_loop3A_423 : i32 to vector<16xi32>
        %parallel_loop3A_425 = arith.addi %select_n3A, %parallel_loop3A_424 : vector<16xi32>
        %parallel_loop3A_426 = arith.constant 0 : i32
        %parallel_loop3A_427 = vector.broadcast %parallel_loop3A_426 : i32 to vector<16xi32>
        %parallel_loop3A_428 = arith.cmpi slt, %parallel_loop3A_425, %parallel_loop3A_427 : vector<16xi32>
        %parallel_loop3A_429 = arith.constant 16 : i32
        %parallel_loop3A_430 = vector.broadcast %parallel_loop3A_429 : i32 to vector<16xi32>
        %parallel_loop3A_431 = arith.addi %parallel_loop3A_425, %parallel_loop3A_430 : vector<16xi32>
        %parallel_loop3A_432 = arith.select %parallel_loop3A_428, %parallel_loop3A_431, %parallel_loop3A_425 : vector<16xi1>, vector<16xi32>
        %parallel_loop3A_433 = vector.shape_cast %parallel_loop3A_432 : vector<16xi32> to vector<16x1xi32>
        %parallel_loop3A_434 = vector.shape_cast %parallel_loop3A_433 : vector<16x1xi32> to vector<16xi32>
        %parallel_loop3A_435 = tpu.dynamic_gather %parallel_loop3A_347[%parallel_loop3A_434] in [0] : vector<16xi32>, vector<16xi32> -> vector<16xi32>
        %parallel_loop3A_436 = arith.constant -65536 : i32
        %parallel_loop3A_437 = vector.broadcast %parallel_loop3A_436 : i32 to vector<16xi32>
        %parallel_loop3A_438 = arith.andi %parallel_loop3A_435, %parallel_loop3A_437 : vector<16xi32>
        %parallel_loop3A_439 = vector.bitcast %parallel_loop3A_438 : vector<16xi32> to vector<16xf32>
        %parallel_loop3A_440 = arith.mulf %parallel_loop3A_439, %parallel_loop3A_131 : vector<16xf32>
        %parallel_loop3A_441 = arith.constant 3 : i32
        %parallel_loop3A_442 = vector.broadcast %parallel_loop3A_441 : i32 to vector<16xi32>
        %parallel_loop3A_443 = arith.shli %parallel_loop3A_435, %parallel_loop3A_442 : vector<16xi32>
        %parallel_loop3A_444 = arith.constant 131064 : i32
        %parallel_loop3A_445 = vector.broadcast %parallel_loop3A_444 : i32 to vector<16xi32>
        %parallel_loop3A_446 = arith.andi %parallel_loop3A_443, %parallel_loop3A_445 : vector<16xi32>
        %parallel_loop3A_447 = arith.addi %parallel_loop3A_446, %sub3A_32 : vector<16xi32>
        tpu.vector_store_idx %arg6[%parallel_loop3A_447], %parallel_loop3A_440 {add = true} : memref<81920xf32, #tpu.memory_space<vmem>>[vector<16xi32>], vector<16xf32>,
        %parallel_loop3A_448 = arith.constant 8 : i32
        %parallel_loop3A_449 = vector.broadcast %parallel_loop3A_448 : i32 to vector<16xi32>
        %parallel_loop3A_450 = arith.addi %select_n3A, %parallel_loop3A_449 : vector<16xi32>
        %parallel_loop3A_451 = arith.constant 0 : i32
        %parallel_loop3A_452 = vector.broadcast %parallel_loop3A_451 : i32 to vector<16xi32>
        %parallel_loop3A_453 = arith.cmpi slt, %parallel_loop3A_450, %parallel_loop3A_452 : vector<16xi32>
        %parallel_loop3A_454 = arith.constant 16 : i32
        %parallel_loop3A_455 = vector.broadcast %parallel_loop3A_454 : i32 to vector<16xi32>
        %parallel_loop3A_456 = arith.addi %parallel_loop3A_450, %parallel_loop3A_455 : vector<16xi32>
        %parallel_loop3A_457 = arith.select %parallel_loop3A_453, %parallel_loop3A_456, %parallel_loop3A_450 : vector<16xi1>, vector<16xi32>
        %parallel_loop3A_458 = vector.shape_cast %parallel_loop3A_457 : vector<16xi32> to vector<16x1xi32>
        %parallel_loop3A_459 = vector.shape_cast %parallel_loop3A_458 : vector<16x1xi32> to vector<16xi32>
        %parallel_loop3A_460 = tpu.dynamic_gather %parallel_loop3A_347[%parallel_loop3A_459] in [0] : vector<16xi32>, vector<16xi32> -> vector<16xi32>
        %parallel_loop3A_461 = arith.constant -65536 : i32
        %parallel_loop3A_462 = vector.broadcast %parallel_loop3A_461 : i32 to vector<16xi32>
        %parallel_loop3A_463 = arith.andi %parallel_loop3A_460, %parallel_loop3A_462 : vector<16xi32>
        %parallel_loop3A_464 = vector.bitcast %parallel_loop3A_463 : vector<16xi32> to vector<16xf32>
        %parallel_loop3A_465 = arith.mulf %parallel_loop3A_464, %parallel_loop3A_131 : vector<16xf32>
        %parallel_loop3A_466 = arith.constant 3 : i32
        %parallel_loop3A_467 = vector.broadcast %parallel_loop3A_466 : i32 to vector<16xi32>
        %parallel_loop3A_468 = arith.shli %parallel_loop3A_460, %parallel_loop3A_467 : vector<16xi32>
        %parallel_loop3A_469 = arith.constant 131064 : i32
        %parallel_loop3A_470 = vector.broadcast %parallel_loop3A_469 : i32 to vector<16xi32>
        %parallel_loop3A_471 = arith.andi %parallel_loop3A_468, %parallel_loop3A_470 : vector<16xi32>
        %parallel_loop3A_472 = arith.addi %parallel_loop3A_471, %sub3A_32 : vector<16xi32>
        tpu.vector_store_idx %arg6[%parallel_loop3A_472], %parallel_loop3A_465 {add = true} : memref<81920xf32, #tpu.memory_space<vmem>>[vector<16xi32>], vector<16xf32>,
        %parallel_loop3A_473 = arith.constant 10 : i32
        %parallel_loop3A_474 = vector.broadcast %parallel_loop3A_473 : i32 to vector<16xi32>
        %parallel_loop3A_475 = arith.addi %select_n3A, %parallel_loop3A_474 : vector<16xi32>
        %parallel_loop3A_476 = arith.constant 0 : i32
        %parallel_loop3A_477 = vector.broadcast %parallel_loop3A_476 : i32 to vector<16xi32>
        %parallel_loop3A_478 = arith.cmpi slt, %parallel_loop3A_475, %parallel_loop3A_477 : vector<16xi32>
        %parallel_loop3A_479 = arith.constant 16 : i32
        %parallel_loop3A_480 = vector.broadcast %parallel_loop3A_479 : i32 to vector<16xi32>
        %parallel_loop3A_481 = arith.addi %parallel_loop3A_475, %parallel_loop3A_480 : vector<16xi32>
        %parallel_loop3A_482 = arith.select %parallel_loop3A_478, %parallel_loop3A_481, %parallel_loop3A_475 : vector<16xi1>, vector<16xi32>
        %parallel_loop3A_483 = vector.shape_cast %parallel_loop3A_482 : vector<16xi32> to vector<16x1xi32>
        %parallel_loop3A_484 = vector.shape_cast %parallel_loop3A_483 : vector<16x1xi32> to vector<16xi32>
        %parallel_loop3A_485 = tpu.dynamic_gather %parallel_loop3A_347[%parallel_loop3A_484] in [0] : vector<16xi32>, vector<16xi32> -> vector<16xi32>
        %parallel_loop3A_486 = arith.constant -65536 : i32
        %parallel_loop3A_487 = vector.broadcast %parallel_loop3A_486 : i32 to vector<16xi32>
        %parallel_loop3A_488 = arith.andi %parallel_loop3A_485, %parallel_loop3A_487 : vector<16xi32>
        %parallel_loop3A_489 = vector.bitcast %parallel_loop3A_488 : vector<16xi32> to vector<16xf32>
        %parallel_loop3A_490 = arith.mulf %parallel_loop3A_489, %parallel_loop3A_131 : vector<16xf32>
        %parallel_loop3A_491 = arith.constant 3 : i32
        %parallel_loop3A_492 = vector.broadcast %parallel_loop3A_491 : i32 to vector<16xi32>
        %parallel_loop3A_493 = arith.shli %parallel_loop3A_485, %parallel_loop3A_492 : vector<16xi32>
        %parallel_loop3A_494 = arith.constant 131064 : i32
        %parallel_loop3A_495 = vector.broadcast %parallel_loop3A_494 : i32 to vector<16xi32>
        %parallel_loop3A_496 = arith.andi %parallel_loop3A_493, %parallel_loop3A_495 : vector<16xi32>
        %parallel_loop3A_497 = arith.addi %parallel_loop3A_496, %sub3A_32 : vector<16xi32>
        tpu.vector_store_idx %arg6[%parallel_loop3A_497], %parallel_loop3A_490 {add = true} : memref<81920xf32, #tpu.memory_space<vmem>>[vector<16xi32>], vector<16xf32>,
        %parallel_loop3A_498 = arith.constant 12 : i32
        %parallel_loop3A_499 = vector.broadcast %parallel_loop3A_498 : i32 to vector<16xi32>
        %parallel_loop3A_500 = arith.addi %select_n3A, %parallel_loop3A_499 : vector<16xi32>
        %parallel_loop3A_501 = arith.constant 0 : i32
        %parallel_loop3A_502 = vector.broadcast %parallel_loop3A_501 : i32 to vector<16xi32>
        %parallel_loop3A_503 = arith.cmpi slt, %parallel_loop3A_500, %parallel_loop3A_502 : vector<16xi32>
        %parallel_loop3A_504 = arith.constant 16 : i32
        %parallel_loop3A_505 = vector.broadcast %parallel_loop3A_504 : i32 to vector<16xi32>
        %parallel_loop3A_506 = arith.addi %parallel_loop3A_500, %parallel_loop3A_505 : vector<16xi32>
        %parallel_loop3A_507 = arith.select %parallel_loop3A_503, %parallel_loop3A_506, %parallel_loop3A_500 : vector<16xi1>, vector<16xi32>
        %parallel_loop3A_508 = vector.shape_cast %parallel_loop3A_507 : vector<16xi32> to vector<16x1xi32>
        %parallel_loop3A_509 = vector.shape_cast %parallel_loop3A_508 : vector<16x1xi32> to vector<16xi32>
        %parallel_loop3A_510 = tpu.dynamic_gather %parallel_loop3A_347[%parallel_loop3A_509] in [0] : vector<16xi32>, vector<16xi32> -> vector<16xi32>
        %parallel_loop3A_511 = arith.constant -65536 : i32
        %parallel_loop3A_512 = vector.broadcast %parallel_loop3A_511 : i32 to vector<16xi32>
        %parallel_loop3A_513 = arith.andi %parallel_loop3A_510, %parallel_loop3A_512 : vector<16xi32>
        %parallel_loop3A_514 = vector.bitcast %parallel_loop3A_513 : vector<16xi32> to vector<16xf32>
        %parallel_loop3A_515 = arith.mulf %parallel_loop3A_514, %parallel_loop3A_131 : vector<16xf32>
        %parallel_loop3A_516 = arith.constant 3 : i32
        %parallel_loop3A_517 = vector.broadcast %parallel_loop3A_516 : i32 to vector<16xi32>
        %parallel_loop3A_518 = arith.shli %parallel_loop3A_510, %parallel_loop3A_517 : vector<16xi32>
        %parallel_loop3A_519 = arith.constant 131064 : i32
        %parallel_loop3A_520 = vector.broadcast %parallel_loop3A_519 : i32 to vector<16xi32>
        %parallel_loop3A_521 = arith.andi %parallel_loop3A_518, %parallel_loop3A_520 : vector<16xi32>
        %parallel_loop3A_522 = arith.addi %parallel_loop3A_521, %sub3A_32 : vector<16xi32>
        tpu.vector_store_idx %arg6[%parallel_loop3A_522], %parallel_loop3A_515 {add = true} : memref<81920xf32, #tpu.memory_space<vmem>>[vector<16xi32>], vector<16xf32>,
        %parallel_loop3A_523 = arith.constant 14 : i32
        %parallel_loop3A_524 = vector.broadcast %parallel_loop3A_523 : i32 to vector<16xi32>
        %parallel_loop3A_525 = arith.addi %select_n3A, %parallel_loop3A_524 : vector<16xi32>
        %parallel_loop3A_526 = arith.constant 0 : i32
        %parallel_loop3A_527 = vector.broadcast %parallel_loop3A_526 : i32 to vector<16xi32>
        %parallel_loop3A_528 = arith.cmpi slt, %parallel_loop3A_525, %parallel_loop3A_527 : vector<16xi32>
        %parallel_loop3A_529 = arith.constant 16 : i32
        %parallel_loop3A_530 = vector.broadcast %parallel_loop3A_529 : i32 to vector<16xi32>
        %parallel_loop3A_531 = arith.addi %parallel_loop3A_525, %parallel_loop3A_530 : vector<16xi32>
        %parallel_loop3A_532 = arith.select %parallel_loop3A_528, %parallel_loop3A_531, %parallel_loop3A_525 : vector<16xi1>, vector<16xi32>
        %parallel_loop3A_533 = vector.shape_cast %parallel_loop3A_532 : vector<16xi32> to vector<16x1xi32>
        %parallel_loop3A_534 = vector.shape_cast %parallel_loop3A_533 : vector<16x1xi32> to vector<16xi32>
        %parallel_loop3A_535 = tpu.dynamic_gather %parallel_loop3A_347[%parallel_loop3A_534] in [0] : vector<16xi32>, vector<16xi32> -> vector<16xi32>
        %parallel_loop3A_536 = arith.constant -65536 : i32
        %parallel_loop3A_537 = vector.broadcast %parallel_loop3A_536 : i32 to vector<16xi32>
        %parallel_loop3A_538 = arith.andi %parallel_loop3A_535, %parallel_loop3A_537 : vector<16xi32>
        %parallel_loop3A_539 = vector.bitcast %parallel_loop3A_538 : vector<16xi32> to vector<16xf32>
        %parallel_loop3A_540 = arith.mulf %parallel_loop3A_539, %parallel_loop3A_131 : vector<16xf32>
        %parallel_loop3A_541 = arith.constant 3 : i32
        %parallel_loop3A_542 = vector.broadcast %parallel_loop3A_541 : i32 to vector<16xi32>
        %parallel_loop3A_543 = arith.shli %parallel_loop3A_535, %parallel_loop3A_542 : vector<16xi32>
        %parallel_loop3A_544 = arith.constant 131064 : i32
        %parallel_loop3A_545 = vector.broadcast %parallel_loop3A_544 : i32 to vector<16xi32>
        %parallel_loop3A_546 = arith.andi %parallel_loop3A_543, %parallel_loop3A_545 : vector<16xi32>
        %parallel_loop3A_547 = arith.addi %parallel_loop3A_546, %sub3A_32 : vector<16xi32>
        tpu.vector_store_idx %arg6[%parallel_loop3A_547], %parallel_loop3A_540 {add = true} : memref<81920xf32, #tpu.memory_space<vmem>>[vector<16xi32>], vector<16xf32>,
        %parallel_loop3A_548 = arith.constant 65 : i32
        %parallel_loop3A_549 = arith.muli %parallel_loop3A_113, %parallel_loop3A_548 : i32
        %parallel_loop3A_550 = arith.constant 32 : i32
        %parallel_loop3A_551 = arith.addi %parallel_loop3A_549, %parallel_loop3A_550 : i32
        %parallel_loop3A_552 = arith.constant 0 : i32
        %parallel_loop3A_553 = arith.index_cast %parallel_loop3A_552 : i32 to index
        %parallel_loop3A_554 = arith.index_cast %parallel_loop3A_551 : i32 to index
        %parallel_loop3A_555 = tpu.vector_load %arg8[%parallel_loop3A_553, %parallel_loop3A_554] {strides = array<i32>} : memref<2x1056xi32, #tpu.memory_space<vmem>>, vector<16xi32>,
        %parallel_loop3A_556 = arith.constant 0 : i32
        %parallel_loop3A_557 = vector.broadcast %parallel_loop3A_556 : i32 to vector<16xi32>
        %parallel_loop3A_558 = arith.addi %select_n3A, %parallel_loop3A_557 : vector<16xi32>
        %parallel_loop3A_559 = arith.constant 0 : i32
        %parallel_loop3A_560 = vector.broadcast %parallel_loop3A_559 : i32 to vector<16xi32>
        %parallel_loop3A_561 = arith.cmpi slt, %parallel_loop3A_558, %parallel_loop3A_560 : vector<16xi32>
        %parallel_loop3A_562 = arith.constant 16 : i32
        %parallel_loop3A_563 = vector.broadcast %parallel_loop3A_562 : i32 to vector<16xi32>
        %parallel_loop3A_564 = arith.addi %parallel_loop3A_558, %parallel_loop3A_563 : vector<16xi32>
        %parallel_loop3A_565 = arith.select %parallel_loop3A_561, %parallel_loop3A_564, %parallel_loop3A_558 : vector<16xi1>, vector<16xi32>
        %parallel_loop3A_566 = vector.shape_cast %parallel_loop3A_565 : vector<16xi32> to vector<16x1xi32>
        %parallel_loop3A_567 = vector.shape_cast %parallel_loop3A_566 : vector<16x1xi32> to vector<16xi32>
        %parallel_loop3A_568 = tpu.dynamic_gather %parallel_loop3A_555[%parallel_loop3A_567] in [0] : vector<16xi32>, vector<16xi32> -> vector<16xi32>
        %parallel_loop3A_569 = arith.constant -65536 : i32
        %parallel_loop3A_570 = vector.broadcast %parallel_loop3A_569 : i32 to vector<16xi32>
        %parallel_loop3A_571 = arith.andi %parallel_loop3A_568, %parallel_loop3A_570 : vector<16xi32>
        %parallel_loop3A_572 = vector.bitcast %parallel_loop3A_571 : vector<16xi32> to vector<16xf32>
        %parallel_loop3A_573 = arith.mulf %parallel_loop3A_572, %parallel_loop3A_131 : vector<16xf32>
        %parallel_loop3A_574 = arith.constant 3 : i32
        %parallel_loop3A_575 = vector.broadcast %parallel_loop3A_574 : i32 to vector<16xi32>
        %parallel_loop3A_576 = arith.shli %parallel_loop3A_568, %parallel_loop3A_575 : vector<16xi32>
        %parallel_loop3A_577 = arith.constant 131064 : i32
        %parallel_loop3A_578 = vector.broadcast %parallel_loop3A_577 : i32 to vector<16xi32>
        %parallel_loop3A_579 = arith.andi %parallel_loop3A_576, %parallel_loop3A_578 : vector<16xi32>
        %parallel_loop3A_580 = arith.addi %parallel_loop3A_579, %sub3A_32 : vector<16xi32>
        tpu.vector_store_idx %arg6[%parallel_loop3A_580], %parallel_loop3A_573 {add = true} : memref<81920xf32, #tpu.memory_space<vmem>>[vector<16xi32>], vector<16xf32>,
        %parallel_loop3A_581 = arith.constant 2 : i32
        %parallel_loop3A_582 = vector.broadcast %parallel_loop3A_581 : i32 to vector<16xi32>
        %parallel_loop3A_583 = arith.addi %select_n3A, %parallel_loop3A_582 : vector<16xi32>
        %parallel_loop3A_584 = arith.constant 0 : i32
        %parallel_loop3A_585 = vector.broadcast %parallel_loop3A_584 : i32 to vector<16xi32>
        %parallel_loop3A_586 = arith.cmpi slt, %parallel_loop3A_583, %parallel_loop3A_585 : vector<16xi32>
        %parallel_loop3A_587 = arith.constant 16 : i32
        %parallel_loop3A_588 = vector.broadcast %parallel_loop3A_587 : i32 to vector<16xi32>
        %parallel_loop3A_589 = arith.addi %parallel_loop3A_583, %parallel_loop3A_588 : vector<16xi32>
        %parallel_loop3A_590 = arith.select %parallel_loop3A_586, %parallel_loop3A_589, %parallel_loop3A_583 : vector<16xi1>, vector<16xi32>
        %parallel_loop3A_591 = vector.shape_cast %parallel_loop3A_590 : vector<16xi32> to vector<16x1xi32>
        %parallel_loop3A_592 = vector.shape_cast %parallel_loop3A_591 : vector<16x1xi32> to vector<16xi32>
        %parallel_loop3A_593 = tpu.dynamic_gather %parallel_loop3A_555[%parallel_loop3A_592] in [0] : vector<16xi32>, vector<16xi32> -> vector<16xi32>
        %parallel_loop3A_594 = arith.constant -65536 : i32
        %parallel_loop3A_595 = vector.broadcast %parallel_loop3A_594 : i32 to vector<16xi32>
        %parallel_loop3A_596 = arith.andi %parallel_loop3A_593, %parallel_loop3A_595 : vector<16xi32>
        %parallel_loop3A_597 = vector.bitcast %parallel_loop3A_596 : vector<16xi32> to vector<16xf32>
        %parallel_loop3A_598 = arith.mulf %parallel_loop3A_597, %parallel_loop3A_131 : vector<16xf32>
        %parallel_loop3A_599 = arith.constant 3 : i32
        %parallel_loop3A_600 = vector.broadcast %parallel_loop3A_599 : i32 to vector<16xi32>
        %parallel_loop3A_601 = arith.shli %parallel_loop3A_593, %parallel_loop3A_600 : vector<16xi32>
        %parallel_loop3A_602 = arith.constant 131064 : i32
        %parallel_loop3A_603 = vector.broadcast %parallel_loop3A_602 : i32 to vector<16xi32>
        %parallel_loop3A_604 = arith.andi %parallel_loop3A_601, %parallel_loop3A_603 : vector<16xi32>
        %parallel_loop3A_605 = arith.addi %parallel_loop3A_604, %sub3A_32 : vector<16xi32>
        tpu.vector_store_idx %arg6[%parallel_loop3A_605], %parallel_loop3A_598 {add = true} : memref<81920xf32, #tpu.memory_space<vmem>>[vector<16xi32>], vector<16xf32>,
        %parallel_loop3A_606 = arith.constant 4 : i32
        %parallel_loop3A_607 = vector.broadcast %parallel_loop3A_606 : i32 to vector<16xi32>
        %parallel_loop3A_608 = arith.addi %select_n3A, %parallel_loop3A_607 : vector<16xi32>
        %parallel_loop3A_609 = arith.constant 0 : i32
        %parallel_loop3A_610 = vector.broadcast %parallel_loop3A_609 : i32 to vector<16xi32>
        %parallel_loop3A_611 = arith.cmpi slt, %parallel_loop3A_608, %parallel_loop3A_610 : vector<16xi32>
        %parallel_loop3A_612 = arith.constant 16 : i32
        %parallel_loop3A_613 = vector.broadcast %parallel_loop3A_612 : i32 to vector<16xi32>
        %parallel_loop3A_614 = arith.addi %parallel_loop3A_608, %parallel_loop3A_613 : vector<16xi32>
        %parallel_loop3A_615 = arith.select %parallel_loop3A_611, %parallel_loop3A_614, %parallel_loop3A_608 : vector<16xi1>, vector<16xi32>
        %parallel_loop3A_616 = vector.shape_cast %parallel_loop3A_615 : vector<16xi32> to vector<16x1xi32>
        %parallel_loop3A_617 = vector.shape_cast %parallel_loop3A_616 : vector<16x1xi32> to vector<16xi32>
        %parallel_loop3A_618 = tpu.dynamic_gather %parallel_loop3A_555[%parallel_loop3A_617] in [0] : vector<16xi32>, vector<16xi32> -> vector<16xi32>
        %parallel_loop3A_619 = arith.constant -65536 : i32
        %parallel_loop3A_620 = vector.broadcast %parallel_loop3A_619 : i32 to vector<16xi32>
        %parallel_loop3A_621 = arith.andi %parallel_loop3A_618, %parallel_loop3A_620 : vector<16xi32>
        %parallel_loop3A_622 = vector.bitcast %parallel_loop3A_621 : vector<16xi32> to vector<16xf32>
        %parallel_loop3A_623 = arith.mulf %parallel_loop3A_622, %parallel_loop3A_131 : vector<16xf32>
        %parallel_loop3A_624 = arith.constant 3 : i32
        %parallel_loop3A_625 = vector.broadcast %parallel_loop3A_624 : i32 to vector<16xi32>
        %parallel_loop3A_626 = arith.shli %parallel_loop3A_618, %parallel_loop3A_625 : vector<16xi32>
        %parallel_loop3A_627 = arith.constant 131064 : i32
        %parallel_loop3A_628 = vector.broadcast %parallel_loop3A_627 : i32 to vector<16xi32>
        %parallel_loop3A_629 = arith.andi %parallel_loop3A_626, %parallel_loop3A_628 : vector<16xi32>
        %parallel_loop3A_630 = arith.addi %parallel_loop3A_629, %sub3A_32 : vector<16xi32>
        tpu.vector_store_idx %arg6[%parallel_loop3A_630], %parallel_loop3A_623 {add = true} : memref<81920xf32, #tpu.memory_space<vmem>>[vector<16xi32>], vector<16xf32>,
        %parallel_loop3A_631 = arith.constant 6 : i32
        %parallel_loop3A_632 = vector.broadcast %parallel_loop3A_631 : i32 to vector<16xi32>
        %parallel_loop3A_633 = arith.addi %select_n3A, %parallel_loop3A_632 : vector<16xi32>
        %parallel_loop3A_634 = arith.constant 0 : i32
        %parallel_loop3A_635 = vector.broadcast %parallel_loop3A_634 : i32 to vector<16xi32>
        %parallel_loop3A_636 = arith.cmpi slt, %parallel_loop3A_633, %parallel_loop3A_635 : vector<16xi32>
        %parallel_loop3A_637 = arith.constant 16 : i32
        %parallel_loop3A_638 = vector.broadcast %parallel_loop3A_637 : i32 to vector<16xi32>
        %parallel_loop3A_639 = arith.addi %parallel_loop3A_633, %parallel_loop3A_638 : vector<16xi32>
        %parallel_loop3A_640 = arith.select %parallel_loop3A_636, %parallel_loop3A_639, %parallel_loop3A_633 : vector<16xi1>, vector<16xi32>
        %parallel_loop3A_641 = vector.shape_cast %parallel_loop3A_640 : vector<16xi32> to vector<16x1xi32>
        %parallel_loop3A_642 = vector.shape_cast %parallel_loop3A_641 : vector<16x1xi32> to vector<16xi32>
        %parallel_loop3A_643 = tpu.dynamic_gather %parallel_loop3A_555[%parallel_loop3A_642] in [0] : vector<16xi32>, vector<16xi32> -> vector<16xi32>
        %parallel_loop3A_644 = arith.constant -65536 : i32
        %parallel_loop3A_645 = vector.broadcast %parallel_loop3A_644 : i32 to vector<16xi32>
        %parallel_loop3A_646 = arith.andi %parallel_loop3A_643, %parallel_loop3A_645 : vector<16xi32>
        %parallel_loop3A_647 = vector.bitcast %parallel_loop3A_646 : vector<16xi32> to vector<16xf32>
        %parallel_loop3A_648 = arith.mulf %parallel_loop3A_647, %parallel_loop3A_131 : vector<16xf32>
        %parallel_loop3A_649 = arith.constant 3 : i32
        %parallel_loop3A_650 = vector.broadcast %parallel_loop3A_649 : i32 to vector<16xi32>
        %parallel_loop3A_651 = arith.shli %parallel_loop3A_643, %parallel_loop3A_650 : vector<16xi32>
        %parallel_loop3A_652 = arith.constant 131064 : i32
        %parallel_loop3A_653 = vector.broadcast %parallel_loop3A_652 : i32 to vector<16xi32>
        %parallel_loop3A_654 = arith.andi %parallel_loop3A_651, %parallel_loop3A_653 : vector<16xi32>
        %parallel_loop3A_655 = arith.addi %parallel_loop3A_654, %sub3A_32 : vector<16xi32>
        tpu.vector_store_idx %arg6[%parallel_loop3A_655], %parallel_loop3A_648 {add = true} : memref<81920xf32, #tpu.memory_space<vmem>>[vector<16xi32>], vector<16xf32>,
        %parallel_loop3A_656 = arith.constant 8 : i32
        %parallel_loop3A_657 = vector.broadcast %parallel_loop3A_656 : i32 to vector<16xi32>
        %parallel_loop3A_658 = arith.addi %select_n3A, %parallel_loop3A_657 : vector<16xi32>
        %parallel_loop3A_659 = arith.constant 0 : i32
        %parallel_loop3A_660 = vector.broadcast %parallel_loop3A_659 : i32 to vector<16xi32>
        %parallel_loop3A_661 = arith.cmpi slt, %parallel_loop3A_658, %parallel_loop3A_660 : vector<16xi32>
        %parallel_loop3A_662 = arith.constant 16 : i32
        %parallel_loop3A_663 = vector.broadcast %parallel_loop3A_662 : i32 to vector<16xi32>
        %parallel_loop3A_664 = arith.addi %parallel_loop3A_658, %parallel_loop3A_663 : vector<16xi32>
        %parallel_loop3A_665 = arith.select %parallel_loop3A_661, %parallel_loop3A_664, %parallel_loop3A_658 : vector<16xi1>, vector<16xi32>
        %parallel_loop3A_666 = vector.shape_cast %parallel_loop3A_665 : vector<16xi32> to vector<16x1xi32>
        %parallel_loop3A_667 = vector.shape_cast %parallel_loop3A_666 : vector<16x1xi32> to vector<16xi32>
        %parallel_loop3A_668 = tpu.dynamic_gather %parallel_loop3A_555[%parallel_loop3A_667] in [0] : vector<16xi32>, vector<16xi32> -> vector<16xi32>
        %parallel_loop3A_669 = arith.constant -65536 : i32
        %parallel_loop3A_670 = vector.broadcast %parallel_loop3A_669 : i32 to vector<16xi32>
        %parallel_loop3A_671 = arith.andi %parallel_loop3A_668, %parallel_loop3A_670 : vector<16xi32>
        %parallel_loop3A_672 = vector.bitcast %parallel_loop3A_671 : vector<16xi32> to vector<16xf32>
        %parallel_loop3A_673 = arith.mulf %parallel_loop3A_672, %parallel_loop3A_131 : vector<16xf32>
        %parallel_loop3A_674 = arith.constant 3 : i32
        %parallel_loop3A_675 = vector.broadcast %parallel_loop3A_674 : i32 to vector<16xi32>
        %parallel_loop3A_676 = arith.shli %parallel_loop3A_668, %parallel_loop3A_675 : vector<16xi32>
        %parallel_loop3A_677 = arith.constant 131064 : i32
        %parallel_loop3A_678 = vector.broadcast %parallel_loop3A_677 : i32 to vector<16xi32>
        %parallel_loop3A_679 = arith.andi %parallel_loop3A_676, %parallel_loop3A_678 : vector<16xi32>
        %parallel_loop3A_680 = arith.addi %parallel_loop3A_679, %sub3A_32 : vector<16xi32>
        tpu.vector_store_idx %arg6[%parallel_loop3A_680], %parallel_loop3A_673 {add = true} : memref<81920xf32, #tpu.memory_space<vmem>>[vector<16xi32>], vector<16xf32>,
        %parallel_loop3A_681 = arith.constant 10 : i32
        %parallel_loop3A_682 = vector.broadcast %parallel_loop3A_681 : i32 to vector<16xi32>
        %parallel_loop3A_683 = arith.addi %select_n3A, %parallel_loop3A_682 : vector<16xi32>
        %parallel_loop3A_684 = arith.constant 0 : i32
        %parallel_loop3A_685 = vector.broadcast %parallel_loop3A_684 : i32 to vector<16xi32>
        %parallel_loop3A_686 = arith.cmpi slt, %parallel_loop3A_683, %parallel_loop3A_685 : vector<16xi32>
        %parallel_loop3A_687 = arith.constant 16 : i32
        %parallel_loop3A_688 = vector.broadcast %parallel_loop3A_687 : i32 to vector<16xi32>
        %parallel_loop3A_689 = arith.addi %parallel_loop3A_683, %parallel_loop3A_688 : vector<16xi32>
        %parallel_loop3A_690 = arith.select %parallel_loop3A_686, %parallel_loop3A_689, %parallel_loop3A_683 : vector<16xi1>, vector<16xi32>
        %parallel_loop3A_691 = vector.shape_cast %parallel_loop3A_690 : vector<16xi32> to vector<16x1xi32>
        %parallel_loop3A_692 = vector.shape_cast %parallel_loop3A_691 : vector<16x1xi32> to vector<16xi32>
        %parallel_loop3A_693 = tpu.dynamic_gather %parallel_loop3A_555[%parallel_loop3A_692] in [0] : vector<16xi32>, vector<16xi32> -> vector<16xi32>
        %parallel_loop3A_694 = arith.constant -65536 : i32
        %parallel_loop3A_695 = vector.broadcast %parallel_loop3A_694 : i32 to vector<16xi32>
        %parallel_loop3A_696 = arith.andi %parallel_loop3A_693, %parallel_loop3A_695 : vector<16xi32>
        %parallel_loop3A_697 = vector.bitcast %parallel_loop3A_696 : vector<16xi32> to vector<16xf32>
        %parallel_loop3A_698 = arith.mulf %parallel_loop3A_697, %parallel_loop3A_131 : vector<16xf32>
        %parallel_loop3A_699 = arith.constant 3 : i32
        %parallel_loop3A_700 = vector.broadcast %parallel_loop3A_699 : i32 to vector<16xi32>
        %parallel_loop3A_701 = arith.shli %parallel_loop3A_693, %parallel_loop3A_700 : vector<16xi32>
        %parallel_loop3A_702 = arith.constant 131064 : i32
        %parallel_loop3A_703 = vector.broadcast %parallel_loop3A_702 : i32 to vector<16xi32>
        %parallel_loop3A_704 = arith.andi %parallel_loop3A_701, %parallel_loop3A_703 : vector<16xi32>
        %parallel_loop3A_705 = arith.addi %parallel_loop3A_704, %sub3A_32 : vector<16xi32>
        tpu.vector_store_idx %arg6[%parallel_loop3A_705], %parallel_loop3A_698 {add = true} : memref<81920xf32, #tpu.memory_space<vmem>>[vector<16xi32>], vector<16xf32>,
        %parallel_loop3A_706 = arith.constant 12 : i32
        %parallel_loop3A_707 = vector.broadcast %parallel_loop3A_706 : i32 to vector<16xi32>
        %parallel_loop3A_708 = arith.addi %select_n3A, %parallel_loop3A_707 : vector<16xi32>
        %parallel_loop3A_709 = arith.constant 0 : i32
        %parallel_loop3A_710 = vector.broadcast %parallel_loop3A_709 : i32 to vector<16xi32>
        %parallel_loop3A_711 = arith.cmpi slt, %parallel_loop3A_708, %parallel_loop3A_710 : vector<16xi32>
        %parallel_loop3A_712 = arith.constant 16 : i32
        %parallel_loop3A_713 = vector.broadcast %parallel_loop3A_712 : i32 to vector<16xi32>
        %parallel_loop3A_714 = arith.addi %parallel_loop3A_708, %parallel_loop3A_713 : vector<16xi32>
        %parallel_loop3A_715 = arith.select %parallel_loop3A_711, %parallel_loop3A_714, %parallel_loop3A_708 : vector<16xi1>, vector<16xi32>
        %parallel_loop3A_716 = vector.shape_cast %parallel_loop3A_715 : vector<16xi32> to vector<16x1xi32>
        %parallel_loop3A_717 = vector.shape_cast %parallel_loop3A_716 : vector<16x1xi32> to vector<16xi32>
        %parallel_loop3A_718 = tpu.dynamic_gather %parallel_loop3A_555[%parallel_loop3A_717] in [0] : vector<16xi32>, vector<16xi32> -> vector<16xi32>
        %parallel_loop3A_719 = arith.constant -65536 : i32
        %parallel_loop3A_720 = vector.broadcast %parallel_loop3A_719 : i32 to vector<16xi32>
        %parallel_loop3A_721 = arith.andi %parallel_loop3A_718, %parallel_loop3A_720 : vector<16xi32>
        %parallel_loop3A_722 = vector.bitcast %parallel_loop3A_721 : vector<16xi32> to vector<16xf32>
        %parallel_loop3A_723 = arith.mulf %parallel_loop3A_722, %parallel_loop3A_131 : vector<16xf32>
        %parallel_loop3A_724 = arith.constant 3 : i32
        %parallel_loop3A_725 = vector.broadcast %parallel_loop3A_724 : i32 to vector<16xi32>
        %parallel_loop3A_726 = arith.shli %parallel_loop3A_718, %parallel_loop3A_725 : vector<16xi32>
        %parallel_loop3A_727 = arith.constant 131064 : i32
        %parallel_loop3A_728 = vector.broadcast %parallel_loop3A_727 : i32 to vector<16xi32>
        %parallel_loop3A_729 = arith.andi %parallel_loop3A_726, %parallel_loop3A_728 : vector<16xi32>
        %parallel_loop3A_730 = arith.addi %parallel_loop3A_729, %sub3A_32 : vector<16xi32>
        tpu.vector_store_idx %arg6[%parallel_loop3A_730], %parallel_loop3A_723 {add = true} : memref<81920xf32, #tpu.memory_space<vmem>>[vector<16xi32>], vector<16xf32>,
        %parallel_loop3A_731 = arith.constant 14 : i32
        %parallel_loop3A_732 = vector.broadcast %parallel_loop3A_731 : i32 to vector<16xi32>
        %parallel_loop3A_733 = arith.addi %select_n3A, %parallel_loop3A_732 : vector<16xi32>
        %parallel_loop3A_734 = arith.constant 0 : i32
        %parallel_loop3A_735 = vector.broadcast %parallel_loop3A_734 : i32 to vector<16xi32>
        %parallel_loop3A_736 = arith.cmpi slt, %parallel_loop3A_733, %parallel_loop3A_735 : vector<16xi32>
        %parallel_loop3A_737 = arith.constant 16 : i32
        %parallel_loop3A_738 = vector.broadcast %parallel_loop3A_737 : i32 to vector<16xi32>
        %parallel_loop3A_739 = arith.addi %parallel_loop3A_733, %parallel_loop3A_738 : vector<16xi32>
        %parallel_loop3A_740 = arith.select %parallel_loop3A_736, %parallel_loop3A_739, %parallel_loop3A_733 : vector<16xi1>, vector<16xi32>
        %parallel_loop3A_741 = vector.shape_cast %parallel_loop3A_740 : vector<16xi32> to vector<16x1xi32>
        %parallel_loop3A_742 = vector.shape_cast %parallel_loop3A_741 : vector<16x1xi32> to vector<16xi32>
        %parallel_loop3A_743 = tpu.dynamic_gather %parallel_loop3A_555[%parallel_loop3A_742] in [0] : vector<16xi32>, vector<16xi32> -> vector<16xi32>
        %parallel_loop3A_744 = arith.constant -65536 : i32
        %parallel_loop3A_745 = vector.broadcast %parallel_loop3A_744 : i32 to vector<16xi32>
        %parallel_loop3A_746 = arith.andi %parallel_loop3A_743, %parallel_loop3A_745 : vector<16xi32>
        %parallel_loop3A_747 = vector.bitcast %parallel_loop3A_746 : vector<16xi32> to vector<16xf32>
        %parallel_loop3A_748 = arith.mulf %parallel_loop3A_747, %parallel_loop3A_131 : vector<16xf32>
        %parallel_loop3A_749 = arith.constant 3 : i32
        %parallel_loop3A_750 = vector.broadcast %parallel_loop3A_749 : i32 to vector<16xi32>
        %parallel_loop3A_751 = arith.shli %parallel_loop3A_743, %parallel_loop3A_750 : vector<16xi32>
        %parallel_loop3A_752 = arith.constant 131064 : i32
        %parallel_loop3A_753 = vector.broadcast %parallel_loop3A_752 : i32 to vector<16xi32>
        %parallel_loop3A_754 = arith.andi %parallel_loop3A_751, %parallel_loop3A_753 : vector<16xi32>
        %parallel_loop3A_755 = arith.addi %parallel_loop3A_754, %sub3A_32 : vector<16xi32>
        tpu.vector_store_idx %arg6[%parallel_loop3A_755], %parallel_loop3A_748 {add = true} : memref<81920xf32, #tpu.memory_space<vmem>>[vector<16xi32>], vector<16xf32>,
        %parallel_loop3A_756 = arith.constant 65 : i32
        %parallel_loop3A_757 = arith.muli %parallel_loop3A_113, %parallel_loop3A_756 : i32
        %parallel_loop3A_758 = arith.constant 48 : i32
        %parallel_loop3A_759 = arith.addi %parallel_loop3A_757, %parallel_loop3A_758 : i32
        %parallel_loop3A_760 = arith.constant 0 : i32
        %parallel_loop3A_761 = arith.index_cast %parallel_loop3A_760 : i32 to index
        %parallel_loop3A_762 = arith.index_cast %parallel_loop3A_759 : i32 to index
        %parallel_loop3A_763 = tpu.vector_load %arg8[%parallel_loop3A_761, %parallel_loop3A_762] {strides = array<i32>} : memref<2x1056xi32, #tpu.memory_space<vmem>>, vector<16xi32>,
        %parallel_loop3A_764 = arith.constant 0 : i32
        %parallel_loop3A_765 = vector.broadcast %parallel_loop3A_764 : i32 to vector<16xi32>
        %parallel_loop3A_766 = arith.addi %select_n3A, %parallel_loop3A_765 : vector<16xi32>
        %parallel_loop3A_767 = arith.constant 0 : i32
        %parallel_loop3A_768 = vector.broadcast %parallel_loop3A_767 : i32 to vector<16xi32>
        %parallel_loop3A_769 = arith.cmpi slt, %parallel_loop3A_766, %parallel_loop3A_768 : vector<16xi32>
        %parallel_loop3A_770 = arith.constant 16 : i32
        %parallel_loop3A_771 = vector.broadcast %parallel_loop3A_770 : i32 to vector<16xi32>
        %parallel_loop3A_772 = arith.addi %parallel_loop3A_766, %parallel_loop3A_771 : vector<16xi32>
        %parallel_loop3A_773 = arith.select %parallel_loop3A_769, %parallel_loop3A_772, %parallel_loop3A_766 : vector<16xi1>, vector<16xi32>
        %parallel_loop3A_774 = vector.shape_cast %parallel_loop3A_773 : vector<16xi32> to vector<16x1xi32>
        %parallel_loop3A_775 = vector.shape_cast %parallel_loop3A_774 : vector<16x1xi32> to vector<16xi32>
        %parallel_loop3A_776 = tpu.dynamic_gather %parallel_loop3A_763[%parallel_loop3A_775] in [0] : vector<16xi32>, vector<16xi32> -> vector<16xi32>
        %parallel_loop3A_777 = arith.constant -65536 : i32
        %parallel_loop3A_778 = vector.broadcast %parallel_loop3A_777 : i32 to vector<16xi32>
        %parallel_loop3A_779 = arith.andi %parallel_loop3A_776, %parallel_loop3A_778 : vector<16xi32>
        %parallel_loop3A_780 = vector.bitcast %parallel_loop3A_779 : vector<16xi32> to vector<16xf32>
        %parallel_loop3A_781 = arith.mulf %parallel_loop3A_780, %parallel_loop3A_131 : vector<16xf32>
        %parallel_loop3A_782 = arith.constant 3 : i32
        %parallel_loop3A_783 = vector.broadcast %parallel_loop3A_782 : i32 to vector<16xi32>
        %parallel_loop3A_784 = arith.shli %parallel_loop3A_776, %parallel_loop3A_783 : vector<16xi32>
        %parallel_loop3A_785 = arith.constant 131064 : i32
        %parallel_loop3A_786 = vector.broadcast %parallel_loop3A_785 : i32 to vector<16xi32>
        %parallel_loop3A_787 = arith.andi %parallel_loop3A_784, %parallel_loop3A_786 : vector<16xi32>
        %parallel_loop3A_788 = arith.addi %parallel_loop3A_787, %sub3A_32 : vector<16xi32>
        tpu.vector_store_idx %arg6[%parallel_loop3A_788], %parallel_loop3A_781 {add = true} : memref<81920xf32, #tpu.memory_space<vmem>>[vector<16xi32>], vector<16xf32>,
        %parallel_loop3A_789 = arith.constant 2 : i32
        %parallel_loop3A_790 = vector.broadcast %parallel_loop3A_789 : i32 to vector<16xi32>
        %parallel_loop3A_791 = arith.addi %select_n3A, %parallel_loop3A_790 : vector<16xi32>
        %parallel_loop3A_792 = arith.constant 0 : i32
        %parallel_loop3A_793 = vector.broadcast %parallel_loop3A_792 : i32 to vector<16xi32>
        %parallel_loop3A_794 = arith.cmpi slt, %parallel_loop3A_791, %parallel_loop3A_793 : vector<16xi32>
        %parallel_loop3A_795 = arith.constant 16 : i32
        %parallel_loop3A_796 = vector.broadcast %parallel_loop3A_795 : i32 to vector<16xi32>
        %parallel_loop3A_797 = arith.addi %parallel_loop3A_791, %parallel_loop3A_796 : vector<16xi32>
        %parallel_loop3A_798 = arith.select %parallel_loop3A_794, %parallel_loop3A_797, %parallel_loop3A_791 : vector<16xi1>, vector<16xi32>
        %parallel_loop3A_799 = vector.shape_cast %parallel_loop3A_798 : vector<16xi32> to vector<16x1xi32>
        %parallel_loop3A_800 = vector.shape_cast %parallel_loop3A_799 : vector<16x1xi32> to vector<16xi32>
        %parallel_loop3A_801 = tpu.dynamic_gather %parallel_loop3A_763[%parallel_loop3A_800] in [0] : vector<16xi32>, vector<16xi32> -> vector<16xi32>
        %parallel_loop3A_802 = arith.constant -65536 : i32
        %parallel_loop3A_803 = vector.broadcast %parallel_loop3A_802 : i32 to vector<16xi32>
        %parallel_loop3A_804 = arith.andi %parallel_loop3A_801, %parallel_loop3A_803 : vector<16xi32>
        %parallel_loop3A_805 = vector.bitcast %parallel_loop3A_804 : vector<16xi32> to vector<16xf32>
        %parallel_loop3A_806 = arith.mulf %parallel_loop3A_805, %parallel_loop3A_131 : vector<16xf32>
        %parallel_loop3A_807 = arith.constant 3 : i32
        %parallel_loop3A_808 = vector.broadcast %parallel_loop3A_807 : i32 to vector<16xi32>
        %parallel_loop3A_809 = arith.shli %parallel_loop3A_801, %parallel_loop3A_808 : vector<16xi32>
        %parallel_loop3A_810 = arith.constant 131064 : i32
        %parallel_loop3A_811 = vector.broadcast %parallel_loop3A_810 : i32 to vector<16xi32>
        %parallel_loop3A_812 = arith.andi %parallel_loop3A_809, %parallel_loop3A_811 : vector<16xi32>
        %parallel_loop3A_813 = arith.addi %parallel_loop3A_812, %sub3A_32 : vector<16xi32>
        tpu.vector_store_idx %arg6[%parallel_loop3A_813], %parallel_loop3A_806 {add = true} : memref<81920xf32, #tpu.memory_space<vmem>>[vector<16xi32>], vector<16xf32>,
        %parallel_loop3A_814 = arith.constant 4 : i32
        %parallel_loop3A_815 = vector.broadcast %parallel_loop3A_814 : i32 to vector<16xi32>
        %parallel_loop3A_816 = arith.addi %select_n3A, %parallel_loop3A_815 : vector<16xi32>
        %parallel_loop3A_817 = arith.constant 0 : i32
        %parallel_loop3A_818 = vector.broadcast %parallel_loop3A_817 : i32 to vector<16xi32>
        %parallel_loop3A_819 = arith.cmpi slt, %parallel_loop3A_816, %parallel_loop3A_818 : vector<16xi32>
        %parallel_loop3A_820 = arith.constant 16 : i32
        %parallel_loop3A_821 = vector.broadcast %parallel_loop3A_820 : i32 to vector<16xi32>
        %parallel_loop3A_822 = arith.addi %parallel_loop3A_816, %parallel_loop3A_821 : vector<16xi32>
        %parallel_loop3A_823 = arith.select %parallel_loop3A_819, %parallel_loop3A_822, %parallel_loop3A_816 : vector<16xi1>, vector<16xi32>
        %parallel_loop3A_824 = vector.shape_cast %parallel_loop3A_823 : vector<16xi32> to vector<16x1xi32>
        %parallel_loop3A_825 = vector.shape_cast %parallel_loop3A_824 : vector<16x1xi32> to vector<16xi32>
        %parallel_loop3A_826 = tpu.dynamic_gather %parallel_loop3A_763[%parallel_loop3A_825] in [0] : vector<16xi32>, vector<16xi32> -> vector<16xi32>
        %parallel_loop3A_827 = arith.constant -65536 : i32
        %parallel_loop3A_828 = vector.broadcast %parallel_loop3A_827 : i32 to vector<16xi32>
        %parallel_loop3A_829 = arith.andi %parallel_loop3A_826, %parallel_loop3A_828 : vector<16xi32>
        %parallel_loop3A_830 = vector.bitcast %parallel_loop3A_829 : vector<16xi32> to vector<16xf32>
        %parallel_loop3A_831 = arith.mulf %parallel_loop3A_830, %parallel_loop3A_131 : vector<16xf32>
        %parallel_loop3A_832 = arith.constant 3 : i32
        %parallel_loop3A_833 = vector.broadcast %parallel_loop3A_832 : i32 to vector<16xi32>
        %parallel_loop3A_834 = arith.shli %parallel_loop3A_826, %parallel_loop3A_833 : vector<16xi32>
        %parallel_loop3A_835 = arith.constant 131064 : i32
        %parallel_loop3A_836 = vector.broadcast %parallel_loop3A_835 : i32 to vector<16xi32>
        %parallel_loop3A_837 = arith.andi %parallel_loop3A_834, %parallel_loop3A_836 : vector<16xi32>
        %parallel_loop3A_838 = arith.addi %parallel_loop3A_837, %sub3A_32 : vector<16xi32>
        tpu.vector_store_idx %arg6[%parallel_loop3A_838], %parallel_loop3A_831 {add = true} : memref<81920xf32, #tpu.memory_space<vmem>>[vector<16xi32>], vector<16xf32>,
        %parallel_loop3A_839 = arith.constant 6 : i32
        %parallel_loop3A_840 = vector.broadcast %parallel_loop3A_839 : i32 to vector<16xi32>
        %parallel_loop3A_841 = arith.addi %select_n3A, %parallel_loop3A_840 : vector<16xi32>
        %parallel_loop3A_842 = arith.constant 0 : i32
        %parallel_loop3A_843 = vector.broadcast %parallel_loop3A_842 : i32 to vector<16xi32>
        %parallel_loop3A_844 = arith.cmpi slt, %parallel_loop3A_841, %parallel_loop3A_843 : vector<16xi32>
        %parallel_loop3A_845 = arith.constant 16 : i32
        %parallel_loop3A_846 = vector.broadcast %parallel_loop3A_845 : i32 to vector<16xi32>
        %parallel_loop3A_847 = arith.addi %parallel_loop3A_841, %parallel_loop3A_846 : vector<16xi32>
        %parallel_loop3A_848 = arith.select %parallel_loop3A_844, %parallel_loop3A_847, %parallel_loop3A_841 : vector<16xi1>, vector<16xi32>
        %parallel_loop3A_849 = vector.shape_cast %parallel_loop3A_848 : vector<16xi32> to vector<16x1xi32>
        %parallel_loop3A_850 = vector.shape_cast %parallel_loop3A_849 : vector<16x1xi32> to vector<16xi32>
        %parallel_loop3A_851 = tpu.dynamic_gather %parallel_loop3A_763[%parallel_loop3A_850] in [0] : vector<16xi32>, vector<16xi32> -> vector<16xi32>
        %parallel_loop3A_852 = arith.constant -65536 : i32
        %parallel_loop3A_853 = vector.broadcast %parallel_loop3A_852 : i32 to vector<16xi32>
        %parallel_loop3A_854 = arith.andi %parallel_loop3A_851, %parallel_loop3A_853 : vector<16xi32>
        %parallel_loop3A_855 = vector.bitcast %parallel_loop3A_854 : vector<16xi32> to vector<16xf32>
        %parallel_loop3A_856 = arith.mulf %parallel_loop3A_855, %parallel_loop3A_131 : vector<16xf32>
        %parallel_loop3A_857 = arith.constant 3 : i32
        %parallel_loop3A_858 = vector.broadcast %parallel_loop3A_857 : i32 to vector<16xi32>
        %parallel_loop3A_859 = arith.shli %parallel_loop3A_851, %parallel_loop3A_858 : vector<16xi32>
        %parallel_loop3A_860 = arith.constant 131064 : i32
        %parallel_loop3A_861 = vector.broadcast %parallel_loop3A_860 : i32 to vector<16xi32>
        %parallel_loop3A_862 = arith.andi %parallel_loop3A_859, %parallel_loop3A_861 : vector<16xi32>
        %parallel_loop3A_863 = arith.addi %parallel_loop3A_862, %sub3A_32 : vector<16xi32>
        tpu.vector_store_idx %arg6[%parallel_loop3A_863], %parallel_loop3A_856 {add = true} : memref<81920xf32, #tpu.memory_space<vmem>>[vector<16xi32>], vector<16xf32>,
        %parallel_loop3A_864 = arith.constant 8 : i32
        %parallel_loop3A_865 = vector.broadcast %parallel_loop3A_864 : i32 to vector<16xi32>
        %parallel_loop3A_866 = arith.addi %select_n3A, %parallel_loop3A_865 : vector<16xi32>
        %parallel_loop3A_867 = arith.constant 0 : i32
        %parallel_loop3A_868 = vector.broadcast %parallel_loop3A_867 : i32 to vector<16xi32>
        %parallel_loop3A_869 = arith.cmpi slt, %parallel_loop3A_866, %parallel_loop3A_868 : vector<16xi32>
        %parallel_loop3A_870 = arith.constant 16 : i32
        %parallel_loop3A_871 = vector.broadcast %parallel_loop3A_870 : i32 to vector<16xi32>
        %parallel_loop3A_872 = arith.addi %parallel_loop3A_866, %parallel_loop3A_871 : vector<16xi32>
        %parallel_loop3A_873 = arith.select %parallel_loop3A_869, %parallel_loop3A_872, %parallel_loop3A_866 : vector<16xi1>, vector<16xi32>
        %parallel_loop3A_874 = vector.shape_cast %parallel_loop3A_873 : vector<16xi32> to vector<16x1xi32>
        %parallel_loop3A_875 = vector.shape_cast %parallel_loop3A_874 : vector<16x1xi32> to vector<16xi32>
        %parallel_loop3A_876 = tpu.dynamic_gather %parallel_loop3A_763[%parallel_loop3A_875] in [0] : vector<16xi32>, vector<16xi32> -> vector<16xi32>
        %parallel_loop3A_877 = arith.constant -65536 : i32
        %parallel_loop3A_878 = vector.broadcast %parallel_loop3A_877 : i32 to vector<16xi32>
        %parallel_loop3A_879 = arith.andi %parallel_loop3A_876, %parallel_loop3A_878 : vector<16xi32>
        %parallel_loop3A_880 = vector.bitcast %parallel_loop3A_879 : vector<16xi32> to vector<16xf32>
        %parallel_loop3A_881 = arith.mulf %parallel_loop3A_880, %parallel_loop3A_131 : vector<16xf32>
        %parallel_loop3A_882 = arith.constant 3 : i32
        %parallel_loop3A_883 = vector.broadcast %parallel_loop3A_882 : i32 to vector<16xi32>
        %parallel_loop3A_884 = arith.shli %parallel_loop3A_876, %parallel_loop3A_883 : vector<16xi32>
        %parallel_loop3A_885 = arith.constant 131064 : i32
        %parallel_loop3A_886 = vector.broadcast %parallel_loop3A_885 : i32 to vector<16xi32>
        %parallel_loop3A_887 = arith.andi %parallel_loop3A_884, %parallel_loop3A_886 : vector<16xi32>
        %parallel_loop3A_888 = arith.addi %parallel_loop3A_887, %sub3A_32 : vector<16xi32>
        tpu.vector_store_idx %arg6[%parallel_loop3A_888], %parallel_loop3A_881 {add = true} : memref<81920xf32, #tpu.memory_space<vmem>>[vector<16xi32>], vector<16xf32>,
        %parallel_loop3A_889 = arith.constant 10 : i32
        %parallel_loop3A_890 = vector.broadcast %parallel_loop3A_889 : i32 to vector<16xi32>
        %parallel_loop3A_891 = arith.addi %select_n3A, %parallel_loop3A_890 : vector<16xi32>
        %parallel_loop3A_892 = arith.constant 0 : i32
        %parallel_loop3A_893 = vector.broadcast %parallel_loop3A_892 : i32 to vector<16xi32>
        %parallel_loop3A_894 = arith.cmpi slt, %parallel_loop3A_891, %parallel_loop3A_893 : vector<16xi32>
        %parallel_loop3A_895 = arith.constant 16 : i32
        %parallel_loop3A_896 = vector.broadcast %parallel_loop3A_895 : i32 to vector<16xi32>
        %parallel_loop3A_897 = arith.addi %parallel_loop3A_891, %parallel_loop3A_896 : vector<16xi32>
        %parallel_loop3A_898 = arith.select %parallel_loop3A_894, %parallel_loop3A_897, %parallel_loop3A_891 : vector<16xi1>, vector<16xi32>
        %parallel_loop3A_899 = vector.shape_cast %parallel_loop3A_898 : vector<16xi32> to vector<16x1xi32>
        %parallel_loop3A_900 = vector.shape_cast %parallel_loop3A_899 : vector<16x1xi32> to vector<16xi32>
        %parallel_loop3A_901 = tpu.dynamic_gather %parallel_loop3A_763[%parallel_loop3A_900] in [0] : vector<16xi32>, vector<16xi32> -> vector<16xi32>
        %parallel_loop3A_902 = arith.constant -65536 : i32
        %parallel_loop3A_903 = vector.broadcast %parallel_loop3A_902 : i32 to vector<16xi32>
        %parallel_loop3A_904 = arith.andi %parallel_loop3A_901, %parallel_loop3A_903 : vector<16xi32>
        %parallel_loop3A_905 = vector.bitcast %parallel_loop3A_904 : vector<16xi32> to vector<16xf32>
        %parallel_loop3A_906 = arith.mulf %parallel_loop3A_905, %parallel_loop3A_131 : vector<16xf32>
        %parallel_loop3A_907 = arith.constant 3 : i32
        %parallel_loop3A_908 = vector.broadcast %parallel_loop3A_907 : i32 to vector<16xi32>
        %parallel_loop3A_909 = arith.shli %parallel_loop3A_901, %parallel_loop3A_908 : vector<16xi32>
        %parallel_loop3A_910 = arith.constant 131064 : i32
        %parallel_loop3A_911 = vector.broadcast %parallel_loop3A_910 : i32 to vector<16xi32>
        %parallel_loop3A_912 = arith.andi %parallel_loop3A_909, %parallel_loop3A_911 : vector<16xi32>
        %parallel_loop3A_913 = arith.addi %parallel_loop3A_912, %sub3A_32 : vector<16xi32>
        tpu.vector_store_idx %arg6[%parallel_loop3A_913], %parallel_loop3A_906 {add = true} : memref<81920xf32, #tpu.memory_space<vmem>>[vector<16xi32>], vector<16xf32>,
        %parallel_loop3A_914 = arith.constant 12 : i32
        %parallel_loop3A_915 = vector.broadcast %parallel_loop3A_914 : i32 to vector<16xi32>
        %parallel_loop3A_916 = arith.addi %select_n3A, %parallel_loop3A_915 : vector<16xi32>
        %parallel_loop3A_917 = arith.constant 0 : i32
        %parallel_loop3A_918 = vector.broadcast %parallel_loop3A_917 : i32 to vector<16xi32>
        %parallel_loop3A_919 = arith.cmpi slt, %parallel_loop3A_916, %parallel_loop3A_918 : vector<16xi32>
        %parallel_loop3A_920 = arith.constant 16 : i32
        %parallel_loop3A_921 = vector.broadcast %parallel_loop3A_920 : i32 to vector<16xi32>
        %parallel_loop3A_922 = arith.addi %parallel_loop3A_916, %parallel_loop3A_921 : vector<16xi32>
        %parallel_loop3A_923 = arith.select %parallel_loop3A_919, %parallel_loop3A_922, %parallel_loop3A_916 : vector<16xi1>, vector<16xi32>
        %parallel_loop3A_924 = vector.shape_cast %parallel_loop3A_923 : vector<16xi32> to vector<16x1xi32>
        %parallel_loop3A_925 = vector.shape_cast %parallel_loop3A_924 : vector<16x1xi32> to vector<16xi32>
        %parallel_loop3A_926 = tpu.dynamic_gather %parallel_loop3A_763[%parallel_loop3A_925] in [0] : vector<16xi32>, vector<16xi32> -> vector<16xi32>
        %parallel_loop3A_927 = arith.constant -65536 : i32
        %parallel_loop3A_928 = vector.broadcast %parallel_loop3A_927 : i32 to vector<16xi32>
        %parallel_loop3A_929 = arith.andi %parallel_loop3A_926, %parallel_loop3A_928 : vector<16xi32>
        %parallel_loop3A_930 = vector.bitcast %parallel_loop3A_929 : vector<16xi32> to vector<16xf32>
        %parallel_loop3A_931 = arith.mulf %parallel_loop3A_930, %parallel_loop3A_131 : vector<16xf32>
        %parallel_loop3A_932 = arith.constant 3 : i32
        %parallel_loop3A_933 = vector.broadcast %parallel_loop3A_932 : i32 to vector<16xi32>
        %parallel_loop3A_934 = arith.shli %parallel_loop3A_926, %parallel_loop3A_933 : vector<16xi32>
        %parallel_loop3A_935 = arith.constant 131064 : i32
        %parallel_loop3A_936 = vector.broadcast %parallel_loop3A_935 : i32 to vector<16xi32>
        %parallel_loop3A_937 = arith.andi %parallel_loop3A_934, %parallel_loop3A_936 : vector<16xi32>
        %parallel_loop3A_938 = arith.addi %parallel_loop3A_937, %sub3A_32 : vector<16xi32>
        tpu.vector_store_idx %arg6[%parallel_loop3A_938], %parallel_loop3A_931 {add = true} : memref<81920xf32, #tpu.memory_space<vmem>>[vector<16xi32>], vector<16xf32>,
        %parallel_loop3A_939 = arith.constant 14 : i32
        %parallel_loop3A_940 = vector.broadcast %parallel_loop3A_939 : i32 to vector<16xi32>
        %parallel_loop3A_941 = arith.addi %select_n3A, %parallel_loop3A_940 : vector<16xi32>
        %parallel_loop3A_942 = arith.constant 0 : i32
        %parallel_loop3A_943 = vector.broadcast %parallel_loop3A_942 : i32 to vector<16xi32>
        %parallel_loop3A_944 = arith.cmpi slt, %parallel_loop3A_941, %parallel_loop3A_943 : vector<16xi32>
        %parallel_loop3A_945 = arith.constant 16 : i32
        %parallel_loop3A_946 = vector.broadcast %parallel_loop3A_945 : i32 to vector<16xi32>
        %parallel_loop3A_947 = arith.addi %parallel_loop3A_941, %parallel_loop3A_946 : vector<16xi32>
        %parallel_loop3A_948 = arith.select %parallel_loop3A_944, %parallel_loop3A_947, %parallel_loop3A_941 : vector<16xi1>, vector<16xi32>
        %parallel_loop3A_949 = vector.shape_cast %parallel_loop3A_948 : vector<16xi32> to vector<16x1xi32>
        %parallel_loop3A_950 = vector.shape_cast %parallel_loop3A_949 : vector<16x1xi32> to vector<16xi32>
        %parallel_loop3A_951 = tpu.dynamic_gather %parallel_loop3A_763[%parallel_loop3A_950] in [0] : vector<16xi32>, vector<16xi32> -> vector<16xi32>
        %parallel_loop3A_952 = arith.constant -65536 : i32
        %parallel_loop3A_953 = vector.broadcast %parallel_loop3A_952 : i32 to vector<16xi32>
        %parallel_loop3A_954 = arith.andi %parallel_loop3A_951, %parallel_loop3A_953 : vector<16xi32>
        %parallel_loop3A_955 = vector.bitcast %parallel_loop3A_954 : vector<16xi32> to vector<16xf32>
        %parallel_loop3A_956 = arith.mulf %parallel_loop3A_955, %parallel_loop3A_131 : vector<16xf32>
        %parallel_loop3A_957 = arith.constant 3 : i32
        %parallel_loop3A_958 = vector.broadcast %parallel_loop3A_957 : i32 to vector<16xi32>
        %parallel_loop3A_959 = arith.shli %parallel_loop3A_951, %parallel_loop3A_958 : vector<16xi32>
        %parallel_loop3A_960 = arith.constant 131064 : i32
        %parallel_loop3A_961 = vector.broadcast %parallel_loop3A_960 : i32 to vector<16xi32>
        %parallel_loop3A_962 = arith.andi %parallel_loop3A_959, %parallel_loop3A_961 : vector<16xi32>
        %parallel_loop3A_963 = arith.addi %parallel_loop3A_962, %sub3A_32 : vector<16xi32>
        tpu.vector_store_idx %arg6[%parallel_loop3A_963], %parallel_loop3A_956 {add = true} : memref<81920xf32, #tpu.memory_space<vmem>>[vector<16xi32>], vector<16xf32>,
        %parallel_loop3A_964 = arith.constant 65 : i32
        %parallel_loop3A_965 = arith.muli %parallel_loop3A_113, %parallel_loop3A_964 : i32
        %parallel_loop3A_966 = arith.constant 56 : i32
        %parallel_loop3A_967 = arith.addi %parallel_loop3A_965, %parallel_loop3A_966 : i32
        %parallel_loop3A_968 = arith.constant 0 : i32
        %parallel_loop3A_969 = arith.index_cast %parallel_loop3A_968 : i32 to index
        %parallel_loop3A_970 = arith.index_cast %parallel_loop3A_967 : i32 to index
        %parallel_loop3A_971 = tpu.vector_load %arg8[%parallel_loop3A_969, %parallel_loop3A_970] {strides = array<i32>} : memref<2x1056xi32, #tpu.memory_space<vmem>>, vector<16xi32>,
        %parallel_loop3A_972 = arith.constant 0 : i32
        %parallel_loop3A_973 = vector.broadcast %parallel_loop3A_972 : i32 to vector<16xi32>
        %parallel_loop3A_974 = arith.constant 8 : i32
        %parallel_loop3A_975 = vector.broadcast %parallel_loop3A_974 : i32 to vector<16xi32>
        %parallel_loop3A_976 = arith.addi %parallel_loop3A_973, %parallel_loop3A_975 : vector<16xi32>
        %parallel_loop3A_977 = arith.constant 0 : i32
        %parallel_loop3A_978 = vector.broadcast %parallel_loop3A_977 : i32 to vector<16xi32>
        %parallel_loop3A_979 = arith.cmpi slt, %parallel_loop3A_976, %parallel_loop3A_978 : vector<16xi32>
        %parallel_loop3A_980 = arith.constant 16 : i32
        %parallel_loop3A_981 = vector.broadcast %parallel_loop3A_980 : i32 to vector<16xi32>
        %parallel_loop3A_982 = arith.addi %parallel_loop3A_976, %parallel_loop3A_981 : vector<16xi32>
        %parallel_loop3A_983 = arith.select %parallel_loop3A_979, %parallel_loop3A_982, %parallel_loop3A_976 : vector<16xi1>, vector<16xi32>
        %parallel_loop3A_984 = vector.shape_cast %parallel_loop3A_983 : vector<16xi32> to vector<16x1xi32>
        %parallel_loop3A_985 = vector.shape_cast %parallel_loop3A_984 : vector<16x1xi32> to vector<16xi32>
        %parallel_loop3A_986 = tpu.dynamic_gather %parallel_loop3A_971[%parallel_loop3A_985] in [0] : vector<16xi32>, vector<16xi32> -> vector<16xi32>
        %parallel_loop3A_987 = arith.constant -65536 : i32
        %parallel_loop3A_988 = vector.broadcast %parallel_loop3A_987 : i32 to vector<16xi32>
        %parallel_loop3A_989 = arith.andi %parallel_loop3A_986, %parallel_loop3A_988 : vector<16xi32>
        %parallel_loop3A_990 = vector.bitcast %parallel_loop3A_989 : vector<16xi32> to vector<16xf32>
        %parallel_loop3A_991 = arith.mulf %parallel_loop3A_990, %parallel_loop3A_131 : vector<16xf32>
        %parallel_loop3A_992 = arith.constant 3 : i32
        %parallel_loop3A_993 = vector.broadcast %parallel_loop3A_992 : i32 to vector<16xi32>
        %parallel_loop3A_994 = arith.shli %parallel_loop3A_986, %parallel_loop3A_993 : vector<16xi32>
        %parallel_loop3A_995 = arith.constant 131064 : i32
        %parallel_loop3A_996 = vector.broadcast %parallel_loop3A_995 : i32 to vector<16xi32>
        %parallel_loop3A_997 = arith.andi %parallel_loop3A_994, %parallel_loop3A_996 : vector<16xi32>
        %parallel_loop3A_998 = arith.addi %parallel_loop3A_997, %sub3A_32 : vector<16xi32>
        %parallel_loop3A_999 = arith.constant 0 : i32
        %parallel_loop3A_1000 = vector.broadcast %parallel_loop3A_999 : i32 to vector<16xi32>
        %parallel_loop3A_1001 = arith.cmpi eq, %select_n3A, %parallel_loop3A_1000 : vector<16xi32>
        tpu.vector_store_idx %arg6[%parallel_loop3A_998], %parallel_loop3A_991 masked %parallel_loop3A_1001 {add = true} : memref<81920xf32, #tpu.memory_space<vmem>>[vector<16xi32>], vector<16xf32>, vector<16xi1>
      } {sc.loop_unroll_factor = 2 : i64, sc.parallel_access}
      %add3A_91 = arith.constant 1 : i32
      %add3A_92 = arith.addi %mul3A_61, %add3A_91 : i32
      %mul3A_93 = arith.constant 1040 : i32
      %mul3A_94 = arith.muli %add3A_92, %mul3A_93 : i32
      %add3A_95 = arith.addi %multiple_of3A_5, %mul3A_94 : i32
      %multiple_of3A_96 = tpu.assume_multiple %add3A_95, 1040 : i32
      %dma_wait3A_97 = arith.constant 1 : i32
      %dma_wait3A_98 = arith.constant 0 : i32
      %dma_wait3A_99 = tpu.memref_slice %arg8[%dma_wait3A_97, %dma_wait3A_98] : memref<2x1056xi32, #tpu.memory_space<vmem>> -> memref<1x1040xi32, #tpu.memory_space<vmem>>
      %dma_wait3A_100 = tpu.memref_squeeze %dma_wait3A_99 : memref<1x1040xi32, #tpu.memory_space<vmem>> -> memref<1040xi32, #tpu.memory_space<vmem>>
      %dma_wait3A_101 = tpu.memref_slice %arg3[%multiple_of3A_96] : memref<665600xi32, #tpu.memory_space<hbm>> -> memref<1040xi32, #tpu.memory_space<hbm>>
      %dma_wait3A_102 = arith.constant 0 : i32
      %dma_wait3A_103 = tpu.memref_slice %arg8[%dma_wait3A_97, %dma_wait3A_102] : memref<2x1056xi32, #tpu.memory_space<vmem>> -> memref<1x1040xi32, #tpu.memory_space<vmem>>
      %dma_wait3A_104 = tpu.memref_squeeze %dma_wait3A_103 : memref<1x1040xi32, #tpu.memory_space<vmem>> -> memref<1040xi32, #tpu.memory_space<vmem>>
      %dma_wait3A_105 = tpu.memref_slice %arg3[%multiple_of3A_96] : memref<665600xi32, #tpu.memory_space<hbm>> -> memref<1040xi32, #tpu.memory_space<hbm>>
      tpu.wait_dma2 semaphore(%arg12 : memref<!tpu.dma_semaphore, #tpu.memory_space<semaphore_mem>>) src(%dma_wait3A_105 : memref<1040xi32, #tpu.memory_space<hbm>>) dst(%dma_wait3A_104 : memref<1040xi32, #tpu.memory_space<vmem>>)
      %lt3A = arith.constant 19 : i32
      %lt3A_106 = arith.cmpi slt, %scan3A_59, %lt3A : i32
      %convert_element_type3A = arith.extui %lt3A_106 : i1 to i32
      %cond3A = arith.constant 0 : i32
      %cond3A_107 = arith.cmpi ne, %convert_element_type3A, %cond3A : i32
      scf.if %cond3A_107 {
        %add3A_113 = arith.constant 2 : i32
        %add3A_114 = arith.addi %mul3A_61, %add3A_113 : i32
        %mul3A_115 = arith.constant 1040 : i32
        %mul3A_116 = arith.muli %add3A_114, %mul3A_115 : i32
        %add3A_117 = arith.addi %multiple_of3A_5, %mul3A_116 : i32
        %multiple_of3A_118 = tpu.assume_multiple %add3A_117, 1040 : i32
        %dma_start3A_119 = arith.constant 0 : i32
        %dma_start3A_120 = arith.constant 0 : i32
        %dma_start3A_121 = tpu.memref_slice %arg8[%dma_start3A_119, %dma_start3A_120] : memref<2x1056xi32, #tpu.memory_space<vmem>> -> memref<1x1040xi32, #tpu.memory_space<vmem>>
        %dma_start3A_122 = tpu.memref_squeeze %dma_start3A_121 : memref<1x1040xi32, #tpu.memory_space<vmem>> -> memref<1040xi32, #tpu.memory_space<vmem>>
        %dma_start3A_123 = tpu.memref_slice %arg3[%multiple_of3A_118] : memref<665600xi32, #tpu.memory_space<hbm>> -> memref<1040xi32, #tpu.memory_space<hbm>>
        %dma_start3A_124 = arith.constant 0 : i32
        %dma_start3A_125 = tpu.memref_slice %arg8[%dma_start3A_119, %dma_start3A_124] : memref<2x1056xi32, #tpu.memory_space<vmem>> -> memref<1x1040xi32, #tpu.memory_space<vmem>>
        %dma_start3A_126 = tpu.memref_squeeze %dma_start3A_125 : memref<1x1040xi32, #tpu.memory_space<vmem>> -> memref<1040xi32, #tpu.memory_space<vmem>>
        %dma_start3A_127 = tpu.memref_slice %arg3[%multiple_of3A_118] : memref<665600xi32, #tpu.memory_space<hbm>> -> memref<1040xi32, #tpu.memory_space<hbm>>
        tpu.enqueue_dma source(%dma_start3A_127 : memref<1040xi32, #tpu.memory_space<hbm>>) target(%dma_start3A_126 : memref<1040xi32, #tpu.memory_space<vmem>>) target_semaphore(%arg11 : memref<!tpu.dma_semaphore, #tpu.memory_space<semaphore_mem>>)
      } else {
      }
      %add3A_108 = arith.constant 1 : i32
      %add3A_109 = arith.addi %mul3A_61, %add3A_108 : i32
      %parallel_loop3A_110 = arith.constant 0 : i32
      %parallel_loop3A_111 = arith.constant 16 : i32
      %parallel_loop3A_112 = arith.constant 1 : i32
      scf.for %parallel_loop3A_113 = %parallel_loop3A_110 to %parallel_loop3A_111 step %parallel_loop3A_112  : i32 {
        %parallel_loop3A_114 = arith.constant 0 : i32
        %parallel_loop3A_115 = vector.broadcast %parallel_loop3A_114 : i32 to vector<16xi32>
        %parallel_loop3A_116 = arith.constant 16 : i32
        %parallel_loop3A_117 = arith.muli %add3A_109, %parallel_loop3A_116 : i32
        %parallel_loop3A_118 = arith.addi %parallel_loop3A_117, %parallel_loop3A_113 : i32
        %parallel_loop3A_119 = vector.broadcast %parallel_loop3A_118 : i32 to vector<16xi32>
        %parallel_loop3A_120 = arith.addi %parallel_loop3A_115, %parallel_loop3A_119 : vector<16xi32>
        %parallel_loop3A_121 = tpu.vector_load_idx %arg7[%iota3A, %parallel_loop3A_120] : memref<16x640xf32, #tpu.memory_space<vmem>>[vector<16xi32>, vector<16xi32>], vector<16xf32>,
        %parallel_loop3A_122 = arith.constant 0 : i32
        %parallel_loop3A_123 = vector.broadcast %parallel_loop3A_122 : i32 to vector<16xi32>
        %parallel_loop3A_124 = arith.cmpi slt, %add3A_36, %parallel_loop3A_123 : vector<16xi32>
        %parallel_loop3A_125 = arith.constant 16 : i32
        %parallel_loop3A_126 = vector.broadcast %parallel_loop3A_125 : i32 to vector<16xi32>
        %parallel_loop3A_127 = arith.addi %add3A_36, %parallel_loop3A_126 : vector<16xi32>
        %parallel_loop3A_128 = arith.select %parallel_loop3A_124, %parallel_loop3A_127, %add3A_36 : vector<16xi1>, vector<16xi32>
        %parallel_loop3A_129 = vector.shape_cast %parallel_loop3A_128 : vector<16xi32> to vector<16x1xi32>
        %parallel_loop3A_130 = vector.shape_cast %parallel_loop3A_129 : vector<16x1xi32> to vector<16xi32>
        %parallel_loop3A_131 = tpu.dynamic_gather %parallel_loop3A_121[%parallel_loop3A_130] in [0] : vector<16xf32>, vector<16xi32> -> vector<16xf32>
        %parallel_loop3A_132 = arith.constant 65 : i32
        %parallel_loop3A_133 = arith.muli %parallel_loop3A_113, %parallel_loop3A_132 : i32
        %parallel_loop3A_134 = arith.constant 0 : i32
        %parallel_loop3A_135 = arith.addi %parallel_loop3A_133, %parallel_loop3A_134 : i32
        %parallel_loop3A_136 = arith.constant 1 : i32
        %parallel_loop3A_137 = arith.index_cast %parallel_loop3A_136 : i32 to index
        %parallel_loop3A_138 = arith.index_cast %parallel_loop3A_135 : i32 to index
        %parallel_loop3A_139 = tpu.vector_load %arg8[%parallel_loop3A_137, %parallel_loop3A_138] {strides = array<i32>} : memref<2x1056xi32, #tpu.memory_space<vmem>>, vector<16xi32>,
        %parallel_loop3A_140 = arith.constant 0 : i32
        %parallel_loop3A_141 = vector.broadcast %parallel_loop3A_140 : i32 to vector<16xi32>
        %parallel_loop3A_142 = arith.addi %select_n3A, %parallel_loop3A_141 : vector<16xi32>
        %parallel_loop3A_143 = arith.constant 0 : i32
        %parallel_loop3A_144 = vector.broadcast %parallel_loop3A_143 : i32 to vector<16xi32>
        %parallel_loop3A_145 = arith.cmpi slt, %parallel_loop3A_142, %parallel_loop3A_144 : vector<16xi32>
        %parallel_loop3A_146 = arith.constant 16 : i32
        %parallel_loop3A_147 = vector.broadcast %parallel_loop3A_146 : i32 to vector<16xi32>
        %parallel_loop3A_148 = arith.addi %parallel_loop3A_142, %parallel_loop3A_147 : vector<16xi32>
        %parallel_loop3A_149 = arith.select %parallel_loop3A_145, %parallel_loop3A_148, %parallel_loop3A_142 : vector<16xi1>, vector<16xi32>
        %parallel_loop3A_150 = vector.shape_cast %parallel_loop3A_149 : vector<16xi32> to vector<16x1xi32>
        %parallel_loop3A_151 = vector.shape_cast %parallel_loop3A_150 : vector<16x1xi32> to vector<16xi32>
        %parallel_loop3A_152 = tpu.dynamic_gather %parallel_loop3A_139[%parallel_loop3A_151] in [0] : vector<16xi32>, vector<16xi32> -> vector<16xi32>
        %parallel_loop3A_153 = arith.constant -65536 : i32
        %parallel_loop3A_154 = vector.broadcast %parallel_loop3A_153 : i32 to vector<16xi32>
        %parallel_loop3A_155 = arith.andi %parallel_loop3A_152, %parallel_loop3A_154 : vector<16xi32>
        %parallel_loop3A_156 = vector.bitcast %parallel_loop3A_155 : vector<16xi32> to vector<16xf32>
        %parallel_loop3A_157 = arith.mulf %parallel_loop3A_156, %parallel_loop3A_131 : vector<16xf32>
        %parallel_loop3A_158 = arith.constant 3 : i32
        %parallel_loop3A_159 = vector.broadcast %parallel_loop3A_158 : i32 to vector<16xi32>
        %parallel_loop3A_160 = arith.shli %parallel_loop3A_152, %parallel_loop3A_159 : vector<16xi32>
        %parallel_loop3A_161 = arith.constant 131064 : i32
        %parallel_loop3A_162 = vector.broadcast %parallel_loop3A_161 : i32 to vector<16xi32>
        %parallel_loop3A_163 = arith.andi %parallel_loop3A_160, %parallel_loop3A_162 : vector<16xi32>
        %parallel_loop3A_164 = arith.addi %parallel_loop3A_163, %sub3A_32 : vector<16xi32>
        tpu.vector_store_idx %arg6[%parallel_loop3A_164], %parallel_loop3A_157 {add = true} : memref<81920xf32, #tpu.memory_space<vmem>>[vector<16xi32>], vector<16xf32>,
        %parallel_loop3A_165 = arith.constant 2 : i32
        %parallel_loop3A_166 = vector.broadcast %parallel_loop3A_165 : i32 to vector<16xi32>
        %parallel_loop3A_167 = arith.addi %select_n3A, %parallel_loop3A_166 : vector<16xi32>
        %parallel_loop3A_168 = arith.constant 0 : i32
        %parallel_loop3A_169 = vector.broadcast %parallel_loop3A_168 : i32 to vector<16xi32>
        %parallel_loop3A_170 = arith.cmpi slt, %parallel_loop3A_167, %parallel_loop3A_169 : vector<16xi32>
        %parallel_loop3A_171 = arith.constant 16 : i32
        %parallel_loop3A_172 = vector.broadcast %parallel_loop3A_171 : i32 to vector<16xi32>
        %parallel_loop3A_173 = arith.addi %parallel_loop3A_167, %parallel_loop3A_172 : vector<16xi32>
        %parallel_loop3A_174 = arith.select %parallel_loop3A_170, %parallel_loop3A_173, %parallel_loop3A_167 : vector<16xi1>, vector<16xi32>
        %parallel_loop3A_175 = vector.shape_cast %parallel_loop3A_174 : vector<16xi32> to vector<16x1xi32>
        %parallel_loop3A_176 = vector.shape_cast %parallel_loop3A_175 : vector<16x1xi32> to vector<16xi32>
        %parallel_loop3A_177 = tpu.dynamic_gather %parallel_loop3A_139[%parallel_loop3A_176] in [0] : vector<16xi32>, vector<16xi32> -> vector<16xi32>
        %parallel_loop3A_178 = arith.constant -65536 : i32
        %parallel_loop3A_179 = vector.broadcast %parallel_loop3A_178 : i32 to vector<16xi32>
        %parallel_loop3A_180 = arith.andi %parallel_loop3A_177, %parallel_loop3A_179 : vector<16xi32>
        %parallel_loop3A_181 = vector.bitcast %parallel_loop3A_180 : vector<16xi32> to vector<16xf32>
        %parallel_loop3A_182 = arith.mulf %parallel_loop3A_181, %parallel_loop3A_131 : vector<16xf32>
        %parallel_loop3A_183 = arith.constant 3 : i32
        %parallel_loop3A_184 = vector.broadcast %parallel_loop3A_183 : i32 to vector<16xi32>
        %parallel_loop3A_185 = arith.shli %parallel_loop3A_177, %parallel_loop3A_184 : vector<16xi32>
        %parallel_loop3A_186 = arith.constant 131064 : i32
        %parallel_loop3A_187 = vector.broadcast %parallel_loop3A_186 : i32 to vector<16xi32>
        %parallel_loop3A_188 = arith.andi %parallel_loop3A_185, %parallel_loop3A_187 : vector<16xi32>
        %parallel_loop3A_189 = arith.addi %parallel_loop3A_188, %sub3A_32 : vector<16xi32>
        tpu.vector_store_idx %arg6[%parallel_loop3A_189], %parallel_loop3A_182 {add = true} : memref<81920xf32, #tpu.memory_space<vmem>>[vector<16xi32>], vector<16xf32>,
        %parallel_loop3A_190 = arith.constant 4 : i32
        %parallel_loop3A_191 = vector.broadcast %parallel_loop3A_190 : i32 to vector<16xi32>
        %parallel_loop3A_192 = arith.addi %select_n3A, %parallel_loop3A_191 : vector<16xi32>
        %parallel_loop3A_193 = arith.constant 0 : i32
        %parallel_loop3A_194 = vector.broadcast %parallel_loop3A_193 : i32 to vector<16xi32>
        %parallel_loop3A_195 = arith.cmpi slt, %parallel_loop3A_192, %parallel_loop3A_194 : vector<16xi32>
        %parallel_loop3A_196 = arith.constant 16 : i32
        %parallel_loop3A_197 = vector.broadcast %parallel_loop3A_196 : i32 to vector<16xi32>
        %parallel_loop3A_198 = arith.addi %parallel_loop3A_192, %parallel_loop3A_197 : vector<16xi32>
        %parallel_loop3A_199 = arith.select %parallel_loop3A_195, %parallel_loop3A_198, %parallel_loop3A_192 : vector<16xi1>, vector<16xi32>
        %parallel_loop3A_200 = vector.shape_cast %parallel_loop3A_199 : vector<16xi32> to vector<16x1xi32>
        %parallel_loop3A_201 = vector.shape_cast %parallel_loop3A_200 : vector<16x1xi32> to vector<16xi32>
        %parallel_loop3A_202 = tpu.dynamic_gather %parallel_loop3A_139[%parallel_loop3A_201] in [0] : vector<16xi32>, vector<16xi32> -> vector<16xi32>
        %parallel_loop3A_203 = arith.constant -65536 : i32
        %parallel_loop3A_204 = vector.broadcast %parallel_loop3A_203 : i32 to vector<16xi32>
        %parallel_loop3A_205 = arith.andi %parallel_loop3A_202, %parallel_loop3A_204 : vector<16xi32>
        %parallel_loop3A_206 = vector.bitcast %parallel_loop3A_205 : vector<16xi32> to vector<16xf32>
        %parallel_loop3A_207 = arith.mulf %parallel_loop3A_206, %parallel_loop3A_131 : vector<16xf32>
        %parallel_loop3A_208 = arith.constant 3 : i32
        %parallel_loop3A_209 = vector.broadcast %parallel_loop3A_208 : i32 to vector<16xi32>
        %parallel_loop3A_210 = arith.shli %parallel_loop3A_202, %parallel_loop3A_209 : vector<16xi32>
        %parallel_loop3A_211 = arith.constant 131064 : i32
        %parallel_loop3A_212 = vector.broadcast %parallel_loop3A_211 : i32 to vector<16xi32>
        %parallel_loop3A_213 = arith.andi %parallel_loop3A_210, %parallel_loop3A_212 : vector<16xi32>
        %parallel_loop3A_214 = arith.addi %parallel_loop3A_213, %sub3A_32 : vector<16xi32>
        tpu.vector_store_idx %arg6[%parallel_loop3A_214], %parallel_loop3A_207 {add = true} : memref<81920xf32, #tpu.memory_space<vmem>>[vector<16xi32>], vector<16xf32>,
        %parallel_loop3A_215 = arith.constant 6 : i32
        %parallel_loop3A_216 = vector.broadcast %parallel_loop3A_215 : i32 to vector<16xi32>
        %parallel_loop3A_217 = arith.addi %select_n3A, %parallel_loop3A_216 : vector<16xi32>
        %parallel_loop3A_218 = arith.constant 0 : i32
        %parallel_loop3A_219 = vector.broadcast %parallel_loop3A_218 : i32 to vector<16xi32>
        %parallel_loop3A_220 = arith.cmpi slt, %parallel_loop3A_217, %parallel_loop3A_219 : vector<16xi32>
        %parallel_loop3A_221 = arith.constant 16 : i32
        %parallel_loop3A_222 = vector.broadcast %parallel_loop3A_221 : i32 to vector<16xi32>
        %parallel_loop3A_223 = arith.addi %parallel_loop3A_217, %parallel_loop3A_222 : vector<16xi32>
        %parallel_loop3A_224 = arith.select %parallel_loop3A_220, %parallel_loop3A_223, %parallel_loop3A_217 : vector<16xi1>, vector<16xi32>
        %parallel_loop3A_225 = vector.shape_cast %parallel_loop3A_224 : vector<16xi32> to vector<16x1xi32>
        %parallel_loop3A_226 = vector.shape_cast %parallel_loop3A_225 : vector<16x1xi32> to vector<16xi32>
        %parallel_loop3A_227 = tpu.dynamic_gather %parallel_loop3A_139[%parallel_loop3A_226] in [0] : vector<16xi32>, vector<16xi32> -> vector<16xi32>
        %parallel_loop3A_228 = arith.constant -65536 : i32
        %parallel_loop3A_229 = vector.broadcast %parallel_loop3A_228 : i32 to vector<16xi32>
        %parallel_loop3A_230 = arith.andi %parallel_loop3A_227, %parallel_loop3A_229 : vector<16xi32>
        %parallel_loop3A_231 = vector.bitcast %parallel_loop3A_230 : vector<16xi32> to vector<16xf32>
        %parallel_loop3A_232 = arith.mulf %parallel_loop3A_231, %parallel_loop3A_131 : vector<16xf32>
        %parallel_loop3A_233 = arith.constant 3 : i32
        %parallel_loop3A_234 = vector.broadcast %parallel_loop3A_233 : i32 to vector<16xi32>
        %parallel_loop3A_235 = arith.shli %parallel_loop3A_227, %parallel_loop3A_234 : vector<16xi32>
        %parallel_loop3A_236 = arith.constant 131064 : i32
        %parallel_loop3A_237 = vector.broadcast %parallel_loop3A_236 : i32 to vector<16xi32>
        %parallel_loop3A_238 = arith.andi %parallel_loop3A_235, %parallel_loop3A_237 : vector<16xi32>
        %parallel_loop3A_239 = arith.addi %parallel_loop3A_238, %sub3A_32 : vector<16xi32>
        tpu.vector_store_idx %arg6[%parallel_loop3A_239], %parallel_loop3A_232 {add = true} : memref<81920xf32, #tpu.memory_space<vmem>>[vector<16xi32>], vector<16xf32>,
        %parallel_loop3A_240 = arith.constant 8 : i32
        %parallel_loop3A_241 = vector.broadcast %parallel_loop3A_240 : i32 to vector<16xi32>
        %parallel_loop3A_242 = arith.addi %select_n3A, %parallel_loop3A_241 : vector<16xi32>
        %parallel_loop3A_243 = arith.constant 0 : i32
        %parallel_loop3A_244 = vector.broadcast %parallel_loop3A_243 : i32 to vector<16xi32>
        %parallel_loop3A_245 = arith.cmpi slt, %parallel_loop3A_242, %parallel_loop3A_244 : vector<16xi32>
        %parallel_loop3A_246 = arith.constant 16 : i32
        %parallel_loop3A_247 = vector.broadcast %parallel_loop3A_246 : i32 to vector<16xi32>
        %parallel_loop3A_248 = arith.addi %parallel_loop3A_242, %parallel_loop3A_247 : vector<16xi32>
        %parallel_loop3A_249 = arith.select %parallel_loop3A_245, %parallel_loop3A_248, %parallel_loop3A_242 : vector<16xi1>, vector<16xi32>
        %parallel_loop3A_250 = vector.shape_cast %parallel_loop3A_249 : vector<16xi32> to vector<16x1xi32>
        %parallel_loop3A_251 = vector.shape_cast %parallel_loop3A_250 : vector<16x1xi32> to vector<16xi32>
        %parallel_loop3A_252 = tpu.dynamic_gather %parallel_loop3A_139[%parallel_loop3A_251] in [0] : vector<16xi32>, vector<16xi32> -> vector<16xi32>
        %parallel_loop3A_253 = arith.constant -65536 : i32
        %parallel_loop3A_254 = vector.broadcast %parallel_loop3A_253 : i32 to vector<16xi32>
        %parallel_loop3A_255 = arith.andi %parallel_loop3A_252, %parallel_loop3A_254 : vector<16xi32>
        %parallel_loop3A_256 = vector.bitcast %parallel_loop3A_255 : vector<16xi32> to vector<16xf32>
        %parallel_loop3A_257 = arith.mulf %parallel_loop3A_256, %parallel_loop3A_131 : vector<16xf32>
        %parallel_loop3A_258 = arith.constant 3 : i32
        %parallel_loop3A_259 = vector.broadcast %parallel_loop3A_258 : i32 to vector<16xi32>
        %parallel_loop3A_260 = arith.shli %parallel_loop3A_252, %parallel_loop3A_259 : vector<16xi32>
        %parallel_loop3A_261 = arith.constant 131064 : i32
        %parallel_loop3A_262 = vector.broadcast %parallel_loop3A_261 : i32 to vector<16xi32>
        %parallel_loop3A_263 = arith.andi %parallel_loop3A_260, %parallel_loop3A_262 : vector<16xi32>
        %parallel_loop3A_264 = arith.addi %parallel_loop3A_263, %sub3A_32 : vector<16xi32>
        tpu.vector_store_idx %arg6[%parallel_loop3A_264], %parallel_loop3A_257 {add = true} : memref<81920xf32, #tpu.memory_space<vmem>>[vector<16xi32>], vector<16xf32>,
        %parallel_loop3A_265 = arith.constant 10 : i32
        %parallel_loop3A_266 = vector.broadcast %parallel_loop3A_265 : i32 to vector<16xi32>
        %parallel_loop3A_267 = arith.addi %select_n3A, %parallel_loop3A_266 : vector<16xi32>
        %parallel_loop3A_268 = arith.constant 0 : i32
        %parallel_loop3A_269 = vector.broadcast %parallel_loop3A_268 : i32 to vector<16xi32>
        %parallel_loop3A_270 = arith.cmpi slt, %parallel_loop3A_267, %parallel_loop3A_269 : vector<16xi32>
        %parallel_loop3A_271 = arith.constant 16 : i32
        %parallel_loop3A_272 = vector.broadcast %parallel_loop3A_271 : i32 to vector<16xi32>
        %parallel_loop3A_273 = arith.addi %parallel_loop3A_267, %parallel_loop3A_272 : vector<16xi32>
        %parallel_loop3A_274 = arith.select %parallel_loop3A_270, %parallel_loop3A_273, %parallel_loop3A_267 : vector<16xi1>, vector<16xi32>
        %parallel_loop3A_275 = vector.shape_cast %parallel_loop3A_274 : vector<16xi32> to vector<16x1xi32>
        %parallel_loop3A_276 = vector.shape_cast %parallel_loop3A_275 : vector<16x1xi32> to vector<16xi32>
        %parallel_loop3A_277 = tpu.dynamic_gather %parallel_loop3A_139[%parallel_loop3A_276] in [0] : vector<16xi32>, vector<16xi32> -> vector<16xi32>
        %parallel_loop3A_278 = arith.constant -65536 : i32
        %parallel_loop3A_279 = vector.broadcast %parallel_loop3A_278 : i32 to vector<16xi32>
        %parallel_loop3A_280 = arith.andi %parallel_loop3A_277, %parallel_loop3A_279 : vector<16xi32>
        %parallel_loop3A_281 = vector.bitcast %parallel_loop3A_280 : vector<16xi32> to vector<16xf32>
        %parallel_loop3A_282 = arith.mulf %parallel_loop3A_281, %parallel_loop3A_131 : vector<16xf32>
        %parallel_loop3A_283 = arith.constant 3 : i32
        %parallel_loop3A_284 = vector.broadcast %parallel_loop3A_283 : i32 to vector<16xi32>
        %parallel_loop3A_285 = arith.shli %parallel_loop3A_277, %parallel_loop3A_284 : vector<16xi32>
        %parallel_loop3A_286 = arith.constant 131064 : i32
        %parallel_loop3A_287 = vector.broadcast %parallel_loop3A_286 : i32 to vector<16xi32>
        %parallel_loop3A_288 = arith.andi %parallel_loop3A_285, %parallel_loop3A_287 : vector<16xi32>
        %parallel_loop3A_289 = arith.addi %parallel_loop3A_288, %sub3A_32 : vector<16xi32>
        tpu.vector_store_idx %arg6[%parallel_loop3A_289], %parallel_loop3A_282 {add = true} : memref<81920xf32, #tpu.memory_space<vmem>>[vector<16xi32>], vector<16xf32>,
        %parallel_loop3A_290 = arith.constant 12 : i32
        %parallel_loop3A_291 = vector.broadcast %parallel_loop3A_290 : i32 to vector<16xi32>
        %parallel_loop3A_292 = arith.addi %select_n3A, %parallel_loop3A_291 : vector<16xi32>
        %parallel_loop3A_293 = arith.constant 0 : i32
        %parallel_loop3A_294 = vector.broadcast %parallel_loop3A_293 : i32 to vector<16xi32>
        %parallel_loop3A_295 = arith.cmpi slt, %parallel_loop3A_292, %parallel_loop3A_294 : vector<16xi32>
        %parallel_loop3A_296 = arith.constant 16 : i32
        %parallel_loop3A_297 = vector.broadcast %parallel_loop3A_296 : i32 to vector<16xi32>
        %parallel_loop3A_298 = arith.addi %parallel_loop3A_292, %parallel_loop3A_297 : vector<16xi32>
        %parallel_loop3A_299 = arith.select %parallel_loop3A_295, %parallel_loop3A_298, %parallel_loop3A_292 : vector<16xi1>, vector<16xi32>
        %parallel_loop3A_300 = vector.shape_cast %parallel_loop3A_299 : vector<16xi32> to vector<16x1xi32>
        %parallel_loop3A_301 = vector.shape_cast %parallel_loop3A_300 : vector<16x1xi32> to vector<16xi32>
        %parallel_loop3A_302 = tpu.dynamic_gather %parallel_loop3A_139[%parallel_loop3A_301] in [0] : vector<16xi32>, vector<16xi32> -> vector<16xi32>
        %parallel_loop3A_303 = arith.constant -65536 : i32
        %parallel_loop3A_304 = vector.broadcast %parallel_loop3A_303 : i32 to vector<16xi32>
        %parallel_loop3A_305 = arith.andi %parallel_loop3A_302, %parallel_loop3A_304 : vector<16xi32>
        %parallel_loop3A_306 = vector.bitcast %parallel_loop3A_305 : vector<16xi32> to vector<16xf32>
        %parallel_loop3A_307 = arith.mulf %parallel_loop3A_306, %parallel_loop3A_131 : vector<16xf32>
        %parallel_loop3A_308 = arith.constant 3 : i32
        %parallel_loop3A_309 = vector.broadcast %parallel_loop3A_308 : i32 to vector<16xi32>
        %parallel_loop3A_310 = arith.shli %parallel_loop3A_302, %parallel_loop3A_309 : vector<16xi32>
        %parallel_loop3A_311 = arith.constant 131064 : i32
        %parallel_loop3A_312 = vector.broadcast %parallel_loop3A_311 : i32 to vector<16xi32>
        %parallel_loop3A_313 = arith.andi %parallel_loop3A_310, %parallel_loop3A_312 : vector<16xi32>
        %parallel_loop3A_314 = arith.addi %parallel_loop3A_313, %sub3A_32 : vector<16xi32>
        tpu.vector_store_idx %arg6[%parallel_loop3A_314], %parallel_loop3A_307 {add = true} : memref<81920xf32, #tpu.memory_space<vmem>>[vector<16xi32>], vector<16xf32>,
        %parallel_loop3A_315 = arith.constant 14 : i32
        %parallel_loop3A_316 = vector.broadcast %parallel_loop3A_315 : i32 to vector<16xi32>
        %parallel_loop3A_317 = arith.addi %select_n3A, %parallel_loop3A_316 : vector<16xi32>
        %parallel_loop3A_318 = arith.constant 0 : i32
        %parallel_loop3A_319 = vector.broadcast %parallel_loop3A_318 : i32 to vector<16xi32>
        %parallel_loop3A_320 = arith.cmpi slt, %parallel_loop3A_317, %parallel_loop3A_319 : vector<16xi32>
        %parallel_loop3A_321 = arith.constant 16 : i32
        %parallel_loop3A_322 = vector.broadcast %parallel_loop3A_321 : i32 to vector<16xi32>
        %parallel_loop3A_323 = arith.addi %parallel_loop3A_317, %parallel_loop3A_322 : vector<16xi32>
        %parallel_loop3A_324 = arith.select %parallel_loop3A_320, %parallel_loop3A_323, %parallel_loop3A_317 : vector<16xi1>, vector<16xi32>
        %parallel_loop3A_325 = vector.shape_cast %parallel_loop3A_324 : vector<16xi32> to vector<16x1xi32>
        %parallel_loop3A_326 = vector.shape_cast %parallel_loop3A_325 : vector<16x1xi32> to vector<16xi32>
        %parallel_loop3A_327 = tpu.dynamic_gather %parallel_loop3A_139[%parallel_loop3A_326] in [0] : vector<16xi32>, vector<16xi32> -> vector<16xi32>
        %parallel_loop3A_328 = arith.constant -65536 : i32
        %parallel_loop3A_329 = vector.broadcast %parallel_loop3A_328 : i32 to vector<16xi32>
        %parallel_loop3A_330 = arith.andi %parallel_loop3A_327, %parallel_loop3A_329 : vector<16xi32>
        %parallel_loop3A_331 = vector.bitcast %parallel_loop3A_330 : vector<16xi32> to vector<16xf32>
        %parallel_loop3A_332 = arith.mulf %parallel_loop3A_331, %parallel_loop3A_131 : vector<16xf32>
        %parallel_loop3A_333 = arith.constant 3 : i32
        %parallel_loop3A_334 = vector.broadcast %parallel_loop3A_333 : i32 to vector<16xi32>
        %parallel_loop3A_335 = arith.shli %parallel_loop3A_327, %parallel_loop3A_334 : vector<16xi32>
        %parallel_loop3A_336 = arith.constant 131064 : i32
        %parallel_loop3A_337 = vector.broadcast %parallel_loop3A_336 : i32 to vector<16xi32>
        %parallel_loop3A_338 = arith.andi %parallel_loop3A_335, %parallel_loop3A_337 : vector<16xi32>
        %parallel_loop3A_339 = arith.addi %parallel_loop3A_338, %sub3A_32 : vector<16xi32>
        tpu.vector_store_idx %arg6[%parallel_loop3A_339], %parallel_loop3A_332 {add = true} : memref<81920xf32, #tpu.memory_space<vmem>>[vector<16xi32>], vector<16xf32>,
        %parallel_loop3A_340 = arith.constant 65 : i32
        %parallel_loop3A_341 = arith.muli %parallel_loop3A_113, %parallel_loop3A_340 : i32
        %parallel_loop3A_342 = arith.constant 16 : i32
        %parallel_loop3A_343 = arith.addi %parallel_loop3A_341, %parallel_loop3A_342 : i32
        %parallel_loop3A_344 = arith.constant 1 : i32
        %parallel_loop3A_345 = arith.index_cast %parallel_loop3A_344 : i32 to index
        %parallel_loop3A_346 = arith.index_cast %parallel_loop3A_343 : i32 to index
        %parallel_loop3A_347 = tpu.vector_load %arg8[%parallel_loop3A_345, %parallel_loop3A_346] {strides = array<i32>} : memref<2x1056xi32, #tpu.memory_space<vmem>>, vector<16xi32>,
        %parallel_loop3A_348 = arith.constant 0 : i32
        %parallel_loop3A_349 = vector.broadcast %parallel_loop3A_348 : i32 to vector<16xi32>
        %parallel_loop3A_350 = arith.addi %select_n3A, %parallel_loop3A_349 : vector<16xi32>
        %parallel_loop3A_351 = arith.constant 0 : i32
        %parallel_loop3A_352 = vector.broadcast %parallel_loop3A_351 : i32 to vector<16xi32>
        %parallel_loop3A_353 = arith.cmpi slt, %parallel_loop3A_350, %parallel_loop3A_352 : vector<16xi32>
        %parallel_loop3A_354 = arith.constant 16 : i32
        %parallel_loop3A_355 = vector.broadcast %parallel_loop3A_354 : i32 to vector<16xi32>
        %parallel_loop3A_356 = arith.addi %parallel_loop3A_350, %parallel_loop3A_355 : vector<16xi32>
        %parallel_loop3A_357 = arith.select %parallel_loop3A_353, %parallel_loop3A_356, %parallel_loop3A_350 : vector<16xi1>, vector<16xi32>
        %parallel_loop3A_358 = vector.shape_cast %parallel_loop3A_357 : vector<16xi32> to vector<16x1xi32>
        %parallel_loop3A_359 = vector.shape_cast %parallel_loop3A_358 : vector<16x1xi32> to vector<16xi32>
        %parallel_loop3A_360 = tpu.dynamic_gather %parallel_loop3A_347[%parallel_loop3A_359] in [0] : vector<16xi32>, vector<16xi32> -> vector<16xi32>
        %parallel_loop3A_361 = arith.constant -65536 : i32
        %parallel_loop3A_362 = vector.broadcast %parallel_loop3A_361 : i32 to vector<16xi32>
        %parallel_loop3A_363 = arith.andi %parallel_loop3A_360, %parallel_loop3A_362 : vector<16xi32>
        %parallel_loop3A_364 = vector.bitcast %parallel_loop3A_363 : vector<16xi32> to vector<16xf32>
        %parallel_loop3A_365 = arith.mulf %parallel_loop3A_364, %parallel_loop3A_131 : vector<16xf32>
        %parallel_loop3A_366 = arith.constant 3 : i32
        %parallel_loop3A_367 = vector.broadcast %parallel_loop3A_366 : i32 to vector<16xi32>
        %parallel_loop3A_368 = arith.shli %parallel_loop3A_360, %parallel_loop3A_367 : vector<16xi32>
        %parallel_loop3A_369 = arith.constant 131064 : i32
        %parallel_loop3A_370 = vector.broadcast %parallel_loop3A_369 : i32 to vector<16xi32>
        %parallel_loop3A_371 = arith.andi %parallel_loop3A_368, %parallel_loop3A_370 : vector<16xi32>
        %parallel_loop3A_372 = arith.addi %parallel_loop3A_371, %sub3A_32 : vector<16xi32>
        tpu.vector_store_idx %arg6[%parallel_loop3A_372], %parallel_loop3A_365 {add = true} : memref<81920xf32, #tpu.memory_space<vmem>>[vector<16xi32>], vector<16xf32>,
        %parallel_loop3A_373 = arith.constant 2 : i32
        %parallel_loop3A_374 = vector.broadcast %parallel_loop3A_373 : i32 to vector<16xi32>
        %parallel_loop3A_375 = arith.addi %select_n3A, %parallel_loop3A_374 : vector<16xi32>
        %parallel_loop3A_376 = arith.constant 0 : i32
        %parallel_loop3A_377 = vector.broadcast %parallel_loop3A_376 : i32 to vector<16xi32>
        %parallel_loop3A_378 = arith.cmpi slt, %parallel_loop3A_375, %parallel_loop3A_377 : vector<16xi32>
        %parallel_loop3A_379 = arith.constant 16 : i32
        %parallel_loop3A_380 = vector.broadcast %parallel_loop3A_379 : i32 to vector<16xi32>
        %parallel_loop3A_381 = arith.addi %parallel_loop3A_375, %parallel_loop3A_380 : vector<16xi32>
        %parallel_loop3A_382 = arith.select %parallel_loop3A_378, %parallel_loop3A_381, %parallel_loop3A_375 : vector<16xi1>, vector<16xi32>
        %parallel_loop3A_383 = vector.shape_cast %parallel_loop3A_382 : vector<16xi32> to vector<16x1xi32>
        %parallel_loop3A_384 = vector.shape_cast %parallel_loop3A_383 : vector<16x1xi32> to vector<16xi32>
        %parallel_loop3A_385 = tpu.dynamic_gather %parallel_loop3A_347[%parallel_loop3A_384] in [0] : vector<16xi32>, vector<16xi32> -> vector<16xi32>
        %parallel_loop3A_386 = arith.constant -65536 : i32
        %parallel_loop3A_387 = vector.broadcast %parallel_loop3A_386 : i32 to vector<16xi32>
        %parallel_loop3A_388 = arith.andi %parallel_loop3A_385, %parallel_loop3A_387 : vector<16xi32>
        %parallel_loop3A_389 = vector.bitcast %parallel_loop3A_388 : vector<16xi32> to vector<16xf32>
        %parallel_loop3A_390 = arith.mulf %parallel_loop3A_389, %parallel_loop3A_131 : vector<16xf32>
        %parallel_loop3A_391 = arith.constant 3 : i32
        %parallel_loop3A_392 = vector.broadcast %parallel_loop3A_391 : i32 to vector<16xi32>
        %parallel_loop3A_393 = arith.shli %parallel_loop3A_385, %parallel_loop3A_392 : vector<16xi32>
        %parallel_loop3A_394 = arith.constant 131064 : i32
        %parallel_loop3A_395 = vector.broadcast %parallel_loop3A_394 : i32 to vector<16xi32>
        %parallel_loop3A_396 = arith.andi %parallel_loop3A_393, %parallel_loop3A_395 : vector<16xi32>
        %parallel_loop3A_397 = arith.addi %parallel_loop3A_396, %sub3A_32 : vector<16xi32>
        tpu.vector_store_idx %arg6[%parallel_loop3A_397], %parallel_loop3A_390 {add = true} : memref<81920xf32, #tpu.memory_space<vmem>>[vector<16xi32>], vector<16xf32>,
        %parallel_loop3A_398 = arith.constant 4 : i32
        %parallel_loop3A_399 = vector.broadcast %parallel_loop3A_398 : i32 to vector<16xi32>
        %parallel_loop3A_400 = arith.addi %select_n3A, %parallel_loop3A_399 : vector<16xi32>
        %parallel_loop3A_401 = arith.constant 0 : i32
        %parallel_loop3A_402 = vector.broadcast %parallel_loop3A_401 : i32 to vector<16xi32>
        %parallel_loop3A_403 = arith.cmpi slt, %parallel_loop3A_400, %parallel_loop3A_402 : vector<16xi32>
        %parallel_loop3A_404 = arith.constant 16 : i32
        %parallel_loop3A_405 = vector.broadcast %parallel_loop3A_404 : i32 to vector<16xi32>
        %parallel_loop3A_406 = arith.addi %parallel_loop3A_400, %parallel_loop3A_405 : vector<16xi32>
        %parallel_loop3A_407 = arith.select %parallel_loop3A_403, %parallel_loop3A_406, %parallel_loop3A_400 : vector<16xi1>, vector<16xi32>
        %parallel_loop3A_408 = vector.shape_cast %parallel_loop3A_407 : vector<16xi32> to vector<16x1xi32>
        %parallel_loop3A_409 = vector.shape_cast %parallel_loop3A_408 : vector<16x1xi32> to vector<16xi32>
        %parallel_loop3A_410 = tpu.dynamic_gather %parallel_loop3A_347[%parallel_loop3A_409] in [0] : vector<16xi32>, vector<16xi32> -> vector<16xi32>
        %parallel_loop3A_411 = arith.constant -65536 : i32
        %parallel_loop3A_412 = vector.broadcast %parallel_loop3A_411 : i32 to vector<16xi32>
        %parallel_loop3A_413 = arith.andi %parallel_loop3A_410, %parallel_loop3A_412 : vector<16xi32>
        %parallel_loop3A_414 = vector.bitcast %parallel_loop3A_413 : vector<16xi32> to vector<16xf32>
        %parallel_loop3A_415 = arith.mulf %parallel_loop3A_414, %parallel_loop3A_131 : vector<16xf32>
        %parallel_loop3A_416 = arith.constant 3 : i32
        %parallel_loop3A_417 = vector.broadcast %parallel_loop3A_416 : i32 to vector<16xi32>
        %parallel_loop3A_418 = arith.shli %parallel_loop3A_410, %parallel_loop3A_417 : vector<16xi32>
        %parallel_loop3A_419 = arith.constant 131064 : i32
        %parallel_loop3A_420 = vector.broadcast %parallel_loop3A_419 : i32 to vector<16xi32>
        %parallel_loop3A_421 = arith.andi %parallel_loop3A_418, %parallel_loop3A_420 : vector<16xi32>
        %parallel_loop3A_422 = arith.addi %parallel_loop3A_421, %sub3A_32 : vector<16xi32>
        tpu.vector_store_idx %arg6[%parallel_loop3A_422], %parallel_loop3A_415 {add = true} : memref<81920xf32, #tpu.memory_space<vmem>>[vector<16xi32>], vector<16xf32>,
        %parallel_loop3A_423 = arith.constant 6 : i32
        %parallel_loop3A_424 = vector.broadcast %parallel_loop3A_423 : i32 to vector<16xi32>
        %parallel_loop3A_425 = arith.addi %select_n3A, %parallel_loop3A_424 : vector<16xi32>
        %parallel_loop3A_426 = arith.constant 0 : i32
        %parallel_loop3A_427 = vector.broadcast %parallel_loop3A_426 : i32 to vector<16xi32>
        %parallel_loop3A_428 = arith.cmpi slt, %parallel_loop3A_425, %parallel_loop3A_427 : vector<16xi32>
        %parallel_loop3A_429 = arith.constant 16 : i32
        %parallel_loop3A_430 = vector.broadcast %parallel_loop3A_429 : i32 to vector<16xi32>
        %parallel_loop3A_431 = arith.addi %parallel_loop3A_425, %parallel_loop3A_430 : vector<16xi32>
        %parallel_loop3A_432 = arith.select %parallel_loop3A_428, %parallel_loop3A_431, %parallel_loop3A_425 : vector<16xi1>, vector<16xi32>
        %parallel_loop3A_433 = vector.shape_cast %parallel_loop3A_432 : vector<16xi32> to vector<16x1xi32>
        %parallel_loop3A_434 = vector.shape_cast %parallel_loop3A_433 : vector<16x1xi32> to vector<16xi32>
        %parallel_loop3A_435 = tpu.dynamic_gather %parallel_loop3A_347[%parallel_loop3A_434] in [0] : vector<16xi32>, vector<16xi32> -> vector<16xi32>
        %parallel_loop3A_436 = arith.constant -65536 : i32
        %parallel_loop3A_437 = vector.broadcast %parallel_loop3A_436 : i32 to vector<16xi32>
        %parallel_loop3A_438 = arith.andi %parallel_loop3A_435, %parallel_loop3A_437 : vector<16xi32>
        %parallel_loop3A_439 = vector.bitcast %parallel_loop3A_438 : vector<16xi32> to vector<16xf32>
        %parallel_loop3A_440 = arith.mulf %parallel_loop3A_439, %parallel_loop3A_131 : vector<16xf32>
        %parallel_loop3A_441 = arith.constant 3 : i32
        %parallel_loop3A_442 = vector.broadcast %parallel_loop3A_441 : i32 to vector<16xi32>
        %parallel_loop3A_443 = arith.shli %parallel_loop3A_435, %parallel_loop3A_442 : vector<16xi32>
        %parallel_loop3A_444 = arith.constant 131064 : i32
        %parallel_loop3A_445 = vector.broadcast %parallel_loop3A_444 : i32 to vector<16xi32>
        %parallel_loop3A_446 = arith.andi %parallel_loop3A_443, %parallel_loop3A_445 : vector<16xi32>
        %parallel_loop3A_447 = arith.addi %parallel_loop3A_446, %sub3A_32 : vector<16xi32>
        tpu.vector_store_idx %arg6[%parallel_loop3A_447], %parallel_loop3A_440 {add = true} : memref<81920xf32, #tpu.memory_space<vmem>>[vector<16xi32>], vector<16xf32>,
        %parallel_loop3A_448 = arith.constant 8 : i32
        %parallel_loop3A_449 = vector.broadcast %parallel_loop3A_448 : i32 to vector<16xi32>
        %parallel_loop3A_450 = arith.addi %select_n3A, %parallel_loop3A_449 : vector<16xi32>
        %parallel_loop3A_451 = arith.constant 0 : i32
        %parallel_loop3A_452 = vector.broadcast %parallel_loop3A_451 : i32 to vector<16xi32>
        %parallel_loop3A_453 = arith.cmpi slt, %parallel_loop3A_450, %parallel_loop3A_452 : vector<16xi32>
        %parallel_loop3A_454 = arith.constant 16 : i32
        %parallel_loop3A_455 = vector.broadcast %parallel_loop3A_454 : i32 to vector<16xi32>
        %parallel_loop3A_456 = arith.addi %parallel_loop3A_450, %parallel_loop3A_455 : vector<16xi32>
        %parallel_loop3A_457 = arith.select %parallel_loop3A_453, %parallel_loop3A_456, %parallel_loop3A_450 : vector<16xi1>, vector<16xi32>
        %parallel_loop3A_458 = vector.shape_cast %parallel_loop3A_457 : vector<16xi32> to vector<16x1xi32>
        %parallel_loop3A_459 = vector.shape_cast %parallel_loop3A_458 : vector<16x1xi32> to vector<16xi32>
        %parallel_loop3A_460 = tpu.dynamic_gather %parallel_loop3A_347[%parallel_loop3A_459] in [0] : vector<16xi32>, vector<16xi32> -> vector<16xi32>
        %parallel_loop3A_461 = arith.constant -65536 : i32
        %parallel_loop3A_462 = vector.broadcast %parallel_loop3A_461 : i32 to vector<16xi32>
        %parallel_loop3A_463 = arith.andi %parallel_loop3A_460, %parallel_loop3A_462 : vector<16xi32>
        %parallel_loop3A_464 = vector.bitcast %parallel_loop3A_463 : vector<16xi32> to vector<16xf32>
        %parallel_loop3A_465 = arith.mulf %parallel_loop3A_464, %parallel_loop3A_131 : vector<16xf32>
        %parallel_loop3A_466 = arith.constant 3 : i32
        %parallel_loop3A_467 = vector.broadcast %parallel_loop3A_466 : i32 to vector<16xi32>
        %parallel_loop3A_468 = arith.shli %parallel_loop3A_460, %parallel_loop3A_467 : vector<16xi32>
        %parallel_loop3A_469 = arith.constant 131064 : i32
        %parallel_loop3A_470 = vector.broadcast %parallel_loop3A_469 : i32 to vector<16xi32>
        %parallel_loop3A_471 = arith.andi %parallel_loop3A_468, %parallel_loop3A_470 : vector<16xi32>
        %parallel_loop3A_472 = arith.addi %parallel_loop3A_471, %sub3A_32 : vector<16xi32>
        tpu.vector_store_idx %arg6[%parallel_loop3A_472], %parallel_loop3A_465 {add = true} : memref<81920xf32, #tpu.memory_space<vmem>>[vector<16xi32>], vector<16xf32>,
        %parallel_loop3A_473 = arith.constant 10 : i32
        %parallel_loop3A_474 = vector.broadcast %parallel_loop3A_473 : i32 to vector<16xi32>
        %parallel_loop3A_475 = arith.addi %select_n3A, %parallel_loop3A_474 : vector<16xi32>
        %parallel_loop3A_476 = arith.constant 0 : i32
        %parallel_loop3A_477 = vector.broadcast %parallel_loop3A_476 : i32 to vector<16xi32>
        %parallel_loop3A_478 = arith.cmpi slt, %parallel_loop3A_475, %parallel_loop3A_477 : vector<16xi32>
        %parallel_loop3A_479 = arith.constant 16 : i32
        %parallel_loop3A_480 = vector.broadcast %parallel_loop3A_479 : i32 to vector<16xi32>
        %parallel_loop3A_481 = arith.addi %parallel_loop3A_475, %parallel_loop3A_480 : vector<16xi32>
        %parallel_loop3A_482 = arith.select %parallel_loop3A_478, %parallel_loop3A_481, %parallel_loop3A_475 : vector<16xi1>, vector<16xi32>
        %parallel_loop3A_483 = vector.shape_cast %parallel_loop3A_482 : vector<16xi32> to vector<16x1xi32>
        %parallel_loop3A_484 = vector.shape_cast %parallel_loop3A_483 : vector<16x1xi32> to vector<16xi32>
        %parallel_loop3A_485 = tpu.dynamic_gather %parallel_loop3A_347[%parallel_loop3A_484] in [0] : vector<16xi32>, vector<16xi32> -> vector<16xi32>
        %parallel_loop3A_486 = arith.constant -65536 : i32
        %parallel_loop3A_487 = vector.broadcast %parallel_loop3A_486 : i32 to vector<16xi32>
        %parallel_loop3A_488 = arith.andi %parallel_loop3A_485, %parallel_loop3A_487 : vector<16xi32>
        %parallel_loop3A_489 = vector.bitcast %parallel_loop3A_488 : vector<16xi32> to vector<16xf32>
        %parallel_loop3A_490 = arith.mulf %parallel_loop3A_489, %parallel_loop3A_131 : vector<16xf32>
        %parallel_loop3A_491 = arith.constant 3 : i32
        %parallel_loop3A_492 = vector.broadcast %parallel_loop3A_491 : i32 to vector<16xi32>
        %parallel_loop3A_493 = arith.shli %parallel_loop3A_485, %parallel_loop3A_492 : vector<16xi32>
        %parallel_loop3A_494 = arith.constant 131064 : i32
        %parallel_loop3A_495 = vector.broadcast %parallel_loop3A_494 : i32 to vector<16xi32>
        %parallel_loop3A_496 = arith.andi %parallel_loop3A_493, %parallel_loop3A_495 : vector<16xi32>
        %parallel_loop3A_497 = arith.addi %parallel_loop3A_496, %sub3A_32 : vector<16xi32>
        tpu.vector_store_idx %arg6[%parallel_loop3A_497], %parallel_loop3A_490 {add = true} : memref<81920xf32, #tpu.memory_space<vmem>>[vector<16xi32>], vector<16xf32>,
        %parallel_loop3A_498 = arith.constant 12 : i32
        %parallel_loop3A_499 = vector.broadcast %parallel_loop3A_498 : i32 to vector<16xi32>
        %parallel_loop3A_500 = arith.addi %select_n3A, %parallel_loop3A_499 : vector<16xi32>
        %parallel_loop3A_501 = arith.constant 0 : i32
        %parallel_loop3A_502 = vector.broadcast %parallel_loop3A_501 : i32 to vector<16xi32>
        %parallel_loop3A_503 = arith.cmpi slt, %parallel_loop3A_500, %parallel_loop3A_502 : vector<16xi32>
        %parallel_loop3A_504 = arith.constant 16 : i32
        %parallel_loop3A_505 = vector.broadcast %parallel_loop3A_504 : i32 to vector<16xi32>
        %parallel_loop3A_506 = arith.addi %parallel_loop3A_500, %parallel_loop3A_505 : vector<16xi32>
        %parallel_loop3A_507 = arith.select %parallel_loop3A_503, %parallel_loop3A_506, %parallel_loop3A_500 : vector<16xi1>, vector<16xi32>
        %parallel_loop3A_508 = vector.shape_cast %parallel_loop3A_507 : vector<16xi32> to vector<16x1xi32>
        %parallel_loop3A_509 = vector.shape_cast %parallel_loop3A_508 : vector<16x1xi32> to vector<16xi32>
        %parallel_loop3A_510 = tpu.dynamic_gather %parallel_loop3A_347[%parallel_loop3A_509] in [0] : vector<16xi32>, vector<16xi32> -> vector<16xi32>
        %parallel_loop3A_511 = arith.constant -65536 : i32
        %parallel_loop3A_512 = vector.broadcast %parallel_loop3A_511 : i32 to vector<16xi32>
        %parallel_loop3A_513 = arith.andi %parallel_loop3A_510, %parallel_loop3A_512 : vector<16xi32>
        %parallel_loop3A_514 = vector.bitcast %parallel_loop3A_513 : vector<16xi32> to vector<16xf32>
        %parallel_loop3A_515 = arith.mulf %parallel_loop3A_514, %parallel_loop3A_131 : vector<16xf32>
        %parallel_loop3A_516 = arith.constant 3 : i32
        %parallel_loop3A_517 = vector.broadcast %parallel_loop3A_516 : i32 to vector<16xi32>
        %parallel_loop3A_518 = arith.shli %parallel_loop3A_510, %parallel_loop3A_517 : vector<16xi32>
        %parallel_loop3A_519 = arith.constant 131064 : i32
        %parallel_loop3A_520 = vector.broadcast %parallel_loop3A_519 : i32 to vector<16xi32>
        %parallel_loop3A_521 = arith.andi %parallel_loop3A_518, %parallel_loop3A_520 : vector<16xi32>
        %parallel_loop3A_522 = arith.addi %parallel_loop3A_521, %sub3A_32 : vector<16xi32>
        tpu.vector_store_idx %arg6[%parallel_loop3A_522], %parallel_loop3A_515 {add = true} : memref<81920xf32, #tpu.memory_space<vmem>>[vector<16xi32>], vector<16xf32>,
        %parallel_loop3A_523 = arith.constant 14 : i32
        %parallel_loop3A_524 = vector.broadcast %parallel_loop3A_523 : i32 to vector<16xi32>
        %parallel_loop3A_525 = arith.addi %select_n3A, %parallel_loop3A_524 : vector<16xi32>
        %parallel_loop3A_526 = arith.constant 0 : i32
        %parallel_loop3A_527 = vector.broadcast %parallel_loop3A_526 : i32 to vector<16xi32>
        %parallel_loop3A_528 = arith.cmpi slt, %parallel_loop3A_525, %parallel_loop3A_527 : vector<16xi32>
        %parallel_loop3A_529 = arith.constant 16 : i32
        %parallel_loop3A_530 = vector.broadcast %parallel_loop3A_529 : i32 to vector<16xi32>
        %parallel_loop3A_531 = arith.addi %parallel_loop3A_525, %parallel_loop3A_530 : vector<16xi32>
        %parallel_loop3A_532 = arith.select %parallel_loop3A_528, %parallel_loop3A_531, %parallel_loop3A_525 : vector<16xi1>, vector<16xi32>
        %parallel_loop3A_533 = vector.shape_cast %parallel_loop3A_532 : vector<16xi32> to vector<16x1xi32>
        %parallel_loop3A_534 = vector.shape_cast %parallel_loop3A_533 : vector<16x1xi32> to vector<16xi32>
        %parallel_loop3A_535 = tpu.dynamic_gather %parallel_loop3A_347[%parallel_loop3A_534] in [0] : vector<16xi32>, vector<16xi32> -> vector<16xi32>
        %parallel_loop3A_536 = arith.constant -65536 : i32
        %parallel_loop3A_537 = vector.broadcast %parallel_loop3A_536 : i32 to vector<16xi32>
        %parallel_loop3A_538 = arith.andi %parallel_loop3A_535, %parallel_loop3A_537 : vector<16xi32>
        %parallel_loop3A_539 = vector.bitcast %parallel_loop3A_538 : vector<16xi32> to vector<16xf32>
        %parallel_loop3A_540 = arith.mulf %parallel_loop3A_539, %parallel_loop3A_131 : vector<16xf32>
        %parallel_loop3A_541 = arith.constant 3 : i32
        %parallel_loop3A_542 = vector.broadcast %parallel_loop3A_541 : i32 to vector<16xi32>
        %parallel_loop3A_543 = arith.shli %parallel_loop3A_535, %parallel_loop3A_542 : vector<16xi32>
        %parallel_loop3A_544 = arith.constant 131064 : i32
        %parallel_loop3A_545 = vector.broadcast %parallel_loop3A_544 : i32 to vector<16xi32>
        %parallel_loop3A_546 = arith.andi %parallel_loop3A_543, %parallel_loop3A_545 : vector<16xi32>
        %parallel_loop3A_547 = arith.addi %parallel_loop3A_546, %sub3A_32 : vector<16xi32>
        tpu.vector_store_idx %arg6[%parallel_loop3A_547], %parallel_loop3A_540 {add = true} : memref<81920xf32, #tpu.memory_space<vmem>>[vector<16xi32>], vector<16xf32>,
        %parallel_loop3A_548 = arith.constant 65 : i32
        %parallel_loop3A_549 = arith.muli %parallel_loop3A_113, %parallel_loop3A_548 : i32
        %parallel_loop3A_550 = arith.constant 32 : i32
        %parallel_loop3A_551 = arith.addi %parallel_loop3A_549, %parallel_loop3A_550 : i32
        %parallel_loop3A_552 = arith.constant 1 : i32
        %parallel_loop3A_553 = arith.index_cast %parallel_loop3A_552 : i32 to index
        %parallel_loop3A_554 = arith.index_cast %parallel_loop3A_551 : i32 to index
        %parallel_loop3A_555 = tpu.vector_load %arg8[%parallel_loop3A_553, %parallel_loop3A_554] {strides = array<i32>} : memref<2x1056xi32, #tpu.memory_space<vmem>>, vector<16xi32>,
        %parallel_loop3A_556 = arith.constant 0 : i32
        %parallel_loop3A_557 = vector.broadcast %parallel_loop3A_556 : i32 to vector<16xi32>
        %parallel_loop3A_558 = arith.addi %select_n3A, %parallel_loop3A_557 : vector<16xi32>
        %parallel_loop3A_559 = arith.constant 0 : i32
        %parallel_loop3A_560 = vector.broadcast %parallel_loop3A_559 : i32 to vector<16xi32>
        %parallel_loop3A_561 = arith.cmpi slt, %parallel_loop3A_558, %parallel_loop3A_560 : vector<16xi32>
        %parallel_loop3A_562 = arith.constant 16 : i32
        %parallel_loop3A_563 = vector.broadcast %parallel_loop3A_562 : i32 to vector<16xi32>
        %parallel_loop3A_564 = arith.addi %parallel_loop3A_558, %parallel_loop3A_563 : vector<16xi32>
        %parallel_loop3A_565 = arith.select %parallel_loop3A_561, %parallel_loop3A_564, %parallel_loop3A_558 : vector<16xi1>, vector<16xi32>
        %parallel_loop3A_566 = vector.shape_cast %parallel_loop3A_565 : vector<16xi32> to vector<16x1xi32>
        %parallel_loop3A_567 = vector.shape_cast %parallel_loop3A_566 : vector<16x1xi32> to vector<16xi32>
        %parallel_loop3A_568 = tpu.dynamic_gather %parallel_loop3A_555[%parallel_loop3A_567] in [0] : vector<16xi32>, vector<16xi32> -> vector<16xi32>
        %parallel_loop3A_569 = arith.constant -65536 : i32
        %parallel_loop3A_570 = vector.broadcast %parallel_loop3A_569 : i32 to vector<16xi32>
        %parallel_loop3A_571 = arith.andi %parallel_loop3A_568, %parallel_loop3A_570 : vector<16xi32>
        %parallel_loop3A_572 = vector.bitcast %parallel_loop3A_571 : vector<16xi32> to vector<16xf32>
        %parallel_loop3A_573 = arith.mulf %parallel_loop3A_572, %parallel_loop3A_131 : vector<16xf32>
        %parallel_loop3A_574 = arith.constant 3 : i32
        %parallel_loop3A_575 = vector.broadcast %parallel_loop3A_574 : i32 to vector<16xi32>
        %parallel_loop3A_576 = arith.shli %parallel_loop3A_568, %parallel_loop3A_575 : vector<16xi32>
        %parallel_loop3A_577 = arith.constant 131064 : i32
        %parallel_loop3A_578 = vector.broadcast %parallel_loop3A_577 : i32 to vector<16xi32>
        %parallel_loop3A_579 = arith.andi %parallel_loop3A_576, %parallel_loop3A_578 : vector<16xi32>
        %parallel_loop3A_580 = arith.addi %parallel_loop3A_579, %sub3A_32 : vector<16xi32>
        tpu.vector_store_idx %arg6[%parallel_loop3A_580], %parallel_loop3A_573 {add = true} : memref<81920xf32, #tpu.memory_space<vmem>>[vector<16xi32>], vector<16xf32>,
        %parallel_loop3A_581 = arith.constant 2 : i32
        %parallel_loop3A_582 = vector.broadcast %parallel_loop3A_581 : i32 to vector<16xi32>
        %parallel_loop3A_583 = arith.addi %select_n3A, %parallel_loop3A_582 : vector<16xi32>
        %parallel_loop3A_584 = arith.constant 0 : i32
        %parallel_loop3A_585 = vector.broadcast %parallel_loop3A_584 : i32 to vector<16xi32>
        %parallel_loop3A_586 = arith.cmpi slt, %parallel_loop3A_583, %parallel_loop3A_585 : vector<16xi32>
        %parallel_loop3A_587 = arith.constant 16 : i32
        %parallel_loop3A_588 = vector.broadcast %parallel_loop3A_587 : i32 to vector<16xi32>
        %parallel_loop3A_589 = arith.addi %parallel_loop3A_583, %parallel_loop3A_588 : vector<16xi32>
        %parallel_loop3A_590 = arith.select %parallel_loop3A_586, %parallel_loop3A_589, %parallel_loop3A_583 : vector<16xi1>, vector<16xi32>
        %parallel_loop3A_591 = vector.shape_cast %parallel_loop3A_590 : vector<16xi32> to vector<16x1xi32>
        %parallel_loop3A_592 = vector.shape_cast %parallel_loop3A_591 : vector<16x1xi32> to vector<16xi32>
        %parallel_loop3A_593 = tpu.dynamic_gather %parallel_loop3A_555[%parallel_loop3A_592] in [0] : vector<16xi32>, vector<16xi32> -> vector<16xi32>
        %parallel_loop3A_594 = arith.constant -65536 : i32
        %parallel_loop3A_595 = vector.broadcast %parallel_loop3A_594 : i32 to vector<16xi32>
        %parallel_loop3A_596 = arith.andi %parallel_loop3A_593, %parallel_loop3A_595 : vector<16xi32>
        %parallel_loop3A_597 = vector.bitcast %parallel_loop3A_596 : vector<16xi32> to vector<16xf32>
        %parallel_loop3A_598 = arith.mulf %parallel_loop3A_597, %parallel_loop3A_131 : vector<16xf32>
        %parallel_loop3A_599 = arith.constant 3 : i32
        %parallel_loop3A_600 = vector.broadcast %parallel_loop3A_599 : i32 to vector<16xi32>
        %parallel_loop3A_601 = arith.shli %parallel_loop3A_593, %parallel_loop3A_600 : vector<16xi32>
        %parallel_loop3A_602 = arith.constant 131064 : i32
        %parallel_loop3A_603 = vector.broadcast %parallel_loop3A_602 : i32 to vector<16xi32>
        %parallel_loop3A_604 = arith.andi %parallel_loop3A_601, %parallel_loop3A_603 : vector<16xi32>
        %parallel_loop3A_605 = arith.addi %parallel_loop3A_604, %sub3A_32 : vector<16xi32>
        tpu.vector_store_idx %arg6[%parallel_loop3A_605], %parallel_loop3A_598 {add = true} : memref<81920xf32, #tpu.memory_space<vmem>>[vector<16xi32>], vector<16xf32>,
        %parallel_loop3A_606 = arith.constant 4 : i32
        %parallel_loop3A_607 = vector.broadcast %parallel_loop3A_606 : i32 to vector<16xi32>
        %parallel_loop3A_608 = arith.addi %select_n3A, %parallel_loop3A_607 : vector<16xi32>
        %parallel_loop3A_609 = arith.constant 0 : i32
        %parallel_loop3A_610 = vector.broadcast %parallel_loop3A_609 : i32 to vector<16xi32>
        %parallel_loop3A_611 = arith.cmpi slt, %parallel_loop3A_608, %parallel_loop3A_610 : vector<16xi32>
        %parallel_loop3A_612 = arith.constant 16 : i32
        %parallel_loop3A_613 = vector.broadcast %parallel_loop3A_612 : i32 to vector<16xi32>
        %parallel_loop3A_614 = arith.addi %parallel_loop3A_608, %parallel_loop3A_613 : vector<16xi32>
        %parallel_loop3A_615 = arith.select %parallel_loop3A_611, %parallel_loop3A_614, %parallel_loop3A_608 : vector<16xi1>, vector<16xi32>
        %parallel_loop3A_616 = vector.shape_cast %parallel_loop3A_615 : vector<16xi32> to vector<16x1xi32>
        %parallel_loop3A_617 = vector.shape_cast %parallel_loop3A_616 : vector<16x1xi32> to vector<16xi32>
        %parallel_loop3A_618 = tpu.dynamic_gather %parallel_loop3A_555[%parallel_loop3A_617] in [0] : vector<16xi32>, vector<16xi32> -> vector<16xi32>
        %parallel_loop3A_619 = arith.constant -65536 : i32
        %parallel_loop3A_620 = vector.broadcast %parallel_loop3A_619 : i32 to vector<16xi32>
        %parallel_loop3A_621 = arith.andi %parallel_loop3A_618, %parallel_loop3A_620 : vector<16xi32>
        %parallel_loop3A_622 = vector.bitcast %parallel_loop3A_621 : vector<16xi32> to vector<16xf32>
        %parallel_loop3A_623 = arith.mulf %parallel_loop3A_622, %parallel_loop3A_131 : vector<16xf32>
        %parallel_loop3A_624 = arith.constant 3 : i32
        %parallel_loop3A_625 = vector.broadcast %parallel_loop3A_624 : i32 to vector<16xi32>
        %parallel_loop3A_626 = arith.shli %parallel_loop3A_618, %parallel_loop3A_625 : vector<16xi32>
        %parallel_loop3A_627 = arith.constant 131064 : i32
        %parallel_loop3A_628 = vector.broadcast %parallel_loop3A_627 : i32 to vector<16xi32>
        %parallel_loop3A_629 = arith.andi %parallel_loop3A_626, %parallel_loop3A_628 : vector<16xi32>
        %parallel_loop3A_630 = arith.addi %parallel_loop3A_629, %sub3A_32 : vector<16xi32>
        tpu.vector_store_idx %arg6[%parallel_loop3A_630], %parallel_loop3A_623 {add = true} : memref<81920xf32, #tpu.memory_space<vmem>>[vector<16xi32>], vector<16xf32>,
        %parallel_loop3A_631 = arith.constant 6 : i32
        %parallel_loop3A_632 = vector.broadcast %parallel_loop3A_631 : i32 to vector<16xi32>
        %parallel_loop3A_633 = arith.addi %select_n3A, %parallel_loop3A_632 : vector<16xi32>
        %parallel_loop3A_634 = arith.constant 0 : i32
        %parallel_loop3A_635 = vector.broadcast %parallel_loop3A_634 : i32 to vector<16xi32>
        %parallel_loop3A_636 = arith.cmpi slt, %parallel_loop3A_633, %parallel_loop3A_635 : vector<16xi32>
        %parallel_loop3A_637 = arith.constant 16 : i32
        %parallel_loop3A_638 = vector.broadcast %parallel_loop3A_637 : i32 to vector<16xi32>
        %parallel_loop3A_639 = arith.addi %parallel_loop3A_633, %parallel_loop3A_638 : vector<16xi32>
        %parallel_loop3A_640 = arith.select %parallel_loop3A_636, %parallel_loop3A_639, %parallel_loop3A_633 : vector<16xi1>, vector<16xi32>
        %parallel_loop3A_641 = vector.shape_cast %parallel_loop3A_640 : vector<16xi32> to vector<16x1xi32>
        %parallel_loop3A_642 = vector.shape_cast %parallel_loop3A_641 : vector<16x1xi32> to vector<16xi32>
        %parallel_loop3A_643 = tpu.dynamic_gather %parallel_loop3A_555[%parallel_loop3A_642] in [0] : vector<16xi32>, vector<16xi32> -> vector<16xi32>
        %parallel_loop3A_644 = arith.constant -65536 : i32
        %parallel_loop3A_645 = vector.broadcast %parallel_loop3A_644 : i32 to vector<16xi32>
        %parallel_loop3A_646 = arith.andi %parallel_loop3A_643, %parallel_loop3A_645 : vector<16xi32>
        %parallel_loop3A_647 = vector.bitcast %parallel_loop3A_646 : vector<16xi32> to vector<16xf32>
        %parallel_loop3A_648 = arith.mulf %parallel_loop3A_647, %parallel_loop3A_131 : vector<16xf32>
        %parallel_loop3A_649 = arith.constant 3 : i32
        %parallel_loop3A_650 = vector.broadcast %parallel_loop3A_649 : i32 to vector<16xi32>
        %parallel_loop3A_651 = arith.shli %parallel_loop3A_643, %parallel_loop3A_650 : vector<16xi32>
        %parallel_loop3A_652 = arith.constant 131064 : i32
        %parallel_loop3A_653 = vector.broadcast %parallel_loop3A_652 : i32 to vector<16xi32>
        %parallel_loop3A_654 = arith.andi %parallel_loop3A_651, %parallel_loop3A_653 : vector<16xi32>
        %parallel_loop3A_655 = arith.addi %parallel_loop3A_654, %sub3A_32 : vector<16xi32>
        tpu.vector_store_idx %arg6[%parallel_loop3A_655], %parallel_loop3A_648 {add = true} : memref<81920xf32, #tpu.memory_space<vmem>>[vector<16xi32>], vector<16xf32>,
        %parallel_loop3A_656 = arith.constant 8 : i32
        %parallel_loop3A_657 = vector.broadcast %parallel_loop3A_656 : i32 to vector<16xi32>
        %parallel_loop3A_658 = arith.addi %select_n3A, %parallel_loop3A_657 : vector<16xi32>
        %parallel_loop3A_659 = arith.constant 0 : i32
        %parallel_loop3A_660 = vector.broadcast %parallel_loop3A_659 : i32 to vector<16xi32>
        %parallel_loop3A_661 = arith.cmpi slt, %parallel_loop3A_658, %parallel_loop3A_660 : vector<16xi32>
        %parallel_loop3A_662 = arith.constant 16 : i32
        %parallel_loop3A_663 = vector.broadcast %parallel_loop3A_662 : i32 to vector<16xi32>
        %parallel_loop3A_664 = arith.addi %parallel_loop3A_658, %parallel_loop3A_663 : vector<16xi32>
        %parallel_loop3A_665 = arith.select %parallel_loop3A_661, %parallel_loop3A_664, %parallel_loop3A_658 : vector<16xi1>, vector<16xi32>
        %parallel_loop3A_666 = vector.shape_cast %parallel_loop3A_665 : vector<16xi32> to vector<16x1xi32>
        %parallel_loop3A_667 = vector.shape_cast %parallel_loop3A_666 : vector<16x1xi32> to vector<16xi32>
        %parallel_loop3A_668 = tpu.dynamic_gather %parallel_loop3A_555[%parallel_loop3A_667] in [0] : vector<16xi32>, vector<16xi32> -> vector<16xi32>
        %parallel_loop3A_669 = arith.constant -65536 : i32
        %parallel_loop3A_670 = vector.broadcast %parallel_loop3A_669 : i32 to vector<16xi32>
        %parallel_loop3A_671 = arith.andi %parallel_loop3A_668, %parallel_loop3A_670 : vector<16xi32>
        %parallel_loop3A_672 = vector.bitcast %parallel_loop3A_671 : vector<16xi32> to vector<16xf32>
        %parallel_loop3A_673 = arith.mulf %parallel_loop3A_672, %parallel_loop3A_131 : vector<16xf32>
        %parallel_loop3A_674 = arith.constant 3 : i32
        %parallel_loop3A_675 = vector.broadcast %parallel_loop3A_674 : i32 to vector<16xi32>
        %parallel_loop3A_676 = arith.shli %parallel_loop3A_668, %parallel_loop3A_675 : vector<16xi32>
        %parallel_loop3A_677 = arith.constant 131064 : i32
        %parallel_loop3A_678 = vector.broadcast %parallel_loop3A_677 : i32 to vector<16xi32>
        %parallel_loop3A_679 = arith.andi %parallel_loop3A_676, %parallel_loop3A_678 : vector<16xi32>
        %parallel_loop3A_680 = arith.addi %parallel_loop3A_679, %sub3A_32 : vector<16xi32>
        tpu.vector_store_idx %arg6[%parallel_loop3A_680], %parallel_loop3A_673 {add = true} : memref<81920xf32, #tpu.memory_space<vmem>>[vector<16xi32>], vector<16xf32>,
        %parallel_loop3A_681 = arith.constant 10 : i32
        %parallel_loop3A_682 = vector.broadcast %parallel_loop3A_681 : i32 to vector<16xi32>
        %parallel_loop3A_683 = arith.addi %select_n3A, %parallel_loop3A_682 : vector<16xi32>
        %parallel_loop3A_684 = arith.constant 0 : i32
        %parallel_loop3A_685 = vector.broadcast %parallel_loop3A_684 : i32 to vector<16xi32>
        %parallel_loop3A_686 = arith.cmpi slt, %parallel_loop3A_683, %parallel_loop3A_685 : vector<16xi32>
        %parallel_loop3A_687 = arith.constant 16 : i32
        %parallel_loop3A_688 = vector.broadcast %parallel_loop3A_687 : i32 to vector<16xi32>
        %parallel_loop3A_689 = arith.addi %parallel_loop3A_683, %parallel_loop3A_688 : vector<16xi32>
        %parallel_loop3A_690 = arith.select %parallel_loop3A_686, %parallel_loop3A_689, %parallel_loop3A_683 : vector<16xi1>, vector<16xi32>
        %parallel_loop3A_691 = vector.shape_cast %parallel_loop3A_690 : vector<16xi32> to vector<16x1xi32>
        %parallel_loop3A_692 = vector.shape_cast %parallel_loop3A_691 : vector<16x1xi32> to vector<16xi32>
        %parallel_loop3A_693 = tpu.dynamic_gather %parallel_loop3A_555[%parallel_loop3A_692] in [0] : vector<16xi32>, vector<16xi32> -> vector<16xi32>
        %parallel_loop3A_694 = arith.constant -65536 : i32
        %parallel_loop3A_695 = vector.broadcast %parallel_loop3A_694 : i32 to vector<16xi32>
        %parallel_loop3A_696 = arith.andi %parallel_loop3A_693, %parallel_loop3A_695 : vector<16xi32>
        %parallel_loop3A_697 = vector.bitcast %parallel_loop3A_696 : vector<16xi32> to vector<16xf32>
        %parallel_loop3A_698 = arith.mulf %parallel_loop3A_697, %parallel_loop3A_131 : vector<16xf32>
        %parallel_loop3A_699 = arith.constant 3 : i32
        %parallel_loop3A_700 = vector.broadcast %parallel_loop3A_699 : i32 to vector<16xi32>
        %parallel_loop3A_701 = arith.shli %parallel_loop3A_693, %parallel_loop3A_700 : vector<16xi32>
        %parallel_loop3A_702 = arith.constant 131064 : i32
        %parallel_loop3A_703 = vector.broadcast %parallel_loop3A_702 : i32 to vector<16xi32>
        %parallel_loop3A_704 = arith.andi %parallel_loop3A_701, %parallel_loop3A_703 : vector<16xi32>
        %parallel_loop3A_705 = arith.addi %parallel_loop3A_704, %sub3A_32 : vector<16xi32>
        tpu.vector_store_idx %arg6[%parallel_loop3A_705], %parallel_loop3A_698 {add = true} : memref<81920xf32, #tpu.memory_space<vmem>>[vector<16xi32>], vector<16xf32>,
        %parallel_loop3A_706 = arith.constant 12 : i32
        %parallel_loop3A_707 = vector.broadcast %parallel_loop3A_706 : i32 to vector<16xi32>
        %parallel_loop3A_708 = arith.addi %select_n3A, %parallel_loop3A_707 : vector<16xi32>
        %parallel_loop3A_709 = arith.constant 0 : i32
        %parallel_loop3A_710 = vector.broadcast %parallel_loop3A_709 : i32 to vector<16xi32>
        %parallel_loop3A_711 = arith.cmpi slt, %parallel_loop3A_708, %parallel_loop3A_710 : vector<16xi32>
        %parallel_loop3A_712 = arith.constant 16 : i32
        %parallel_loop3A_713 = vector.broadcast %parallel_loop3A_712 : i32 to vector<16xi32>
        %parallel_loop3A_714 = arith.addi %parallel_loop3A_708, %parallel_loop3A_713 : vector<16xi32>
        %parallel_loop3A_715 = arith.select %parallel_loop3A_711, %parallel_loop3A_714, %parallel_loop3A_708 : vector<16xi1>, vector<16xi32>
        %parallel_loop3A_716 = vector.shape_cast %parallel_loop3A_715 : vector<16xi32> to vector<16x1xi32>
        %parallel_loop3A_717 = vector.shape_cast %parallel_loop3A_716 : vector<16x1xi32> to vector<16xi32>
        %parallel_loop3A_718 = tpu.dynamic_gather %parallel_loop3A_555[%parallel_loop3A_717] in [0] : vector<16xi32>, vector<16xi32> -> vector<16xi32>
        %parallel_loop3A_719 = arith.constant -65536 : i32
        %parallel_loop3A_720 = vector.broadcast %parallel_loop3A_719 : i32 to vector<16xi32>
        %parallel_loop3A_721 = arith.andi %parallel_loop3A_718, %parallel_loop3A_720 : vector<16xi32>
        %parallel_loop3A_722 = vector.bitcast %parallel_loop3A_721 : vector<16xi32> to vector<16xf32>
        %parallel_loop3A_723 = arith.mulf %parallel_loop3A_722, %parallel_loop3A_131 : vector<16xf32>
        %parallel_loop3A_724 = arith.constant 3 : i32
        %parallel_loop3A_725 = vector.broadcast %parallel_loop3A_724 : i32 to vector<16xi32>
        %parallel_loop3A_726 = arith.shli %parallel_loop3A_718, %parallel_loop3A_725 : vector<16xi32>
        %parallel_loop3A_727 = arith.constant 131064 : i32
        %parallel_loop3A_728 = vector.broadcast %parallel_loop3A_727 : i32 to vector<16xi32>
        %parallel_loop3A_729 = arith.andi %parallel_loop3A_726, %parallel_loop3A_728 : vector<16xi32>
        %parallel_loop3A_730 = arith.addi %parallel_loop3A_729, %sub3A_32 : vector<16xi32>
        tpu.vector_store_idx %arg6[%parallel_loop3A_730], %parallel_loop3A_723 {add = true} : memref<81920xf32, #tpu.memory_space<vmem>>[vector<16xi32>], vector<16xf32>,
        %parallel_loop3A_731 = arith.constant 14 : i32
        %parallel_loop3A_732 = vector.broadcast %parallel_loop3A_731 : i32 to vector<16xi32>
        %parallel_loop3A_733 = arith.addi %select_n3A, %parallel_loop3A_732 : vector<16xi32>
        %parallel_loop3A_734 = arith.constant 0 : i32
        %parallel_loop3A_735 = vector.broadcast %parallel_loop3A_734 : i32 to vector<16xi32>
        %parallel_loop3A_736 = arith.cmpi slt, %parallel_loop3A_733, %parallel_loop3A_735 : vector<16xi32>
        %parallel_loop3A_737 = arith.constant 16 : i32
        %parallel_loop3A_738 = vector.broadcast %parallel_loop3A_737 : i32 to vector<16xi32>
        %parallel_loop3A_739 = arith.addi %parallel_loop3A_733, %parallel_loop3A_738 : vector<16xi32>
        %parallel_loop3A_740 = arith.select %parallel_loop3A_736, %parallel_loop3A_739, %parallel_loop3A_733 : vector<16xi1>, vector<16xi32>
        %parallel_loop3A_741 = vector.shape_cast %parallel_loop3A_740 : vector<16xi32> to vector<16x1xi32>
        %parallel_loop3A_742 = vector.shape_cast %parallel_loop3A_741 : vector<16x1xi32> to vector<16xi32>
        %parallel_loop3A_743 = tpu.dynamic_gather %parallel_loop3A_555[%parallel_loop3A_742] in [0] : vector<16xi32>, vector<16xi32> -> vector<16xi32>
        %parallel_loop3A_744 = arith.constant -65536 : i32
        %parallel_loop3A_745 = vector.broadcast %parallel_loop3A_744 : i32 to vector<16xi32>
        %parallel_loop3A_746 = arith.andi %parallel_loop3A_743, %parallel_loop3A_745 : vector<16xi32>
        %parallel_loop3A_747 = vector.bitcast %parallel_loop3A_746 : vector<16xi32> to vector<16xf32>
        %parallel_loop3A_748 = arith.mulf %parallel_loop3A_747, %parallel_loop3A_131 : vector<16xf32>
        %parallel_loop3A_749 = arith.constant 3 : i32
        %parallel_loop3A_750 = vector.broadcast %parallel_loop3A_749 : i32 to vector<16xi32>
        %parallel_loop3A_751 = arith.shli %parallel_loop3A_743, %parallel_loop3A_750 : vector<16xi32>
        %parallel_loop3A_752 = arith.constant 131064 : i32
        %parallel_loop3A_753 = vector.broadcast %parallel_loop3A_752 : i32 to vector<16xi32>
        %parallel_loop3A_754 = arith.andi %parallel_loop3A_751, %parallel_loop3A_753 : vector<16xi32>
        %parallel_loop3A_755 = arith.addi %parallel_loop3A_754, %sub3A_32 : vector<16xi32>
        tpu.vector_store_idx %arg6[%parallel_loop3A_755], %parallel_loop3A_748 {add = true} : memref<81920xf32, #tpu.memory_space<vmem>>[vector<16xi32>], vector<16xf32>,
        %parallel_loop3A_756 = arith.constant 65 : i32
        %parallel_loop3A_757 = arith.muli %parallel_loop3A_113, %parallel_loop3A_756 : i32
        %parallel_loop3A_758 = arith.constant 48 : i32
        %parallel_loop3A_759 = arith.addi %parallel_loop3A_757, %parallel_loop3A_758 : i32
        %parallel_loop3A_760 = arith.constant 1 : i32
        %parallel_loop3A_761 = arith.index_cast %parallel_loop3A_760 : i32 to index
        %parallel_loop3A_762 = arith.index_cast %parallel_loop3A_759 : i32 to index
        %parallel_loop3A_763 = tpu.vector_load %arg8[%parallel_loop3A_761, %parallel_loop3A_762] {strides = array<i32>} : memref<2x1056xi32, #tpu.memory_space<vmem>>, vector<16xi32>,
        %parallel_loop3A_764 = arith.constant 0 : i32
        %parallel_loop3A_765 = vector.broadcast %parallel_loop3A_764 : i32 to vector<16xi32>
        %parallel_loop3A_766 = arith.addi %select_n3A, %parallel_loop3A_765 : vector<16xi32>
        %parallel_loop3A_767 = arith.constant 0 : i32
        %parallel_loop3A_768 = vector.broadcast %parallel_loop3A_767 : i32 to vector<16xi32>
        %parallel_loop3A_769 = arith.cmpi slt, %parallel_loop3A_766, %parallel_loop3A_768 : vector<16xi32>
        %parallel_loop3A_770 = arith.constant 16 : i32
        %parallel_loop3A_771 = vector.broadcast %parallel_loop3A_770 : i32 to vector<16xi32>
        %parallel_loop3A_772 = arith.addi %parallel_loop3A_766, %parallel_loop3A_771 : vector<16xi32>
        %parallel_loop3A_773 = arith.select %parallel_loop3A_769, %parallel_loop3A_772, %parallel_loop3A_766 : vector<16xi1>, vector<16xi32>
        %parallel_loop3A_774 = vector.shape_cast %parallel_loop3A_773 : vector<16xi32> to vector<16x1xi32>
        %parallel_loop3A_775 = vector.shape_cast %parallel_loop3A_774 : vector<16x1xi32> to vector<16xi32>
        %parallel_loop3A_776 = tpu.dynamic_gather %parallel_loop3A_763[%parallel_loop3A_775] in [0] : vector<16xi32>, vector<16xi32> -> vector<16xi32>
        %parallel_loop3A_777 = arith.constant -65536 : i32
        %parallel_loop3A_778 = vector.broadcast %parallel_loop3A_777 : i32 to vector<16xi32>
        %parallel_loop3A_779 = arith.andi %parallel_loop3A_776, %parallel_loop3A_778 : vector<16xi32>
        %parallel_loop3A_780 = vector.bitcast %parallel_loop3A_779 : vector<16xi32> to vector<16xf32>
        %parallel_loop3A_781 = arith.mulf %parallel_loop3A_780, %parallel_loop3A_131 : vector<16xf32>
        %parallel_loop3A_782 = arith.constant 3 : i32
        %parallel_loop3A_783 = vector.broadcast %parallel_loop3A_782 : i32 to vector<16xi32>
        %parallel_loop3A_784 = arith.shli %parallel_loop3A_776, %parallel_loop3A_783 : vector<16xi32>
        %parallel_loop3A_785 = arith.constant 131064 : i32
        %parallel_loop3A_786 = vector.broadcast %parallel_loop3A_785 : i32 to vector<16xi32>
        %parallel_loop3A_787 = arith.andi %parallel_loop3A_784, %parallel_loop3A_786 : vector<16xi32>
        %parallel_loop3A_788 = arith.addi %parallel_loop3A_787, %sub3A_32 : vector<16xi32>
        tpu.vector_store_idx %arg6[%parallel_loop3A_788], %parallel_loop3A_781 {add = true} : memref<81920xf32, #tpu.memory_space<vmem>>[vector<16xi32>], vector<16xf32>,
        %parallel_loop3A_789 = arith.constant 2 : i32
        %parallel_loop3A_790 = vector.broadcast %parallel_loop3A_789 : i32 to vector<16xi32>
        %parallel_loop3A_791 = arith.addi %select_n3A, %parallel_loop3A_790 : vector<16xi32>
        %parallel_loop3A_792 = arith.constant 0 : i32
        %parallel_loop3A_793 = vector.broadcast %parallel_loop3A_792 : i32 to vector<16xi32>
        %parallel_loop3A_794 = arith.cmpi slt, %parallel_loop3A_791, %parallel_loop3A_793 : vector<16xi32>
        %parallel_loop3A_795 = arith.constant 16 : i32
        %parallel_loop3A_796 = vector.broadcast %parallel_loop3A_795 : i32 to vector<16xi32>
        %parallel_loop3A_797 = arith.addi %parallel_loop3A_791, %parallel_loop3A_796 : vector<16xi32>
        %parallel_loop3A_798 = arith.select %parallel_loop3A_794, %parallel_loop3A_797, %parallel_loop3A_791 : vector<16xi1>, vector<16xi32>
        %parallel_loop3A_799 = vector.shape_cast %parallel_loop3A_798 : vector<16xi32> to vector<16x1xi32>
        %parallel_loop3A_800 = vector.shape_cast %parallel_loop3A_799 : vector<16x1xi32> to vector<16xi32>
        %parallel_loop3A_801 = tpu.dynamic_gather %parallel_loop3A_763[%parallel_loop3A_800] in [0] : vector<16xi32>, vector<16xi32> -> vector<16xi32>
        %parallel_loop3A_802 = arith.constant -65536 : i32
        %parallel_loop3A_803 = vector.broadcast %parallel_loop3A_802 : i32 to vector<16xi32>
        %parallel_loop3A_804 = arith.andi %parallel_loop3A_801, %parallel_loop3A_803 : vector<16xi32>
        %parallel_loop3A_805 = vector.bitcast %parallel_loop3A_804 : vector<16xi32> to vector<16xf32>
        %parallel_loop3A_806 = arith.mulf %parallel_loop3A_805, %parallel_loop3A_131 : vector<16xf32>
        %parallel_loop3A_807 = arith.constant 3 : i32
        %parallel_loop3A_808 = vector.broadcast %parallel_loop3A_807 : i32 to vector<16xi32>
        %parallel_loop3A_809 = arith.shli %parallel_loop3A_801, %parallel_loop3A_808 : vector<16xi32>
        %parallel_loop3A_810 = arith.constant 131064 : i32
        %parallel_loop3A_811 = vector.broadcast %parallel_loop3A_810 : i32 to vector<16xi32>
        %parallel_loop3A_812 = arith.andi %parallel_loop3A_809, %parallel_loop3A_811 : vector<16xi32>
        %parallel_loop3A_813 = arith.addi %parallel_loop3A_812, %sub3A_32 : vector<16xi32>
        tpu.vector_store_idx %arg6[%parallel_loop3A_813], %parallel_loop3A_806 {add = true} : memref<81920xf32, #tpu.memory_space<vmem>>[vector<16xi32>], vector<16xf32>,
        %parallel_loop3A_814 = arith.constant 4 : i32
        %parallel_loop3A_815 = vector.broadcast %parallel_loop3A_814 : i32 to vector<16xi32>
        %parallel_loop3A_816 = arith.addi %select_n3A, %parallel_loop3A_815 : vector<16xi32>
        %parallel_loop3A_817 = arith.constant 0 : i32
        %parallel_loop3A_818 = vector.broadcast %parallel_loop3A_817 : i32 to vector<16xi32>
        %parallel_loop3A_819 = arith.cmpi slt, %parallel_loop3A_816, %parallel_loop3A_818 : vector<16xi32>
        %parallel_loop3A_820 = arith.constant 16 : i32
        %parallel_loop3A_821 = vector.broadcast %parallel_loop3A_820 : i32 to vector<16xi32>
        %parallel_loop3A_822 = arith.addi %parallel_loop3A_816, %parallel_loop3A_821 : vector<16xi32>
        %parallel_loop3A_823 = arith.select %parallel_loop3A_819, %parallel_loop3A_822, %parallel_loop3A_816 : vector<16xi1>, vector<16xi32>
        %parallel_loop3A_824 = vector.shape_cast %parallel_loop3A_823 : vector<16xi32> to vector<16x1xi32>
        %parallel_loop3A_825 = vector.shape_cast %parallel_loop3A_824 : vector<16x1xi32> to vector<16xi32>
        %parallel_loop3A_826 = tpu.dynamic_gather %parallel_loop3A_763[%parallel_loop3A_825] in [0] : vector<16xi32>, vector<16xi32> -> vector<16xi32>
        %parallel_loop3A_827 = arith.constant -65536 : i32
        %parallel_loop3A_828 = vector.broadcast %parallel_loop3A_827 : i32 to vector<16xi32>
        %parallel_loop3A_829 = arith.andi %parallel_loop3A_826, %parallel_loop3A_828 : vector<16xi32>
        %parallel_loop3A_830 = vector.bitcast %parallel_loop3A_829 : vector<16xi32> to vector<16xf32>
        %parallel_loop3A_831 = arith.mulf %parallel_loop3A_830, %parallel_loop3A_131 : vector<16xf32>
        %parallel_loop3A_832 = arith.constant 3 : i32
        %parallel_loop3A_833 = vector.broadcast %parallel_loop3A_832 : i32 to vector<16xi32>
        %parallel_loop3A_834 = arith.shli %parallel_loop3A_826, %parallel_loop3A_833 : vector<16xi32>
        %parallel_loop3A_835 = arith.constant 131064 : i32
        %parallel_loop3A_836 = vector.broadcast %parallel_loop3A_835 : i32 to vector<16xi32>
        %parallel_loop3A_837 = arith.andi %parallel_loop3A_834, %parallel_loop3A_836 : vector<16xi32>
        %parallel_loop3A_838 = arith.addi %parallel_loop3A_837, %sub3A_32 : vector<16xi32>
        tpu.vector_store_idx %arg6[%parallel_loop3A_838], %parallel_loop3A_831 {add = true} : memref<81920xf32, #tpu.memory_space<vmem>>[vector<16xi32>], vector<16xf32>,
        %parallel_loop3A_839 = arith.constant 6 : i32
        %parallel_loop3A_840 = vector.broadcast %parallel_loop3A_839 : i32 to vector<16xi32>
        %parallel_loop3A_841 = arith.addi %select_n3A, %parallel_loop3A_840 : vector<16xi32>
        %parallel_loop3A_842 = arith.constant 0 : i32
        %parallel_loop3A_843 = vector.broadcast %parallel_loop3A_842 : i32 to vector<16xi32>
        %parallel_loop3A_844 = arith.cmpi slt, %parallel_loop3A_841, %parallel_loop3A_843 : vector<16xi32>
        %parallel_loop3A_845 = arith.constant 16 : i32
        %parallel_loop3A_846 = vector.broadcast %parallel_loop3A_845 : i32 to vector<16xi32>
        %parallel_loop3A_847 = arith.addi %parallel_loop3A_841, %parallel_loop3A_846 : vector<16xi32>
        %parallel_loop3A_848 = arith.select %parallel_loop3A_844, %parallel_loop3A_847, %parallel_loop3A_841 : vector<16xi1>, vector<16xi32>
        %parallel_loop3A_849 = vector.shape_cast %parallel_loop3A_848 : vector<16xi32> to vector<16x1xi32>
        %parallel_loop3A_850 = vector.shape_cast %parallel_loop3A_849 : vector<16x1xi32> to vector<16xi32>
        %parallel_loop3A_851 = tpu.dynamic_gather %parallel_loop3A_763[%parallel_loop3A_850] in [0] : vector<16xi32>, vector<16xi32> -> vector<16xi32>
        %parallel_loop3A_852 = arith.constant -65536 : i32
        %parallel_loop3A_853 = vector.broadcast %parallel_loop3A_852 : i32 to vector<16xi32>
        %parallel_loop3A_854 = arith.andi %parallel_loop3A_851, %parallel_loop3A_853 : vector<16xi32>
        %parallel_loop3A_855 = vector.bitcast %parallel_loop3A_854 : vector<16xi32> to vector<16xf32>
        %parallel_loop3A_856 = arith.mulf %parallel_loop3A_855, %parallel_loop3A_131 : vector<16xf32>
        %parallel_loop3A_857 = arith.constant 3 : i32
        %parallel_loop3A_858 = vector.broadcast %parallel_loop3A_857 : i32 to vector<16xi32>
        %parallel_loop3A_859 = arith.shli %parallel_loop3A_851, %parallel_loop3A_858 : vector<16xi32>
        %parallel_loop3A_860 = arith.constant 131064 : i32
        %parallel_loop3A_861 = vector.broadcast %parallel_loop3A_860 : i32 to vector<16xi32>
        %parallel_loop3A_862 = arith.andi %parallel_loop3A_859, %parallel_loop3A_861 : vector<16xi32>
        %parallel_loop3A_863 = arith.addi %parallel_loop3A_862, %sub3A_32 : vector<16xi32>
        tpu.vector_store_idx %arg6[%parallel_loop3A_863], %parallel_loop3A_856 {add = true} : memref<81920xf32, #tpu.memory_space<vmem>>[vector<16xi32>], vector<16xf32>,
        %parallel_loop3A_864 = arith.constant 8 : i32
        %parallel_loop3A_865 = vector.broadcast %parallel_loop3A_864 : i32 to vector<16xi32>
        %parallel_loop3A_866 = arith.addi %select_n3A, %parallel_loop3A_865 : vector<16xi32>
        %parallel_loop3A_867 = arith.constant 0 : i32
        %parallel_loop3A_868 = vector.broadcast %parallel_loop3A_867 : i32 to vector<16xi32>
        %parallel_loop3A_869 = arith.cmpi slt, %parallel_loop3A_866, %parallel_loop3A_868 : vector<16xi32>
        %parallel_loop3A_870 = arith.constant 16 : i32
        %parallel_loop3A_871 = vector.broadcast %parallel_loop3A_870 : i32 to vector<16xi32>
        %parallel_loop3A_872 = arith.addi %parallel_loop3A_866, %parallel_loop3A_871 : vector<16xi32>
        %parallel_loop3A_873 = arith.select %parallel_loop3A_869, %parallel_loop3A_872, %parallel_loop3A_866 : vector<16xi1>, vector<16xi32>
        %parallel_loop3A_874 = vector.shape_cast %parallel_loop3A_873 : vector<16xi32> to vector<16x1xi32>
        %parallel_loop3A_875 = vector.shape_cast %parallel_loop3A_874 : vector<16x1xi32> to vector<16xi32>
        %parallel_loop3A_876 = tpu.dynamic_gather %parallel_loop3A_763[%parallel_loop3A_875] in [0] : vector<16xi32>, vector<16xi32> -> vector<16xi32>
        %parallel_loop3A_877 = arith.constant -65536 : i32
        %parallel_loop3A_878 = vector.broadcast %parallel_loop3A_877 : i32 to vector<16xi32>
        %parallel_loop3A_879 = arith.andi %parallel_loop3A_876, %parallel_loop3A_878 : vector<16xi32>
        %parallel_loop3A_880 = vector.bitcast %parallel_loop3A_879 : vector<16xi32> to vector<16xf32>
        %parallel_loop3A_881 = arith.mulf %parallel_loop3A_880, %parallel_loop3A_131 : vector<16xf32>
        %parallel_loop3A_882 = arith.constant 3 : i32
        %parallel_loop3A_883 = vector.broadcast %parallel_loop3A_882 : i32 to vector<16xi32>
        %parallel_loop3A_884 = arith.shli %parallel_loop3A_876, %parallel_loop3A_883 : vector<16xi32>
        %parallel_loop3A_885 = arith.constant 131064 : i32
        %parallel_loop3A_886 = vector.broadcast %parallel_loop3A_885 : i32 to vector<16xi32>
        %parallel_loop3A_887 = arith.andi %parallel_loop3A_884, %parallel_loop3A_886 : vector<16xi32>
        %parallel_loop3A_888 = arith.addi %parallel_loop3A_887, %sub3A_32 : vector<16xi32>
        tpu.vector_store_idx %arg6[%parallel_loop3A_888], %parallel_loop3A_881 {add = true} : memref<81920xf32, #tpu.memory_space<vmem>>[vector<16xi32>], vector<16xf32>,
        %parallel_loop3A_889 = arith.constant 10 : i32
        %parallel_loop3A_890 = vector.broadcast %parallel_loop3A_889 : i32 to vector<16xi32>
        %parallel_loop3A_891 = arith.addi %select_n3A, %parallel_loop3A_890 : vector<16xi32>
        %parallel_loop3A_892 = arith.constant 0 : i32
        %parallel_loop3A_893 = vector.broadcast %parallel_loop3A_892 : i32 to vector<16xi32>
        %parallel_loop3A_894 = arith.cmpi slt, %parallel_loop3A_891, %parallel_loop3A_893 : vector<16xi32>
        %parallel_loop3A_895 = arith.constant 16 : i32
        %parallel_loop3A_896 = vector.broadcast %parallel_loop3A_895 : i32 to vector<16xi32>
        %parallel_loop3A_897 = arith.addi %parallel_loop3A_891, %parallel_loop3A_896 : vector<16xi32>
        %parallel_loop3A_898 = arith.select %parallel_loop3A_894, %parallel_loop3A_897, %parallel_loop3A_891 : vector<16xi1>, vector<16xi32>
        %parallel_loop3A_899 = vector.shape_cast %parallel_loop3A_898 : vector<16xi32> to vector<16x1xi32>
        %parallel_loop3A_900 = vector.shape_cast %parallel_loop3A_899 : vector<16x1xi32> to vector<16xi32>
        %parallel_loop3A_901 = tpu.dynamic_gather %parallel_loop3A_763[%parallel_loop3A_900] in [0] : vector<16xi32>, vector<16xi32> -> vector<16xi32>
        %parallel_loop3A_902 = arith.constant -65536 : i32
        %parallel_loop3A_903 = vector.broadcast %parallel_loop3A_902 : i32 to vector<16xi32>
        %parallel_loop3A_904 = arith.andi %parallel_loop3A_901, %parallel_loop3A_903 : vector<16xi32>
        %parallel_loop3A_905 = vector.bitcast %parallel_loop3A_904 : vector<16xi32> to vector<16xf32>
        %parallel_loop3A_906 = arith.mulf %parallel_loop3A_905, %parallel_loop3A_131 : vector<16xf32>
        %parallel_loop3A_907 = arith.constant 3 : i32
        %parallel_loop3A_908 = vector.broadcast %parallel_loop3A_907 : i32 to vector<16xi32>
        %parallel_loop3A_909 = arith.shli %parallel_loop3A_901, %parallel_loop3A_908 : vector<16xi32>
        %parallel_loop3A_910 = arith.constant 131064 : i32
        %parallel_loop3A_911 = vector.broadcast %parallel_loop3A_910 : i32 to vector<16xi32>
        %parallel_loop3A_912 = arith.andi %parallel_loop3A_909, %parallel_loop3A_911 : vector<16xi32>
        %parallel_loop3A_913 = arith.addi %parallel_loop3A_912, %sub3A_32 : vector<16xi32>
        tpu.vector_store_idx %arg6[%parallel_loop3A_913], %parallel_loop3A_906 {add = true} : memref<81920xf32, #tpu.memory_space<vmem>>[vector<16xi32>], vector<16xf32>,
        %parallel_loop3A_914 = arith.constant 12 : i32
        %parallel_loop3A_915 = vector.broadcast %parallel_loop3A_914 : i32 to vector<16xi32>
        %parallel_loop3A_916 = arith.addi %select_n3A, %parallel_loop3A_915 : vector<16xi32>
        %parallel_loop3A_917 = arith.constant 0 : i32
        %parallel_loop3A_918 = vector.broadcast %parallel_loop3A_917 : i32 to vector<16xi32>
        %parallel_loop3A_919 = arith.cmpi slt, %parallel_loop3A_916, %parallel_loop3A_918 : vector<16xi32>
        %parallel_loop3A_920 = arith.constant 16 : i32
        %parallel_loop3A_921 = vector.broadcast %parallel_loop3A_920 : i32 to vector<16xi32>
        %parallel_loop3A_922 = arith.addi %parallel_loop3A_916, %parallel_loop3A_921 : vector<16xi32>
        %parallel_loop3A_923 = arith.select %parallel_loop3A_919, %parallel_loop3A_922, %parallel_loop3A_916 : vector<16xi1>, vector<16xi32>
        %parallel_loop3A_924 = vector.shape_cast %parallel_loop3A_923 : vector<16xi32> to vector<16x1xi32>
        %parallel_loop3A_925 = vector.shape_cast %parallel_loop3A_924 : vector<16x1xi32> to vector<16xi32>
        %parallel_loop3A_926 = tpu.dynamic_gather %parallel_loop3A_763[%parallel_loop3A_925] in [0] : vector<16xi32>, vector<16xi32> -> vector<16xi32>
        %parallel_loop3A_927 = arith.constant -65536 : i32
        %parallel_loop3A_928 = vector.broadcast %parallel_loop3A_927 : i32 to vector<16xi32>
        %parallel_loop3A_929 = arith.andi %parallel_loop3A_926, %parallel_loop3A_928 : vector<16xi32>
        %parallel_loop3A_930 = vector.bitcast %parallel_loop3A_929 : vector<16xi32> to vector<16xf32>
        %parallel_loop3A_931 = arith.mulf %parallel_loop3A_930, %parallel_loop3A_131 : vector<16xf32>
        %parallel_loop3A_932 = arith.constant 3 : i32
        %parallel_loop3A_933 = vector.broadcast %parallel_loop3A_932 : i32 to vector<16xi32>
        %parallel_loop3A_934 = arith.shli %parallel_loop3A_926, %parallel_loop3A_933 : vector<16xi32>
        %parallel_loop3A_935 = arith.constant 131064 : i32
        %parallel_loop3A_936 = vector.broadcast %parallel_loop3A_935 : i32 to vector<16xi32>
        %parallel_loop3A_937 = arith.andi %parallel_loop3A_934, %parallel_loop3A_936 : vector<16xi32>
        %parallel_loop3A_938 = arith.addi %parallel_loop3A_937, %sub3A_32 : vector<16xi32>
        tpu.vector_store_idx %arg6[%parallel_loop3A_938], %parallel_loop3A_931 {add = true} : memref<81920xf32, #tpu.memory_space<vmem>>[vector<16xi32>], vector<16xf32>,
        %parallel_loop3A_939 = arith.constant 14 : i32
        %parallel_loop3A_940 = vector.broadcast %parallel_loop3A_939 : i32 to vector<16xi32>
        %parallel_loop3A_941 = arith.addi %select_n3A, %parallel_loop3A_940 : vector<16xi32>
        %parallel_loop3A_942 = arith.constant 0 : i32
        %parallel_loop3A_943 = vector.broadcast %parallel_loop3A_942 : i32 to vector<16xi32>
        %parallel_loop3A_944 = arith.cmpi slt, %parallel_loop3A_941, %parallel_loop3A_943 : vector<16xi32>
        %parallel_loop3A_945 = arith.constant 16 : i32
        %parallel_loop3A_946 = vector.broadcast %parallel_loop3A_945 : i32 to vector<16xi32>
        %parallel_loop3A_947 = arith.addi %parallel_loop3A_941, %parallel_loop3A_946 : vector<16xi32>
        %parallel_loop3A_948 = arith.select %parallel_loop3A_944, %parallel_loop3A_947, %parallel_loop3A_941 : vector<16xi1>, vector<16xi32>
        %parallel_loop3A_949 = vector.shape_cast %parallel_loop3A_948 : vector<16xi32> to vector<16x1xi32>
        %parallel_loop3A_950 = vector.shape_cast %parallel_loop3A_949 : vector<16x1xi32> to vector<16xi32>
        %parallel_loop3A_951 = tpu.dynamic_gather %parallel_loop3A_763[%parallel_loop3A_950] in [0] : vector<16xi32>, vector<16xi32> -> vector<16xi32>
        %parallel_loop3A_952 = arith.constant -65536 : i32
        %parallel_loop3A_953 = vector.broadcast %parallel_loop3A_952 : i32 to vector<16xi32>
        %parallel_loop3A_954 = arith.andi %parallel_loop3A_951, %parallel_loop3A_953 : vector<16xi32>
        %parallel_loop3A_955 = vector.bitcast %parallel_loop3A_954 : vector<16xi32> to vector<16xf32>
        %parallel_loop3A_956 = arith.mulf %parallel_loop3A_955, %parallel_loop3A_131 : vector<16xf32>
        %parallel_loop3A_957 = arith.constant 3 : i32
        %parallel_loop3A_958 = vector.broadcast %parallel_loop3A_957 : i32 to vector<16xi32>
        %parallel_loop3A_959 = arith.shli %parallel_loop3A_951, %parallel_loop3A_958 : vector<16xi32>
        %parallel_loop3A_960 = arith.constant 131064 : i32
        %parallel_loop3A_961 = vector.broadcast %parallel_loop3A_960 : i32 to vector<16xi32>
        %parallel_loop3A_962 = arith.andi %parallel_loop3A_959, %parallel_loop3A_961 : vector<16xi32>
        %parallel_loop3A_963 = arith.addi %parallel_loop3A_962, %sub3A_32 : vector<16xi32>
        tpu.vector_store_idx %arg6[%parallel_loop3A_963], %parallel_loop3A_956 {add = true} : memref<81920xf32, #tpu.memory_space<vmem>>[vector<16xi32>], vector<16xf32>,
        %parallel_loop3A_964 = arith.constant 65 : i32
        %parallel_loop3A_965 = arith.muli %parallel_loop3A_113, %parallel_loop3A_964 : i32
        %parallel_loop3A_966 = arith.constant 56 : i32
        %parallel_loop3A_967 = arith.addi %parallel_loop3A_965, %parallel_loop3A_966 : i32
        %parallel_loop3A_968 = arith.constant 1 : i32
        %parallel_loop3A_969 = arith.index_cast %parallel_loop3A_968 : i32 to index
        %parallel_loop3A_970 = arith.index_cast %parallel_loop3A_967 : i32 to index
        %parallel_loop3A_971 = tpu.vector_load %arg8[%parallel_loop3A_969, %parallel_loop3A_970] {strides = array<i32>} : memref<2x1056xi32, #tpu.memory_space<vmem>>, vector<16xi32>,
        %parallel_loop3A_972 = arith.constant 0 : i32
        %parallel_loop3A_973 = vector.broadcast %parallel_loop3A_972 : i32 to vector<16xi32>
        %parallel_loop3A_974 = arith.constant 8 : i32
        %parallel_loop3A_975 = vector.broadcast %parallel_loop3A_974 : i32 to vector<16xi32>
        %parallel_loop3A_976 = arith.addi %parallel_loop3A_973, %parallel_loop3A_975 : vector<16xi32>
        %parallel_loop3A_977 = arith.constant 0 : i32
        %parallel_loop3A_978 = vector.broadcast %parallel_loop3A_977 : i32 to vector<16xi32>
        %parallel_loop3A_979 = arith.cmpi slt, %parallel_loop3A_976, %parallel_loop3A_978 : vector<16xi32>
        %parallel_loop3A_980 = arith.constant 16 : i32
        %parallel_loop3A_981 = vector.broadcast %parallel_loop3A_980 : i32 to vector<16xi32>
        %parallel_loop3A_982 = arith.addi %parallel_loop3A_976, %parallel_loop3A_981 : vector<16xi32>
        %parallel_loop3A_983 = arith.select %parallel_loop3A_979, %parallel_loop3A_982, %parallel_loop3A_976 : vector<16xi1>, vector<16xi32>
        %parallel_loop3A_984 = vector.shape_cast %parallel_loop3A_983 : vector<16xi32> to vector<16x1xi32>
        %parallel_loop3A_985 = vector.shape_cast %parallel_loop3A_984 : vector<16x1xi32> to vector<16xi32>
        %parallel_loop3A_986 = tpu.dynamic_gather %parallel_loop3A_971[%parallel_loop3A_985] in [0] : vector<16xi32>, vector<16xi32> -> vector<16xi32>
        %parallel_loop3A_987 = arith.constant -65536 : i32
        %parallel_loop3A_988 = vector.broadcast %parallel_loop3A_987 : i32 to vector<16xi32>
        %parallel_loop3A_989 = arith.andi %parallel_loop3A_986, %parallel_loop3A_988 : vector<16xi32>
        %parallel_loop3A_990 = vector.bitcast %parallel_loop3A_989 : vector<16xi32> to vector<16xf32>
        %parallel_loop3A_991 = arith.mulf %parallel_loop3A_990, %parallel_loop3A_131 : vector<16xf32>
        %parallel_loop3A_992 = arith.constant 3 : i32
        %parallel_loop3A_993 = vector.broadcast %parallel_loop3A_992 : i32 to vector<16xi32>
        %parallel_loop3A_994 = arith.shli %parallel_loop3A_986, %parallel_loop3A_993 : vector<16xi32>
        %parallel_loop3A_995 = arith.constant 131064 : i32
        %parallel_loop3A_996 = vector.broadcast %parallel_loop3A_995 : i32 to vector<16xi32>
        %parallel_loop3A_997 = arith.andi %parallel_loop3A_994, %parallel_loop3A_996 : vector<16xi32>
        %parallel_loop3A_998 = arith.addi %parallel_loop3A_997, %sub3A_32 : vector<16xi32>
        %parallel_loop3A_999 = arith.constant 0 : i32
        %parallel_loop3A_1000 = vector.broadcast %parallel_loop3A_999 : i32 to vector<16xi32>
        %parallel_loop3A_1001 = arith.cmpi eq, %select_n3A, %parallel_loop3A_1000 : vector<16xi32>
        tpu.vector_store_idx %arg6[%parallel_loop3A_998], %parallel_loop3A_991 masked %parallel_loop3A_1001 {add = true} : memref<81920xf32, #tpu.memory_space<vmem>>[vector<16xi32>], vector<16xf32>, vector<16xi1>
      } {sc.loop_unroll_factor = 2 : i64, sc.parallel_access}
    }
    %scan3A_52 = arith.constant 20 : i32
    %scan3A_53 = arith.constant 0 : i32
    %scan3A_54 = arith.constant 0 : i32
    %scan3A_55 = arith.constant 5 : i32
    %scan3A_56 = arith.addi %scan3A_54, %scan3A_55 : i32
    %scan3A_57 = arith.constant 1 : i32
    scf.for %scan3A_59 = %scan3A_54 to %scan3A_56 step %scan3A_57  : i32 {
      %scan3A_60 = arith.constant 0 : i32
      %scan3A_61 = arith.constant 0 : i32
      %scan3A_62 = arith.constant 128 : i32
      %scan3A_63 = arith.addi %scan3A_61, %scan3A_62 : i32
      %scan3A_64 = arith.constant 1 : i32
      scf.for %scan3A_68 = %scan3A_61 to %scan3A_63 step %scan3A_64  : i32 {
        %mul3A_69 = arith.constant 8 : i32
        %mul3A_70 = arith.muli %scan3A_68, %mul3A_69 : i32
        %add3A_71 = arith.constant 0 : i32
        %add3A_72 = arith.addi %mul3A_70, %add3A_71 : i32
        %mul3A_73 = arith.constant 2048 : i32
        %mul3A_74 = arith.muli %scan3A_59, %mul3A_73 : i32
        %mul3A_75 = arith.constant 2 : i32
        %mul3A_76 = arith.muli %add3A_72, %mul3A_75 : i32
        %add3A_77 = arith.addi %mul3A_74, %mul3A_76 : i32
        %mul3A_78 = arith.constant 8 : i32
        %mul3A_79 = arith.muli %add3A_77, %mul3A_78 : i32
        %get3A = arith.index_cast %mul3A_79 : i32 to index
        %get3A_80 = tpu.vector_load %arg6[%get3A] {strides = array<i32>} : memref<81920xf32, #tpu.memory_space<vmem>>, vector<16xf32>,
        %mul3A_81 = arith.constant 2 : i32
        %mul3A_82 = arith.muli %add3A_72, %mul3A_81 : i32
        %add3A_83 = vector.broadcast %mul3A_82 : i32 to vector<16xi32>
        %add3A_84 = arith.addi %select_n3A, %add3A_83 : vector<16xi32>
        tpu.vector_store_idx %arg9[%sub3A_32, %add3A_84], %get3A_80 : memref<8x2057xf32, #tpu.memory_space<vmem>>[vector<16xi32>, vector<16xi32>], vector<16xf32>,
        %mul3A_85 = arith.constant 8 : i32
        %mul3A_86 = arith.muli %scan3A_68, %mul3A_85 : i32
        %add3A_87 = arith.constant 1 : i32
        %add3A_88 = arith.addi %mul3A_86, %add3A_87 : i32
        %mul3A_89 = arith.constant 2048 : i32
        %mul3A_90 = arith.muli %scan3A_59, %mul3A_89 : i32
        %mul3A_91 = arith.constant 2 : i32
        %mul3A_92 = arith.muli %add3A_88, %mul3A_91 : i32
        %add3A_93 = arith.addi %mul3A_90, %mul3A_92 : i32
        %mul3A_94 = arith.constant 8 : i32
        %mul3A_95 = arith.muli %add3A_93, %mul3A_94 : i32
        %get3A_96 = arith.index_cast %mul3A_95 : i32 to index
        %get3A_97 = tpu.vector_load %arg6[%get3A_96] {strides = array<i32>} : memref<81920xf32, #tpu.memory_space<vmem>>, vector<16xf32>,
        %mul3A_98 = arith.constant 2 : i32
        %mul3A_99 = arith.muli %add3A_88, %mul3A_98 : i32
        %add3A_100 = vector.broadcast %mul3A_99 : i32 to vector<16xi32>
        %add3A_101 = arith.addi %select_n3A, %add3A_100 : vector<16xi32>
        tpu.vector_store_idx %arg9[%sub3A_32, %add3A_101], %get3A_97 : memref<8x2057xf32, #tpu.memory_space<vmem>>[vector<16xi32>, vector<16xi32>], vector<16xf32>,
        %mul3A_102 = arith.constant 8 : i32
        %mul3A_103 = arith.muli %scan3A_68, %mul3A_102 : i32
        %add3A_104 = arith.constant 2 : i32
        %add3A_105 = arith.addi %mul3A_103, %add3A_104 : i32
        %mul3A_106 = arith.constant 2048 : i32
        %mul3A_107 = arith.muli %scan3A_59, %mul3A_106 : i32
        %mul3A_108 = arith.constant 2 : i32
        %mul3A_109 = arith.muli %add3A_105, %mul3A_108 : i32
        %add3A_110 = arith.addi %mul3A_107, %mul3A_109 : i32
        %mul3A_111 = arith.constant 8 : i32
        %mul3A_112 = arith.muli %add3A_110, %mul3A_111 : i32
        %get3A_113 = arith.index_cast %mul3A_112 : i32 to index
        %get3A_114 = tpu.vector_load %arg6[%get3A_113] {strides = array<i32>} : memref<81920xf32, #tpu.memory_space<vmem>>, vector<16xf32>,
        %mul3A_115 = arith.constant 2 : i32
        %mul3A_116 = arith.muli %add3A_105, %mul3A_115 : i32
        %add3A_117 = vector.broadcast %mul3A_116 : i32 to vector<16xi32>
        %add3A_118 = arith.addi %select_n3A, %add3A_117 : vector<16xi32>
        tpu.vector_store_idx %arg9[%sub3A_32, %add3A_118], %get3A_114 : memref<8x2057xf32, #tpu.memory_space<vmem>>[vector<16xi32>, vector<16xi32>], vector<16xf32>,
        %mul3A_119 = arith.constant 8 : i32
        %mul3A_120 = arith.muli %scan3A_68, %mul3A_119 : i32
        %add3A_121 = arith.constant 3 : i32
        %add3A_122 = arith.addi %mul3A_120, %add3A_121 : i32
        %mul3A_123 = arith.constant 2048 : i32
        %mul3A_124 = arith.muli %scan3A_59, %mul3A_123 : i32
        %mul3A_125 = arith.constant 2 : i32
        %mul3A_126 = arith.muli %add3A_122, %mul3A_125 : i32
        %add3A_127 = arith.addi %mul3A_124, %mul3A_126 : i32
        %mul3A_128 = arith.constant 8 : i32
        %mul3A_129 = arith.muli %add3A_127, %mul3A_128 : i32
        %get3A_130 = arith.index_cast %mul3A_129 : i32 to index
        %get3A_131 = tpu.vector_load %arg6[%get3A_130] {strides = array<i32>} : memref<81920xf32, #tpu.memory_space<vmem>>, vector<16xf32>,
        %mul3A_132 = arith.constant 2 : i32
        %mul3A_133 = arith.muli %add3A_122, %mul3A_132 : i32
        %add3A_134 = vector.broadcast %mul3A_133 : i32 to vector<16xi32>
        %add3A_135 = arith.addi %select_n3A, %add3A_134 : vector<16xi32>
        tpu.vector_store_idx %arg9[%sub3A_32, %add3A_135], %get3A_131 : memref<8x2057xf32, #tpu.memory_space<vmem>>[vector<16xi32>, vector<16xi32>], vector<16xf32>,
        %mul3A_136 = arith.constant 8 : i32
        %mul3A_137 = arith.muli %scan3A_68, %mul3A_136 : i32
        %add3A_138 = arith.constant 4 : i32
        %add3A_139 = arith.addi %mul3A_137, %add3A_138 : i32
        %mul3A_140 = arith.constant 2048 : i32
        %mul3A_141 = arith.muli %scan3A_59, %mul3A_140 : i32
        %mul3A_142 = arith.constant 2 : i32
        %mul3A_143 = arith.muli %add3A_139, %mul3A_142 : i32
        %add3A_144 = arith.addi %mul3A_141, %mul3A_143 : i32
        %mul3A_145 = arith.constant 8 : i32
        %mul3A_146 = arith.muli %add3A_144, %mul3A_145 : i32
        %get3A_147 = arith.index_cast %mul3A_146 : i32 to index
        %get3A_148 = tpu.vector_load %arg6[%get3A_147] {strides = array<i32>} : memref<81920xf32, #tpu.memory_space<vmem>>, vector<16xf32>,
        %mul3A_149 = arith.constant 2 : i32
        %mul3A_150 = arith.muli %add3A_139, %mul3A_149 : i32
        %add3A_151 = vector.broadcast %mul3A_150 : i32 to vector<16xi32>
        %add3A_152 = arith.addi %select_n3A, %add3A_151 : vector<16xi32>
        tpu.vector_store_idx %arg9[%sub3A_32, %add3A_152], %get3A_148 : memref<8x2057xf32, #tpu.memory_space<vmem>>[vector<16xi32>, vector<16xi32>], vector<16xf32>,
        %mul3A_153 = arith.constant 8 : i32
        %mul3A_154 = arith.muli %scan3A_68, %mul3A_153 : i32
        %add3A_155 = arith.constant 5 : i32
        %add3A_156 = arith.addi %mul3A_154, %add3A_155 : i32
        %mul3A_157 = arith.constant 2048 : i32
        %mul3A_158 = arith.muli %scan3A_59, %mul3A_157 : i32
        %mul3A_159 = arith.constant 2 : i32
        %mul3A_160 = arith.muli %add3A_156, %mul3A_159 : i32
        %add3A_161 = arith.addi %mul3A_158, %mul3A_160 : i32
        %mul3A_162 = arith.constant 8 : i32
        %mul3A_163 = arith.muli %add3A_161, %mul3A_162 : i32
        %get3A_164 = arith.index_cast %mul3A_163 : i32 to index
        %get3A_165 = tpu.vector_load %arg6[%get3A_164] {strides = array<i32>} : memref<81920xf32, #tpu.memory_space<vmem>>, vector<16xf32>,
        %mul3A_166 = arith.constant 2 : i32
        %mul3A_167 = arith.muli %add3A_156, %mul3A_166 : i32
        %add3A_168 = vector.broadcast %mul3A_167 : i32 to vector<16xi32>
        %add3A_169 = arith.addi %select_n3A, %add3A_168 : vector<16xi32>
        tpu.vector_store_idx %arg9[%sub3A_32, %add3A_169], %get3A_165 : memref<8x2057xf32, #tpu.memory_space<vmem>>[vector<16xi32>, vector<16xi32>], vector<16xf32>,
        %mul3A_170 = arith.constant 8 : i32
        %mul3A_171 = arith.muli %scan3A_68, %mul3A_170 : i32
        %add3A_172 = arith.constant 6 : i32
        %add3A_173 = arith.addi %mul3A_171, %add3A_172 : i32
        %mul3A_174 = arith.constant 2048 : i32
        %mul3A_175 = arith.muli %scan3A_59, %mul3A_174 : i32
        %mul3A_176 = arith.constant 2 : i32
        %mul3A_177 = arith.muli %add3A_173, %mul3A_176 : i32
        %add3A_178 = arith.addi %mul3A_175, %mul3A_177 : i32
        %mul3A_179 = arith.constant 8 : i32
        %mul3A_180 = arith.muli %add3A_178, %mul3A_179 : i32
        %get3A_181 = arith.index_cast %mul3A_180 : i32 to index
        %get3A_182 = tpu.vector_load %arg6[%get3A_181] {strides = array<i32>} : memref<81920xf32, #tpu.memory_space<vmem>>, vector<16xf32>,
        %mul3A_183 = arith.constant 2 : i32
        %mul3A_184 = arith.muli %add3A_173, %mul3A_183 : i32
        %add3A_185 = vector.broadcast %mul3A_184 : i32 to vector<16xi32>
        %add3A_186 = arith.addi %select_n3A, %add3A_185 : vector<16xi32>
        tpu.vector_store_idx %arg9[%sub3A_32, %add3A_186], %get3A_182 : memref<8x2057xf32, #tpu.memory_space<vmem>>[vector<16xi32>, vector<16xi32>], vector<16xf32>,
        %mul3A_187 = arith.constant 8 : i32
        %mul3A_188 = arith.muli %scan3A_68, %mul3A_187 : i32
        %add3A_189 = arith.constant 7 : i32
        %add3A_190 = arith.addi %mul3A_188, %add3A_189 : i32
        %mul3A_191 = arith.constant 2048 : i32
        %mul3A_192 = arith.muli %scan3A_59, %mul3A_191 : i32
        %mul3A_193 = arith.constant 2 : i32
        %mul3A_194 = arith.muli %add3A_190, %mul3A_193 : i32
        %add3A_195 = arith.addi %mul3A_192, %mul3A_194 : i32
        %mul3A_196 = arith.constant 8 : i32
        %mul3A_197 = arith.muli %add3A_195, %mul3A_196 : i32
        %get3A_198 = arith.index_cast %mul3A_197 : i32 to index
        %get3A_199 = tpu.vector_load %arg6[%get3A_198] {strides = array<i32>} : memref<81920xf32, #tpu.memory_space<vmem>>, vector<16xf32>,
        %mul3A_200 = arith.constant 2 : i32
        %mul3A_201 = arith.muli %add3A_190, %mul3A_200 : i32
        %add3A_202 = vector.broadcast %mul3A_201 : i32 to vector<16xi32>
        %add3A_203 = arith.addi %select_n3A, %add3A_202 : vector<16xi32>
        tpu.vector_store_idx %arg9[%sub3A_32, %add3A_203], %get3A_199 : memref<8x2057xf32, #tpu.memory_space<vmem>>[vector<16xi32>, vector<16xi32>], vector<16xf32>,
      }
      %scan3A_65 = arith.constant 128 : i32
      %mul3A_66 = arith.constant 2048 : i32
      %mul3A_67 = arith.muli %scan3A_59, %mul3A_66 : i32
      "tpu.region"() ({
        %run_scoped3A = tpu.sem_alloc : memref<!tpu.dma_semaphore, #tpu.memory_space<semaphore_mem>>
        %dma_start3A_68 = arith.constant 0 : i32
        %dma_start3A_69 = arith.constant 0 : i32
        %dma_start3A_70 = tpu.memref_slice %arg9[%dma_start3A_68, %dma_start3A_69] : memref<8x2057xf32, #tpu.memory_space<vmem>> -> memref<8x2048xf32, #tpu.memory_space<vmem>>
        %dma_start3A_71 = arith.constant 0 : i32
        %dma_start3A_72 = tpu.memref_slice %arg5[%add3A, %dma_start3A_71, %mul3A_67] : memref<32x8x10240xf32, #tpu.memory_space<hbm>> -> memref<1x8x2048xf32, #tpu.memory_space<hbm>>
        %dma_start3A_73 = tpu.memref_squeeze %dma_start3A_72 : memref<1x8x2048xf32, #tpu.memory_space<hbm>> -> memref<8x2048xf32, #tpu.memory_space<hbm>>
        %dma_start3A_74 = arith.constant 0 : i32
        %dma_start3A_75 = tpu.memref_slice %arg5[%add3A, %dma_start3A_74, %mul3A_67] : memref<32x8x10240xf32, #tpu.memory_space<hbm>> -> memref<1x8x2048xf32, #tpu.memory_space<hbm>>
        %dma_start3A_76 = tpu.memref_squeeze %dma_start3A_75 : memref<1x8x2048xf32, #tpu.memory_space<hbm>> -> memref<8x2048xf32, #tpu.memory_space<hbm>>
        %dma_start3A_77 = arith.constant 0 : i32
        %dma_start3A_78 = arith.constant 0 : i32
        %dma_start3A_79 = tpu.memref_slice %arg9[%dma_start3A_77, %dma_start3A_78] : memref<8x2057xf32, #tpu.memory_space<vmem>> -> memref<8x2048xf32, #tpu.memory_space<vmem>>
        tpu.enqueue_dma source(%dma_start3A_79 : memref<8x2048xf32, #tpu.memory_space<vmem>>) target(%dma_start3A_76 : memref<8x2048xf32, #tpu.memory_space<hbm>>) target_semaphore(%run_scoped3A : memref<!tpu.dma_semaphore, #tpu.memory_space<semaphore_mem>>)
        %dma_wait3A = arith.constant 0 : i32
        %dma_wait3A_80 = arith.constant 0 : i32
        %dma_wait3A_81 = tpu.memref_slice %arg9[%dma_wait3A, %dma_wait3A_80] : memref<8x2057xf32, #tpu.memory_space<vmem>> -> memref<8x2048xf32, #tpu.memory_space<vmem>>
        %dma_wait3A_82 = arith.constant 0 : i32
        %dma_wait3A_83 = tpu.memref_slice %arg5[%add3A, %dma_wait3A_82, %mul3A_67] : memref<32x8x10240xf32, #tpu.memory_space<hbm>> -> memref<1x8x2048xf32, #tpu.memory_space<hbm>>
        %dma_wait3A_84 = tpu.memref_squeeze %dma_wait3A_83 : memref<1x8x2048xf32, #tpu.memory_space<hbm>> -> memref<8x2048xf32, #tpu.memory_space<hbm>>
        %dma_wait3A_85 = arith.constant 0 : i32
        %dma_wait3A_86 = tpu.memref_slice %arg5[%add3A, %dma_wait3A_85, %mul3A_67] : memref<32x8x10240xf32, #tpu.memory_space<hbm>> -> memref<1x8x2048xf32, #tpu.memory_space<hbm>>
        %dma_wait3A_87 = tpu.memref_squeeze %dma_wait3A_86 : memref<1x8x2048xf32, #tpu.memory_space<hbm>> -> memref<8x2048xf32, #tpu.memory_space<hbm>>
        %dma_wait3A_88 = arith.constant 0 : i32
        %dma_wait3A_89 = arith.constant 0 : i32
        %dma_wait3A_90 = tpu.memref_slice %arg9[%dma_wait3A_88, %dma_wait3A_89] : memref<8x2057xf32, #tpu.memory_space<vmem>> -> memref<8x2048xf32, #tpu.memory_space<vmem>>
        tpu.wait_dma2 semaphore(%run_scoped3A : memref<!tpu.dma_semaphore, #tpu.memory_space<semaphore_mem>>) src(%dma_wait3A_90 : memref<8x2048xf32, #tpu.memory_space<vmem>>) dst(%dma_wait3A_87 : memref<8x2048xf32, #tpu.memory_space<hbm>>)
        tpu.yield
      }) : () -> ()
    }
    %scan3A_58 = arith.constant 5 : i32
    return
  }
}

</mosaic_0001>

<sc_bundles>
// kernel: _sc_spmm.3.cloned.1.call-start
scs
__scs_entry_jumppad:
0x0: {  	(pc) =	sbr.rel $0x88, $3  }
0x1: {  	(tag) =	ssettag $0x0;
	lr =	simm.s32 $0x1  }
0x2: {  	[smem:$0x3F9E] =	sst lr;
	_ =	strace $0xD0000000  }
0x3: {  	_ = 	snop  }
0x4: {  	_ = 	snop  }
0x5: {  	_ = 	snop  }
0x6: {  	_ = 	snop  }
0x7: {  	_ = 	snop  }
__scs_overlays_trampoline_lowered:
0x8: {  	[smem:$0x3FAD] =	sst s0  }
0x9: {  	[smem:$0x3FAE] =	sst s1  }
0xa: {  	[smem:$0x3FAF] =	sst s2  }
0xb: {  	[smem:$0x3FB0] =	sst s3  }
0xc: {  	[smem:$0x3FB1] =	sst s4  }
0xd: {  	[smem:$0x3FB2] =	sst s5  }
0xe: {  	[smem:$0x3FB3] =	sst s6  }
0xf: {  	[smem:$0x3FB4] =	sst s7  }
0x10: {  	[smem:$0x3FB5] =	sst s8  }
0x11: {  	[smem:$0x3FB6] =	sst s9;
	s0 =	simm.s32 @!p0 $0x0  }
0x12: {  	s1 =	sld [smem:$0x3F9C];
	s0 =	simm.s32 @p0 $0x1  }
0x13: {  	[smem:$0x3FB7] =	sst s0;
	s0 =	simm.s32 @!p1 $0x0  }
0x14: {  	s2 =	sld [smem:$0x3F9B];
	s0 =	simm.s32 @p1 $0x1  }
0x15: {  	[smem:$0x3FB8] =	sst s0;
	s0 =	simm.s32 @!p2 $0x0  }
0x16: {  	s3 =	sld [smem:$0x3FDB];
	s0 =	simm.s32 @p2 $0x1  }
0x17: {  	s4 =	simm.s32 $0x1BF5;
	[smem:$0x3FBA] =	sst s0  }
0x18: {  	s0 =	sld [smem:$0x3F9D];
	_ =	swait.ge [sflag:s4], $0x0  }
0x19: {  	s7 =	sld [smem:$0x3F9E]  }
0x1a: {  	s8 =	sadd.s32 $0xFFFFE003, lr  }
0x1b: {  	s9 =	sadd.s32 $0xFFFFFEF7, lr;
	s5 =	simm.s32 $0xFFFFFFFF;
	p2 =	slt.u32 s8, $0xFFFFF086  }
0x1c: {  	p1 =	slt.u32 s9, $0xF7A;
	s5 =	simm.s32 @!p2 $0x0  }
0x1d: {  	s5 =	simm.s32 @p1 $0x1;
	p0 =	seq.s32 s7, s2  }
0x1e: {  	s7 =	smul.u32 @!p0 $0xF7A, s2;
	p2 =	seq.s32 @!p0 s5, $0x0  }
0x1f: {  	s9 =	smul.u32 $0xF7A, s1;
	s8 =	simm.s32 @!p0 $0x1BF5;
	p2 =	por !p2, p0  }
0x20: {  	[sflag:s8] =	ssyncset.s32 @!p0 $0xFFFFF086;
	s6 =	sadd.s32 @!p0 s3, s7;
	s7 =	simm.s32 @!p0 $0x108  }
0x21: {  	s3 =	sadd.s32 s3, s9;
	s6 =	sadd.s32 @!p0 $0x88, s6;
	s7 =	simm.s32 @p2 $0x1082  }
0x22: {  	[simem:s7], [sflag:s8] =	dma.local @!p0 [hbm:s6], $0xF7A  }
0x23: {  	s9 =	sor.u32 $0xD0000000, s2;
	s6 =	simm.s32 $0x108;
	_ =	swait.ge @!p0 [sflag:s8], $0x0  }
0x24: {  	s3 =	sadd.s32 $0x88, s3;
	s6 =	simm.s32 @!p1 $0x1082;
	[sflag:s4] =	ssyncset.s32 $0xFFFFF086  }
0x25: {  	[simem:s6], [sflag:s4] =	dma.local [hbm:s3], $0xF7A  }
0x26: {  	[smem:$0x3F9E] =	sst s1;
	(tag) =	ssettag s2;
	_ =	strace s9  }
0x27: {  	s1 =	sld [smem:$0x3FAE]  }
0x28: {  	s2 =	sld [smem:$0x3FAF]  }
0x29: {  	s4 =	sld [smem:$0x3FB1]  }
0x2a: {  	p0 =	seq.s32 s5, $0x0;
	s5 =	sld [smem:$0x3FB2]  }
0x2b: {  	s6 =	sld [smem:$0x3FB3]  }
0x2c: {  	s7 =	sld [smem:$0x3FB4]  }
0x2d: {  	s3 =	simm.s32 $0x108;
	s8 =	sld [smem:$0x3FB5]  }
0x2e: {  	s3 =	simm.s32 @!p0 $0x1082;
	s9 =	sld [smem:$0x3FB6]  }
0x2f: {  	lr =	sadd.s32 s0, s3;
	s0 =	sld [smem:$0x3FAD]  }
0x30: {  	s3 =	sld [smem:$0x3FB0]  }
0x31: {  	[smem:$0x3FB9] =	sst s10  }
0x32: {  	s10 =	sld [smem:$0x3FB7];
	_ =	sdelay $0x3  }
0x33: {  	p0 =	seq.s32 s10, $0x1;
	s10 =	sld [smem:$0x3FB9];
	_ =	sdelay $0x3  }
0x34: {  	[smem:$0x3FB9] =	sst s10  }
0x35: {  	s10 =	sld [smem:$0x3FB8];
	_ =	sdelay $0x3  }
0x36: {  	p1 =	seq.s32 s10, $0x1;
	s10 =	sld [smem:$0x3FB9];
	_ =	sdelay $0x3  }
0x37: {  	[smem:$0x3FB9] =	sst s10  }
0x38: {  	s10 =	sld [smem:$0x3FBA]  }
0x39: {  	_ = 	snop;
	(pc) =	sbr.ind lr, $3  }
0x3a: {  	_ = 	snop  }
0x3b: {  	_ = 	snop  }
0x3c: {  	p2 =	seq.s32 s10, $0x1;
	s10 =	sld [smem:$0x3FB9]  }
0x3d: {  	_ =	shalt  }
0x3e: {  	_ =	shalt  }
0x3f: {  	_ =	shalt  }
0x40: {  	_ =	shalt  }
0x41: {  	_ =	shalt  }
0x42: {  	_ =	shalt  }
0x43: {  	_ =	shalt  }
0x44: {  	_ =	shalt  }
0x45: {  	_ =	shalt  }
0x46: {  	_ =	shalt  }
0x47: {  	_ =	shalt  }
0x48: {  	_ =	shalt  }
0x49: {  	_ =	shalt  }
0x4a: {  	_ =	shalt  }
0x4b: {  	_ =	shalt  }
0x4c: {  	_ =	shalt  }
0x4d: {  	_ =	shalt  }
0x4e: {  	_ =	shalt  }
0x4f: {  	_ =	shalt  }
0x50: {  	_ =	shalt  }
0x51: {  	_ =	shalt  }
0x52: {  	_ =	shalt  }
0x53: {  	_ =	shalt  }
0x54: {  	_ =	shalt  }
0x55: {  	_ =	shalt  }
0x56: {  	_ =	shalt  }
0x57: {  	_ =	shalt  }
0x58: {  	_ =	shalt  }
0x59: {  	_ =	shalt  }
0x5a: {  	_ =	shalt  }
0x5b: {  	_ =	shalt  }
0x5c: {  	_ =	shalt  }
0x5d: {  	_ =	shalt  }
0x5e: {  	_ =	shalt  }
0x5f: {  	_ =	shalt  }
0x60: {  	_ =	shalt  }
0x61: {  	_ =	shalt  }
0x62: {  	_ =	shalt  }
0x63: {  	_ =	shalt  }
0x64: {  	_ =	shalt  }
0x65: {  	_ =	shalt  }
0x66: {  	_ =	shalt  }
0x67: {  	_ =	shalt  }
0x68: {  	_ =	shalt  }
0x69: {  	_ =	shalt  }
0x6a: {  	_ =	shalt  }
0x6b: {  	_ =	shalt  }
0x6c: {  	_ =	shalt  }
0x6d: {  	_ =	shalt  }
0x6e: {  	_ =	shalt  }
0x6f: {  	_ =	shalt  }
0x70: {  	_ =	shalt  }
0x71: {  	_ =	shalt  }
0x72: {  	_ =	shalt  }
0x73: {  	_ =	shalt  }
0x74: {  	_ =	shalt  }
0x75: {  	_ =	shalt  }
0x76: {  	_ =	shalt  }
0x77: {  	_ =	shalt  }
0x78: {  	_ =	shalt  }
0x79: {  	_ =	shalt  }
0x7a: {  	_ =	shalt  }
0x7b: {  	_ =	shalt  }
0x7c: {  	_ =	shalt  }
0x7d: {  	_ =	shalt  }
0x7e: {  	_ =	shalt  }
0x7f: {  	_ =	shalt  }
0x80: {  	_ =	shalt  }
0x81: {  	_ =	shalt  }
0x82: {  	_ =	shalt  }
0x83: {  	_ =	shalt  }
0x84: {  	_ =	shalt  }
0x85: {  	_ =	shalt  }
0x86: {  	_ =	shalt  }
0x87: {  	_ =	shalt  }
.Lfunc_end0:
.L_simem_size_0:
called_computation_lowered:
.L_overlay_start_0:
0x88: {  	s2 =	sld [smem:$0x3FD9]  }
0x89: {  	s3 =	sld [smem:$0x3FFE];
	_ =	sdelay $0x1  }
0x8a: {  	s1 =	srdreg.scid  }
0x8b: {  	s0 =	sand.u32 $0x1, s1  }
0x8c: {  	s17 =	sshll.u32 s0, $0xA;
	s2 =	sadd.s32 s3, s2  }
0x8d: {  	s2 =	sadd.s32 s2, s17  }
0x8e: {  	[smem:$0x3FC5] =	sst s2  }
0x8f: {  	_ = 	snop  }
0x90: {  	s2 =	sld [smem:$0x3FC8]  }
0x91: {  	s18 =	sld [smem:$0x3FC7]  }
0x92: {  	s4 =	sld [smem:$0x3FD0];
	(tm) =	ssettm $0x1  }
0x93: {  	s5 =	sld [smem:$0x3FFB];
	_ =	sdelay $0x3  }
0x94: {  	_ =	strace s5  }
0x95: {  	s5 =	sld [smem:$0x3FFC];
	_ =	sdelay $0x3  }
0x96: {  	_ =	strace s5  }
0x97: {  	s5 =	sld [smem:$0x3FFD];
	_ =	sdelay $0x3  }
0x98: {  	_ =	strace s5  }
0x99: {  	_ =	strace $0x8FFFFFFF  }
0x9a: {  	s19 =	sld [smem:$0x3FDB];
	_ =	sdelay $0x1  }
0x9b: {  	s6 =	simm.s32 $_scs_section_size  }
0x9c: {  	s7 =	simm.s32 $_size__tile_overlayer_lowered;
	s8 =	simm.s32 $_tile_overlayer_lowered  }
0x9d: {  	s22 =	simm.s32 $0x1BFF;
	s21 =	sshll.u32 s8, $0x1;
	s5 =	sadd.s32 s6, s19  }
0x9e: {  	s9 =	simm.s32 $0x0;
	s20 =	sshll.u32 s7, $0x1;
	s7 =	sadd.s32 s21, s5  }
0x9f: {  	[timem:s9], [sflag:s22] =	dma.local [hbm:s7], s20  }
0xa0: {  	_ =	swait.ge [sflag:s22], s20  }
0xa1: {  	s6 =	ssub.s32 $0x0, s20;
	[sflag:s22] =	ssyncset.done $0x0  }
0xa2: {  	[sflag:s22] =	ssyncadd.s32 s6;
	_ =	sdelay $0x1  }
0xa3: {  	s23 =	simm.s32 $0x1B8B  }
0xa4: {  	_ =	swait.ge [sflag:s23], $0x1  }
0xa5: {  	[sflag:s23] =	ssyncset.done $0x0  }
0xa6: {  	s25 =	simm.s32 $0x1B8E;
	s24 =	sld [smem:$0x3FFE];
	[sflag:s23] =	ssyncadd.s32 $0xFFFFFFFF  }
0xa7: {  	s26 =	simm.s32 $execute0_lowered;
	[smem:$0x3FD2] =	sst s25  }
0xa8: {  	s7 =	sshll.u32 s26, $0x1;
	_ =	strace $0x80000046;
	[dreg:$0x1] =	wrdreg $0xFFFFFFFF  }
0xa9: {  	s28 =	simm.s32 $_size_execute0_lowered;
	s5 =	sadd.s32 s5, s7;
	[dreg:$0x0] =	wrdreg $0x0  }
0xaa: {  	s7 =	sshll.u32 s28, $0x1;
	[dreg:$0x2] =	wrdreg s5  }
0xab: {  	[dreg:$0x3] =	wrdreg s7  }
0xac: {  	[dreg:$0x4] =	wrdreg $0xC0  }
0xad: {  	_ =	task [dreg:s9], $0x5FFFF  }
0xae: {  	[dreg:$0x1] =	wrdreg $0xFFFFFFFF  }
0xaf: {  	[dreg:$0x0] =	wrdreg $0x60  }
0xb0: {  	[dreg:$0x2] =	wrdreg s4  }
0xb1: {  	[dreg:$0x3] =	wrdreg s2  }
0xb2: {  	[dreg:$0x4] =	wrdreg s18  }
0xb3: {  	[dreg:$0x5] =	wrdreg s24  }
0xb4: {  	[dreg:$0x6] =	wrdreg $0x9  }
0xb5: {  	_ =	task.clear_ibuf [dreg:s9], $0x7FFFF;
	_ =	strace $0x90000046  }
0xb6: {  	s29 =	simm.s32 $0x9;
	_ =	strace $0x80000048  }
0xb7: {  	_ =	swait.ge [sflag:s29], $0x1  }
0xb8: {  	[sflag:s29] =	ssyncadd.s32 $0xFFFFFFFF  }
0xb9: {  	_ =	strace $0x90000048  }
0xba: {  	_ =	sfence  }
0xbb: {  	s30 =	sld [smem:$0x0];
	_ =	sdelay $0x2  }
0xbc: {  	s31 =	sshll.u32 s1, $0xD;
	s1 =	sshrl.u32 s1, $0x2  }
0xbd: {  	s3 =	sand.u32 $0x4000, s31;
	s1 =	sadd.s32 s1, s30  }
0xbe: {  	s0 =	sor.u32 s3, s0;
	s1 =	sshll.u32 s1, $0x11  }
0xbf: {  	s0 =	sor.u32 s1, s0  }
0xc0: {  	s0 =	sadd.s32 $0x8F2B, s0  }
0xc1: {  	[sflag:s0] =	ssyncadd.remote.s32 $0x1  }
0xc2: {  	_ =	sfence.sel $0xFFFF  }
0xc3: {  	[dreg:$0x0] =	wrdreg $0xFFFFFFFF;
	(pc) =	sbr.abs _section_cstart, $3  }
0xc4: {  	[dreg:$0x1] =	wrdreg $0xFFFFFFFF  }
0xc5: {  	_ =	task.clear_ibuf [dreg:s9], $0x2FFFF;
	_ =	strace $0x9FFFFFFF  }
0xc6: {  	(tm) =	ssettm $0x7FFFFFFF  }
0xc7: {  	_ =	shalt  }
tec
execute0_lowered:
.L_overlay_start_1:
0x0: {  	(tag) =	ssettag $0x1  }
0x1: {  	vm13 =	vcmask $0x300  }
0x2: {  	v0 =	vimm.s32 $0x3871;
	vm14 =	vcmask $0x704;
	v3 =	vlaneseq.u32  }
0x3: {  	vm12 =	vcmask $0xB08;
	vm11 =	vcmask $0xF0C;
	vm10 =	vcmask $0x1310  }
0x4: {  	vm9 =	vcmask $0x1714;
	vm8 =	vcmask $0x1B18;
	vm7 =	vcmask $0x1F1C  }
0x5: {  	vm6 =	vcmask $0x2320;
	vm5 =	vcmask $0x2724;
	vm4 =	vcmask $0x2B28  }
0x6: {  	vm3 =	vcmask $0x2F2C;
	vm2 =	vcmask $0x3330;
	vm1 =	vcmask $0x3734  }
0x7: {  	v12 =	vimm.s32 $0x0;
	vm0 =	vcmask $0x3B38;
	v14 =	vimm.s32 $0x3873  }
0x8: {  	v15 =	vimm.s32 $0x3875;
	v16 =	vimm.s32 $0x3877;
	v0 =	vsel vm13, $0x0, v0  }
0x9: {  	s0 =	srdreg.scid;
	v12 =	vsel vm13, $0x3, v12;
	v14 =	vsel vm13, $0x2, v14;
	v15 =	vsel vm13, $0x4, v15  }
0xa: {  	s1 =	sand.u32 $0x1, s0;
	v16 =	vsel vm13, $0x6, v16;
	v1 =	vsel vm14, $0x810, v0;
	v0 =	vand.u32 $0x7, v3  }
0xb: {  	s0 =	sshll.u32 s1, $0x3;
	v14 =	vsel vm14, $0x812, v14;
	v15 =	vsel vm14, $0x814, v15;
	v16 =	vsel vm14, $0x816, v16  }
0xc: {  	v2 =	vsel vm12, $0x1020, v1;
	v1 =	vor.u32 s0, v0;
	v14 =	vsel vm12, $0x1022, v14  }
0xd: {  	v15 =	vsel vm12, $0x1024, v15;
	v16 =	vsel vm12, $0x1026, v16;
	v4 =	vsel vm11, $0x1830, v2  }
0xe: {  	v2 =	vmul.u32 $0x280, v3;
	v3 =	vshrl.u32 v3, $0x3;
	v14 =	vsel vm11, $0x1832, v14  }
0xf: {  	v15 =	vsel vm11, $0x1834, v15;
	v16 =	vsel vm11, $0x1836, v16;
	v4 =	vsel vm10, $0x2040, v4  }
0x10: {  	v14 =	vsel vm10, $0x2042, v14;
	v15 =	vsel vm10, $0x2044, v15;
	v16 =	vsel vm10, $0x2046, v16  }
0x11: {  	v5 =	vsel vm9, $0x2850, v4;
	v4 =	vor.u32 $0x2, v3;
	v14 =	vsel vm9, $0x2852, v14  }
0x12: {  	v15 =	vsel vm9, $0x2854, v15;
	v16 =	vsel vm9, $0x2856, v16;
	v6 =	vsel vm8, $0x3060, v5  }
0x13: {  	s2 =	rddreg [dreg:$0x0];
	v5 =	vor.u32 $0x4, v3;
	v14 =	vsel vm8, $0x3062, v14;
	v15 =	vsel vm8, $0x3064, v15  }
0x14: {  	s4 =	rddreg [dreg:$0x3];
	v16 =	vsel vm8, $0x3066, v16;
	v7 =	vsel vm7, $0x3870, v6;
	v6 =	vor.u32 $0x6, v3  }
0x15: {  	s3 =	simm.s32 $0x0;
	s9 =	stileid.u32;
	s14 =	simm.s32 $0x14000;
	v14 =	vsel vm7, $0x3872, v14;
	v15 =	vsel vm7, $0x3874, v15;
	v16 =	vsel vm7, $0x3876, v16  }
0x16: {  	s15 =	simm.s32 $0x4;
	s16 =	simm.s32 $0x1;
	s18 =	simm.s32 $0x2;
	v8 =	vsel vm6, $0x1, v7;
	v7 =	vor.u32 $0x8, v3;
	v14 =	vsel vm6, $0x3, v14  }
0x17: {  	s19 =	simm.s32 $0x16C20;
	s20 =	simm.s32 $0x3;
	s21 =	simm.s32 $0x17040;
	v15 =	vsel vm6, $0x5, v15;
	v16 =	vsel vm6, $0x7, v16;
	v9 =	vsel vm5, $0x811, v8  }
0x18: {  	s22 =	simm.s32 $0x17850;
	s23 =	simm.s32 $0x18060;
	s28 =	simm.s32 $0x1A0A0;
	v8 =	vor.u32 $0xA, v3;
	v14 =	vsel vm5, $0x813, v14;
	v15 =	vsel vm5, $0x815, v15  }
0x19: {  	s29 =	simm.s32 $0x1A8B0;
	s30 =	simm.s32 $0x0;
	[smem:$0x7FF] =	sst s3;
	v16 =	vsel vm5, $0x817, v16;
	v10 =	vsel vm4, $0x1021, v9;
	v9 =	vor.u32 $0xC, v3  }
0x1a: {  	s5 =	smul.u32 $0xA280, s9;
	s6 =	sadd.s32 $0x400, s4;
	s25 =	sshll.u32 s9, $0x1;
	v14 =	vsel vm4, $0x1023, v14;
	v15 =	vsel vm4, $0x1025, v15;
	v16 =	vsel vm4, $0x1027, v16  }
0x1b: {  	s8 =	smul.u32 $0x50, s9;
	s7 =	ssub.s32 $0x2, s1;
	s1 =	sor.u32 s1, s25;
	v11 =	vsel vm3, $0x1831, v10;
	v10 =	vor.u32 $0xE, v3;
	v14 =	vsel vm3, $0x1833, v14  }
0x1c: {  	s25 =	simm.s32 $0x19080;
	s0 =	rddreg [dreg:$0x1];
	_ =	strace $0x80000047;
	v15 =	vsel vm3, $0x1835, v15;
	v16 =	vsel vm3, $0x1837, v16;
	v11 =	vsel vm2, $0x2041, v11  }
0x1d: {  	s24 =	sshrl.u32 s7, $0x1;
	s26 =	sshrl.u32 s5, $0x3;
	s2 =	sadd.s32 s2, s8;
	v14 =	vsel vm2, $0x2043, v14;
	v15 =	vsel vm2, $0x2045, v15;
	v16 =	vsel vm2, $0x2047, v16  }
0x1e: {  	s9 =	sadd.s32 $0x820, s5;
	s10 =	smul.u32 $0x14000, s1;
	s4 =	ssub.s32 s7, s24;
	v13 =	vsel vm1, $0x2851, v11;
	v11 =	vimm.s32 $0x8;
	v14 =	vsel vm1, $0x2853, v14  }
0x1f: {  	[dreg:$0x5] =	wrdreg s2;
	s31 =	sadd.s32 s0, s26;
	s24 =	simm.s32 $0x18870;
	v15 =	vsel vm1, $0x2855, v15;
	v16 =	vsel vm1, $0x2857, v16;
	v19 =	vsel vm0, $0x3061, v13  }
0x20: {  	s26 =	simm.s32 $0x19890;
	[dreg:$0x6] =	wrdreg s31;
	s11 =	smax.u32 s4, $0x1;
	v14 =	vsel vm0, $0x3063, v14;
	v15 =	vsel vm0, $0x3065, v15;
	v16 =	vsel vm0, $0x3067, v16;
	[tilespmem:$0x1FFF0] =	vst v19  }
.LBB2_1:
0x21: {  	s1 =	rddreg [dreg:$0x2]  }
0x22: {  	[tilespmem:s3], [sflag:$0x1] =	stream.linear.gather [hbm4b:s1+s3], $0x14000, $0x38;
	[tilespmem:$0x1B0C0] =	vst v63  }
0x23: {  	s12 =	rddreg [dreg:$0x5];
	s2 =	simm.s32 $0x280;
	s4 =	simm.s32 $0x2800  }
0x24: {  	[tilespmem:s14], [sflag:$0x4] =	stream.strided.gather [hbm4b:s12+s2], $0x2800, s4, s2, $0x38;
	[tilespmem:$0x1B0C0] =	vst v63  }
0x25: {  	_ =	swait.ge [sflag:s15], $0x2800  }
0x26: {  	[sflag:s15] =	ssyncset.done $0x0  }
0x27: {  	[sflag:s15] =	ssyncadd.s32 $0xFFFFD800  }
0x28: {  	_ =	swait.ge [sflag:s16], $0x14000  }
0x29: {  	s17 =	simm.s32 $0x16800;
	s31 =	simm.s32 $0x0;
	[sflag:s16] =	ssyncset.done $0x0  }
0x2a: {  	s2 =	simm.s32 $0x0;
	s13 =	rddreg [dreg:$0x6];
	[sflag:s16] =	ssyncadd.s32 $0xFFFEC000  }
0x2b: {  	[tilespmem:s17], [sflag:$0x2] =	stream.linear.gather [hbm4b:s13+s3], $0x410, $0x38;
	[tilespmem:$0x1B0C0] =	vst v63  }
.LBB2_2:
0x2c: {  	s1 =	sshllo.u32 s2, $0x1  }
0x2d: {  	s1 =	smul.u32 $0x410, s1;
	_ =	sdelay $0x1  }
0x2e: {  	_ =	swait.ge [sflag:s18], $0x410;
	s1 =	sadd.s32 s5, s1  }
0x2f: {  	[sflag:s18] =	ssyncset.done $0x0;
	s1 =	sshrl.u32 s1, $0x3  }
0x30: {  	s17 =	simm.s32 $0x16841;
	[sflag:s18] =	ssyncadd.s32 $0xFFFFFBF0;
	s1 =	sadd.s32 s0, s1  }
0x31: {  	[tilespmem:s19], [sflag:$0x3] =	stream.linear.gather [hbm4b:s1+s3], $0x410, $0x38;
	[tilespmem:$0x1B0C0] =	vst v63  }
0x32: {  	s4 =	sadd.s32 $0xFFFFFFFE, s31;
	v17 =	vld [tilespmem:s17+$0x0]  }
0x33: {  	s7 =	sadd.s32 $0x3, s4  }
0x34: {  	v18 =	vmov s7  }
0x35: {  	v18 =	vand.u32 $0x3EF, v18  }
0x36: {  	v18 =	vadd.s32 v2, v18  }
0x37: {  	s4 =	sadd.s32 $0x2, s4;
	v19 =	vperm.xlane v17, v3;
	v20 =	vperm.xlane v17, v4  }
0x38: {  	v21 =	vmov s4;
	v22 =	vperm.xlane v17, v5;
	v23 =	vperm.xlane v17, v6  }
0x39: {  	v21 =	vand.u32 $0x3EE, v21;
	v24 =	vperm.xlane v17, v7;
	v25 =	vperm.xlane v17, v8  }
0x3a: {  	v21 =	vadd.s32 v2, v21;
	v26 =	vperm.xlane v17, v9;
	v17 =	vperm.xlane v17, v10  }
0x3b: {  	v18 =	vld.idx.msk [tilespmem:v18+s14+$0x0], $0xffff;
	v27 =	vand.u32 $0xFFFF0000, v19;
	v28 =	vand.u32 $0xFFFF0000, v20;
	v29 =	vand.u32 $0xFFFF0000, v22  }
0x3c: {  	v19 =	vshll.u32 v19, $0x3;
	v30 =	vand.u32 $0xFFFF0000, v23;
	v31 =	vand.u32 $0xFFFF0000, v24  }
0x3d: {  	v20 =	vshll.u32 v20, $0x3;
	v22 =	vshll.u32 v22, $0x3;
	v23 =	vshll.u32 v23, $0x3  }
0x3e: {  	v24 =	vshll.u32 v24, $0x3;
	v32 =	vshll.u32 v25, $0x3;
	v19 =	vand.u32 $0x1FFF8, v19  }
0x3f: {  	v33 =	vshll.u32 v26, $0x3;
	v20 =	vand.u32 $0x1FFF8, v20;
	v19 =	vor.u32 v0, v19  }
0x40: {  	v18 =	vperm.xlane v18, v1;
	v22 =	vand.u32 $0x1FFF8, v22;
	v20 =	vor.u32 v0, v20  }
0x41: {  	v34 =	vshll.u32 v17, $0x3;
	v23 =	vand.u32 $0x1FFF8, v23;
	v22 =	vor.u32 v0, v22  }
0x42: {  	v35 =	vld [tilespmem:s17+$0xFFFFFFBF];
	v24 =	vand.u32 $0x1FFF8, v24;
	v27 =	vmul.f32 v27, v18;
	v23 =	vor.u32 v0, v23  }
0x43: {  	v21 =	vld.idx.msk [tilespmem:v21+s14+$0x0], $0xffff;
	v32 =	vand.u32 $0x1FFF8, v32;
	v28 =	vmul.f32 v28, v18;
	v24 =	vor.u32 v0, v24  }
0x44: {  	[tilespmem:v19+s3+$0x0] =	vst.idx.add.f32.msk $0xffff, v27;
	v19 =	vmul.f32 v29, v18;
	v27 =	vor.u32 v0, v32;
	v29 =	vand.u32 $0x1FFF8, v33  }
0x45: {  	[tilespmem:v20+s3+$0x0] =	vst.idx.add.f32.msk $0xffff, v28;
	v20 =	vmul.f32 v30, v18;
	v28 =	vor.u32 v0, v29;
	v29 =	vand.u32 $0x1FFF8, v34  }
0x46: {  	[tilespmem:v22+s3+$0x0] =	vst.idx.add.f32.msk $0xffff, v19;
	v19 =	vmul.f32 v31, v18;
	v22 =	vand.u32 $0xFFFF0000, v25;
	v25 =	vor.u32 v0, v29  }
0x47: {  	[tilespmem:v23+s3+$0x0] =	vst.idx.add.f32.msk $0xffff, v20;
	v20 =	vmul.f32 v22, v18;
	v22 =	vand.u32 $0xFFFF0000, v26  }
0x48: {  	v17 =	vand.u32 $0xFFFF0000, v17;
	[tilespmem:v24+s3+$0x0] =	vst.idx.add.f32.msk $0xffff, v19;
	v19 =	vmul.f32 v22, v18  }
0x49: {  	v17 =	vmul.f32 v17, v18;
	[tilespmem:v27+s3+$0x0] =	vst.idx.add.f32.msk $0xffff, v20  }
0x4a: {  	s7 =	simm.s32 $0x41;
	v30 =	vperm.xlane v35, v9;
	[tilespmem:v28+s3+$0x0] =	vst.idx.add.f32.msk $0xffff, v19  }
0x4b: {  	s8 =	sand.u32 $0x3FF, s7;
	v31 =	vperm.xlane v35, v10;
	[tilespmem:v25+s3+$0x0] =	vst.idx.add.f32.msk $0xffff, v17  }
0x4c: {  	v34 =	vshll.u32 v30, $0x3;
	v22 =	vld [tilespmem:s8+$0x16810]  }
0x4d: {  	v30 =	vand.u32 $0xFFFF0000, v30;
	v24 =	vperm.xlane v35, v5;
	v40 =	vshll.u32 v31, $0x3  }
0x4e: {  	v31 =	vand.u32 $0xFFFF0000, v31;
	v34 =	vand.u32 $0x1FFF8, v34;
	v20 =	vperm.xlane v35, v4  }
0x4f: {  	v27 =	vperm.xlane v35, v7;
	v34 =	vor.u32 v0, v34;
	v19 =	vperm.xlane v35, v3  }
0x50: {  	v28 =	vperm.xlane v35, v8;
	v29 =	vshll.u32 v24, $0x3;
	v25 =	vperm.xlane v35, v6  }
0x51: {  	v24 =	vand.u32 $0xFFFF0000, v24;
	v17 =	vperm.xlane v21, v1;
	v62 =	vperm.xlane v22, v3  }
0x52: {  	v26 =	vshll.u32 v20, $0x3;
	v36 =	vperm.xlane v22, v4;
	v37 =	vperm.xlane v22, v5  }
0x53: {  	v32 =	vshll.u32 v27, $0x3;
	v38 =	vperm.xlane v22, v6;
	v39 =	vperm.xlane v22, v7  }
0x54: {  	v20 =	vand.u32 $0xFFFF0000, v20;
	v41 =	vperm.xlane v22, v8;
	v42 =	vperm.xlane v22, v9  }
0x55: {  	v22 =	vperm.xlane v22, v10;
	v43 =	vand.u32 $0xFFFF0000, v62;
	v44 =	vand.u32 $0xFFFF0000, v36  }
0x56: {  	v45 =	vand.u32 $0xFFFF0000, v37;
	v46 =	vand.u32 $0xFFFF0000, v38;
	v47 =	vand.u32 $0xFFFF0000, v39  }
0x57: {  	v35 =	vshll.u32 v62, $0x3;
	v36 =	vshll.u32 v36, $0x3;
	v37 =	vshll.u32 v37, $0x3  }
0x58: {  	v38 =	vshll.u32 v38, $0x3;
	v39 =	vshll.u32 v39, $0x3;
	v35 =	vand.u32 $0x1FFF8, v35  }
0x59: {  	v48 =	vshll.u32 v41, $0x3;
	v36 =	vand.u32 $0x1FFF8, v36;
	v35 =	vor.u32 v0, v35  }
0x5a: {  	v49 =	vshll.u32 v42, $0x3;
	v37 =	vand.u32 $0x1FFF8, v37;
	v36 =	vor.u32 v0, v36  }
0x5b: {  	v50 =	vshll.u32 v22, $0x3;
	v38 =	vand.u32 $0x1FFF8, v38;
	v37 =	vor.u32 v0, v37  }
0x5c: {  	v43 =	vmul.f32 v43, v18;
	v39 =	vand.u32 $0x1FFF8, v39;
	v38 =	vor.u32 v0, v38  }
0x5d: {  	v44 =	vmul.f32 v44, v18;
	v48 =	vand.u32 $0x1FFF8, v48;
	v39 =	vor.u32 v0, v39  }
0x5e: {  	v63 =	vmul.f32 v45, v18;
	v52 =	vand.u32 $0x1FFF8, v49;
	v51 =	vor.u32 v0, v48;
	[tilespmem:v35+s3+$0x0] =	vst.idx.add.f32.msk $0xffff, v43  }
0x5f: {  	v53 =	vmul.f32 v46, v18;
	v55 =	vand.u32 $0x1FFF8, v50;
	v54 =	vor.u32 v0, v52;
	[tilespmem:v36+s3+$0x0] =	vst.idx.add.f32.msk $0xffff, v44  }
0x60: {  	v57 =	vand.u32 $0xFFFF0000, v41;
	v56 =	vmul.f32 v47, v18;
	v58 =	vor.u32 v0, v55;
	[tilespmem:v37+s3+$0x0] =	vst.idx.add.f32.msk $0xffff, v63  }
0x61: {  	v27 =	vand.u32 $0xFFFF0000, v27;
	v60 =	vand.u32 $0xFFFF0000, v42;
	v59 =	vmul.f32 v57, v18;
	[tilespmem:v38+s3+$0x0] =	vst.idx.add.f32.msk $0xffff, v53  }
0x62: {  	v29 =	vand.u32 $0x1FFF8, v29;
	v22 =	vand.u32 $0xFFFF0000, v22;
	v61 =	vmul.f32 v60, v18;
	[tilespmem:v39+s3+$0x0] =	vst.idx.add.f32.msk $0xffff, v56  }
0x63: {  	v23 =	vshll.u32 v19, $0x3;
	v33 =	vshll.u32 v28, $0x3;
	v22 =	vmul.f32 v22, v18;
	[tilespmem:v51+s3+$0x0] =	vst.idx.add.f32.msk $0xffff, v59  }
0x64: {  	v19 =	vand.u32 $0xFFFF0000, v19;
	v28 =	vand.u32 $0xFFFF0000, v28;
	v26 =	vand.u32 $0x1FFF8, v26;
	[tilespmem:v54+s3+$0x0] =	vst.idx.add.f32.msk $0xffff, v61  }
0x65: {  	v32 =	vand.u32 $0x1FFF8, v32;
	v29 =	vor.u32 v0, v29;
	v21 =	vshll.u32 v25, $0x3;
	[tilespmem:v58+s3+$0x0] =	vst.idx.add.f32.msk $0xffff, v22  }
0x66: {  	v25 =	vand.u32 $0xFFFF0000, v25;
	v23 =	vand.u32 $0x1FFF8, v23;
	v22 =	vmul.f32 v24, v17;
	v24 =	vld [tilespmem:s8+$0x16820]  }
0x67: {  	v19 =	vmul.f32 v19, v17;
	v20 =	vmul.f32 v20, v17;
	v23 =	vor.u32 v0, v23  }
0x68: {  	v27 =	vmul.f32 v27, v17;
	v28 =	vmul.f32 v28, v17;
	v26 =	vor.u32 v0, v26  }
0x69: {  	v33 =	vand.u32 $0x1FFF8, v33;
	v30 =	vmul.f32 v30, v17;
	v31 =	vmul.f32 v31, v17  }
0x6a: {  	v32 =	vor.u32 v0, v32;
	v21 =	vand.u32 $0x1FFF8, v21;
	v25 =	vmul.f32 v25, v17  }
0x6b: {  	v33 =	vor.u32 v0, v33;
	v21 =	vor.u32 v0, v21;
	v63 =	vperm.xlane v24, v3  }
0x6c: {  	[tilespmem:v23+s3+$0x0] =	vst.idx.add.f32.msk $0xffff, v19;
	v45 =	vperm.xlane v24, v4;
	v46 =	vperm.xlane v24, v5  }
0x6d: {  	v62 =	vand.u32 $0x1FFF8, v40;
	[tilespmem:v26+s3+$0x0] =	vst.idx.add.f32.msk $0xffff, v20;
	v47 =	vperm.xlane v24, v6;
	v48 =	vperm.xlane v24, v7  }
0x6e: {  	v35 =	vor.u32 v0, v62;
	v49 =	vperm.xlane v24, v8;
	v50 =	vperm.xlane v24, v9  }
0x6f: {  	[tilespmem:v29+s3+$0x0] =	vst.idx.add.f32.msk $0xffff, v22;
	v24 =	vperm.xlane v24, v10;
	v19 =	vand.u32 $0xFFFF0000, v63;
	v23 =	vand.u32 $0xFFFF0000, v45  }
0x70: {  	[tilespmem:v21+s3+$0x0] =	vst.idx.add.f32.msk $0xffff, v25;
	v20 =	vand.u32 $0xFFFF0000, v46;
	v26 =	vand.u32 $0xFFFF0000, v47;
	v51 =	vand.u32 $0xFFFF0000, v48  }
0x71: {  	[tilespmem:v32+s3+$0x0] =	vst.idx.add.f32.msk $0xffff, v27;
	v22 =	vshll.u32 v63, $0x3;
	v29 =	vshll.u32 v45, $0x3;
	v52 =	vshll.u32 v46, $0x3  }
0x72: {  	[tilespmem:v33+s3+$0x0] =	vst.idx.add.f32.msk $0xffff, v28;
	v25 =	vshll.u32 v48, $0x3;
	v53 =	vshll.u32 v50, $0x3;
	v21 =	vand.u32 $0x1FFF8, v22  }
0x73: {  	[tilespmem:v34+s3+$0x0] =	vst.idx.add.f32.msk $0xffff, v30;
	v30 =	vshll.u32 v24, $0x3;
	v27 =	vand.u32 $0x1FFF8, v29;
	v21 =	vor.u32 v0, v21  }
0x74: {  	v22 =	vshll.u32 v47, $0x3;
	v28 =	vand.u32 $0x1FFF8, v52;
	v27 =	vor.u32 v0, v27  }
0x75: {  	s12 =	simm.s32 $0x0;
	v29 =	vshll.u32 v49, $0x3;
	v28 =	vor.u32 v0, v28;
	v22 =	vand.u32 $0x1FFF8, v22  }
0x76: {  	s1 =	sand.u32 $0x3FE, s12;
	[tilespmem:v35+s3+$0x0] =	vst.idx.add.f32.msk $0xffff, v31;
	v19 =	vmul.f32 v19, v18;
	v25 =	vand.u32 $0x1FFF8, v25;
	v22 =	vor.u32 v0, v22  }
0x77: {  	v31 =	vld [tilespmem:s1+$0x16810];
	v23 =	vmul.f32 v23, v18;
	v25 =	vor.u32 v0, v25;
	v29 =	vand.u32 $0x1FFF8, v29  }
0x78: {  	[tilespmem:v21+s3+$0x0] =	vst.idx.add.f32.msk $0xffff, v19;
	v19 =	vmul.f32 v20, v18;
	v20 =	vor.u32 v0, v29;
	v21 =	vand.u32 $0x1FFF8, v53  }
0x79: {  	[tilespmem:v27+s3+$0x0] =	vst.idx.add.f32.msk $0xffff, v23;
	v23 =	vmul.f32 v26, v18;
	v21 =	vor.u32 v0, v21;
	v26 =	vand.u32 $0x1FFF8, v30  }
0x7a: {  	v27 =	vand.u32 $0xFFFF0000, v49;
	[tilespmem:v28+s3+$0x0] =	vst.idx.add.f32.msk $0xffff, v19;
	v19 =	vmul.f32 v51, v18;
	v26 =	vor.u32 v0, v26  }
0x7b: {  	[tilespmem:v22+s3+$0x0] =	vst.idx.add.f32.msk $0xffff, v23;
	v22 =	vmul.f32 v27, v18;
	v23 =	vand.u32 $0xFFFF0000, v50  }
0x7c: {  	[tilespmem:v25+s3+$0x0] =	vst.idx.add.f32.msk $0xffff, v19;
	v19 =	vmul.f32 v23, v18;
	v23 =	vand.u32 $0xFFFF0000, v24  }
0x7d: {  	[tilespmem:v20+s3+$0x0] =	vst.idx.add.f32.msk $0xffff, v22;
	v20 =	vmul.f32 v23, v18  }
0x7e: {  	v29 =	vperm.xlane v31, v9;
	[tilespmem:v21+s3+$0x0] =	vst.idx.add.f32.msk $0xffff, v19  }
0x7f: {  	v28 =	vperm.xlane v31, v8;
	[tilespmem:v26+s3+$0x0] =	vst.idx.add.f32.msk $0xffff, v20  }
0x80: {  	v34 =	vshll.u32 v29, $0x3;
	v25 =	vperm.xlane v31, v6;
	v23 =	vld [tilespmem:s8+$0x16830]  }
0x81: {  	v34 =	vand.u32 $0x1FFF8, v34;
	v33 =	vshll.u32 v28, $0x3;
	v22 =	vperm.xlane v31, v3  }
0x82: {  	v19 =	vperm.xlane v31, v4;
	v21 =	vperm.xlane v31, v5;
	v30 =	vshll.u32 v25, $0x3  }
0x83: {  	v25 =	vand.u32 $0xFFFF0000, v25;
	v20 =	vshll.u32 v22, $0x3;
	v26 =	vperm.xlane v31, v7  }
0x84: {  	v31 =	vperm.xlane v31, v10;
	v22 =	vand.u32 $0xFFFF0000, v22;
	v30 =	vand.u32 $0x1FFF8, v30  }
0x85: {  	v24 =	vshll.u32 v19, $0x3;
	v27 =	vshll.u32 v21, $0x3;
	v54 =	vperm.xlane v23, v3  }
0x86: {  	v20 =	vand.u32 $0x1FFF8, v20;
	v55 =	vperm.xlane v23, v4;
	v56 =	vperm.xlane v23, v5  }
0x87: {  	v24 =	vand.u32 $0x1FFF8, v24;
	v57 =	vperm.xlane v23, v6;
	v58 =	vperm.xlane v23, v7  }
0x88: {  	v20 =	vor.u32 v0, v20;
	v41 =	vperm.xlane v23, v8;
	v42 =	vperm.xlane v23, v9  }
0x89: {  	v23 =	vperm.xlane v23, v10;
	v59 =	vand.u32 $0xFFFF0000, v54;
	v60 =	vand.u32 $0xFFFF0000, v55  }
0x8a: {  	v61 =	vand.u32 $0xFFFF0000, v56;
	v62 =	vand.u32 $0xFFFF0000, v57;
	v63 =	vand.u32 $0xFFFF0000, v58  }
0x8b: {  	v35 =	vshll.u32 v54, $0x3;
	v37 =	vshll.u32 v55, $0x3;
	v38 =	vshll.u32 v56, $0x3  }
0x8c: {  	v39 =	vshll.u32 v57, $0x3;
	v40 =	vshll.u32 v58, $0x3;
	v35 =	vand.u32 $0x1FFF8, v35  }
0x8d: {  	v52 =	vshll.u32 v41, $0x3;
	v37 =	vand.u32 $0x1FFF8, v37;
	v35 =	vor.u32 v0, v35  }
0x8e: {  	v53 =	vshll.u32 v42, $0x3;
	v38 =	vand.u32 $0x1FFF8, v38;
	v37 =	vor.u32 v0, v37  }
0x8f: {  	v54 =	vshll.u32 v23, $0x3;
	v39 =	vand.u32 $0x1FFF8, v39;
	v38 =	vor.u32 v0, v38  }
0x90: {  	v43 =	vmul.f32 v59, v18;
	v40 =	vand.u32 $0x1FFF8, v40;
	v39 =	vor.u32 v0, v39  }
0x91: {  	v44 =	vmul.f32 v60, v18;
	v48 =	vand.u32 $0x1FFF8, v52;
	v40 =	vor.u32 v0, v40  }
0x92: {  	v55 =	vmul.f32 v61, v18;
	v57 =	vand.u32 $0x1FFF8, v53;
	v56 =	vor.u32 v0, v48;
	[tilespmem:v35+s3+$0x0] =	vst.idx.add.f32.msk $0xffff, v43  }
0x93: {  	v58 =	vmul.f32 v62, v18;
	v60 =	vand.u32 $0x1FFF8, v54;
	v59 =	vor.u32 v0, v57;
	[tilespmem:v37+s3+$0x0] =	vst.idx.add.f32.msk $0xffff, v44  }
0x94: {  	v61 =	vmul.f32 v63, v18;
	v62 =	vand.u32 $0xFFFF0000, v41;
	v63 =	vor.u32 v0, v60;
	[tilespmem:v38+s3+$0x0] =	vst.idx.add.f32.msk $0xffff, v55  }
0x95: {  	v27 =	vand.u32 $0x1FFF8, v27;
	v46 =	vand.u32 $0xFFFF0000, v42;
	v45 =	vmul.f32 v62, v18;
	[tilespmem:v39+s3+$0x0] =	vst.idx.add.f32.msk $0xffff, v58  }
0x96: {  	v24 =	vor.u32 v0, v24;
	v23 =	vand.u32 $0xFFFF0000, v23;
	v47 =	vmul.f32 v46, v18;
	[tilespmem:v40+s3+$0x0] =	vst.idx.add.f32.msk $0xffff, v61  }
0x97: {  	v19 =	vand.u32 $0xFFFF0000, v19;
	v27 =	vor.u32 v0, v27;
	v23 =	vmul.f32 v23, v18;
	[tilespmem:v56+s3+$0x0] =	vst.idx.add.f32.msk $0xffff, v45  }
0x98: {  	v21 =	vand.u32 $0xFFFF0000, v21;
	v22 =	vmul.f32 v22, v17;
	v32 =	vshll.u32 v26, $0x3;
	[tilespmem:v59+s3+$0x0] =	vst.idx.add.f32.msk $0xffff, v47  }
0x99: {  	v19 =	vmul.f32 v19, v17;
	v32 =	vand.u32 $0x1FFF8, v32;
	[tilespmem:v63+s3+$0x0] =	vst.idx.add.f32.msk $0xffff, v23;
	v23 =	vor.u32 v0, v30  }
0x9a: {  	v21 =	vmul.f32 v21, v17;
	v32 =	vor.u32 v0, v32;
	[tilespmem:v20+s3+$0x0] =	vst.idx.add.f32.msk $0xffff, v22;
	v30 =	vand.u32 $0x1FFF8, v33  }
0x9b: {  	v36 =	vshll.u32 v31, $0x3;
	v26 =	vand.u32 $0xFFFF0000, v26;
	[tilespmem:v24+s3+$0x0] =	vst.idx.add.f32.msk $0xffff, v19;
	v30 =	vor.u32 v0, v30  }
0x9c: {  	v20 =	vand.u32 $0x1FFF8, v36;
	v22 =	vmul.f32 v25, v17;
	v25 =	vor.u32 v0, v34;
	[tilespmem:v27+s3+$0x0] =	vst.idx.add.f32.msk $0xffff, v21  }
0x9d: {  	v19 =	vand.u32 $0xFFFF0000, v28;
	v24 =	vmul.f32 v26, v17;
	v20 =	vor.u32 v0, v20;
	v48 =	vld [tilespmem:s8+$0x16838]  }
0x9e: {  	v21 =	vand.u32 $0xFFFF0000, v29;
	v19 =	vmul.f32 v19, v17;
	[tilespmem:v23+s3+$0x0] =	vst.idx.add.f32.msk $0xffff, v22  }
0x9f: {  	v21 =	vmul.f32 v21, v17;
	v22 =	vand.u32 $0xFFFF0000, v31;
	[tilespmem:v32+s3+$0x0] =	vst.idx.add.f32.msk $0xffff, v24  }
0xa0: {  	v22 =	vmul.f32 v22, v17;
	[tilespmem:v30+s3+$0x0] =	vst.idx.add.f32.msk $0xffff, v19  }
0xa1: {  	[tilespmem:v25+s3+$0x0] =	vst.idx.add.f32.msk $0xffff, v21  }
0xa2: {  	[tilespmem:v20+s3+$0x0] =	vst.idx.add.f32.msk $0xffff, v22  }
0xa3: {  	v19 =	vld [tilespmem:s1+$0x16820]  }
0xa4: {  	v20 =	vperm.xlane v48, v11  }
0xa5: {  	s17 =	sadd.s32 $0x0, s31  }
0xa6: {  	s7 =	sadd.s32 $0x2, s17;
	v21 =	vshll.u32 v20, $0x3;
	v20 =	vand.u32 $0xFFFF0000, v20  }
0xa7: {  	v55 =	vmov s7;
	v18 =	vmul.f32 v20, v18  }
0xa8: {  	v36 =	vand.u32 $0x3EE, v55;
	v23 =	vperm.xlane v19, v3  }
0xa9: {  	v36 =	vadd.s32 v2, v36;
	[tilespmem:$0x1FF90] =	vst v18;
	v18 =	vperm.xlane v19, v4;
	v20 =	vperm.xlane v19, v5  }
0xaa: {  	v21 =	vand.u32 $0x1FFF8, v21;
	v24 =	vperm.xlane v19, v6;
	v26 =	vperm.xlane v19, v7  }
0xab: {  	v13 =	vor.u32 v0, v21;
	v27 =	vperm.xlane v19, v8;
	v29 =	vperm.xlane v19, v9  }
0xac: {  	v19 =	vperm.xlane v19, v10;
	v25 =	vshll.u32 v23, $0x3;
	v28 =	vshll.u32 v18, $0x3  }
0xad: {  	v30 =	vshll.u32 v20, $0x3;
	v31 =	vshll.u32 v24, $0x3;
	v49 =	vshll.u32 v26, $0x3  }
0xae: {  	v50 =	vshll.u32 v27, $0x3;
	v51 =	vshll.u32 v29, $0x3;
	v35 =	vshll.u32 v19, $0x3  }
0xaf: {  	v23 =	vand.u32 $0xFFFF0000, v23;
	v18 =	vand.u32 $0xFFFF0000, v18;
	v20 =	vand.u32 $0xFFFF0000, v20  }
0xb0: {  	v24 =	vand.u32 $0xFFFF0000, v24;
	v52 =	vand.u32 $0xFFFF0000, v26;
	v27 =	vand.u32 $0xFFFF0000, v27  }
0xb1: {  	v29 =	vand.u32 $0xFFFF0000, v29;
	v19 =	vand.u32 $0xFFFF0000, v19;
	v25 =	vand.u32 $0x1FFF8, v25  }
0xb2: {  	s13 =	simm.s32 $0x168C3;
	[tilespmem:$0x1FFA0] =	vst v13;
	v28 =	vand.u32 $0x1FFF8, v28;
	v30 =	vand.u32 $0x1FFF8, v30;
	v31 =	vand.u32 $0x1FFF8, v31  }
0xb3: {  	v32 =	vand.u32 $0x1FFF8, v49;
	v37 =	vmul.f32 v23, v17;
	v38 =	vmul.f32 v18, v17;
	v18 =	vld [tilespmem:s13+$0x0]  }
0xb4: {  	s12 =	sadd.s32 $0x3, s17;
	v33 =	vand.u32 $0x1FFF8, v50;
	v40 =	vmul.f32 v20, v17;
	v26 =	vmul.f32 v24, v17  }
0xb5: {  	v24 =	vmul.f32 v27, v17;
	v27 =	vor.u32 v0, v30;
	v30 =	vmov s12  }
0xb6: {  	v23 =	vmul.f32 v29, v17;
	v20 =	vmul.f32 v19, v17;
	v19 =	vand.u32 $0x3EF, v30  }
0xb7: {  	v39 =	vor.u32 v0, v25;
	v25 =	vmul.f32 v52, v17;
	v19 =	vadd.s32 v2, v19  }
0xb8: {  	v34 =	vand.u32 $0x1FFF8, v51;
	v53 =	vperm.xlane v18, v3;
	v54 =	vperm.xlane v18, v4  }
0xb9: {  	v29 =	vor.u32 v0, v31;
	v56 =	vperm.xlane v18, v5;
	v61 =	vperm.xlane v18, v6  }
0xba: {  	v31 =	vor.u32 v0, v33;
	v62 =	vperm.xlane v18, v7;
	v44 =	vperm.xlane v18, v8  }
0xbb: {  	v30 =	vor.u32 v0, v32;
	v45 =	vperm.xlane v18, v9;
	v18 =	vperm.xlane v18, v10  }
0xbc: {  	v63 =	vand.u32 $0xFFFF0000, v53;
	v57 =	vand.u32 $0xFFFF0000, v54;
	v58 =	vand.u32 $0xFFFF0000, v56;
	v19 =	vld.idx.msk [tilespmem:v19+s14+$0x0], $0xffff  }
0xbd: {  	v32 =	vshll.u32 v53, $0x3;
	v59 =	vand.u32 $0xFFFF0000, v61;
	v60 =	vand.u32 $0xFFFF0000, v62  }
0xbe: {  	v33 =	vshll.u32 v54, $0x3;
	v41 =	vshll.u32 v56, $0x3;
	v42 =	vshll.u32 v61, $0x3  }
0xbf: {  	v43 =	vshll.u32 v62, $0x3;
	v51 =	vshll.u32 v44, $0x3;
	v32 =	vand.u32 $0x1FFF8, v32  }
0xc0: {  	v52 =	vshll.u32 v45, $0x3;
	v33 =	vand.u32 $0x1FFF8, v33;
	v32 =	vor.u32 v0, v32  }
0xc1: {  	v41 =	vand.u32 $0x1FFF8, v41;
	v33 =	vor.u32 v0, v33;
	v19 =	vperm.xlane v19, v1  }
0xc2: {  	v53 =	vshll.u32 v18, $0x3;
	v42 =	vand.u32 $0x1FFF8, v42;
	v41 =	vor.u32 v0, v41  }
0xc3: {  	v36 =	vld.idx.msk [tilespmem:v36+s14+$0x0], $0xffff;
	v43 =	vand.u32 $0x1FFF8, v43;
	v42 =	vor.u32 v0, v42;
	v46 =	vmul.f32 v63, v19  }
0xc4: {  	v54 =	vld [tilespmem:s13+$0xFFFFFFBF];
	v51 =	vand.u32 $0x1FFF8, v51;
	v43 =	vor.u32 v0, v43;
	v47 =	vmul.f32 v57, v19  }
0xc5: {  	v62 =	vand.u32 $0x1FFF8, v52;
	v61 =	vmul.f32 v58, v19;
	[tilespmem:v32+s3+$0x0] =	vst.idx.add.f32.msk $0xffff, v46;
	v46 =	vor.u32 v0, v51  }
0xc6: {  	v52 =	vor.u32 v0, v62;
	v63 =	vmul.f32 v59, v19;
	v57 =	vand.u32 $0x1FFF8, v53;
	[tilespmem:v33+s3+$0x0] =	vst.idx.add.f32.msk $0xffff, v47  }
0xc7: {  	v58 =	vmul.f32 v60, v19;
	v59 =	vand.u32 $0xFFFF0000, v44;
	v60 =	vor.u32 v0, v57;
	[tilespmem:v41+s3+$0x0] =	vst.idx.add.f32.msk $0xffff, v61  }
0xc8: {  	v28 =	vor.u32 v0, v28;
	v62 =	vand.u32 $0xFFFF0000, v45;
	v61 =	vmul.f32 v59, v19;
	[tilespmem:v42+s3+$0x0] =	vst.idx.add.f32.msk $0xffff, v63  }
0xc9: {  	v34 =	vor.u32 v0, v34;
	v18 =	vand.u32 $0xFFFF0000, v18;
	v55 =	vmul.f32 v62, v19;
	[tilespmem:v43+s3+$0x0] =	vst.idx.add.f32.msk $0xffff, v58  }
0xca: {  	v18 =	vmul.f32 v18, v19;
	v62 =	vperm.xlane v54, v10;
	[tilespmem:v46+s3+$0x0] =	vst.idx.add.f32.msk $0xffff, v61  }
0xcb: {  	s7 =	simm.s32 $0xC3;
	v35 =	vand.u32 $0x1FFF8, v35;
	v56 =	vperm.xlane v54, v4;
	v57 =	vperm.xlane v54, v5;
	[tilespmem:v52+s3+$0x0] =	vst.idx.add.f32.msk $0xffff, v55  }
0xcc: {  	s4 =	sand.u32 $0x3FF, s7;
	v50 =	vand.u32 $0xFFFF0000, v62;
	v33 =	vor.u32 v0, v35;
	v59 =	vperm.xlane v54, v7;
	[tilespmem:v60+s3+$0x0] =	vst.idx.add.f32.msk $0xffff, v18  }
0xcd: {  	v35 =	vand.u32 $0xFFFF0000, v57;
	v41 =	vand.u32 $0xFFFF0000, v56;
	v63 =	vperm.xlane v54, v3;
	v48 =	vld [tilespmem:s4+$0x16810]  }
0xce: {  	v43 =	vshll.u32 v56, $0x3;
	v58 =	vperm.xlane v54, v6;
	v51 =	vshll.u32 v59, $0x3  }
0xcf: {  	v44 =	vand.u32 $0xFFFF0000, v59;
	v32 =	vshll.u32 v63, $0x3;
	v46 =	vshll.u32 v57, $0x3  }
0xd0: {  	v61 =	vperm.xlane v54, v9;
	v42 =	vand.u32 $0xFFFF0000, v63;
	v45 =	vand.u32 $0xFFFF0000, v58  }
0xd1: {  	v60 =	vperm.xlane v54, v8;
	v18 =	vperm.xlane v36, v1;
	v36 =	vshll.u32 v58, $0x3  }
0xd2: {  	v53 =	vshll.u32 v61, $0x3;
	v54 =	vshll.u32 v62, $0x3;
	v55 =	vperm.xlane v48, v3  }
0xd3: {  	v49 =	vand.u32 $0xFFFF0000, v61;
	v56 =	vperm.xlane v48, v4;
	v57 =	vperm.xlane v48, v5  }
0xd4: {  	v52 =	vshll.u32 v60, $0x3;
	v58 =	vperm.xlane v48, v6;
	v59 =	vperm.xlane v48, v7  }
0xd5: {  	[tilespmem:v39+s3+$0x0] =	vst.idx.add.f32.msk $0xffff, v37;
	v47 =	vand.u32 $0xFFFF0000, v60;
	v60 =	vperm.xlane v48, v8;
	v61 =	vperm.xlane v48, v9  }
0xd6: {  	[tilespmem:v28+s3+$0x0] =	vst.idx.add.f32.msk $0xffff, v38;
	v48 =	vperm.xlane v48, v10;
	v37 =	vand.u32 $0xFFFF0000, v55;
	v39 =	vand.u32 $0xFFFF0000, v56  }
0xd7: {  	[tilespmem:v27+s3+$0x0] =	vst.idx.add.f32.msk $0xffff, v40;
	v28 =	vand.u32 $0xFFFF0000, v57;
	v38 =	vand.u32 $0xFFFF0000, v58;
	v62 =	vand.u32 $0xFFFF0000, v59  }
0xd8: {  	[tilespmem:v29+s3+$0x0] =	vst.idx.add.f32.msk $0xffff, v26;
	v27 =	vshll.u32 v55, $0x3;
	v63 =	vshll.u32 v56, $0x3;
	v57 =	vshll.u32 v57, $0x3  }
0xd9: {  	[tilespmem:v30+s3+$0x0] =	vst.idx.add.f32.msk $0xffff, v25;
	v29 =	vshll.u32 v59, $0x3;
	v30 =	vshll.u32 v60, $0x3;
	v26 =	vand.u32 $0x1FFF8, v27  }
0xda: {  	[tilespmem:v31+s3+$0x0] =	vst.idx.add.f32.msk $0xffff, v24;
	v31 =	vshll.u32 v61, $0x3;
	v25 =	vor.u32 v0, v26;
	v26 =	vand.u32 $0x1FFF8, v63  }
0xdb: {  	v27 =	vshll.u32 v58, $0x3;
	v24 =	vor.u32 v0, v26;
	v26 =	vand.u32 $0x1FFF8, v57  }
0xdc: {  	[tilespmem:v34+s3+$0x0] =	vst.idx.add.f32.msk $0xffff, v23;
	v58 =	vmul.f32 v37, v19;
	v23 =	vor.u32 v0, v26;
	v26 =	vand.u32 $0x1FFF8, v27  }
0xdd: {  	[tilespmem:v33+s3+$0x0] =	vst.idx.add.f32.msk $0xffff, v20;
	v29 =	vand.u32 $0x1FFF8, v29;
	v59 =	vmul.f32 v39, v19;
	v26 =	vor.u32 v0, v26  }
0xde: {  	v20 =	vld [tilespmem:s1+$0x16830];
	v30 =	vand.u32 $0x1FFF8, v30;
	v29 =	vor.u32 v0, v29;
	v27 =	vshll.u32 v48, $0x3  }
0xdf: {  	[tilespmem:v25+s3+$0x0] =	vst.idx.add.f32.msk $0xffff, v58;
	v25 =	vmul.f32 v28, v19;
	v28 =	vor.u32 v0, v30;
	v30 =	vand.u32 $0x1FFF8, v31  }
0xe0: {  	v27 =	vand.u32 $0x1FFF8, v27;
	[tilespmem:v24+s3+$0x0] =	vst.idx.add.f32.msk $0xffff, v59;
	v24 =	vmul.f32 v38, v19;
	v30 =	vor.u32 v0, v30  }
0xe1: {  	v27 =	vor.u32 v0, v27;
	[tilespmem:v23+s3+$0x0] =	vst.idx.add.f32.msk $0xffff, v25;
	v23 =	vmul.f32 v62, v19;
	v25 =	vand.u32 $0xFFFF0000, v60  }
0xe2: {  	[tilespmem:v26+s3+$0x0] =	vst.idx.add.f32.msk $0xffff, v24;
	v24 =	vmul.f32 v25, v19;
	v25 =	vand.u32 $0xFFFF0000, v61  }
0xe3: {  	[tilespmem:v29+s3+$0x0] =	vst.idx.add.f32.msk $0xffff, v23;
	v23 =	vmul.f32 v25, v19;
	v25 =	vand.u32 $0xFFFF0000, v48  }
0xe4: {  	v42 =	vmul.f32 v42, v18;
	[tilespmem:v28+s3+$0x0] =	vst.idx.add.f32.msk $0xffff, v24;
	v24 =	vmul.f32 v25, v19  }
0xe5: {  	v33 =	vmul.f32 v35, v18;
	v34 =	vmul.f32 v45, v18;
	[tilespmem:v30+s3+$0x0] =	vst.idx.add.f32.msk $0xffff, v23  }
0xe6: {  	v54 =	vand.u32 $0x1FFF8, v54;
	v35 =	vmul.f32 v47, v18;
	v39 =	vmul.f32 v50, v18;
	[tilespmem:v27+s3+$0x0] =	vst.idx.add.f32.msk $0xffff, v24  }
0xe7: {  	v31 =	vand.u32 $0x1FFF8, v32;
	v32 =	vmul.f32 v41, v18;
	v41 =	vor.u32 v0, v54;
	v38 =	vld [tilespmem:s4+$0x16820]  }
0xe8: {  	v31 =	vor.u32 v0, v31;
	v62 =	vand.u32 $0x1FFF8, v53;
	v26 =	vand.u32 $0x1FFF8, v43  }
0xe9: {  	v37 =	vor.u32 v0, v62;
	v29 =	vand.u32 $0x1FFF8, v46;
	v63 =	vor.u32 v0, v26  }
0xea: {  	v26 =	vperm.xlane v20, v7;
	v25 =	vand.u32 $0x1FFF8, v36;
	v36 =	vmul.f32 v49, v18  }
0xeb: {  	v55 =	vor.u32 v0, v29;
	v29 =	vperm.xlane v20, v3;
	v23 =	vand.u32 $0x1FFF8, v51  }
0xec: {  	v30 =	vmul.f32 v44, v18;
	v56 =	vor.u32 v0, v25;
	v58 =	vperm.xlane v38, v3  }
0xed: {  	[tilespmem:v31+s3+$0x0] =	vst.idx.add.f32.msk $0xffff, v42;
	v24 =	vand.u32 $0x1FFF8, v52;
	v59 =	vperm.xlane v38, v4;
	v60 =	vperm.xlane v38, v5  }
0xee: {  	v57 =	vor.u32 v0, v23;
	v61 =	vperm.xlane v38, v6;
	v62 =	vperm.xlane v38, v7  }
0xef: {  	v46 =	vor.u32 v0, v24;
	v31 =	vperm.xlane v38, v8;
	v42 =	vperm.xlane v38, v9  }
0xf0: {  	[tilespmem:v63+s3+$0x0] =	vst.idx.add.f32.msk $0xffff, v32;
	v38 =	vperm.xlane v38, v10;
	v32 =	vand.u32 $0xFFFF0000, v58;
	v40 =	vand.u32 $0xFFFF0000, v59  }
0xf1: {  	[tilespmem:v55+s3+$0x0] =	vst.idx.add.f32.msk $0xffff, v33;
	v63 =	vand.u32 $0xFFFF0000, v60;
	v43 =	vand.u32 $0xFFFF0000, v61;
	v52 =	vand.u32 $0xFFFF0000, v62  }
0xf2: {  	[tilespmem:v56+s3+$0x0] =	vst.idx.add.f32.msk $0xffff, v34;
	v53 =	vshll.u32 v58, $0x3;
	v54 =	vshll.u32 v59, $0x3;
	v55 =	vshll.u32 v60, $0x3  }
0xf3: {  	[tilespmem:v57+s3+$0x0] =	vst.idx.add.f32.msk $0xffff, v30;
	v56 =	vshll.u32 v61, $0x3;
	v57 =	vshll.u32 v62, $0x3;
	v30 =	vand.u32 $0x1FFF8, v53  }
0xf4: {  	v59 =	vshll.u32 v31, $0x3;
	v58 =	vand.u32 $0x1FFF8, v54;
	v30 =	vor.u32 v0, v30  }
0xf5: {  	[tilespmem:v46+s3+$0x0] =	vst.idx.add.f32.msk $0xffff, v35;
	v61 =	vshll.u32 v42, $0x3;
	v60 =	vand.u32 $0x1FFF8, v55;
	v35 =	vor.u32 v0, v58  }
0xf6: {  	s8 =	simm.s32 $0x82;
	[tilespmem:v37+s3+$0x0] =	vst.idx.add.f32.msk $0xffff, v36;
	v62 =	vshll.u32 v38, $0x3;
	v34 =	vand.u32 $0x1FFF8, v56;
	v36 =	vor.u32 v0, v60  }
0xf7: {  	s13 =	sand.u32 $0x3FE, s8;
	[tilespmem:v41+s3+$0x0] =	vst.idx.add.f32.msk $0xffff, v39;
	v32 =	vmul.f32 v32, v19;
	v45 =	vand.u32 $0x1FFF8, v57;
	v34 =	vor.u32 v0, v34  }
0xf8: {  	v41 =	vld [tilespmem:s13+$0x16810];
	v40 =	vmul.f32 v40, v19;
	v44 =	vand.u32 $0x1FFF8, v59;
	v45 =	vor.u32 v0, v45  }
0xf9: {  	v37 =	vand.u32 $0x1FFF8, v61;
	[tilespmem:v30+s3+$0x0] =	vst.idx.add.f32.msk $0xffff, v32;
	v30 =	vmul.f32 v63, v19;
	v63 =	vor.u32 v0, v44  }
0xfa: {  	v46 =	vand.u32 $0x1FFF8, v62;
	v33 =	vor.u32 v0, v37;
	v44 =	vmul.f32 v43, v19;
	[tilespmem:v35+s3+$0x0] =	vst.idx.add.f32.msk $0xffff, v40  }
0xfb: {  	v31 =	vand.u32 $0xFFFF0000, v31;
	v47 =	vor.u32 v0, v46;
	[tilespmem:v36+s3+$0x0] =	vst.idx.add.f32.msk $0xffff, v30;
	v30 =	vmul.f32 v52, v19  }
0xfc: {  	v28 =	vperm.xlane v20, v4;
	v49 =	vand.u32 $0xFFFF0000, v42;
	v31 =	vmul.f32 v31, v19;
	[tilespmem:v34+s3+$0x0] =	vst.idx.add.f32.msk $0xffff, v44  }
0xfd: {  	v27 =	vperm.xlane v20, v5;
	v38 =	vand.u32 $0xFFFF0000, v38;
	v34 =	vmul.f32 v49, v19;
	[tilespmem:v45+s3+$0x0] =	vst.idx.add.f32.msk $0xffff, v30  }
0xfe: {  	v48 =	vperm.xlane v41, v3;
	v52 =	vmul.f32 v38, v19;
	[tilespmem:v63+s3+$0x0] =	vst.idx.add.f32.msk $0xffff, v31  }
0xff: {  	v50 =	vperm.xlane v41, v4;
	v51 =	vperm.xlane v41, v5;
	[tilespmem:v33+s3+$0x0] =	vst.idx.add.f32.msk $0xffff, v34  }
0x100: {  	v54 =	vperm.xlane v41, v6;
	v56 =	vperm.xlane v41, v7;
	[tilespmem:v47+s3+$0x0] =	vst.idx.add.f32.msk $0xffff, v52  }
0x101: {  	v23 =	vshll.u32 v29, $0x3;
	v58 =	vperm.xlane v41, v8;
	v59 =	vperm.xlane v41, v9;
	v61 =	vld [tilespmem:s4+$0x16830]  }
0x102: {  	v53 =	vshll.u32 v48, $0x3;
	v55 =	vshll.u32 v50, $0x3;
	v57 =	vshll.u32 v51, $0x3  }
0x103: {  	v60 =	vshll.u32 v54, $0x3;
	v46 =	vshll.u32 v58, $0x3;
	v35 =	vand.u32 $0xFFFF0000, v50  }
0x104: {  	v39 =	vand.u32 $0xFFFF0000, v51;
	v40 =	vand.u32 $0xFFFF0000, v54;
	v32 =	vand.u32 $0xFFFF0000, v58  }
0x105: {  	v38 =	vand.u32 $0x1FFF8, v53;
	v36 =	vand.u32 $0xFFFF0000, v59;
	v42 =	vand.u32 $0x1FFF8, v57  }
0x106: {  	v43 =	vand.u32 $0x1FFF8, v60;
	v45 =	vshll.u32 v56, $0x3;
	v49 =	vperm.xlane v61, v3  }
0x107: {  	v34 =	vand.u32 $0xFFFF0000, v56;
	v50 =	vperm.xlane v61, v4;
	v51 =	vperm.xlane v61, v5  }
0x108: {  	v33 =	vand.u32 $0x1FFF8, v55;
	v52 =	vperm.xlane v61, v6;
	v53 =	vperm.xlane v61, v7  }
0x109: {  	v47 =	vshll.u32 v59, $0x3;
	v54 =	vperm.xlane v61, v8;
	v55 =	vperm.xlane v61, v9  }
0x10a: {  	v44 =	vperm.xlane v61, v10;
	v56 =	vand.u32 $0xFFFF0000, v49;
	v57 =	vand.u32 $0xFFFF0000, v50  }
0x10b: {  	v58 =	vand.u32 $0xFFFF0000, v51;
	v59 =	vand.u32 $0xFFFF0000, v52;
	v60 =	vand.u32 $0xFFFF0000, v53  }
0x10c: {  	v49 =	vshll.u32 v49, $0x3;
	v50 =	vshll.u32 v50, $0x3;
	v51 =	vshll.u32 v51, $0x3  }
0x10d: {  	v52 =	vshll.u32 v52, $0x3;
	v53 =	vshll.u32 v53, $0x3;
	v49 =	vand.u32 $0x1FFF8, v49  }
0x10e: {  	v61 =	vshll.u32 v54, $0x3;
	v50 =	vand.u32 $0x1FFF8, v50;
	v49 =	vor.u32 v0, v49  }
0x10f: {  	v62 =	vshll.u32 v55, $0x3;
	v51 =	vand.u32 $0x1FFF8, v51;
	v50 =	vor.u32 v0, v50  }
0x110: {  	v63 =	vshll.u32 v44, $0x3;
	v52 =	vand.u32 $0x1FFF8, v52;
	v51 =	vor.u32 v0, v51  }
0x111: {  	v56 =	vmul.f32 v56, v19;
	v53 =	vand.u32 $0x1FFF8, v53;
	v52 =	vor.u32 v0, v52  }
0x112: {  	v57 =	vmul.f32 v57, v19;
	v61 =	vand.u32 $0x1FFF8, v61;
	v53 =	vor.u32 v0, v53  }
0x113: {  	v62 =	vand.u32 $0x1FFF8, v62;
	[tilespmem:v49+s3+$0x0] =	vst.idx.add.f32.msk $0xffff, v56;
	v49 =	vmul.f32 v58, v19;
	v56 =	vor.u32 v0, v61  }
0x114: {  	v63 =	vand.u32 $0x1FFF8, v63;
	[tilespmem:v50+s3+$0x0] =	vst.idx.add.f32.msk $0xffff, v57;
	v50 =	vmul.f32 v59, v19;
	v57 =	vor.u32 v0, v62  }
0x115: {  	v63 =	vor.u32 v0, v63;
	v61 =	vmul.f32 v60, v19;
	v62 =	vand.u32 $0xFFFF0000, v54;
	[tilespmem:v51+s3+$0x0] =	vst.idx.add.f32.msk $0xffff, v49  }
0x116: {  	v25 =	vshll.u32 v28, $0x3;
	v59 =	vand.u32 $0xFFFF0000, v55;
	v58 =	vmul.f32 v62, v19;
	[tilespmem:v52+s3+$0x0] =	vst.idx.add.f32.msk $0xffff, v50  }
0x117: {  	v29 =	vand.u32 $0xFFFF0000, v29;
	v44 =	vand.u32 $0xFFFF0000, v44;
	v60 =	vmul.f32 v59, v19;
	[tilespmem:v53+s3+$0x0] =	vst.idx.add.f32.msk $0xffff, v61  }
0x118: {  	v28 =	vand.u32 $0xFFFF0000, v28;
	v41 =	vperm.xlane v41, v10;
	v44 =	vmul.f32 v44, v19;
	[tilespmem:v56+s3+$0x0] =	vst.idx.add.f32.msk $0xffff, v58  }
0x119: {  	v24 =	vperm.xlane v20, v6;
	v23 =	vand.u32 $0x1FFF8, v23;
	v28 =	vmul.f32 v28, v17;
	[tilespmem:v57+s3+$0x0] =	vst.idx.add.f32.msk $0xffff, v60  }
0x11a: {  	v23 =	vor.u32 v0, v23;
	v37 =	vand.u32 $0xFFFF0000, v48;
	v48 =	vshll.u32 v41, $0x3;
	[tilespmem:v63+s3+$0x0] =	vst.idx.add.f32.msk $0xffff, v44  }
0x11b: {  	v41 =	vand.u32 $0xFFFF0000, v41;
	v46 =	vand.u32 $0x1FFF8, v46;
	v38 =	vor.u32 v0, v38;
	v44 =	vld [tilespmem:s4+$0x16838]  }
0x11c: {  	v37 =	vmul.f32 v37, v18;
	v35 =	vmul.f32 v35, v18;
	v33 =	vor.u32 v0, v33  }
0x11d: {  	v39 =	vmul.f32 v39, v18;
	v40 =	vmul.f32 v40, v18;
	v42 =	vor.u32 v0, v42  }
0x11e: {  	v32 =	vmul.f32 v32, v18;
	v43 =	vor.u32 v0, v43;
	v45 =	vand.u32 $0x1FFF8, v45  }
0x11f: {  	v41 =	vmul.f32 v41, v18;
	v36 =	vmul.f32 v36, v18;
	v45 =	vor.u32 v0, v45  }
0x120: {  	v48 =	vand.u32 $0x1FFF8, v48;
	v46 =	vor.u32 v0, v46;
	[tilespmem:v38+s3+$0x0] =	vst.idx.add.f32.msk $0xffff, v37;
	v52 =	vperm.xlane v44, v11  }
0x121: {  	v31 =	vshll.u32 v24, $0x3;
	v34 =	vmul.f32 v34, v18;
	v47 =	vand.u32 $0x1FFF8, v47;
	[tilespmem:v33+s3+$0x0] =	vst.idx.add.f32.msk $0xffff, v35  }
0x122: {  	v47 =	vor.u32 v0, v47;
	[tilespmem:v42+s3+$0x0] =	vst.idx.add.f32.msk $0xffff, v39;
	v53 =	vand.u32 $0xFFFF0000, v24;
	v24 =	vshll.u32 v52, $0x3  }
0x123: {  	v48 =	vor.u32 v0, v48;
	v30 =	vshll.u32 v27, $0x3;
	[tilespmem:v43+s3+$0x0] =	vst.idx.add.f32.msk $0xffff, v40;
	v24 =	vand.u32 $0x1FFF8, v24  }
0x124: {  	v27 =	vand.u32 $0xFFFF0000, v27;
	v30 =	vand.u32 $0x1FFF8, v30;
	[tilespmem:v45+s3+$0x0] =	vst.idx.add.f32.msk $0xffff, v34;
	v13 =	vor.u32 v0, v24  }
0x125: {  	v27 =	vmul.f32 v27, v17;
	v31 =	vand.u32 $0x1FFF8, v31;
	v30 =	vor.u32 v0, v30;
	[tilespmem:$0x1FFD0] =	vst v13  }
0x126: {  	v62 =	vperm.xlane v20, v8;
	v59 =	vand.u32 $0x1FFF8, v25;
	v25 =	vand.u32 $0xFFFF0000, v52;
	[tilespmem:v46+s3+$0x0] =	vst.idx.add.f32.msk $0xffff, v32  }
0x127: {  	v31 =	vor.u32 v0, v31;
	v61 =	vshll.u32 v26, $0x3;
	v13 =	vmul.f32 v25, v19;
	[tilespmem:v47+s3+$0x0] =	vst.idx.add.f32.msk $0xffff, v36  }
0x128: {  	v54 =	vshll.u32 v62, $0x3;
	v26 =	vand.u32 $0xFFFF0000, v26;
	v33 =	vmul.f32 v53, v17;
	[tilespmem:v48+s3+$0x0] =	vst.idx.add.f32.msk $0xffff, v41  }
0x129: {  	v35 =	vand.u32 $0x1FFF8, v54;
	v26 =	vmul.f32 v26, v17;
	v63 =	vperm.xlane v20, v9;
	[tilespmem:$0x1FFE0] =	vst v13  }
0x12a: {  	v57 =	vand.u32 $0xFFFF0000, v62;
	v20 =	vperm.xlane v20, v10;
	v19 =	vmul.f32 v29, v17;
	v29 =	vld [tilespmem:s13+$0x16820]  }
0x12b: {  	v60 =	vand.u32 $0x1FFF8, v61;
	v35 =	vor.u32 v0, v35;
	v38 =	vmul.f32 v57, v17  }
0x12c: {  	v34 =	vor.u32 v0, v60;
	v55 =	vshll.u32 v63, $0x3;
	v56 =	vshll.u32 v20, $0x3  }
0x12d: {  	v58 =	vand.u32 $0xFFFF0000, v63;
	v20 =	vand.u32 $0xFFFF0000, v20;
	v61 =	vand.u32 $0x1FFF8, v55  }
0x12e: {  	v62 =	vand.u32 $0x1FFF8, v56;
	v39 =	vmul.f32 v58, v17;
	v20 =	vmul.f32 v20, v17  }
0x12f: {  	v32 =	vor.u32 v0, v59;
	v63 =	vperm.xlane v29, v3;
	v52 =	vperm.xlane v29, v4  }
0x130: {  	v37 =	vor.u32 v0, v62;
	v53 =	vperm.xlane v29, v5;
	v54 =	vperm.xlane v29, v6  }
0x131: {  	v36 =	vor.u32 v0, v61;
	v56 =	vperm.xlane v29, v7;
	v57 =	vperm.xlane v29, v8  }
0x132: {  	v59 =	vperm.xlane v29, v9;
	v29 =	vperm.xlane v29, v10;
	v55 =	vshll.u32 v63, $0x3  }
0x133: {  	[tilespmem:v23+s3+$0x0] =	vst.idx.add.f32.msk $0xffff, v19;
	v58 =	vshll.u32 v52, $0x3;
	v60 =	vshll.u32 v53, $0x3;
	v19 =	vshll.u32 v54, $0x3  }
0x134: {  	[tilespmem:v32+s3+$0x0] =	vst.idx.add.f32.msk $0xffff, v28;
	v23 =	vshll.u32 v56, $0x3;
	v61 =	vshll.u32 v57, $0x3;
	v28 =	vshll.u32 v59, $0x3  }
0x135: {  	[tilespmem:v30+s3+$0x0] =	vst.idx.add.f32.msk $0xffff, v27;
	v62 =	vshll.u32 v29, $0x3;
	v40 =	vand.u32 $0xFFFF0000, v63;
	v27 =	vand.u32 $0xFFFF0000, v52  }
0x136: {  	[tilespmem:v31+s3+$0x0] =	vst.idx.add.f32.msk $0xffff, v33;
	v30 =	vand.u32 $0xFFFF0000, v53;
	v63 =	vand.u32 $0xFFFF0000, v54;
	v51 =	vand.u32 $0xFFFF0000, v56  }
0x137: {  	[tilespmem:v34+s3+$0x0] =	vst.idx.add.f32.msk $0xffff, v26;
	v52 =	vand.u32 $0xFFFF0000, v57;
	v26 =	vand.u32 $0xFFFF0000, v59;
	v53 =	vand.u32 $0xFFFF0000, v29  }
0x138: {  	v44 =	vand.u32 $0x1FFF8, v55;
	v29 =	vand.u32 $0x1FFF8, v58;
	v54 =	vand.u32 $0x1FFF8, v60  }
0x139: {  	[tilespmem:v35+s3+$0x0] =	vst.idx.add.f32.msk $0xffff, v38;
	v19 =	vand.u32 $0x1FFF8, v19;
	v55 =	vand.u32 $0x1FFF8, v23;
	v33 =	vmul.f32 v40, v18  }
0x13a: {  	s4 =	simm.s32 $0x16945;
	[tilespmem:v36+s3+$0x0] =	vst.idx.add.f32.msk $0xffff, v39;
	v56 =	vand.u32 $0x1FFF8, v61;
	v31 =	vmul.f32 v27, v18;
	v32 =	vmul.f32 v30, v18  }
0x13b: {  	v59 =	vld [tilespmem:s4+$0x0];
	v57 =	vand.u32 $0x1FFF8, v28;
	v30 =	vmul.f32 v63, v18;
	v27 =	vmul.f32 v52, v18  }
0x13c: {  	s12 =	sadd.s32 $0x2, s31;
	[tilespmem:v37+s3+$0x0] =	vst.idx.add.f32.msk $0xffff, v20;
	v20 =	vand.u32 $0x1FFF8, v62;
	v28 =	vmul.f32 v26, v18;
	v25 =	vmul.f32 v53, v18  }
0x13d: {  	s17 =	sadd.s32 $0x3, s12;
	v37 =	vor.u32 v0, v44;
	v38 =	vor.u32 v0, v29;
	v29 =	vmul.f32 v51, v18  }
0x13e: {  	v58 =	vld [tilespmem:s1+$0x16838];
	s1 =	sadd.s32 $0x2, s12;
	v41 =	vor.u32 v0, v54;
	v43 =	vor.u32 v0, v19;
	v19 =	vmov s17  }
0x13f: {  	v26 =	vmov s1;
	v36 =	vor.u32 v0, v20;
	v19 =	vand.u32 $0x3EF, v19  }
0x140: {  	v26 =	vand.u32 $0x3EE, v26;
	v61 =	vadd.s32 v2, v19;
	v20 =	vperm.xlane v59, v3  }
0x141: {  	v45 =	vadd.s32 v2, v26;
	v62 =	vperm.xlane v59, v4;
	v26 =	vperm.xlane v59, v5  }
0x142: {  	v39 =	vor.u32 v0, v55;
	v63 =	vperm.xlane v59, v6;
	v60 =	vperm.xlane v59, v7  }
0x143: {  	v35 =	vor.u32 v0, v56;
	v49 =	vperm.xlane v59, v8;
	v50 =	vperm.xlane v59, v9  }
0x144: {  	v34 =	vor.u32 v0, v57;
	v42 =	vperm.xlane v59, v10;
	v19 =	vperm.xlane v58, v11  }
0x145: {  	v51 =	vand.u32 $0xFFFF0000, v20;
	v52 =	vand.u32 $0xFFFF0000, v62;
	v53 =	vand.u32 $0xFFFF0000, v26;
	v44 =	vld.idx.msk [tilespmem:v61+s14+$0x0], $0xffff  }
0x146: {  	v20 =	vshll.u32 v20, $0x3;
	v54 =	vand.u32 $0xFFFF0000, v63;
	v55 =	vand.u32 $0xFFFF0000, v60  }
0x147: {  	v40 =	vshll.u32 v62, $0x3;
	v46 =	vshll.u32 v63, $0x3;
	v48 =	vshll.u32 v60, $0x3  }
0x148: {  	v62 =	vshll.u32 v49, $0x3;
	v63 =	vshll.u32 v50, $0x3;
	v20 =	vand.u32 $0x1FFF8, v20  }
0x149: {  	v40 =	vand.u32 $0x1FFF8, v40;
	v61 =	vshll.u32 v26, $0x3;
	v20 =	vor.u32 v0, v20  }
0x14a: {  	v40 =	vor.u32 v0, v40;
	v59 =	vand.u32 $0x1FFF8, v61;
	v26 =	vperm.xlane v44, v1  }
0x14b: {  	v60 =	vshll.u32 v42, $0x3;
	v46 =	vand.u32 $0x1FFF8, v46;
	v44 =	vor.u32 v0, v59  }
0x14c: {  	v48 =	vand.u32 $0x1FFF8, v48;
	v46 =	vor.u32 v0, v46;
	v45 =	vld.idx.msk [tilespmem:v45+s14+$0x0], $0xffff;
	v51 =	vmul.f32 v51, v26  }
0x14d: {  	v57 =	vand.u32 $0x1FFF8, v62;
	v48 =	vor.u32 v0, v48;
	v59 =	vld [tilespmem:s4+$0xFFFFFFBF];
	v52 =	vmul.f32 v52, v26  }
0x14e: {  	v61 =	vand.u32 $0x1FFF8, v63;
	[tilespmem:v20+s3+$0x0] =	vst.idx.add.f32.msk $0xffff, v51;
	v20 =	vmul.f32 v53, v26;
	v51 =	vor.u32 v0, v57  }
0x14f: {  	v56 =	vand.u32 $0x1FFF8, v60;
	v63 =	vor.u32 v0, v61;
	v62 =	vmul.f32 v54, v26;
	[tilespmem:v40+s3+$0x0] =	vst.idx.add.f32.msk $0xffff, v52  }
0x150: {  	v58 =	vor.u32 v0, v56;
	v57 =	vand.u32 $0xFFFF0000, v49;
	[tilespmem:v44+s3+$0x0] =	vst.idx.add.f32.msk $0xffff, v20;
	v20 =	vmul.f32 v55, v26  }
0x151: {  	v61 =	vand.u32 $0xFFFF0000, v50;
	v60 =	vmul.f32 v57, v26;
	[tilespmem:v46+s3+$0x0] =	vst.idx.add.f32.msk $0xffff, v62  }
0x152: {  	v42 =	vand.u32 $0xFFFF0000, v42;
	[tilespmem:v48+s3+$0x0] =	vst.idx.add.f32.msk $0xffff, v20;
	v20 =	vmul.f32 v61, v26  }
0x153: {  	v47 =	vshll.u32 v19, $0x3;
	v62 =	vmul.f32 v42, v26;
	[tilespmem:v51+s3+$0x0] =	vst.idx.add.f32.msk $0xffff, v60  }
0x154: {  	s1 =	simm.s32 $0x145;
	v53 =	vperm.xlane v59, v3;
	v44 =	vand.u32 $0x1FFF8, v47;
	v47 =	vperm.xlane v59, v5;
	[tilespmem:v63+s3+$0x0] =	vst.idx.add.f32.msk $0xffff, v20  }
0x155: {  	s8 =	sand.u32 $0x3FF, s1;
	v50 =	vperm.xlane v59, v6;
	v46 =	vperm.xlane v59, v4;
	[tilespmem:v58+s3+$0x0] =	vst.idx.add.f32.msk $0xffff, v62  }
0x156: {  	v42 =	vshll.u32 v53, $0x3;
	v53 =	vand.u32 $0xFFFF0000, v53;
	v52 =	vshll.u32 v47, $0x3;
	v49 =	vld [tilespmem:s8+$0x16810]  }
0x157: {  	v61 =	vperm.xlane v59, v9;
	v47 =	vand.u32 $0xFFFF0000, v47;
	v42 =	vand.u32 $0x1FFF8, v42  }
0x158: {  	v48 =	vshll.u32 v46, $0x3;
	v60 =	vperm.xlane v59, v8;
	v63 =	vperm.xlane v59, v7  }
0x159: {  	v20 =	vperm.xlane v45, v1;
	v40 =	vand.u32 $0xFFFF0000, v61;
	v62 =	vperm.xlane v59, v10  }
0x15a: {  	v57 =	vshll.u32 v60, $0x3;
	v58 =	vshll.u32 v61, $0x3;
	v54 =	vand.u32 $0xFFFF0000, v60  }
0x15b: {  	v56 =	vshll.u32 v63, $0x3;
	v59 =	vshll.u32 v62, $0x3;
	v60 =	vperm.xlane v49, v3  }
0x15c: {  	v55 =	vand.u32 $0xFFFF0000, v62;
	v61 =	vperm.xlane v49, v4;
	v62 =	vperm.xlane v49, v5  }
0x15d: {  	v51 =	vand.u32 $0xFFFF0000, v63;
	v63 =	vperm.xlane v49, v6;
	v21 =	vperm.xlane v49, v7  }
0x15e: {  	v45 =	vshll.u32 v50, $0x3;
	v22 =	vperm.xlane v49, v8;
	v23 =	vperm.xlane v49, v9  }
0x15f: {  	[tilespmem:v37+s3+$0x0] =	vst.idx.add.f32.msk $0xffff, v33;
	v49 =	vperm.xlane v49, v10;
	v33 =	vand.u32 $0xFFFF0000, v60;
	v37 =	vand.u32 $0xFFFF0000, v61  }
0x160: {  	[tilespmem:v38+s3+$0x0] =	vst.idx.add.f32.msk $0xffff, v31;
	v31 =	vand.u32 $0xFFFF0000, v62;
	v38 =	vand.u32 $0xFFFF0000, v63;
	v24 =	vand.u32 $0xFFFF0000, v21  }
0x161: {  	[tilespmem:v41+s3+$0x0] =	vst.idx.add.f32.msk $0xffff, v32;
	v32 =	vshll.u32 v60, $0x3;
	v41 =	vshll.u32 v61, $0x3;
	v60 =	vshll.u32 v62, $0x3  }
0x162: {  	[tilespmem:v43+s3+$0x0] =	vst.idx.add.f32.msk $0xffff, v30;
	v63 =	vshll.u32 v63, $0x3;
	v21 =	vshll.u32 v21, $0x3;
	v30 =	vand.u32 $0x1FFF8, v32  }
0x163: {  	[tilespmem:v39+s3+$0x0] =	vst.idx.add.f32.msk $0xffff, v29;
	v43 =	vshll.u32 v22, $0x3;
	v29 =	vor.u32 v0, v30;
	v30 =	vand.u32 $0x1FFF8, v41  }
0x164: {  	[tilespmem:v35+s3+$0x0] =	vst.idx.add.f32.msk $0xffff, v27;
	v61 =	vshll.u32 v23, $0x3;
	v27 =	vand.u32 $0x1FFF8, v60;
	v30 =	vor.u32 v0, v30  }
0x165: {  	[tilespmem:v34+s3+$0x0] =	vst.idx.add.f32.msk $0xffff, v28;
	v62 =	vshll.u32 v49, $0x3;
	v28 =	vor.u32 v0, v27;
	v27 =	vand.u32 $0x1FFF8, v63  }
0x166: {  	[tilespmem:v36+s3+$0x0] =	vst.idx.add.f32.msk $0xffff, v25;
	v25 =	vmul.f32 v33, v26;
	v21 =	vand.u32 $0x1FFF8, v21;
	v63 =	vor.u32 v0, v27  }
0x167: {  	v43 =	vand.u32 $0x1FFF8, v43;
	v41 =	vmul.f32 v37, v26;
	v21 =	vor.u32 v0, v21;
	v27 =	vld [tilespmem:s13+$0x16830]  }
0x168: {  	[tilespmem:v29+s3+$0x0] =	vst.idx.add.f32.msk $0xffff, v25;
	v25 =	vmul.f32 v31, v26;
	v29 =	vor.u32 v0, v43;
	v31 =	vand.u32 $0x1FFF8, v61  }
0x169: {  	v32 =	vand.u32 $0x1FFF8, v62;
	[tilespmem:v30+s3+$0x0] =	vst.idx.add.f32.msk $0xffff, v41;
	v30 =	vmul.f32 v38, v26;
	v31 =	vor.u32 v0, v31  }
0x16a: {  	v22 =	vand.u32 $0xFFFF0000, v22;
	v24 =	vmul.f32 v24, v26;
	[tilespmem:v28+s3+$0x0] =	vst.idx.add.f32.msk $0xffff, v25;
	v25 =	vor.u32 v0, v32  }
0x16b: {  	v50 =	vand.u32 $0xFFFF0000, v50;
	v23 =	vand.u32 $0xFFFF0000, v23;
	v22 =	vmul.f32 v22, v26;
	[tilespmem:v63+s3+$0x0] =	vst.idx.add.f32.msk $0xffff, v30  }
0x16c: {  	v53 =	vmul.f32 v53, v20;
	[tilespmem:v21+s3+$0x0] =	vst.idx.add.f32.msk $0xffff, v24;
	v21 =	vmul.f32 v23, v26;
	v23 =	vand.u32 $0xFFFF0000, v49  }
0x16d: {  	v46 =	vand.u32 $0xFFFF0000, v46;
	v39 =	vmul.f32 v50, v20;
	[tilespmem:v29+s3+$0x0] =	vst.idx.add.f32.msk $0xffff, v22;
	v22 =	vmul.f32 v23, v26  }
0x16e: {  	v52 =	vand.u32 $0x1FFF8, v52;
	v40 =	vmul.f32 v40, v20;
	v37 =	vmul.f32 v46, v20;
	[tilespmem:v31+s3+$0x0] =	vst.idx.add.f32.msk $0xffff, v21  }
0x16f: {  	v48 =	vand.u32 $0x1FFF8, v48;
	v43 =	vmul.f32 v54, v20;
	v36 =	vperm.xlane v27, v3;
	[tilespmem:v25+s3+$0x0] =	vst.idx.add.f32.msk $0xffff, v22  }
0x170: {  	v38 =	vmul.f32 v47, v20;
	v41 =	vmul.f32 v51, v20;
	v24 =	vand.u32 $0x1FFF8, v45;
	v45 =	vld [tilespmem:s8+$0x16820]  }
0x171: {  	v35 =	vperm.xlane v27, v4;
	v28 =	vand.u32 $0x1FFF8, v58;
	v13 =	vshll.u32 v36, $0x3  }
0x172: {  	v23 =	vand.u32 $0x1FFF8, v56;
	v29 =	vand.u32 $0x1FFF8, v59;
	v24 =	vor.u32 v0, v24  }
0x173: {  	v21 =	vand.u32 $0x1FFF8, v57;
	v57 =	vor.u32 v0, v52;
	v25 =	vor.u32 v0, v42  }
0x174: {  	v58 =	vor.u32 v0, v23;
	v49 =	vor.u32 v0, v29;
	v42 =	vor.u32 v0, v48  }
0x175: {  	v22 =	vmul.f32 v55, v20;
	v21 =	vor.u32 v0, v21;
	v59 =	vperm.xlane v45, v3  }
0x176: {  	[tilespmem:$0x1FFB0] =	vst v13;
	v13 =	vshll.u32 v35, $0x3;
	v60 =	vperm.xlane v45, v4;
	v61 =	vperm.xlane v45, v5  }
0x177: {  	v48 =	vor.u32 v0, v28;
	[tilespmem:$0x1FFC0] =	vst v13;
	v62 =	vperm.xlane v45, v6;
	v63 =	vperm.xlane v45, v7  }
0x178: {  	[tilespmem:v25+s3+$0x0] =	vst.idx.add.f32.msk $0xffff, v53;
	v25 =	vperm.xlane v45, v8;
	v53 =	vperm.xlane v45, v9  }
0x179: {  	[tilespmem:v42+s3+$0x0] =	vst.idx.add.f32.msk $0xffff, v37;
	v45 =	vperm.xlane v45, v10;
	v37 =	vand.u32 $0xFFFF0000, v59;
	v42 =	vand.u32 $0xFFFF0000, v60  }
0x17a: {  	[tilespmem:v57+s3+$0x0] =	vst.idx.add.f32.msk $0xffff, v38;
	v38 =	vand.u32 $0xFFFF0000, v61;
	v46 =	vand.u32 $0xFFFF0000, v62;
	v55 =	vand.u32 $0xFFFF0000, v63  }
0x17b: {  	[tilespmem:v24+s3+$0x0] =	vst.idx.add.f32.msk $0xffff, v39;
	v24 =	vshll.u32 v59, $0x3;
	v50 =	vshll.u32 v60, $0x3;
	v56 =	vshll.u32 v61, $0x3  }
0x17c: {  	v57 =	vshll.u32 v62, $0x3;
	v59 =	vshll.u32 v25, $0x3;
	[tilespmem:v58+s3+$0x0] =	vst.idx.add.f32.msk $0xffff, v41;
	v24 =	vand.u32 $0x1FFF8, v24  }
0x17d: {  	v61 =	vshll.u32 v53, $0x3;
	[tilespmem:v21+s3+$0x0] =	vst.idx.add.f32.msk $0xffff, v43;
	v21 =	vor.u32 v0, v24;
	v24 =	vand.u32 $0x1FFF8, v50  }
0x17e: {  	v58 =	vshll.u32 v63, $0x3;
	v60 =	vand.u32 $0x1FFF8, v56;
	[tilespmem:v48+s3+$0x0] =	vst.idx.add.f32.msk $0xffff, v40;
	v24 =	vor.u32 v0, v24  }
0x17f: {  	s17 =	simm.s32 $0x104;
	v62 =	vand.u32 $0x1FFF8, v57;
	v63 =	vshll.u32 v45, $0x3;
	[tilespmem:v49+s3+$0x0] =	vst.idx.add.f32.msk $0xffff, v22;
	v22 =	vor.u32 v0, v60  }
0x180: {  	s12 =	sand.u32 $0x3FE, s17;
	v37 =	vmul.f32 v37, v26;
	v47 =	vand.u32 $0x1FFF8, v58;
	v40 =	vor.u32 v0, v62  }
0x181: {  	v42 =	vmul.f32 v42, v26;
	v39 =	vand.u32 $0x1FFF8, v59;
	v47 =	vor.u32 v0, v47;
	v48 =	vld [tilespmem:s12+$0x16810]  }
0x182: {  	v50 =	vand.u32 $0x1FFF8, v61;
	v49 =	vor.u32 v0, v39;
	[tilespmem:v21+s3+$0x0] =	vst.idx.add.f32.msk $0xffff, v37;
	v21 =	vmul.f32 v38, v26  }
0x183: {  	v51 =	vand.u32 $0x1FFF8, v63;
	v38 =	vor.u32 v0, v50;
	[tilespmem:v24+s3+$0x0] =	vst.idx.add.f32.msk $0xffff, v42;
	v24 =	vmul.f32 v46, v26  }
0x184: {  	[tilespmem:v22+s3+$0x0] =	vst.idx.add.f32.msk $0xffff, v21;
	v21 =	vmul.f32 v55, v26;
	v22 =	vand.u32 $0xFFFF0000, v25;
	v25 =	vor.u32 v0, v51  }
0x185: {  	[tilespmem:v40+s3+$0x0] =	vst.idx.add.f32.msk $0xffff, v24;
	v22 =	vmul.f32 v22, v26;
	v24 =	vand.u32 $0xFFFF0000, v53  }
0x186: {  	v52 =	vperm.xlane v48, v3;
	[tilespmem:v47+s3+$0x0] =	vst.idx.add.f32.msk $0xffff, v21;
	v21 =	vmul.f32 v24, v26;
	v24 =	vand.u32 $0xFFFF0000, v45  }
0x187: {  	v53 =	vperm.xlane v48, v4;
	[tilespmem:v49+s3+$0x0] =	vst.idx.add.f32.msk $0xffff, v22;
	v22 =	vmul.f32 v24, v26  }
0x188: {  	v55 =	vperm.xlane v48, v5;
	v56 =	vperm.xlane v48, v6;
	[tilespmem:v38+s3+$0x0] =	vst.idx.add.f32.msk $0xffff, v21  }
0x189: {  	v57 =	vperm.xlane v48, v7;
	v58 =	vperm.xlane v48, v8;
	[tilespmem:v25+s3+$0x0] =	vst.idx.add.f32.msk $0xffff, v22  }
0x18a: {  	v23 =	vor.u32 v0, v44;
	v59 =	vperm.xlane v48, v9;
	v44 =	vperm.xlane v48, v10;
	v60 =	vld [tilespmem:s8+$0x16830]  }
0x18b: {  	v54 =	vshll.u32 v52, $0x3;
	v24 =	vshll.u32 v53, $0x3;
	v39 =	vand.u32 $0xFFFF0000, v52  }
0x18c: {  	v61 =	vshll.u32 v58, $0x3;
	v48 =	vshll.u32 v59, $0x3;
	v40 =	vand.u32 $0xFFFF0000, v53  }
0x18d: {  	v42 =	vand.u32 $0xFFFF0000, v55;
	v37 =	vand.u32 $0xFFFF0000, v56;
	v43 =	vand.u32 $0xFFFF0000, v57  }
0x18e: {  	v45 =	vand.u32 $0xFFFF0000, v59;
	v21 =	vshll.u32 v55, $0x3;
	v38 =	vand.u32 $0xFFFF0000, v58  }
0x18f: {  	v41 =	vand.u32 $0x1FFF8, v54;
	v47 =	vand.u32 $0x1FFF8, v61;
	v50 =	vperm.xlane v60, v3  }
0x190: {  	v22 =	vshll.u32 v56, $0x3;
	v51 =	vperm.xlane v60, v4;
	v52 =	vperm.xlane v60, v5  }
0x191: {  	v25 =	vshll.u32 v57, $0x3;
	v53 =	vperm.xlane v60, v6;
	v54 =	vperm.xlane v60, v7  }
0x192: {  	v28 =	vand.u32 $0x1FFF8, v21;
	v55 =	vperm.xlane v60, v8;
	v56 =	vperm.xlane v60, v9  }
0x193: {  	v46 =	vperm.xlane v60, v10;
	v57 =	vand.u32 $0xFFFF0000, v50;
	v58 =	vand.u32 $0xFFFF0000, v51  }
0x194: {  	v59 =	vand.u32 $0xFFFF0000, v52;
	v60 =	vand.u32 $0xFFFF0000, v53;
	v61 =	vand.u32 $0xFFFF0000, v54  }
0x195: {  	v50 =	vshll.u32 v50, $0x3;
	v51 =	vshll.u32 v51, $0x3;
	v52 =	vshll.u32 v52, $0x3  }
0x196: {  	v53 =	vshll.u32 v53, $0x3;
	v54 =	vshll.u32 v54, $0x3;
	v50 =	vand.u32 $0x1FFF8, v50  }
0x197: {  	v62 =	vshll.u32 v55, $0x3;
	v51 =	vand.u32 $0x1FFF8, v51;
	v50 =	vor.u32 v0, v50  }
0x198: {  	v63 =	vshll.u32 v56, $0x3;
	v52 =	vand.u32 $0x1FFF8, v52;
	v51 =	vor.u32 v0, v51  }
0x199: {  	v21 =	vshll.u32 v46, $0x3;
	v53 =	vand.u32 $0x1FFF8, v53;
	v52 =	vor.u32 v0, v52  }
0x19a: {  	v13 =	vld [tilespmem:$0x1FF90];
	v57 =	vmul.f32 v57, v26;
	v54 =	vand.u32 $0x1FFF8, v54;
	v53 =	vor.u32 v0, v53  }
0x19b: {  	v29 =	vld [tilespmem:$0x1FFA0];
	v58 =	vmul.f32 v58, v26;
	v62 =	vand.u32 $0x1FFF8, v62;
	v54 =	vor.u32 v0, v54  }
0x19c: {  	[tilespmem:v50+s3+$0x0] =	vst.idx.add.f32.msk $0xffff, v57;
	v50 =	vmul.f32 v59, v26;
	v57 =	vor.u32 v0, v62;
	v62 =	vand.u32 $0x1FFF8, v63  }
0x19d: {  	v21 =	vand.u32 $0x1FFF8, v21;
	v63 =	vmul.f32 v60, v26;
	[tilespmem:v51+s3+$0x0] =	vst.idx.add.f32.msk $0xffff, v58;
	v58 =	vor.u32 v0, v62  }
0x19e: {  	v21 =	vor.u32 v0, v21;
	v60 =	vmul.f32 v61, v26;
	v61 =	vand.u32 $0xFFFF0000, v55;
	[tilespmem:v52+s3+$0x0] =	vst.idx.add.f32.msk $0xffff, v50  }
0x19f: {  	v62 =	vmul.f32 v61, v26;
	[tilespmem:v53+s3+$0x0] =	vst.idx.add.f32.msk $0xffff, v63;
	v63 =	vand.u32 $0xFFFF0000, v56  }
0x1a0: {  	v46 =	vand.u32 $0xFFFF0000, v46;
	[tilespmem:v54+s3+$0x0] =	vst.idx.add.f32.msk $0xffff, v60;
	v56 =	vmul.f32 v63, v26  }
0x1a1: {  	v46 =	vmul.f32 v46, v26;
	[tilespmem:v57+s3+$0x0] =	vst.idx.add.f32.msk $0xffff, v62  }
0x1a2: {  	[tilespmem:v58+s3+$0x0] =	vst.idx.add.f32.msk $0xffff, v56  }
0x1a3: {  	v34 =	vperm.xlane v27, v5;
	v24 =	vand.u32 $0x1FFF8, v24;
	[tilespmem:v21+s3+$0x0] =	vst.idx.add.f32.msk $0xffff, v46;
	v21 =	vor.u32 v0, v41  }
0x1a4: {  	v33 =	vperm.xlane v27, v7;
	v32 =	vperm.xlane v27, v6;
	v24 =	vor.u32 v0, v24  }
0x1a5: {  	v30 =	vshll.u32 v34, $0x3;
	v22 =	vand.u32 $0x1FFF8, v22;
	v28 =	vor.u32 v0, v28  }
0x1a6: {  	v36 =	vand.u32 $0xFFFF0000, v36;
	v39 =	vmul.f32 v39, v20;
	v22 =	vor.u32 v0, v22;
	[tilespmem:v29+s3+$0x0] =	vst.idx.add.f32.msk $0xff, v13  }
0x1a7: {  	v34 =	vand.u32 $0xFFFF0000, v34;
	v36 =	vmul.f32 v36, v18;
	v40 =	vmul.f32 v40, v20;
	v58 =	vld [tilespmem:s8+$0x16838]  }
0x1a8: {  	v34 =	vmul.f32 v34, v18;
	v31 =	vshll.u32 v32, $0x3;
	v42 =	vmul.f32 v42, v20;
	[tilespmem:v21+s3+$0x0] =	vst.idx.add.f32.msk $0xffff, v39  }
0x1a9: {  	v32 =	vand.u32 $0xFFFF0000, v32;
	v35 =	vand.u32 $0xFFFF0000, v35;
	v37 =	vmul.f32 v37, v20;
	[tilespmem:v24+s3+$0x0] =	vst.idx.add.f32.msk $0xffff, v40  }
0x1aa: {  	v32 =	vmul.f32 v32, v18;
	v35 =	vmul.f32 v35, v18;
	v25 =	vand.u32 $0x1FFF8, v25;
	[tilespmem:v28+s3+$0x0] =	vst.idx.add.f32.msk $0xffff, v42  }
0x1ab: {  	v49 =	vshll.u32 v44, $0x3;
	v44 =	vand.u32 $0xFFFF0000, v44;
	v25 =	vor.u32 v0, v25;
	[tilespmem:v22+s3+$0x0] =	vst.idx.add.f32.msk $0xffff, v37  }
0x1ac: {  	v48 =	vand.u32 $0x1FFF8, v48;
	v49 =	vand.u32 $0x1FFF8, v49;
	v43 =	vmul.f32 v43, v20;
	v13 =	vld [tilespmem:$0x1FFB0]  }
0x1ad: {  	v45 =	vmul.f32 v45, v20;
	v44 =	vmul.f32 v44, v20;
	v59 =	vor.u32 v0, v47  }
0x1ae: {  	v38 =	vmul.f32 v38, v20;
	v60 =	vor.u32 v0, v48;
	v21 =	vperm.xlane v58, v11  }
0x1af: {  	v29 =	vand.u32 $0x1FFF8, v30;
	v30 =	vand.u32 $0x1FFF8, v31;
	v61 =	vor.u32 v0, v49  }
0x1b0: {  	v29 =	vor.u32 v0, v29;
	v30 =	vor.u32 v0, v30;
	v28 =	vshll.u32 v21, $0x3;
	[tilespmem:v25+s3+$0x0] =	vst.idx.add.f32.msk $0xffff, v43  }
0x1b1: {  	v63 =	vperm.xlane v27, v9;
	v22 =	vand.u32 $0x1FFF8, v28;
	v28 =	vand.u32 $0x1FFF8, v13;
	v13 =	vld [tilespmem:$0x1FFC0]  }
0x1b2: {  	v57 =	vshll.u32 v33, $0x3;
	v62 =	vperm.xlane v27, v8;
	v27 =	vperm.xlane v27, v10;
	[tilespmem:v59+s3+$0x0] =	vst.idx.add.f32.msk $0xffff, v38  }
0x1b3: {  	v53 =	vshll.u32 v63, $0x3;
	v56 =	vand.u32 $0xFFFF0000, v63;
	v31 =	vand.u32 $0x1FFF8, v57;
	[tilespmem:v60+s3+$0x0] =	vst.idx.add.f32.msk $0xffff, v45  }
0x1b4: {  	v52 =	vshll.u32 v62, $0x3;
	v54 =	vshll.u32 v27, $0x3;
	v55 =	vand.u32 $0xFFFF0000, v62;
	[tilespmem:v61+s3+$0x0] =	vst.idx.add.f32.msk $0xffff, v44  }
0x1b5: {  	v27 =	vand.u32 $0xFFFF0000, v27;
	v31 =	vor.u32 v0, v31;
	v57 =	vand.u32 $0x1FFF8, v52;
	v38 =	vld [tilespmem:s12+$0x16820]  }
0x1b6: {  	v27 =	vmul.f32 v27, v18;
	v39 =	vmul.f32 v55, v18;
	v24 =	vand.u32 $0xFFFF0000, v33  }
0x1b7: {  	v33 =	vand.u32 $0x1FFF8, v53;
	v40 =	vmul.f32 v56, v18;
	v24 =	vmul.f32 v24, v18  }
0x1b8: {  	v33 =	vor.u32 v0, v33;
	v21 =	vand.u32 $0xFFFF0000, v21;
	v22 =	vor.u32 v0, v22  }
0x1b9: {  	v37 =	vor.u32 v0, v57;
	v21 =	vmul.f32 v21, v26;
	v28 =	vor.u32 v0, v28  }
0x1ba: {  	v26 =	vand.u32 $0x1FFF8, v54;
	v25 =	vand.u32 $0x1FFF8, v13;
	v13 =	vld [tilespmem:$0x1FFD0];
	v58 =	vperm.xlane v38, v3  }
0x1bb: {  	v25 =	vor.u32 v0, v25;
	v59 =	vperm.xlane v38, v4;
	v60 =	vperm.xlane v38, v5  }
0x1bc: {  	v26 =	vor.u32 v0, v26;
	v45 =	vld [tilespmem:$0x1FFE0];
	v61 =	vperm.xlane v38, v6;
	v62 =	vperm.xlane v38, v7  }
0x1bd: {  	v19 =	vand.u32 $0xFFFF0000, v19;
	[tilespmem:v22+s3+$0x0] =	vst.idx.add.f32.msk $0xff, v21;
	v63 =	vperm.xlane v38, v8;
	v22 =	vperm.xlane v38, v9  }
0x1be: {  	[tilespmem:v28+s3+$0x0] =	vst.idx.add.f32.msk $0xffff, v36;
	v38 =	vperm.xlane v38, v10;
	v21 =	vshll.u32 v59, $0x3;
	v28 =	vshll.u32 v60, $0x3  }
0x1bf: {  	v54 =	vshll.u32 v61, $0x3;
	v55 =	vshll.u32 v62, $0x3;
	v56 =	vshll.u32 v22, $0x3  }
0x1c0: {  	v57 =	vshll.u32 v38, $0x3;
	[tilespmem:v25+s3+$0x0] =	vst.idx.add.f32.msk $0xffff, v35;
	v25 =	vshll.u32 v63, $0x3;
	v36 =	vand.u32 $0x1FFF8, v28  }
0x1c1: {  	[tilespmem:v29+s3+$0x0] =	vst.idx.add.f32.msk $0xffff, v34;
	v29 =	vand.u32 $0xFFFF0000, v58;
	v34 =	vand.u32 $0x1FFF8, v55;
	v35 =	vand.u32 $0x1FFF8, v25  }
0x1c2: {  	[tilespmem:v13+s3+$0x0] =	vst.idx.add.f32.msk $0xff, v45;
	v45 =	vshll.u32 v58, $0x3;
	v58 =	vand.u32 $0xFFFF0000, v59;
	v59 =	vand.u32 $0xFFFF0000, v60  }
0x1c3: {  	[tilespmem:v30+s3+$0x0] =	vst.idx.add.f32.msk $0xffff, v32;
	v60 =	vand.u32 $0xFFFF0000, v61;
	v61 =	vand.u32 $0xFFFF0000, v62;
	v62 =	vand.u32 $0xFFFF0000, v63  }
0x1c4: {  	v63 =	vand.u32 $0x1FFF8, v21;
	v30 =	vand.u32 $0x1FFF8, v56;
	v32 =	vmul.f32 v29, v20;
	[tilespmem:v31+s3+$0x0] =	vst.idx.add.f32.msk $0xffff, v24  }
0x1c5: {  	v45 =	vand.u32 $0x1FFF8, v45;
	v24 =	vand.u32 $0xFFFF0000, v22;
	v28 =	vmul.f32 v58, v20;
	[tilespmem:v37+s3+$0x0] =	vst.idx.add.f32.msk $0xffff, v39  }
0x1c6: {  	v22 =	vand.u32 $0xFFFF0000, v38;
	v29 =	vmul.f32 v59, v20;
	v38 =	vor.u32 v0, v63;
	[tilespmem:v33+s3+$0x0] =	vst.idx.add.f32.msk $0xffff, v40  }
0x1c7: {  	v31 =	vand.u32 $0x1FFF8, v54;
	v25 =	vmul.f32 v62, v20;
	v37 =	vor.u32 v0, v45;
	[tilespmem:v26+s3+$0x0] =	vst.idx.add.f32.msk $0xffff, v27  }
0x1c8: {  	s17 =	simm.s32 $0x4;
	v33 =	vand.u32 $0x1FFF8, v57;
	v26 =	vmul.f32 v60, v20;
	v27 =	vmul.f32 v61, v20;
	v21 =	vld [tilespmem:s13+$0x16838]  }
.LBB2_3:
0x1c9: {  	s7 =	sadd.s32 s17, s31;
	v36 =	vor.u32 v0, v36;
	v39 =	vmul.f32 v24, v20;
	v22 =	vmul.f32 v22, v20;
	s4 =	sadd.s32 $0x82, s4  }
0x1ca: {  	v31 =	vor.u32 v0, v31;
	v34 =	vor.u32 v0, v34;
	v35 =	vor.u32 v0, v35;
	s13 =	sadd.s32 $0x2, s7;
	s7 =	sadd.s32 $0x3, s7;
	v24 =	vld [tilespmem:s4+$0x0]  }
0x1cb: {  	v30 =	vor.u32 v0, v30;
	v40 =	vmov s13;
	v41 =	vld [tilespmem:s4+$0xFFFFFFBF];
	v42 =	vmov s7  }
0x1cc: {  	v40 =	vand.u32 $0x3EE, v40;
	v42 =	vand.u32 $0x3EF, v42;
	[tilespmem:v37+s3+$0x0] =	vst.idx.add.f32.msk $0xffff, v32;
	v32 =	vor.u32 v0, v33  }
0x1cd: {  	v33 =	vadd.s32 v2, v40;
	v37 =	vadd.s32 v2, v42;
	[tilespmem:v38+s3+$0x0] =	vst.idx.add.f32.msk $0xffff, v28  }
0x1ce: {  	v21 =	vperm.xlane v21, v11;
	v28 =	vmul.f32 v19, v17;
	v17 =	vmov v18;
	[tilespmem:v36+s3+$0x0] =	vst.idx.add.f32.msk $0xffff, v29  }
0x1cf: {  	v18 =	vmov v20;
	v29 =	vperm.xlane v24, v3;
	v36 =	vperm.xlane v24, v4;
	[tilespmem:v31+s3+$0x0] =	vst.idx.add.f32.msk $0xffff, v26  }
0x1d0: {  	v20 =	vperm.xlane v24, v5;
	v26 =	vperm.xlane v24, v6;
	[tilespmem:v34+s3+$0x0] =	vst.idx.add.f32.msk $0xffff, v27;
	v27 =	vshll.u32 v21, $0x3  }
0x1d1: {  	v19 =	vand.u32 $0xFFFF0000, v21;
	v31 =	vperm.xlane v24, v7;
	v34 =	vperm.xlane v24, v8;
	[tilespmem:v35+s3+$0x0] =	vst.idx.add.f32.msk $0xffff, v25  }
0x1d2: {  	v25 =	vperm.xlane v24, v9;
	v35 =	vperm.xlane v24, v10;
	v24 =	vand.u32 $0x1FFF8, v27;
	v21 =	vld.idx.msk [tilespmem:v37+s14+$0x0], $0xffff  }
0x1d3: {  	v38 =	vand.u32 $0xFFFF0000, v20;
	v37 =	vand.u32 $0xFFFF0000, v36;
	v27 =	vld.idx.msk [tilespmem:v33+s14+$0x0], $0xffff;
	v33 =	vand.u32 $0xFFFF0000, v29  }
0x1d4: {  	v40 =	vand.u32 $0xFFFF0000, v26;
	v42 =	vand.u32 $0xFFFF0000, v31;
	v29 =	vshll.u32 v29, $0x3;
	[tilespmem:v30+s3+$0x0] =	vst.idx.add.f32.msk $0xffff, v39  }
0x1d5: {  	v20 =	vshll.u32 v20, $0x3;
	v26 =	vshll.u32 v26, $0x3;
	v30 =	vshll.u32 v36, $0x3;
	[tilespmem:v32+s3+$0x0] =	vst.idx.add.f32.msk $0xffff, v22  }
0x1d6: {  	v31 =	vshll.u32 v31, $0x3;
	v29 =	vand.u32 $0x1FFF8, v29;
	v32 =	vshll.u32 v34, $0x3;
	v22 =	vld [tilespmem:s12+$0x16830]  }
0x1d7: {  	v36 =	vshll.u32 v25, $0x3;
	v29 =	vor.u32 v0, v29;
	v30 =	vand.u32 $0x1FFF8, v30;
	[tilespmem:v23+s3+$0x0] =	vst.idx.add.f32.msk $0xff, v28  }
0x1d8: {  	v20 =	vand.u32 $0x1FFF8, v20;
	v21 =	vperm.xlane v21, v1;
	v23 =	vor.u32 v0, v30  }
0x1d9: {  	v26 =	vand.u32 $0x1FFF8, v26;
	v20 =	vor.u32 v0, v20;
	v28 =	vshll.u32 v35, $0x3  }
0x1da: {  	v31 =	vand.u32 $0x1FFF8, v31;
	v26 =	vor.u32 v0, v26;
	v30 =	vmul.f32 v33, v21  }
0x1db: {  	v31 =	vor.u32 v0, v31;
	v32 =	vand.u32 $0x1FFF8, v32;
	v33 =	vmul.f32 v37, v21  }
0x1dc: {  	[tilespmem:v29+s3+$0x0] =	vst.idx.add.f32.msk $0xffff, v30;
	v29 =	vmul.f32 v38, v21;
	v30 =	vor.u32 v0, v32;
	v32 =	vand.u32 $0x1FFF8, v36  }
0x1dd: {  	v28 =	vand.u32 $0x1FFF8, v28;
	[tilespmem:v23+s3+$0x0] =	vst.idx.add.f32.msk $0xffff, v33;
	v23 =	vmul.f32 v40, v21;
	v32 =	vor.u32 v0, v32  }
0x1de: {  	v28 =	vor.u32 v0, v28;
	[tilespmem:v20+s3+$0x0] =	vst.idx.add.f32.msk $0xffff, v29;
	v20 =	vmul.f32 v42, v21;
	v29 =	vand.u32 $0xFFFF0000, v34  }
0x1df: {  	v25 =	vand.u32 $0xFFFF0000, v25;
	v33 =	vperm.xlane v41, v3;
	[tilespmem:v26+s3+$0x0] =	vst.idx.add.f32.msk $0xffff, v23;
	v23 =	vmul.f32 v29, v21  }
0x1e0: {  	v26 =	vperm.xlane v41, v4;
	[tilespmem:v31+s3+$0x0] =	vst.idx.add.f32.msk $0xffff, v20;
	v20 =	vmul.f32 v25, v21;
	v25 =	vand.u32 $0xFFFF0000, v35  }
0x1e1: {  	v29 =	vshll.u32 v33, $0x3;
	v31 =	vperm.xlane v41, v5;
	[tilespmem:v30+s3+$0x0] =	vst.idx.add.f32.msk $0xffff, v23;
	v23 =	vmul.f32 v25, v21  }
0x1e2: {  	s1 =	sadd.s32 $0x82, s1;
	v34 =	vperm.xlane v41, v7;
	v25 =	vshll.u32 v26, $0x3;
	v30 =	vperm.xlane v41, v6;
	[tilespmem:v32+s3+$0x0] =	vst.idx.add.f32.msk $0xffff, v20  }
0x1e3: {  	s13 =	sadd.s32 $0xFFFFFFBF, s1;
	s7 =	sand.u32 $0x3FF, s1;
	v36 =	vperm.xlane v41, v9;
	v35 =	vperm.xlane v41, v8;
	v32 =	vshll.u32 v31, $0x3;
	[tilespmem:v28+s3+$0x0] =	vst.idx.add.f32.msk $0xffff, v23  }
0x1e4: {  	s13 =	sand.u32 $0x3FE, s13;
	v20 =	vperm.xlane v27, v1;
	v27 =	vperm.xlane v41, v10;
	v23 =	vshll.u32 v30, $0x3;
	v28 =	vld [tilespmem:s7+$0x16810]  }
0x1e5: {  	v39 =	vshll.u32 v36, $0x3;
	v37 =	vshll.u32 v34, $0x3;
	v38 =	vshll.u32 v35, $0x3  }
0x1e6: {  	v33 =	vand.u32 $0xFFFF0000, v33;
	v26 =	vand.u32 $0xFFFF0000, v26;
	v40 =	vshll.u32 v27, $0x3  }
0x1e7: {  	v34 =	vand.u32 $0xFFFF0000, v34;
	v31 =	vand.u32 $0xFFFF0000, v31;
	v30 =	vand.u32 $0xFFFF0000, v30  }
0x1e8: {  	v36 =	vand.u32 $0xFFFF0000, v36;
	v35 =	vand.u32 $0xFFFF0000, v35;
	v27 =	vand.u32 $0xFFFF0000, v27  }
0x1e9: {  	v29 =	vand.u32 $0x1FFF8, v29;
	v33 =	vmul.f32 v33, v20;
	v41 =	vperm.xlane v28, v3  }
0x1ea: {  	v25 =	vand.u32 $0x1FFF8, v25;
	v42 =	vperm.xlane v28, v4;
	v43 =	vperm.xlane v28, v5  }
0x1eb: {  	v32 =	vand.u32 $0x1FFF8, v32;
	v44 =	vperm.xlane v28, v6;
	v45 =	vperm.xlane v28, v7  }
0x1ec: {  	v23 =	vand.u32 $0x1FFF8, v23;
	v46 =	vperm.xlane v28, v8;
	v47 =	vperm.xlane v28, v9  }
0x1ed: {  	v28 =	vperm.xlane v28, v10;
	v48 =	vand.u32 $0xFFFF0000, v41;
	v49 =	vand.u32 $0xFFFF0000, v42  }
0x1ee: {  	v50 =	vand.u32 $0xFFFF0000, v43;
	v51 =	vand.u32 $0xFFFF0000, v44;
	v52 =	vand.u32 $0xFFFF0000, v45  }
0x1ef: {  	v41 =	vshll.u32 v41, $0x3;
	v42 =	vshll.u32 v42, $0x3;
	v43 =	vshll.u32 v43, $0x3  }
0x1f0: {  	v44 =	vshll.u32 v44, $0x3;
	v45 =	vshll.u32 v45, $0x3;
	v41 =	vand.u32 $0x1FFF8, v41  }
0x1f1: {  	s17 =	sadd.s32 $0x2, s17;
	v53 =	vshll.u32 v46, $0x3;
	v42 =	vand.u32 $0x1FFF8, v42;
	v41 =	vor.u32 v0, v41  }
0x1f2: {  	p0 =	slt.u32 s17, $0xE;
	v54 =	vshll.u32 v47, $0x3;
	v43 =	vand.u32 $0x1FFF8, v43;
	v42 =	vor.u32 v0, v42  }
0x1f3: {  	v55 =	vshll.u32 v28, $0x3;
	v44 =	vand.u32 $0x1FFF8, v44;
	v43 =	vor.u32 v0, v43  }
0x1f4: {  	v48 =	vmul.f32 v48, v21;
	v45 =	vand.u32 $0x1FFF8, v45;
	v44 =	vor.u32 v0, v44  }
0x1f5: {  	v49 =	vmul.f32 v49, v21;
	v53 =	vand.u32 $0x1FFF8, v53;
	v45 =	vor.u32 v0, v45  }
0x1f6: {  	[tilespmem:v41+s3+$0x0] =	vst.idx.add.f32.msk $0xffff, v48;
	v41 =	vmul.f32 v50, v21;
	v48 =	vor.u32 v0, v53;
	v50 =	vand.u32 $0x1FFF8, v54  }
0x1f7: {  	[tilespmem:v42+s3+$0x0] =	vst.idx.add.f32.msk $0xffff, v49;
	v42 =	vmul.f32 v51, v21;
	v49 =	vor.u32 v0, v50;
	v50 =	vand.u32 $0x1FFF8, v55  }
0x1f8: {  	[tilespmem:v43+s3+$0x0] =	vst.idx.add.f32.msk $0xffff, v41;
	v41 =	vmul.f32 v52, v21;
	v43 =	vand.u32 $0xFFFF0000, v46;
	v46 =	vor.u32 v0, v50  }
0x1f9: {  	v26 =	vmul.f32 v26, v20;
	[tilespmem:v44+s3+$0x0] =	vst.idx.add.f32.msk $0xffff, v42;
	v42 =	vmul.f32 v43, v21;
	v43 =	vand.u32 $0xFFFF0000, v47  }
0x1fa: {  	v28 =	vand.u32 $0xFFFF0000, v28;
	v44 =	vmul.f32 v31, v20;
	[tilespmem:v45+s3+$0x0] =	vst.idx.add.f32.msk $0xffff, v41;
	v31 =	vmul.f32 v43, v21  }
0x1fb: {  	v28 =	vmul.f32 v28, v21;
	v41 =	vmul.f32 v30, v20;
	v30 =	vand.u32 $0x1FFF8, v37;
	[tilespmem:v48+s3+$0x0] =	vst.idx.add.f32.msk $0xffff, v42  }
0x1fc: {  	v34 =	vmul.f32 v34, v20;
	v35 =	vmul.f32 v35, v20;
	v37 =	vand.u32 $0x1FFF8, v38;
	[tilespmem:v49+s3+$0x0] =	vst.idx.add.f32.msk $0xffff, v31  }
0x1fd: {  	v36 =	vmul.f32 v36, v20;
	v38 =	vmul.f32 v27, v20;
	v31 =	vand.u32 $0x1FFF8, v39;
	[tilespmem:v46+s3+$0x0] =	vst.idx.add.f32.msk $0xffff, v28  }
0x1fe: {  	v25 =	vor.u32 v0, v25;
	v27 =	vor.u32 v0, v29;
	v28 =	vand.u32 $0x1FFF8, v40;
	v39 =	vld [tilespmem:s7+$0x16820]  }
0x1ff: {  	v42 =	vor.u32 v0, v23;
	v43 =	vor.u32 v0, v30;
	v40 =	vor.u32 v0, v32  }
0x200: {  	v37 =	vor.u32 v0, v37;
	v45 =	vor.u32 v0, v31;
	v46 =	vor.u32 v0, v28  }
0x201: {  	v23 =	vor.u32 v0, v24;
	v32 =	vperm.xlane v22, v3;
	v31 =	vperm.xlane v22, v4  }
0x202: {  	v30 =	vperm.xlane v22, v5;
	v28 =	vperm.xlane v22, v6  }
0x203: {  	v29 =	vperm.xlane v22, v7;
	v24 =	vshll.u32 v32, $0x3;
	[tilespmem:v27+s3+$0x0] =	vst.idx.add.f32.msk $0xffff, v33;
	v33 =	vperm.xlane v39, v3  }
0x204: {  	v47 =	vperm.xlane v39, v4;
	v48 =	vperm.xlane v39, v5;
	[tilespmem:v25+s3+$0x0] =	vst.idx.add.f32.msk $0xffff, v26;
	v25 =	vshll.u32 v31, $0x3  }
0x205: {  	v26 =	vshll.u32 v30, $0x3;
	[tilespmem:v40+s3+$0x0] =	vst.idx.add.f32.msk $0xffff, v44;
	v40 =	vperm.xlane v39, v6;
	v44 =	vperm.xlane v39, v7  }
0x206: {  	v27 =	vshll.u32 v28, $0x3;
	[tilespmem:v42+s3+$0x0] =	vst.idx.add.f32.msk $0xffff, v41;
	v41 =	vperm.xlane v39, v8;
	v42 =	vperm.xlane v39, v9  }
0x207: {  	v39 =	vperm.xlane v39, v10;
	[tilespmem:v43+s3+$0x0] =	vst.idx.add.f32.msk $0xffff, v34;
	v34 =	vand.u32 $0xFFFF0000, v33;
	v43 =	vand.u32 $0xFFFF0000, v47  }
0x208: {  	v49 =	vand.u32 $0xFFFF0000, v44;
	[tilespmem:v37+s3+$0x0] =	vst.idx.add.f32.msk $0xffff, v35;
	v35 =	vand.u32 $0xFFFF0000, v48;
	v37 =	vand.u32 $0xFFFF0000, v40  }
0x209: {  	v33 =	vshll.u32 v33, $0x3;
	[tilespmem:v45+s3+$0x0] =	vst.idx.add.f32.msk $0xffff, v36;
	v36 =	vshll.u32 v47, $0x3;
	v45 =	vshll.u32 v48, $0x3  }
0x20a: {  	v33 =	vand.u32 $0x1FFF8, v33;
	[tilespmem:v46+s3+$0x0] =	vst.idx.add.f32.msk $0xffff, v38;
	v38 =	vshll.u32 v40, $0x3;
	v40 =	vshll.u32 v44, $0x3  }
0x20b: {  	v33 =	vor.u32 v0, v33;
	v36 =	vand.u32 $0x1FFF8, v36;
	v46 =	vshll.u32 v41, $0x3;
	v44 =	vld [tilespmem:s13+$0x16810]  }
0x20c: {  	v47 =	vshll.u32 v42, $0x3;
	v45 =	vand.u32 $0x1FFF8, v45;
	v36 =	vor.u32 v0, v36  }
0x20d: {  	v48 =	vshll.u32 v39, $0x3;
	v45 =	vor.u32 v0, v45;
	v38 =	vand.u32 $0x1FFF8, v38  }
0x20e: {  	v34 =	vmul.f32 v34, v21;
	v40 =	vand.u32 $0x1FFF8, v40;
	v38 =	vor.u32 v0, v38  }
0x20f: {  	v43 =	vmul.f32 v43, v21;
	v46 =	vand.u32 $0x1FFF8, v46;
	v40 =	vor.u32 v0, v40  }
0x210: {  	[tilespmem:v33+s3+$0x0] =	vst.idx.add.f32.msk $0xffff, v34;
	v33 =	vmul.f32 v35, v21;
	v34 =	vor.u32 v0, v46;
	v35 =	vand.u32 $0x1FFF8, v47  }
0x211: {  	[tilespmem:v36+s3+$0x0] =	vst.idx.add.f32.msk $0xffff, v43;
	v36 =	vmul.f32 v37, v21;
	v35 =	vor.u32 v0, v35;
	v37 =	vand.u32 $0x1FFF8, v48  }
0x212: {  	v41 =	vand.u32 $0xFFFF0000, v41;
	[tilespmem:v45+s3+$0x0] =	vst.idx.add.f32.msk $0xffff, v33;
	v33 =	vmul.f32 v49, v21;
	v37 =	vor.u32 v0, v37  }
0x213: {  	v43 =	vperm.xlane v44, v3;
	[tilespmem:v38+s3+$0x0] =	vst.idx.add.f32.msk $0xffff, v36;
	v36 =	vmul.f32 v41, v21;
	v38 =	vand.u32 $0xFFFF0000, v42  }
0x214: {  	v41 =	vperm.xlane v44, v4;
	[tilespmem:v40+s3+$0x0] =	vst.idx.add.f32.msk $0xffff, v33;
	v33 =	vmul.f32 v38, v21;
	v38 =	vand.u32 $0xFFFF0000, v39  }
0x215: {  	v39 =	vshll.u32 v43, $0x3;
	v40 =	vperm.xlane v44, v5;
	[tilespmem:v34+s3+$0x0] =	vst.idx.add.f32.msk $0xffff, v36;
	v34 =	vmul.f32 v38, v21  }
0x216: {  	v42 =	vperm.xlane v44, v7;
	v36 =	vshll.u32 v41, $0x3;
	v38 =	vperm.xlane v44, v6;
	[tilespmem:v35+s3+$0x0] =	vst.idx.add.f32.msk $0xffff, v33  }
0x217: {  	v45 =	vperm.xlane v44, v9;
	v33 =	vshll.u32 v40, $0x3;
	v35 =	vperm.xlane v44, v8;
	[tilespmem:v37+s3+$0x0] =	vst.idx.add.f32.msk $0xffff, v34  }
0x218: {  	v44 =	vperm.xlane v44, v10;
	v34 =	vshll.u32 v38, $0x3;
	v37 =	vshll.u32 v42, $0x3;
	v46 =	vld [tilespmem:s7+$0x16830]  }
0x219: {  	v43 =	vand.u32 $0xFFFF0000, v43;
	v48 =	vshll.u32 v45, $0x3;
	v47 =	vshll.u32 v35, $0x3  }
0x21a: {  	v41 =	vand.u32 $0xFFFF0000, v41;
	v40 =	vand.u32 $0xFFFF0000, v40;
	v49 =	vshll.u32 v44, $0x3  }
0x21b: {  	v38 =	vand.u32 $0xFFFF0000, v38;
	v42 =	vand.u32 $0xFFFF0000, v42;
	v35 =	vand.u32 $0xFFFF0000, v35  }
0x21c: {  	v45 =	vand.u32 $0xFFFF0000, v45;
	v39 =	vand.u32 $0x1FFF8, v39;
	v44 =	vand.u32 $0xFFFF0000, v44  }
0x21d: {  	v36 =	vand.u32 $0x1FFF8, v36;
	v33 =	vand.u32 $0x1FFF8, v33;
	v50 =	vperm.xlane v46, v3  }
0x21e: {  	v34 =	vand.u32 $0x1FFF8, v34;
	v51 =	vperm.xlane v46, v4;
	v52 =	vperm.xlane v46, v5  }
0x21f: {  	v37 =	vand.u32 $0x1FFF8, v37;
	v53 =	vperm.xlane v46, v6;
	v54 =	vperm.xlane v46, v7  }
0x220: {  	v47 =	vand.u32 $0x1FFF8, v47;
	v55 =	vperm.xlane v46, v8;
	v56 =	vperm.xlane v46, v9  }
0x221: {  	v46 =	vperm.xlane v46, v10;
	v57 =	vand.u32 $0xFFFF0000, v50;
	v58 =	vand.u32 $0xFFFF0000, v51  }
0x222: {  	v59 =	vand.u32 $0xFFFF0000, v52;
	v60 =	vand.u32 $0xFFFF0000, v53;
	v61 =	vand.u32 $0xFFFF0000, v54  }
0x223: {  	v50 =	vshll.u32 v50, $0x3;
	v51 =	vshll.u32 v51, $0x3;
	v52 =	vshll.u32 v52, $0x3  }
0x224: {  	v53 =	vshll.u32 v53, $0x3;
	v54 =	vshll.u32 v54, $0x3;
	v50 =	vand.u32 $0x1FFF8, v50  }
0x225: {  	v62 =	vshll.u32 v55, $0x3;
	v51 =	vand.u32 $0x1FFF8, v51;
	v50 =	vor.u32 v0, v50  }
0x226: {  	v63 =	vshll.u32 v56, $0x3;
	v52 =	vand.u32 $0x1FFF8, v52;
	v51 =	vor.u32 v0, v51  }
0x227: {  	v13 =	vshll.u32 v46, $0x3;
	v53 =	vand.u32 $0x1FFF8, v53;
	v52 =	vor.u32 v0, v52  }
0x228: {  	v57 =	vmul.f32 v57, v21;
	v54 =	vand.u32 $0x1FFF8, v54;
	v53 =	vor.u32 v0, v53  }
0x229: {  	v58 =	vmul.f32 v58, v21;
	v62 =	vand.u32 $0x1FFF8, v62;
	v54 =	vor.u32 v0, v54  }
0x22a: {  	[tilespmem:v50+s3+$0x0] =	vst.idx.add.f32.msk $0xffff, v57;
	v50 =	vmul.f32 v59, v21;
	v57 =	vor.u32 v0, v62;
	v59 =	vand.u32 $0x1FFF8, v63  }
0x22b: {  	v13 =	vand.u32 $0x1FFF8, v13;
	[tilespmem:v51+s3+$0x0] =	vst.idx.add.f32.msk $0xffff, v58;
	v51 =	vmul.f32 v60, v21;
	v58 =	vor.u32 v0, v59  }
0x22c: {  	v13 =	vor.u32 v0, v13;
	[tilespmem:v52+s3+$0x0] =	vst.idx.add.f32.msk $0xffff, v50;
	v50 =	vmul.f32 v61, v21;
	v52 =	vand.u32 $0xFFFF0000, v55  }
0x22d: {  	v48 =	vand.u32 $0x1FFF8, v48;
	[tilespmem:v53+s3+$0x0] =	vst.idx.add.f32.msk $0xffff, v51;
	v51 =	vmul.f32 v52, v21;
	v52 =	vand.u32 $0xFFFF0000, v56  }
0x22e: {  	v49 =	vand.u32 $0x1FFF8, v49;
	v46 =	vand.u32 $0xFFFF0000, v46;
	[tilespmem:v54+s3+$0x0] =	vst.idx.add.f32.msk $0xffff, v50;
	v50 =	vmul.f32 v52, v21  }
0x22f: {  	v43 =	vmul.f32 v43, v20;
	v46 =	vmul.f32 v46, v21;
	[tilespmem:v57+s3+$0x0] =	vst.idx.add.f32.msk $0xffff, v51;
	v51 =	vshll.u32 v29, $0x3  }
0x230: {  	v32 =	vand.u32 $0xFFFF0000, v32;
	v41 =	vmul.f32 v41, v20;
	v40 =	vmul.f32 v40, v20;
	[tilespmem:v58+s3+$0x0] =	vst.idx.add.f32.msk $0xffff, v50  }
0x231: {  	v38 =	vmul.f32 v38, v20;
	v42 =	vmul.f32 v42, v20;
	[tilespmem:v13+s3+$0x0] =	vst.idx.add.f32.msk $0xffff, v46;
	v13 =	vand.u32 $0xFFFF0000, v31  }
0x232: {  	v35 =	vmul.f32 v35, v20;
	v31 =	vor.u32 v0, v39;
	v39 =	vmul.f32 v45, v20;
	v45 =	vld [tilespmem:s7+$0x16838]  }
0x233: {  	v36 =	vor.u32 v0, v36;
	v33 =	vor.u32 v0, v33;
	v44 =	vmul.f32 v44, v20  }
0x234: {  	v34 =	vor.u32 v0, v34;
	v37 =	vor.u32 v0, v37;
	v46 =	vor.u32 v0, v47  }
0x235: {  	v47 =	vor.u32 v0, v48;
	v48 =	vor.u32 v0, v49;
	v49 =	vperm.xlane v22, v8  }
0x236: {  	v30 =	vand.u32 $0xFFFF0000, v30;
	v50 =	vperm.xlane v22, v9;
	v22 =	vperm.xlane v22, v10  }
0x237: {  	v28 =	vand.u32 $0xFFFF0000, v28;
	[tilespmem:v31+s3+$0x0] =	vst.idx.add.f32.msk $0xffff, v43;
	v31 =	vperm.xlane v45, v11;
	v43 =	vshll.u32 v49, $0x3  }
0x238: {  	v29 =	vand.u32 $0xFFFF0000, v29;
	[tilespmem:v36+s3+$0x0] =	vst.idx.add.f32.msk $0xffff, v41;
	v36 =	vshll.u32 v50, $0x3;
	v41 =	vshll.u32 v22, $0x3  }
0x239: {  	v45 =	vand.u32 $0xFFFF0000, v50;
	[tilespmem:v33+s3+$0x0] =	vst.idx.add.f32.msk $0xffff, v40;
	v33 =	vshll.u32 v31, $0x3;
	v40 =	vand.u32 $0xFFFF0000, v49  }
0x23a: {  	v24 =	vand.u32 $0x1FFF8, v24;
	v22 =	vand.u32 $0xFFFF0000, v22;
	[tilespmem:v34+s3+$0x0] =	vst.idx.add.f32.msk $0xffff, v38;
	v33 =	vand.u32 $0x1FFF8, v33  }
0x23b: {  	v25 =	vand.u32 $0x1FFF8, v25;
	v26 =	vand.u32 $0x1FFF8, v26;
	[tilespmem:v37+s3+$0x0] =	vst.idx.add.f32.msk $0xffff, v42;
	v33 =	vor.u32 v0, v33  }
0x23c: {  	v27 =	vand.u32 $0x1FFF8, v27;
	v34 =	vand.u32 $0x1FFF8, v51;
	[tilespmem:v46+s3+$0x0] =	vst.idx.add.f32.msk $0xffff, v35;
	v35 =	vand.u32 $0x1FFF8, v43  }
0x23d: {  	v31 =	vand.u32 $0xFFFF0000, v31;
	v36 =	vand.u32 $0x1FFF8, v36;
	v37 =	vand.u32 $0x1FFF8, v41;
	[tilespmem:v47+s3+$0x0] =	vst.idx.add.f32.msk $0xffff, v39  }
0x23e: {  	v21 =	vmul.f32 v31, v21;
	v31 =	vmul.f32 v32, v18;
	[tilespmem:v48+s3+$0x0] =	vst.idx.add.f32.msk $0xffff, v44  }
0x23f: {  	v24 =	vor.u32 v0, v24;
	v30 =	vmul.f32 v30, v18;
	v13 =	vmul.f32 v13, v18;
	v32 =	vld [tilespmem:s13+$0x16820]  }
0x240: {  	[tilespmem:v33+s3+$0x0] =	vst.idx.add.f32.msk $0xff, v21;
	v21 =	vmul.f32 v28, v18;
	v28 =	vmul.f32 v29, v18  }
0x241: {  	v25 =	vor.u32 v0, v25;
	v29 =	vmul.f32 v40, v18;
	v33 =	vmul.f32 v45, v18  }
0x242: {  	v27 =	vor.u32 v0, v27;
	v26 =	vor.u32 v0, v26;
	v38 =	vmul.f32 v22, v18  }
0x243: {  	v22 =	vor.u32 v0, v34;
	v34 =	vor.u32 v0, v35;
	v35 =	vor.u32 v0, v36  }
0x244: {  	v37 =	vor.u32 v0, v37;
	v36 =	vperm.xlane v32, v3;
	v39 =	vperm.xlane v32, v4  }
0x245: {  	v40 =	vperm.xlane v32, v5;
	v41 =	vperm.xlane v32, v6;
	[tilespmem:v24+s3+$0x0] =	vst.idx.add.f32.msk $0xffff, v31  }
0x246: {  	v42 =	vperm.xlane v32, v8;
	v31 =	vperm.xlane v32, v7;
	v24 =	vshll.u32 v36, $0x3;
	[tilespmem:v25+s3+$0x0] =	vst.idx.add.f32.msk $0xffff, v13  }
0x247: {  	v13 =	vshll.u32 v39, $0x3;
	v25 =	vperm.xlane v32, v9;
	v32 =	vperm.xlane v32, v10;
	[tilespmem:v26+s3+$0x0] =	vst.idx.add.f32.msk $0xffff, v30  }
0x248: {  	v26 =	vshll.u32 v40, $0x3;
	v30 =	vshll.u32 v41, $0x3;
	v43 =	vshll.u32 v31, $0x3;
	[tilespmem:v27+s3+$0x0] =	vst.idx.add.f32.msk $0xffff, v21  }
0x249: {  	v27 =	vshll.u32 v42, $0x3;
	v44 =	vshll.u32 v25, $0x3;
	v45 =	vshll.u32 v32, $0x3;
	[tilespmem:v22+s3+$0x0] =	vst.idx.add.f32.msk $0xffff, v28  }
0x24a: {  	v39 =	vand.u32 $0xFFFF0000, v39;
	v40 =	vand.u32 $0xFFFF0000, v40;
	v28 =	vand.u32 $0xFFFF0000, v36;
	[tilespmem:v34+s3+$0x0] =	vst.idx.add.f32.msk $0xffff, v29  }
0x24b: {  	v41 =	vand.u32 $0xFFFF0000, v41;
	v46 =	vand.u32 $0xFFFF0000, v31;
	v42 =	vand.u32 $0xFFFF0000, v42;
	[tilespmem:v35+s3+$0x0] =	vst.idx.add.f32.msk $0xffff, v33  }
0x24c: {  	v22 =	vand.u32 $0xFFFF0000, v32;
	v29 =	vand.u32 $0x1FFF8, v24;
	v24 =	vand.u32 $0xFFFF0000, v25;
	[tilespmem:v37+s3+$0x0] =	vst.idx.add.f32.msk $0xffff, v38  }
.Ltmp0:
0x24d: {  	v13 =	vand.u32 $0x1FFF8, v13;
	v31 =	vand.u32 $0x1FFF8, v30;
	v36 =	vand.u32 $0x1FFF8, v26;
	v21 =	vld [tilespmem:s12+$0x16838];
	s12 =	smov.u32 s13;
	(pc) =	sbr.rel @p0 .LBB2_3-.Ltmp0, $4  }
0x24e: {  	v30 =	vand.u32 $0x1FFF8, v44;
	v34 =	vand.u32 $0x1FFF8, v43;
	v35 =	vand.u32 $0x1FFF8, v27  }
0x24f: {  	v32 =	vmul.f32 v28, v20;
	v28 =	vmul.f32 v39, v20;
	v33 =	vand.u32 $0x1FFF8, v45  }
0x250: {  	v26 =	vmul.f32 v41, v20;
	v37 =	vor.u32 v0, v29;
	v29 =	vmul.f32 v40, v20  }
0x251: {  	v25 =	vmul.f32 v42, v20;
	v27 =	vmul.f32 v46, v20;
	v38 =	vor.u32 v0, v13  }
0x252: {  	_ = 	snop  }
0x253: {  	v13 =	vor.u32 v0, v36  }
0x254: {  	v31 =	vor.u32 v0, v31  }
0x255: {  	v34 =	vor.u32 v0, v34  }
0x256: {  	v35 =	vor.u32 v0, v35;
	[tilespmem:v37+s3+$0x0] =	vst.idx.add.f32.msk $0xffff, v32  }
0x257: {  	v30 =	vor.u32 v0, v30;
	[tilespmem:v38+s3+$0x0] =	vst.idx.add.f32.msk $0xffff, v28  }
0x258: {  	v28 =	vor.u32 v0, v33;
	[tilespmem:v13+s3+$0x0] =	vst.idx.add.f32.msk $0xffff, v29  }
0x259: {  	[tilespmem:v31+s3+$0x0] =	vst.idx.add.f32.msk $0xffff, v26  }
0x25a: {  	v13 =	vmul.f32 v24, v20;
	[tilespmem:v34+s3+$0x0] =	vst.idx.add.f32.msk $0xffff, v27  }
0x25b: {  	v22 =	vmul.f32 v22, v20;
	[tilespmem:v35+s3+$0x0] =	vst.idx.add.f32.msk $0xffff, v25  }
0x25c: {  	[tilespmem:v30+s3+$0x0] =	vst.idx.add.f32.msk $0xffff, v13  }
0x25d: {  	[tilespmem:v28+s3+$0x0] =	vst.idx.add.f32.msk $0xffff, v22  }
0x25e: {  	v13 =	vld [tilespmem:s12+$0x16830];
	_ =	sdelay $0x4  }
0x25f: {  	v22 =	vperm.xlane v13, v3  }
0x260: {  	v24 =	vperm.xlane v13, v4;
	v25 =	vperm.xlane v13, v5  }
0x261: {  	v26 =	vperm.xlane v13, v6;
	v27 =	vperm.xlane v13, v7  }
0x262: {  	v41 =	vperm.xlane v13, v8;
	v42 =	vperm.xlane v13, v9  }
0x263: {  	v13 =	vperm.xlane v13, v10;
	v28 =	vshll.u32 v22, $0x3;
	v29 =	vshll.u32 v24, $0x3  }
0x264: {  	v30 =	vshll.u32 v25, $0x3;
	v31 =	vshll.u32 v26, $0x3;
	v40 =	vshll.u32 v27, $0x3  }
0x265: {  	v22 =	vand.u32 $0xFFFF0000, v22;
	v24 =	vand.u32 $0xFFFF0000, v24;
	v25 =	vand.u32 $0xFFFF0000, v25  }
0x266: {  	v26 =	vand.u32 $0xFFFF0000, v26;
	v43 =	vshll.u32 v41, $0x3;
	v28 =	vand.u32 $0x1FFF8, v28  }
0x267: {  	v27 =	vand.u32 $0xFFFF0000, v27;
	v29 =	vand.u32 $0x1FFF8, v29;
	v28 =	vor.u32 v0, v28  }
0x268: {  	v44 =	vshll.u32 v42, $0x3;
	v30 =	vand.u32 $0x1FFF8, v30;
	v29 =	vor.u32 v0, v29  }
0x269: {  	v45 =	vshll.u32 v13, $0x3;
	v31 =	vand.u32 $0x1FFF8, v31;
	v30 =	vor.u32 v0, v30  }
0x26a: {  	v32 =	vand.u32 $0x1FFF8, v40;
	v22 =	vmul.f32 v22, v20;
	v31 =	vor.u32 v0, v31  }
0x26b: {  	v35 =	vand.u32 $0x1FFF8, v43;
	v24 =	vmul.f32 v24, v20;
	v32 =	vor.u32 v0, v32  }
0x26c: {  	v36 =	vand.u32 $0x1FFF8, v44;
	v25 =	vmul.f32 v25, v20;
	v35 =	vor.u32 v0, v35;
	[tilespmem:v28+s3+$0x0] =	vst.idx.add.f32.msk $0xffff, v22  }
0x26d: {  	v26 =	vmul.f32 v26, v20;
	v22 =	vand.u32 $0x1FFF8, v45;
	v28 =	vor.u32 v0, v36;
	[tilespmem:v29+s3+$0x0] =	vst.idx.add.f32.msk $0xffff, v24  }
0x26e: {  	v27 =	vmul.f32 v27, v20;
	v24 =	vand.u32 $0xFFFF0000, v41;
	v22 =	vor.u32 v0, v22;
	[tilespmem:v30+s3+$0x0] =	vst.idx.add.f32.msk $0xffff, v25  }
0x26f: {  	v25 =	vand.u32 $0xFFFF0000, v42;
	v24 =	vmul.f32 v24, v20;
	[tilespmem:v31+s3+$0x0] =	vst.idx.add.f32.msk $0xffff, v26  }
0x270: {  	v13 =	vand.u32 $0xFFFF0000, v13;
	v25 =	vmul.f32 v25, v20;
	[tilespmem:v32+s3+$0x0] =	vst.idx.add.f32.msk $0xffff, v27  }
0x271: {  	v13 =	vmul.f32 v13, v20;
	[tilespmem:v35+s3+$0x0] =	vst.idx.add.f32.msk $0xffff, v24  }
0x272: {  	[tilespmem:v28+s3+$0x0] =	vst.idx.add.f32.msk $0xffff, v25  }
0x273: {  	[tilespmem:v22+s3+$0x0] =	vst.idx.add.f32.msk $0xffff, v13  }
0x274: {  	v13 =	vld [tilespmem:s12+$0x16838];
	_ =	sdelay $0x3  }
0x275: {  	v21 =	vperm.xlane v21, v11  }
0x276: {  	v13 =	vperm.xlane v13, v11  }
0x277: {  	v22 =	vshll.u32 v21, $0x3  }
0x278: {  	v22 =	vand.u32 $0x1FFF8, v22;
	v24 =	vshll.u32 v13, $0x3  }
0x279: {  	v22 =	vor.u32 v0, v22;
	v24 =	vand.u32 $0x1FFF8, v24  }
0x27a: {  	v24 =	vor.u32 v0, v24  }
0x27b: {  	v17 =	vmul.f32 v19, v17;
	v19 =	vand.u32 $0xFFFF0000, v21  }
0x27c: {  	v18 =	vmul.f32 v19, v18;
	v13 =	vand.u32 $0xFFFF0000, v13  }
0x27d: {  	p0 =	seq.s32 s2, $0x13;
	[tilespmem:v23+s3+$0x0] =	vst.idx.add.f32.msk $0xff, v17;
	v13 =	vmul.f32 v13, v20  }
0x27e: {  	s1 =	smul.u32 @!p0 $0x820, s2;
	[tilespmem:v22+s3+$0x0] =	vst.idx.add.f32.msk $0xff, v18  }
0x27f: {  	[tilespmem:v24+s3+$0x0] =	vst.idx.add.f32.msk $0xff, v13  }
0x280: {  	s13 =	simm.s32 $0x41;
	s1 =	sadd.s32 @!p0 s1, s9;
	_ =	swait.ge [sflag:s20], $0x410  }
0x281: {  	s4 =	simm.s32 @!p0 $0x0;
	s1 =	sshrl.u32 @!p0 s1, $0x3;
	[sflag:s20] =	ssyncset.done $0x0  }
0x282: {  	s7 =	simm.s32 @!p0 $0x16800;
	s1 =	sadd.s32 @!p0 s0, s1;
	[sflag:s20] =	ssyncadd.s32 $0xFFFFFBF0  }
0x283: {  	[tilespmem:s7], [sflag:$0x2] =	stream.linear.gather @!p0 [hbm4b:s1+s4], $0x410, $0x38;
	[tilespmem:$0x1B0C0] =	vst v63  }
0x284: {  	s1 =	sand.u32 $0x3FF, s13  }
0x285: {  	s17 =	sadd.s32 $0xFFFFFFFE, s31;
	v13 =	vld [tilespmem:s1+$0x16C20]  }
0x286: {  	s8 =	sadd.s32 $0x13, s17  }
0x287: {  	v17 =	vmov s8  }
0x288: {  	v17 =	vand.u32 $0x7FFFFFFF, v17  }
0x289: {  	v17 =	vadd.s32 v2, v17  }
0x28a: {  	s4 =	sadd.s32 $0x12, s17;
	v18 =	vperm.xlane v13, v3;
	v19 =	vperm.xlane v13, v4  }
0x28b: {  	v20 =	vmov s4;
	v21 =	vperm.xlane v13, v5;
	v22 =	vperm.xlane v13, v6  }
0x28c: {  	v20 =	vand.u32 $0x7FFFFFFE, v20;
	v23 =	vperm.xlane v13, v7;
	v24 =	vperm.xlane v13, v8  }
0x28d: {  	v20 =	vadd.s32 v2, v20;
	v25 =	vperm.xlane v13, v9;
	v13 =	vperm.xlane v13, v10  }
0x28e: {  	v17 =	vld.idx.msk [tilespmem:v17+s14+$0x0], $0xffff;
	v26 =	vand.u32 $0xFFFF0000, v18;
	v27 =	vand.u32 $0xFFFF0000, v19;
	v28 =	vand.u32 $0xFFFF0000, v21  }
0x28f: {  	v18 =	vshll.u32 v18, $0x3;
	v29 =	vand.u32 $0xFFFF0000, v22;
	v30 =	vand.u32 $0xFFFF0000, v23  }
0x290: {  	v19 =	vshll.u32 v19, $0x3;
	v21 =	vshll.u32 v21, $0x3;
	v22 =	vshll.u32 v22, $0x3  }
0x291: {  	v23 =	vshll.u32 v23, $0x3;
	v31 =	vshll.u32 v24, $0x3;
	v18 =	vand.u32 $0x1FFF8, v18  }
0x292: {  	v47 =	vshll.u32 v25, $0x3;
	v19 =	vand.u32 $0x1FFF8, v19;
	v46 =	vor.u32 v0, v18  }
0x293: {  	s12 =	simm.s32 $0x0;
	v18 =	vperm.xlane v17, v1;
	v17 =	vor.u32 v0, v19;
	v19 =	vand.u32 $0x1FFF8, v21  }
0x294: {  	s4 =	sand.u32 $0x3FE, s12;
	v23 =	vand.u32 $0x1FFF8, v23;
	v21 =	vand.u32 $0x1FFF8, v22;
	v19 =	vor.u32 v0, v19  }
0x295: {  	v48 =	vld [tilespmem:s4+$0x16C20];
	v31 =	vand.u32 $0x1FFF8, v31;
	v21 =	vor.u32 v0, v21;
	v26 =	vmul.f32 v26, v18  }
0x296: {  	v20 =	vld.idx.msk [tilespmem:v20+s14+$0x0], $0xffff;
	v22 =	vshll.u32 v13, $0x3;
	v23 =	vor.u32 v0, v23;
	v27 =	vmul.f32 v27, v18  }
0x297: {  	[tilespmem:v46+s3+$0x0] =	vst.idx.add.f32.msk $0xffff, v26;
	v26 =	vmul.f32 v28, v18;
	v28 =	vor.u32 v0, v31;
	v31 =	vand.u32 $0x1FFF8, v47  }
0x298: {  	v22 =	vand.u32 $0x1FFF8, v22;
	[tilespmem:v17+s3+$0x0] =	vst.idx.add.f32.msk $0xffff, v27;
	v17 =	vmul.f32 v29, v18;
	v27 =	vor.u32 v0, v31  }
0x299: {  	v24 =	vand.u32 $0xFFFF0000, v24;
	v22 =	vor.u32 v0, v22;
	[tilespmem:v19+s3+$0x0] =	vst.idx.add.f32.msk $0xffff, v26;
	v19 =	vmul.f32 v30, v18  }
0x29a: {  	[tilespmem:v21+s3+$0x0] =	vst.idx.add.f32.msk $0xffff, v17;
	v17 =	vmul.f32 v24, v18;
	v21 =	vand.u32 $0xFFFF0000, v25  }
0x29b: {  	v13 =	vand.u32 $0xFFFF0000, v13;
	[tilespmem:v23+s3+$0x0] =	vst.idx.add.f32.msk $0xffff, v19;
	v19 =	vmul.f32 v21, v18  }
0x29c: {  	v13 =	vmul.f32 v13, v18;
	[tilespmem:v28+s3+$0x0] =	vst.idx.add.f32.msk $0xffff, v17  }
0x29d: {  	[tilespmem:v27+s3+$0x0] =	vst.idx.add.f32.msk $0xffff, v19  }
0x29e: {  	v29 =	vperm.xlane v48, v9;
	[tilespmem:v22+s3+$0x0] =	vst.idx.add.f32.msk $0xffff, v13  }
0x29f: {  	v26 =	vperm.xlane v48, v7;
	v30 =	vperm.xlane v48, v10;
	v21 =	vld [tilespmem:s1+$0x16C30]  }
0x2a0: {  	v24 =	vperm.xlane v48, v6;
	v33 =	vshll.u32 v29, $0x3;
	v29 =	vand.u32 $0xFFFF0000, v29  }
0x2a1: {  	v23 =	vperm.xlane v48, v5;
	v31 =	vshll.u32 v26, $0x3;
	v39 =	vshll.u32 v30, $0x3  }
0x2a2: {  	v26 =	vand.u32 $0xFFFF0000, v26;
	v30 =	vand.u32 $0xFFFF0000, v30;
	v17 =	vperm.xlane v20, v1  }
0x2a3: {  	v33 =	vand.u32 $0x1FFF8, v33;
	v19 =	vperm.xlane v48, v3;
	v27 =	vperm.xlane v48, v8  }
0x2a4: {  	v20 =	vshll.u32 v24, $0x3;
	v13 =	vperm.xlane v48, v4;
	v49 =	vperm.xlane v21, v3  }
0x2a5: {  	v24 =	vand.u32 $0xFFFF0000, v24;
	v50 =	vperm.xlane v21, v4;
	v51 =	vperm.xlane v21, v5  }
0x2a6: {  	v31 =	vand.u32 $0x1FFF8, v31;
	v52 =	vperm.xlane v21, v6;
	v53 =	vperm.xlane v21, v7  }
0x2a7: {  	v33 =	vor.u32 v0, v33;
	v40 =	vperm.xlane v21, v8;
	v41 =	vperm.xlane v21, v9  }
0x2a8: {  	v21 =	vperm.xlane v21, v10;
	v42 =	vand.u32 $0xFFFF0000, v49;
	v43 =	vand.u32 $0xFFFF0000, v50  }
0x2a9: {  	v44 =	vand.u32 $0xFFFF0000, v51;
	v45 =	vand.u32 $0xFFFF0000, v52;
	v46 =	vand.u32 $0xFFFF0000, v53  }
0x2aa: {  	v34 =	vshll.u32 v49, $0x3;
	v35 =	vshll.u32 v50, $0x3;
	v36 =	vshll.u32 v51, $0x3  }
0x2ab: {  	v37 =	vshll.u32 v52, $0x3;
	v38 =	vshll.u32 v53, $0x3;
	v34 =	vand.u32 $0x1FFF8, v34  }
0x2ac: {  	v47 =	vshll.u32 v40, $0x3;
	v35 =	vand.u32 $0x1FFF8, v35;
	v34 =	vor.u32 v0, v34  }
0x2ad: {  	v48 =	vshll.u32 v41, $0x3;
	v36 =	vand.u32 $0x1FFF8, v36;
	v35 =	vor.u32 v0, v35  }
0x2ae: {  	v49 =	vshll.u32 v21, $0x3;
	v37 =	vand.u32 $0x1FFF8, v37;
	v36 =	vor.u32 v0, v36  }
0x2af: {  	v42 =	vmul.f32 v42, v18;
	v38 =	vand.u32 $0x1FFF8, v38;
	v37 =	vor.u32 v0, v37  }
0x2b0: {  	v43 =	vmul.f32 v43, v18;
	v47 =	vand.u32 $0x1FFF8, v47;
	v38 =	vor.u32 v0, v38  }
0x2b1: {  	v54 =	vmul.f32 v44, v18;
	v56 =	vand.u32 $0x1FFF8, v48;
	v55 =	vor.u32 v0, v47;
	[tilespmem:v34+s3+$0x0] =	vst.idx.add.f32.msk $0xffff, v42  }
0x2b2: {  	v57 =	vmul.f32 v45, v18;
	v59 =	vand.u32 $0x1FFF8, v49;
	v58 =	vor.u32 v0, v56;
	[tilespmem:v35+s3+$0x0] =	vst.idx.add.f32.msk $0xffff, v43  }
0x2b3: {  	v61 =	vand.u32 $0xFFFF0000, v40;
	v60 =	vmul.f32 v46, v18;
	v62 =	vor.u32 v0, v59;
	[tilespmem:v36+s3+$0x0] =	vst.idx.add.f32.msk $0xffff, v54  }
0x2b4: {  	v28 =	vshll.u32 v23, $0x3;
	v41 =	vand.u32 $0xFFFF0000, v41;
	v63 =	vmul.f32 v61, v18;
	[tilespmem:v37+s3+$0x0] =	vst.idx.add.f32.msk $0xffff, v57  }
0x2b5: {  	v23 =	vand.u32 $0xFFFF0000, v23;
	v21 =	vand.u32 $0xFFFF0000, v21;
	v44 =	vmul.f32 v41, v18;
	[tilespmem:v38+s3+$0x0] =	vst.idx.add.f32.msk $0xffff, v60  }
0x2b6: {  	v20 =	vand.u32 $0x1FFF8, v20;
	v31 =	vor.u32 v0, v31;
	v21 =	vmul.f32 v21, v18;
	[tilespmem:v55+s3+$0x0] =	vst.idx.add.f32.msk $0xffff, v63  }
0x2b7: {  	v28 =	vand.u32 $0x1FFF8, v28;
	v24 =	vmul.f32 v24, v17;
	v26 =	vmul.f32 v26, v17;
	[tilespmem:v58+s3+$0x0] =	vst.idx.add.f32.msk $0xffff, v44  }
0x2b8: {  	v29 =	vmul.f32 v29, v17;
	v30 =	vmul.f32 v30, v17;
	v22 =	vshll.u32 v19, $0x3;
	[tilespmem:v62+s3+$0x0] =	vst.idx.add.f32.msk $0xffff, v21  }
0x2b9: {  	v25 =	vshll.u32 v13, $0x3;
	v22 =	vand.u32 $0x1FFF8, v22;
	v21 =	vmul.f32 v23, v17;
	v23 =	vld [tilespmem:s1+$0x16C40]  }
0x2ba: {  	v20 =	vor.u32 v0, v20;
	v25 =	vand.u32 $0x1FFF8, v25;
	v22 =	vor.u32 v0, v22  }
0x2bb: {  	v32 =	vshll.u32 v27, $0x3;
	v19 =	vand.u32 $0xFFFF0000, v19;
	v25 =	vor.u32 v0, v25  }
0x2bc: {  	v27 =	vand.u32 $0xFFFF0000, v27;
	v28 =	vor.u32 v0, v28;
	v13 =	vand.u32 $0xFFFF0000, v13  }
0x2bd: {  	v19 =	vmul.f32 v19, v17;
	v27 =	vmul.f32 v27, v17;
	v32 =	vand.u32 $0x1FFF8, v32  }
0x2be: {  	v13 =	vmul.f32 v13, v17;
	v32 =	vor.u32 v0, v32;
	v46 =	vperm.xlane v23, v3  }
0x2bf: {  	[tilespmem:v22+s3+$0x0] =	vst.idx.add.f32.msk $0xffff, v19;
	v47 =	vperm.xlane v23, v4;
	v48 =	vperm.xlane v23, v5  }
0x2c0: {  	v45 =	vand.u32 $0x1FFF8, v39;
	[tilespmem:v25+s3+$0x0] =	vst.idx.add.f32.msk $0xffff, v13;
	v49 =	vperm.xlane v23, v6;
	v50 =	vperm.xlane v23, v7  }
0x2c1: {  	v34 =	vor.u32 v0, v45;
	v51 =	vperm.xlane v23, v8;
	v52 =	vperm.xlane v23, v9  }
0x2c2: {  	[tilespmem:v28+s3+$0x0] =	vst.idx.add.f32.msk $0xffff, v21;
	v23 =	vperm.xlane v23, v10;
	v19 =	vand.u32 $0xFFFF0000, v46;
	v22 =	vand.u32 $0xFFFF0000, v47  }
0x2c3: {  	[tilespmem:v20+s3+$0x0] =	vst.idx.add.f32.msk $0xffff, v24;
	v13 =	vand.u32 $0xFFFF0000, v48;
	v25 =	vand.u32 $0xFFFF0000, v49;
	v53 =	vand.u32 $0xFFFF0000, v50  }
0x2c4: {  	[tilespmem:v31+s3+$0x0] =	vst.idx.add.f32.msk $0xffff, v26;
	v21 =	vshll.u32 v46, $0x3;
	v28 =	vshll.u32 v47, $0x3;
	v54 =	vshll.u32 v48, $0x3  }
0x2c5: {  	[tilespmem:v32+s3+$0x0] =	vst.idx.add.f32.msk $0xffff, v27;
	v24 =	vshll.u32 v50, $0x3;
	v31 =	vshll.u32 v52, $0x3;
	v20 =	vand.u32 $0x1FFF8, v21  }
0x2c6: {  	[tilespmem:v33+s3+$0x0] =	vst.idx.add.f32.msk $0xffff, v29;
	v29 =	vshll.u32 v23, $0x3;
	v26 =	vand.u32 $0x1FFF8, v28;
	v20 =	vor.u32 v0, v20  }
0x2c7: {  	v21 =	vshll.u32 v49, $0x3;
	v27 =	vand.u32 $0x1FFF8, v54;
	v26 =	vor.u32 v0, v26  }
0x2c8: {  	v28 =	vshll.u32 v51, $0x3;
	v27 =	vor.u32 v0, v27;
	v21 =	vand.u32 $0x1FFF8, v21  }
0x2c9: {  	[tilespmem:v34+s3+$0x0] =	vst.idx.add.f32.msk $0xffff, v30;
	v19 =	vmul.f32 v19, v18;
	v24 =	vand.u32 $0x1FFF8, v24;
	v21 =	vor.u32 v0, v21  }
0x2ca: {  	v30 =	vld [tilespmem:s4+$0x16C30];
	v22 =	vmul.f32 v22, v18;
	v24 =	vor.u32 v0, v24;
	v28 =	vand.u32 $0x1FFF8, v28  }
0x2cb: {  	v13 =	vmul.f32 v13, v18;
	[tilespmem:v20+s3+$0x0] =	vst.idx.add.f32.msk $0xffff, v19;
	v19 =	vor.u32 v0, v28;
	v20 =	vand.u32 $0x1FFF8, v31  }
0x2cc: {  	[tilespmem:v26+s3+$0x0] =	vst.idx.add.f32.msk $0xffff, v22;
	v22 =	vmul.f32 v25, v18;
	v20 =	vor.u32 v0, v20;
	v25 =	vand.u32 $0x1FFF8, v29  }
0x2cd: {  	v26 =	vand.u32 $0xFFFF0000, v51;
	[tilespmem:v27+s3+$0x0] =	vst.idx.add.f32.msk $0xffff, v13;
	v13 =	vmul.f32 v53, v18;
	v25 =	vor.u32 v0, v25  }
0x2ce: {  	[tilespmem:v21+s3+$0x0] =	vst.idx.add.f32.msk $0xffff, v22;
	v21 =	vmul.f32 v26, v18;
	v22 =	vand.u32 $0xFFFF0000, v52  }
0x2cf: {  	[tilespmem:v24+s3+$0x0] =	vst.idx.add.f32.msk $0xffff, v13;
	v13 =	vmul.f32 v22, v18;
	v22 =	vand.u32 $0xFFFF0000, v23  }
0x2d0: {  	[tilespmem:v19+s3+$0x0] =	vst.idx.add.f32.msk $0xffff, v21;
	v19 =	vmul.f32 v22, v18  }
0x2d1: {  	v28 =	vperm.xlane v30, v9;
	[tilespmem:v20+s3+$0x0] =	vst.idx.add.f32.msk $0xffff, v13  }
0x2d2: {  	v27 =	vperm.xlane v30, v8;
	[tilespmem:v25+s3+$0x0] =	vst.idx.add.f32.msk $0xffff, v19  }
0x2d3: {  	v33 =	vshll.u32 v28, $0x3;
	v24 =	vperm.xlane v30, v6;
	v22 =	vld [tilespmem:s1+$0x16C50]  }
0x2d4: {  	v33 =	vand.u32 $0x1FFF8, v33;
	v32 =	vshll.u32 v27, $0x3;
	v21 =	vperm.xlane v30, v3  }
0x2d5: {  	v13 =	vperm.xlane v30, v4;
	v20 =	vperm.xlane v30, v5;
	v29 =	vshll.u32 v24, $0x3  }
0x2d6: {  	v24 =	vand.u32 $0xFFFF0000, v24;
	v19 =	vshll.u32 v21, $0x3;
	v25 =	vperm.xlane v30, v7  }
0x2d7: {  	v30 =	vperm.xlane v30, v10;
	v21 =	vand.u32 $0xFFFF0000, v21;
	v29 =	vand.u32 $0x1FFF8, v29  }
0x2d8: {  	v23 =	vshll.u32 v13, $0x3;
	v26 =	vshll.u32 v20, $0x3;
	v55 =	vperm.xlane v22, v3  }
0x2d9: {  	v19 =	vand.u32 $0x1FFF8, v19;
	v56 =	vperm.xlane v22, v4;
	v57 =	vperm.xlane v22, v5  }
0x2da: {  	v23 =	vand.u32 $0x1FFF8, v23;
	v58 =	vperm.xlane v22, v6;
	v59 =	vperm.xlane v22, v7  }
0x2db: {  	v19 =	vor.u32 v0, v19;
	v40 =	vperm.xlane v22, v8;
	v41 =	vperm.xlane v22, v9  }
0x2dc: {  	v22 =	vperm.xlane v22, v10;
	v60 =	vand.u32 $0xFFFF0000, v55;
	v61 =	vand.u32 $0xFFFF0000, v56  }
0x2dd: {  	v62 =	vand.u32 $0xFFFF0000, v57;
	v63 =	vand.u32 $0xFFFF0000, v58;
	v52 =	vand.u32 $0xFFFF0000, v59  }
0x2de: {  	v34 =	vshll.u32 v55, $0x3;
	v36 =	vshll.u32 v56, $0x3;
	v37 =	vshll.u32 v57, $0x3  }
0x2df: {  	v38 =	vshll.u32 v58, $0x3;
	v39 =	vshll.u32 v59, $0x3;
	v34 =	vand.u32 $0x1FFF8, v34  }
0x2e0: {  	v53 =	vshll.u32 v40, $0x3;
	v36 =	vand.u32 $0x1FFF8, v36;
	v34 =	vor.u32 v0, v34  }
0x2e1: {  	v54 =	vshll.u32 v41, $0x3;
	v37 =	vand.u32 $0x1FFF8, v37;
	v36 =	vor.u32 v0, v36  }
0x2e2: {  	v55 =	vshll.u32 v22, $0x3;
	v38 =	vand.u32 $0x1FFF8, v38;
	v37 =	vor.u32 v0, v37  }
0x2e3: {  	v42 =	vmul.f32 v60, v18;
	v39 =	vand.u32 $0x1FFF8, v39;
	v38 =	vor.u32 v0, v38  }
0x2e4: {  	v43 =	vmul.f32 v61, v18;
	v47 =	vand.u32 $0x1FFF8, v53;
	v39 =	vor.u32 v0, v39  }
0x2e5: {  	v56 =	vmul.f32 v62, v18;
	v58 =	vand.u32 $0x1FFF8, v54;
	v57 =	vor.u32 v0, v47;
	[tilespmem:v34+s3+$0x0] =	vst.idx.add.f32.msk $0xffff, v42  }
0x2e6: {  	v59 =	vmul.f32 v63, v18;
	v61 =	vand.u32 $0x1FFF8, v55;
	v60 =	vor.u32 v0, v58;
	[tilespmem:v36+s3+$0x0] =	vst.idx.add.f32.msk $0xffff, v43  }
0x2e7: {  	v62 =	vmul.f32 v52, v18;
	v63 =	vand.u32 $0xFFFF0000, v40;
	v44 =	vor.u32 v0, v61;
	[tilespmem:v37+s3+$0x0] =	vst.idx.add.f32.msk $0xffff, v56  }
0x2e8: {  	v26 =	vand.u32 $0x1FFF8, v26;
	v46 =	vand.u32 $0xFFFF0000, v41;
	v45 =	vmul.f32 v63, v18;
	[tilespmem:v38+s3+$0x0] =	vst.idx.add.f32.msk $0xffff, v59  }
0x2e9: {  	v23 =	vor.u32 v0, v23;
	v22 =	vand.u32 $0xFFFF0000, v22;
	v47 =	vmul.f32 v46, v18;
	[tilespmem:v39+s3+$0x0] =	vst.idx.add.f32.msk $0xffff, v62  }
0x2ea: {  	v13 =	vand.u32 $0xFFFF0000, v13;
	v26 =	vor.u32 v0, v26;
	v22 =	vmul.f32 v22, v18;
	[tilespmem:v57+s3+$0x0] =	vst.idx.add.f32.msk $0xffff, v45  }
0x2eb: {  	v20 =	vand.u32 $0xFFFF0000, v20;
	v21 =	vmul.f32 v21, v17;
	v31 =	vshll.u32 v25, $0x3;
	[tilespmem:v60+s3+$0x0] =	vst.idx.add.f32.msk $0xffff, v47  }
0x2ec: {  	v13 =	vmul.f32 v13, v17;
	v31 =	vand.u32 $0x1FFF8, v31;
	[tilespmem:v44+s3+$0x0] =	vst.idx.add.f32.msk $0xffff, v22;
	v22 =	vor.u32 v0, v29  }
0x2ed: {  	v20 =	vmul.f32 v20, v17;
	v31 =	vor.u32 v0, v31;
	[tilespmem:v19+s3+$0x0] =	vst.idx.add.f32.msk $0xffff, v21;
	v29 =	vand.u32 $0x1FFF8, v32  }
0x2ee: {  	v35 =	vshll.u32 v30, $0x3;
	v25 =	vand.u32 $0xFFFF0000, v25;
	[tilespmem:v23+s3+$0x0] =	vst.idx.add.f32.msk $0xffff, v13;
	v29 =	vor.u32 v0, v29  }
0x2ef: {  	v19 =	vand.u32 $0x1FFF8, v35;
	v21 =	vmul.f32 v24, v17;
	v24 =	vor.u32 v0, v33;
	[tilespmem:v26+s3+$0x0] =	vst.idx.add.f32.msk $0xffff, v20  }
0x2f0: {  	v13 =	vand.u32 $0xFFFF0000, v27;
	v23 =	vmul.f32 v25, v17;
	v19 =	vor.u32 v0, v19;
	v48 =	vld [tilespmem:s1+$0x16C58]  }
0x2f1: {  	v20 =	vand.u32 $0xFFFF0000, v28;
	v13 =	vmul.f32 v13, v17;
	[tilespmem:v22+s3+$0x0] =	vst.idx.add.f32.msk $0xffff, v21  }
0x2f2: {  	v20 =	vmul.f32 v20, v17;
	v21 =	vand.u32 $0xFFFF0000, v30;
	[tilespmem:v31+s3+$0x0] =	vst.idx.add.f32.msk $0xffff, v23  }
0x2f3: {  	v21 =	vmul.f32 v21, v17;
	[tilespmem:v29+s3+$0x0] =	vst.idx.add.f32.msk $0xffff, v13  }
0x2f4: {  	[tilespmem:v24+s3+$0x0] =	vst.idx.add.f32.msk $0xffff, v20  }
0x2f5: {  	[tilespmem:v19+s3+$0x0] =	vst.idx.add.f32.msk $0xffff, v21  }
0x2f6: {  	v19 =	vperm.xlane v48, v11;
	v13 =	vld [tilespmem:s4+$0x16C40];
	_ =	sdelay $0x1  }
0x2f7: {  	s17 =	sadd.s32 $0x0, s31;
	v20 =	vshll.u32 v19, $0x3;
	v19 =	vand.u32 $0xFFFF0000, v19  }
0x2f8: {  	s1 =	sadd.s32 $0x12, s17;
	v18 =	vmul.f32 v19, v18  }
0x2f9: {  	v53 =	vmov s1;
	v20 =	vand.u32 $0x1FFF8, v20  }
0x2fa: {  	v20 =	vor.u32 v0, v20;
	[tilespmem:$0x1FF40] =	vst v18;
	v23 =	vperm.xlane v13, v3;
	v18 =	vperm.xlane v13, v4  }
0x2fb: {  	v35 =	vand.u32 $0x7FFFFFFE, v53;
	[tilespmem:$0x1FF30] =	vst v20;
	v19 =	vperm.xlane v13, v5;
	v20 =	vperm.xlane v13, v6  }
0x2fc: {  	v35 =	vadd.s32 v2, v35;
	v25 =	vperm.xlane v13, v7;
	v26 =	vperm.xlane v13, v8  }
0x2fd: {  	v28 =	vperm.xlane v13, v9;
	v13 =	vperm.xlane v13, v10;
	v24 =	vshll.u32 v23, $0x3  }
0x2fe: {  	v27 =	vshll.u32 v18, $0x3;
	v29 =	vshll.u32 v19, $0x3;
	v30 =	vshll.u32 v20, $0x3  }
0x2ff: {  	v31 =	vshll.u32 v25, $0x3;
	v49 =	vshll.u32 v26, $0x3;
	v50 =	vshll.u32 v28, $0x3  }
0x300: {  	v34 =	vshll.u32 v13, $0x3;
	v23 =	vand.u32 $0xFFFF0000, v23;
	v18 =	vand.u32 $0xFFFF0000, v18  }
0x301: {  	v19 =	vand.u32 $0xFFFF0000, v19;
	v20 =	vand.u32 $0xFFFF0000, v20;
	v25 =	vand.u32 $0xFFFF0000, v25  }
0x302: {  	s13 =	simm.s32 $0xC3;
	v51 =	vand.u32 $0xFFFF0000, v26;
	v28 =	vand.u32 $0xFFFF0000, v28;
	v13 =	vand.u32 $0xFFFF0000, v13  }
0x303: {  	s12 =	sand.u32 $0x3FF, s13;
	v24 =	vand.u32 $0x1FFF8, v24;
	v27 =	vand.u32 $0x1FFF8, v27;
	v29 =	vand.u32 $0x1FFF8, v29  }
0x304: {  	v30 =	vand.u32 $0x1FFF8, v30;
	v31 =	vand.u32 $0x1FFF8, v31;
	v37 =	vmul.f32 v18, v17;
	v18 =	vld [tilespmem:s12+$0x16C20]  }
0x305: {  	s8 =	sadd.s32 $0x13, s17;
	v32 =	vand.u32 $0x1FFF8, v49;
	v36 =	vmul.f32 v23, v17;
	v39 =	vmul.f32 v19, v17  }
0x306: {  	v26 =	vmul.f32 v20, v17;
	v25 =	vmul.f32 v25, v17;
	v19 =	vmov s8  }
0x307: {  	v23 =	vmul.f32 v28, v17;
	v20 =	vmul.f32 v13, v17;
	v13 =	vand.u32 $0x7FFFFFFF, v19  }
0x308: {  	v38 =	vor.u32 v0, v24;
	v24 =	vmul.f32 v51, v17;
	v13 =	vadd.s32 v2, v13  }
0x309: {  	v33 =	vand.u32 $0x1FFF8, v50;
	v19 =	vperm.xlane v18, v3;
	v52 =	vperm.xlane v18, v4  }
0x30a: {  	v28 =	vor.u32 v0, v30;
	v54 =	vperm.xlane v18, v5;
	v55 =	vperm.xlane v18, v6  }
0x30b: {  	v30 =	vor.u32 v0, v31;
	v56 =	vperm.xlane v18, v7;
	v43 =	vperm.xlane v18, v8  }
0x30c: {  	v31 =	vor.u32 v0, v32;
	v44 =	vperm.xlane v18, v9;
	v18 =	vperm.xlane v18, v10  }
0x30d: {  	v13 =	vld.idx.msk [tilespmem:v13+s14+$0x0], $0xffff;
	v57 =	vand.u32 $0xFFFF0000, v19;
	v58 =	vand.u32 $0xFFFF0000, v52;
	v59 =	vand.u32 $0xFFFF0000, v54  }
0x30e: {  	v19 =	vshll.u32 v19, $0x3;
	v60 =	vand.u32 $0xFFFF0000, v55;
	v61 =	vand.u32 $0xFFFF0000, v56  }
0x30f: {  	v32 =	vshll.u32 v52, $0x3;
	v40 =	vshll.u32 v54, $0x3;
	v41 =	vshll.u32 v55, $0x3  }
0x310: {  	v42 =	vshll.u32 v56, $0x3;
	v50 =	vshll.u32 v43, $0x3;
	v19 =	vand.u32 $0x1FFF8, v19  }
0x311: {  	v52 =	vshll.u32 v44, $0x3;
	v32 =	vand.u32 $0x1FFF8, v32;
	v51 =	vor.u32 v0, v19  }
0x312: {  	s13 =	simm.s32 $0x82;
	v62 =	vand.u32 $0x1FFF8, v40;
	v19 =	vperm.xlane v13, v1;
	v13 =	vor.u32 v0, v32  }
0x313: {  	s1 =	sand.u32 $0x3FE, s13;
	v56 =	vshll.u32 v18, $0x3;
	v63 =	vand.u32 $0x1FFF8, v41;
	v32 =	vor.u32 v0, v62  }
0x314: {  	v53 =	vld [tilespmem:s1+$0x16C20];
	v42 =	vand.u32 $0x1FFF8, v42;
	v40 =	vor.u32 v0, v63;
	v45 =	vmul.f32 v57, v19  }
0x315: {  	v35 =	vld.idx.msk [tilespmem:v35+s14+$0x0], $0xffff;
	v50 =	vand.u32 $0x1FFF8, v50;
	v42 =	vor.u32 v0, v42;
	v46 =	vmul.f32 v58, v19  }
0x316: {  	v57 =	vmul.f32 v59, v19;
	v58 =	vor.u32 v0, v50;
	v59 =	vand.u32 $0x1FFF8, v52;
	[tilespmem:v51+s3+$0x0] =	vst.idx.add.f32.msk $0xffff, v45  }
0x317: {  	v41 =	vand.u32 $0x1FFF8, v56;
	[tilespmem:v13+s3+$0x0] =	vst.idx.add.f32.msk $0xffff, v46;
	v13 =	vmul.f32 v60, v19;
	v60 =	vor.u32 v0, v59  }
0x318: {  	v43 =	vand.u32 $0xFFFF0000, v43;
	v41 =	vor.u32 v0, v41;
	v61 =	vmul.f32 v61, v19;
	[tilespmem:v32+s3+$0x0] =	vst.idx.add.f32.msk $0xffff, v57  }
0x319: {  	v27 =	vor.u32 v0, v27;
	v62 =	vand.u32 $0xFFFF0000, v44;
	[tilespmem:v40+s3+$0x0] =	vst.idx.add.f32.msk $0xffff, v13;
	v13 =	vmul.f32 v43, v19  }
0x31a: {  	v29 =	vor.u32 v0, v29;
	v18 =	vand.u32 $0xFFFF0000, v18;
	v55 =	vmul.f32 v62, v19;
	[tilespmem:v42+s3+$0x0] =	vst.idx.add.f32.msk $0xffff, v61  }
0x31b: {  	v33 =	vor.u32 v0, v33;
	[tilespmem:v58+s3+$0x0] =	vst.idx.add.f32.msk $0xffff, v13;
	v13 =	vmul.f32 v18, v19  }
0x31c: {  	v34 =	vand.u32 $0x1FFF8, v34;
	v56 =	vperm.xlane v53, v4;
	v63 =	vperm.xlane v53, v3;
	[tilespmem:v60+s3+$0x0] =	vst.idx.add.f32.msk $0xffff, v55  }
0x31d: {  	v34 =	vor.u32 v0, v34;
	v59 =	vperm.xlane v53, v8;
	[tilespmem:v41+s3+$0x0] =	vst.idx.add.f32.msk $0xffff, v13  }
0x31e: {  	v44 =	vshll.u32 v56, $0x3;
	v57 =	vperm.xlane v53, v5;
	v32 =	vshll.u32 v63, $0x3;
	v47 =	vld [tilespmem:s12+$0x16C30]  }
0x31f: {  	v51 =	vshll.u32 v59, $0x3;
	v43 =	vand.u32 $0xFFFF0000, v63;
	v40 =	vand.u32 $0xFFFF0000, v56  }
0x320: {  	v46 =	vand.u32 $0xFFFF0000, v59;
	v61 =	vperm.xlane v53, v10;
	v58 =	vperm.xlane v53, v6  }
0x321: {  	v42 =	vand.u32 $0xFFFF0000, v57;
	v18 =	vperm.xlane v35, v1;
	v60 =	vperm.xlane v53, v9  }
0x322: {  	v49 =	vand.u32 $0xFFFF0000, v61;
	v13 =	vperm.xlane v53, v7;
	v41 =	vshll.u32 v57, $0x3  }
0x323: {  	v35 =	vshll.u32 v58, $0x3;
	v53 =	vshll.u32 v61, $0x3;
	v54 =	vperm.xlane v47, v3  }
0x324: {  	v45 =	vand.u32 $0xFFFF0000, v58;
	v55 =	vperm.xlane v47, v4;
	v56 =	vperm.xlane v47, v5  }
0x325: {  	v52 =	vshll.u32 v60, $0x3;
	v57 =	vperm.xlane v47, v6;
	v58 =	vperm.xlane v47, v7  }
0x326: {  	[tilespmem:v38+s3+$0x0] =	vst.idx.add.f32.msk $0xffff, v36;
	v48 =	vand.u32 $0xFFFF0000, v60;
	v59 =	vperm.xlane v47, v8;
	v60 =	vperm.xlane v47, v9  }
0x327: {  	[tilespmem:v27+s3+$0x0] =	vst.idx.add.f32.msk $0xffff, v37;
	v47 =	vperm.xlane v47, v10;
	v36 =	vand.u32 $0xFFFF0000, v54;
	v38 =	vand.u32 $0xFFFF0000, v55  }
0x328: {  	[tilespmem:v29+s3+$0x0] =	vst.idx.add.f32.msk $0xffff, v39;
	v27 =	vand.u32 $0xFFFF0000, v56;
	v37 =	vand.u32 $0xFFFF0000, v57;
	v61 =	vand.u32 $0xFFFF0000, v58  }
0x329: {  	[tilespmem:v28+s3+$0x0] =	vst.idx.add.f32.msk $0xffff, v26;
	v29 =	vshll.u32 v54, $0x3;
	v62 =	vshll.u32 v55, $0x3;
	v63 =	vshll.u32 v56, $0x3  }
0x32a: {  	[tilespmem:v30+s3+$0x0] =	vst.idx.add.f32.msk $0xffff, v25;
	v28 =	vshll.u32 v57, $0x3;
	v30 =	vshll.u32 v59, $0x3;
	v26 =	vand.u32 $0x1FFF8, v29  }
0x32b: {  	[tilespmem:v31+s3+$0x0] =	vst.idx.add.f32.msk $0xffff, v24;
	v31 =	vshll.u32 v60, $0x3;
	v25 =	vor.u32 v0, v26;
	v26 =	vand.u32 $0x1FFF8, v62  }
0x32c: {  	v29 =	vshll.u32 v58, $0x3;
	v24 =	vor.u32 v0, v26;
	v26 =	vand.u32 $0x1FFF8, v63  }
0x32d: {  	[tilespmem:v33+s3+$0x0] =	vst.idx.add.f32.msk $0xffff, v23;
	v36 =	vmul.f32 v36, v19;
	v23 =	vor.u32 v0, v26;
	v26 =	vand.u32 $0x1FFF8, v28  }
0x32e: {  	[tilespmem:v34+s3+$0x0] =	vst.idx.add.f32.msk $0xffff, v20;
	v39 =	vmul.f32 v38, v19;
	v29 =	vand.u32 $0x1FFF8, v29;
	v26 =	vor.u32 v0, v26  }
0x32f: {  	v20 =	vld [tilespmem:s4+$0x16C50];
	v30 =	vand.u32 $0x1FFF8, v30;
	v29 =	vor.u32 v0, v29;
	v28 =	vshll.u32 v47, $0x3  }
0x330: {  	[tilespmem:v25+s3+$0x0] =	vst.idx.add.f32.msk $0xffff, v36;
	v25 =	vmul.f32 v27, v19;
	v27 =	vor.u32 v0, v30;
	v30 =	vand.u32 $0x1FFF8, v31  }
0x331: {  	v28 =	vand.u32 $0x1FFF8, v28;
	[tilespmem:v24+s3+$0x0] =	vst.idx.add.f32.msk $0xffff, v39;
	v24 =	vmul.f32 v37, v19;
	v30 =	vor.u32 v0, v30  }
0x332: {  	v28 =	vor.u32 v0, v28;
	[tilespmem:v23+s3+$0x0] =	vst.idx.add.f32.msk $0xffff, v25;
	v23 =	vmul.f32 v61, v19;
	v25 =	vand.u32 $0xFFFF0000, v59  }
0x333: {  	[tilespmem:v26+s3+$0x0] =	vst.idx.add.f32.msk $0xffff, v24;
	v24 =	vmul.f32 v25, v19;
	v25 =	vand.u32 $0xFFFF0000, v60  }
0x334: {  	[tilespmem:v29+s3+$0x0] =	vst.idx.add.f32.msk $0xffff, v23;
	v23 =	vmul.f32 v25, v19;
	v25 =	vand.u32 $0xFFFF0000, v47  }
0x335: {  	v43 =	vmul.f32 v43, v18;
	[tilespmem:v27+s3+$0x0] =	vst.idx.add.f32.msk $0xffff, v24;
	v24 =	vmul.f32 v25, v19  }
0x336: {  	v33 =	vmul.f32 v42, v18;
	v50 =	vshll.u32 v13, $0x3;
	v13 =	vand.u32 $0xFFFF0000, v13;
	[tilespmem:v30+s3+$0x0] =	vst.idx.add.f32.msk $0xffff, v23  }
0x337: {  	v34 =	vmul.f32 v45, v18;
	v52 =	vand.u32 $0x1FFF8, v52;
	v13 =	vmul.f32 v13, v18;
	[tilespmem:v28+s3+$0x0] =	vst.idx.add.f32.msk $0xffff, v24  }
0x338: {  	v56 =	vand.u32 $0x1FFF8, v53;
	v38 =	vmul.f32 v49, v18;
	v31 =	vand.u32 $0x1FFF8, v32;
	v54 =	vld [tilespmem:s12+$0x16C40]  }
0x339: {  	v32 =	vmul.f32 v40, v18;
	v36 =	vor.u32 v0, v52;
	v31 =	vor.u32 v0, v31  }
0x33a: {  	v40 =	vor.u32 v0, v56;
	v26 =	vand.u32 $0x1FFF8, v44;
	v29 =	vand.u32 $0x1FFF8, v41  }
0x33b: {  	v55 =	vor.u32 v0, v26;
	v26 =	vperm.xlane v20, v7;
	v25 =	vand.u32 $0x1FFF8, v35  }
0x33c: {  	v35 =	vmul.f32 v48, v18;
	v41 =	vor.u32 v0, v29;
	v23 =	vand.u32 $0x1FFF8, v50  }
0x33d: {  	v30 =	vmul.f32 v46, v18;
	v57 =	vor.u32 v0, v25;
	v59 =	vperm.xlane v54, v3  }
0x33e: {  	[tilespmem:v31+s3+$0x0] =	vst.idx.add.f32.msk $0xffff, v43;
	v24 =	vand.u32 $0x1FFF8, v51;
	v60 =	vperm.xlane v54, v4;
	v61 =	vperm.xlane v54, v5  }
0x33f: {  	v58 =	vor.u32 v0, v23;
	v62 =	vperm.xlane v54, v6;
	v63 =	vperm.xlane v54, v7  }
0x340: {  	v45 =	vor.u32 v0, v24;
	v31 =	vperm.xlane v54, v8;
	v43 =	vperm.xlane v54, v9  }
0x341: {  	[tilespmem:v55+s3+$0x0] =	vst.idx.add.f32.msk $0xffff, v32;
	v37 =	vperm.xlane v54, v10;
	v32 =	vand.u32 $0xFFFF0000, v59;
	v39 =	vand.u32 $0xFFFF0000, v60  }
0x342: {  	[tilespmem:v41+s3+$0x0] =	vst.idx.add.f32.msk $0xffff, v33;
	v33 =	vand.u32 $0xFFFF0000, v61;
	v41 =	vand.u32 $0xFFFF0000, v62;
	v54 =	vand.u32 $0xFFFF0000, v63  }
0x343: {  	[tilespmem:v57+s3+$0x0] =	vst.idx.add.f32.msk $0xffff, v34;
	v55 =	vshll.u32 v59, $0x3;
	v56 =	vshll.u32 v60, $0x3;
	v57 =	vshll.u32 v61, $0x3  }
0x344: {  	[tilespmem:v58+s3+$0x0] =	vst.idx.add.f32.msk $0xffff, v13;
	v58 =	vshll.u32 v62, $0x3;
	v59 =	vshll.u32 v63, $0x3;
	v13 =	vand.u32 $0x1FFF8, v55  }
0x345: {  	[tilespmem:v45+s3+$0x0] =	vst.idx.add.f32.msk $0xffff, v30;
	v60 =	vshll.u32 v31, $0x3;
	v30 =	vand.u32 $0x1FFF8, v56;
	v13 =	vor.u32 v0, v13  }
0x346: {  	v62 =	vshll.u32 v43, $0x3;
	v61 =	vand.u32 $0x1FFF8, v57;
	v30 =	vor.u32 v0, v30  }
0x347: {  	[tilespmem:v36+s3+$0x0] =	vst.idx.add.f32.msk $0xffff, v35;
	v63 =	vshll.u32 v37, $0x3;
	v34 =	vand.u32 $0x1FFF8, v58;
	v35 =	vor.u32 v0, v61  }
0x348: {  	[tilespmem:v40+s3+$0x0] =	vst.idx.add.f32.msk $0xffff, v38;
	v32 =	vmul.f32 v32, v19;
	v44 =	vand.u32 $0x1FFF8, v59;
	v34 =	vor.u32 v0, v34  }
0x349: {  	v40 =	vld [tilespmem:s1+$0x16C30];
	v39 =	vmul.f32 v39, v19;
	v42 =	vand.u32 $0x1FFF8, v60;
	v44 =	vor.u32 v0, v44  }
0x34a: {  	v46 =	vand.u32 $0x1FFF8, v62;
	v45 =	vor.u32 v0, v42;
	[tilespmem:v13+s3+$0x0] =	vst.idx.add.f32.msk $0xffff, v32;
	v13 =	vmul.f32 v33, v19  }
0x34b: {  	v47 =	vand.u32 $0x1FFF8, v63;
	v33 =	vor.u32 v0, v46;
	[tilespmem:v30+s3+$0x0] =	vst.idx.add.f32.msk $0xffff, v39;
	v30 =	vmul.f32 v41, v19  }
0x34c: {  	v31 =	vand.u32 $0xFFFF0000, v31;
	v48 =	vor.u32 v0, v47;
	[tilespmem:v35+s3+$0x0] =	vst.idx.add.f32.msk $0xffff, v13;
	v13 =	vmul.f32 v54, v19  }
0x34d: {  	v29 =	vperm.xlane v20, v3;
	v31 =	vmul.f32 v31, v19;
	[tilespmem:v34+s3+$0x0] =	vst.idx.add.f32.msk $0xffff, v30;
	v30 =	vand.u32 $0xFFFF0000, v43  }
0x34e: {  	v27 =	vperm.xlane v20, v5;
	v37 =	vand.u32 $0xFFFF0000, v37;
	[tilespmem:v44+s3+$0x0] =	vst.idx.add.f32.msk $0xffff, v13;
	v13 =	vmul.f32 v30, v19  }
0x34f: {  	v28 =	vperm.xlane v20, v4;
	v52 =	vmul.f32 v37, v19;
	[tilespmem:v45+s3+$0x0] =	vst.idx.add.f32.msk $0xffff, v31  }
0x350: {  	v49 =	vperm.xlane v40, v3;
	v50 =	vperm.xlane v40, v4;
	[tilespmem:v33+s3+$0x0] =	vst.idx.add.f32.msk $0xffff, v13  }
0x351: {  	v23 =	vshll.u32 v29, $0x3;
	v51 =	vperm.xlane v40, v5;
	v58 =	vperm.xlane v40, v9;
	[tilespmem:v48+s3+$0x0] =	vst.idx.add.f32.msk $0xffff, v52  }
0x352: {  	v55 =	vperm.xlane v40, v7;
	v57 =	vperm.xlane v40, v8;
	v53 =	vshll.u32 v49, $0x3;
	v43 =	vld [tilespmem:s12+$0x16C50]  }
0x353: {  	v56 =	vshll.u32 v51, $0x3;
	v36 =	vand.u32 $0xFFFF0000, v49;
	v46 =	vshll.u32 v58, $0x3  }
0x354: {  	v38 =	vand.u32 $0xFFFF0000, v51;
	v32 =	vand.u32 $0xFFFF0000, v57;
	v54 =	vperm.xlane v40, v6  }
0x355: {  	v37 =	vand.u32 $0x1FFF8, v53;
	v35 =	vand.u32 $0xFFFF0000, v58;
	v41 =	vand.u32 $0x1FFF8, v56  }
0x356: {  	v34 =	vand.u32 $0xFFFF0000, v50;
	v59 =	vshll.u32 v54, $0x3;
	v44 =	vshll.u32 v55, $0x3  }
0x357: {  	v39 =	vand.u32 $0xFFFF0000, v54;
	v45 =	vshll.u32 v57, $0x3;
	v48 =	vperm.xlane v43, v3  }
0x358: {  	v42 =	vand.u32 $0x1FFF8, v59;
	v61 =	vperm.xlane v43, v4;
	v62 =	vperm.xlane v43, v5  }
0x359: {  	v13 =	vshll.u32 v50, $0x3;
	v63 =	vperm.xlane v43, v6;
	v60 =	vperm.xlane v43, v7  }
0x35a: {  	v33 =	vand.u32 $0xFFFF0000, v55;
	v53 =	vperm.xlane v43, v8;
	v54 =	vperm.xlane v43, v9  }
0x35b: {  	v43 =	vperm.xlane v43, v10;
	v55 =	vand.u32 $0xFFFF0000, v48;
	v56 =	vand.u32 $0xFFFF0000, v61  }
0x35c: {  	v57 =	vand.u32 $0xFFFF0000, v62;
	v58 =	vand.u32 $0xFFFF0000, v63;
	v59 =	vand.u32 $0xFFFF0000, v60  }
0x35d: {  	v48 =	vshll.u32 v48, $0x3;
	v49 =	vshll.u32 v61, $0x3;
	v50 =	vshll.u32 v62, $0x3  }
0x35e: {  	v51 =	vshll.u32 v63, $0x3;
	v52 =	vshll.u32 v60, $0x3;
	v48 =	vand.u32 $0x1FFF8, v48  }
0x35f: {  	v60 =	vshll.u32 v53, $0x3;
	v49 =	vand.u32 $0x1FFF8, v49;
	v48 =	vor.u32 v0, v48  }
0x360: {  	v61 =	vshll.u32 v54, $0x3;
	v50 =	vand.u32 $0x1FFF8, v50;
	v49 =	vor.u32 v0, v49  }
0x361: {  	v62 =	vshll.u32 v43, $0x3;
	v51 =	vand.u32 $0x1FFF8, v51;
	v50 =	vor.u32 v0, v50  }
0x362: {  	v55 =	vmul.f32 v55, v19;
	v52 =	vand.u32 $0x1FFF8, v52;
	v51 =	vor.u32 v0, v51  }
0x363: {  	v56 =	vmul.f32 v56, v19;
	v60 =	vand.u32 $0x1FFF8, v60;
	v52 =	vor.u32 v0, v52  }
0x364: {  	v61 =	vand.u32 $0x1FFF8, v61;
	[tilespmem:v48+s3+$0x0] =	vst.idx.add.f32.msk $0xffff, v55;
	v48 =	vmul.f32 v57, v19;
	v55 =	vor.u32 v0, v60  }
0x365: {  	v63 =	vand.u32 $0x1FFF8, v62;
	[tilespmem:v49+s3+$0x0] =	vst.idx.add.f32.msk $0xffff, v56;
	v49 =	vmul.f32 v58, v19;
	v56 =	vor.u32 v0, v61  }
0x366: {  	v59 =	vmul.f32 v59, v19;
	v60 =	vand.u32 $0xFFFF0000, v53;
	v61 =	vor.u32 v0, v63;
	[tilespmem:v50+s3+$0x0] =	vst.idx.add.f32.msk $0xffff, v48  }
0x367: {  	v24 =	vperm.xlane v20, v6;
	v62 =	vmul.f32 v60, v19;
	v63 =	vand.u32 $0xFFFF0000, v54;
	[tilespmem:v51+s3+$0x0] =	vst.idx.add.f32.msk $0xffff, v49  }
0x368: {  	v23 =	vand.u32 $0x1FFF8, v23;
	v43 =	vand.u32 $0xFFFF0000, v43;
	v54 =	vmul.f32 v63, v19;
	[tilespmem:v52+s3+$0x0] =	vst.idx.add.f32.msk $0xffff, v59  }
0x369: {  	v25 =	vshll.u32 v28, $0x3;
	v28 =	vand.u32 $0xFFFF0000, v28;
	v43 =	vmul.f32 v43, v19;
	[tilespmem:v55+s3+$0x0] =	vst.idx.add.f32.msk $0xffff, v62  }
0x36a: {  	v29 =	vand.u32 $0xFFFF0000, v29;
	v23 =	vor.u32 v0, v23;
	v28 =	vmul.f32 v28, v17;
	[tilespmem:v56+s3+$0x0] =	vst.idx.add.f32.msk $0xffff, v54  }
0x36b: {  	v40 =	vperm.xlane v40, v10;
	v46 =	vand.u32 $0x1FFF8, v46;
	v36 =	vmul.f32 v36, v18;
	[tilespmem:v61+s3+$0x0] =	vst.idx.add.f32.msk $0xffff, v43  }
0x36c: {  	v38 =	vmul.f32 v38, v18;
	v37 =	vor.u32 v0, v37;
	v13 =	vand.u32 $0x1FFF8, v13;
	v43 =	vld [tilespmem:s12+$0x16C58]  }
0x36d: {  	v32 =	vmul.f32 v32, v18;
	v35 =	vmul.f32 v35, v18;
	v13 =	vor.u32 v0, v13  }
0x36e: {  	v41 =	vor.u32 v0, v41;
	v46 =	vor.u32 v0, v46;
	v30 =	vshll.u32 v27, $0x3  }
0x36f: {  	v47 =	vshll.u32 v40, $0x3;
	v44 =	vand.u32 $0x1FFF8, v44;
	v42 =	vor.u32 v0, v42  }
0x370: {  	v40 =	vand.u32 $0xFFFF0000, v40;
	v34 =	vmul.f32 v34, v18;
	v44 =	vor.u32 v0, v44  }
0x371: {  	v31 =	vshll.u32 v24, $0x3;
	v45 =	vand.u32 $0x1FFF8, v45;
	[tilespmem:v37+s3+$0x0] =	vst.idx.add.f32.msk $0xffff, v36;
	v58 =	vperm.xlane v43, v11  }
0x372: {  	v47 =	vand.u32 $0x1FFF8, v47;
	v39 =	vmul.f32 v39, v18;
	v45 =	vor.u32 v0, v45;
	[tilespmem:v13+s3+$0x0] =	vst.idx.add.f32.msk $0xffff, v34  }
0x373: {  	v33 =	vmul.f32 v33, v18;
	v13 =	vand.u32 $0xFFFF0000, v24;
	[tilespmem:v41+s3+$0x0] =	vst.idx.add.f32.msk $0xffff, v38;
	v24 =	vshll.u32 v58, $0x3  }
0x374: {  	v27 =	vand.u32 $0xFFFF0000, v27;
	v47 =	vor.u32 v0, v47;
	[tilespmem:v42+s3+$0x0] =	vst.idx.add.f32.msk $0xffff, v39;
	v24 =	vand.u32 $0x1FFF8, v24  }
0x375: {  	v40 =	vmul.f32 v40, v18;
	v30 =	vand.u32 $0x1FFF8, v30;
	[tilespmem:v44+s3+$0x0] =	vst.idx.add.f32.msk $0xffff, v33;
	v21 =	vor.u32 v0, v24  }
0x376: {  	v27 =	vmul.f32 v27, v17;
	v31 =	vand.u32 $0x1FFF8, v31;
	v57 =	vperm.xlane v20, v9;
	[tilespmem:$0x1FF70] =	vst v21  }
0x377: {  	v30 =	vor.u32 v0, v30;
	v48 =	vand.u32 $0x1FFF8, v25;
	v25 =	vand.u32 $0xFFFF0000, v58;
	[tilespmem:v45+s3+$0x0] =	vst.idx.add.f32.msk $0xffff, v32  }
0x378: {  	v31 =	vor.u32 v0, v31;
	v60 =	vshll.u32 v57, $0x3;
	v19 =	vmul.f32 v25, v19;
	[tilespmem:v46+s3+$0x0] =	vst.idx.add.f32.msk $0xffff, v35  }
0x379: {  	v13 =	vmul.f32 v13, v17;
	v63 =	vand.u32 $0xFFFF0000, v57;
	v50 =	vand.u32 $0x1FFF8, v60;
	[tilespmem:v47+s3+$0x0] =	vst.idx.add.f32.msk $0xffff, v40  }
0x37a: {  	v55 =	vshll.u32 v26, $0x3;
	v26 =	vand.u32 $0xFFFF0000, v26;
	v56 =	vperm.xlane v20, v8;
	[tilespmem:$0x1FF80] =	vst v19  }
0x37b: {  	v20 =	vperm.xlane v20, v10;
	v49 =	vand.u32 $0x1FFF8, v55;
	v19 =	vmul.f32 v29, v17;
	v29 =	vld [tilespmem:s1+$0x16C40]  }
0x37c: {  	v38 =	vmul.f32 v63, v17;
	v26 =	vmul.f32 v26, v17;
	v33 =	vor.u32 v0, v49  }
0x37d: {  	v59 =	vshll.u32 v56, $0x3;
	v61 =	vshll.u32 v20, $0x3;
	v62 =	vand.u32 $0xFFFF0000, v56  }
0x37e: {  	v20 =	vand.u32 $0xFFFF0000, v20;
	v34 =	vand.u32 $0x1FFF8, v59;
	v51 =	vand.u32 $0x1FFF8, v61  }
0x37f: {  	v37 =	vmul.f32 v62, v17;
	v20 =	vmul.f32 v20, v17;
	v34 =	vor.u32 v0, v34  }
0x380: {  	v32 =	vor.u32 v0, v48;
	v52 =	vperm.xlane v29, v3;
	v53 =	vperm.xlane v29, v4  }
0x381: {  	v36 =	vor.u32 v0, v51;
	v54 =	vperm.xlane v29, v5;
	v55 =	vperm.xlane v29, v6  }
0x382: {  	v35 =	vor.u32 v0, v50;
	v57 =	vperm.xlane v29, v7;
	v58 =	vperm.xlane v29, v8  }
0x383: {  	v60 =	vperm.xlane v29, v9;
	v29 =	vperm.xlane v29, v10;
	v56 =	vshll.u32 v52, $0x3  }
0x384: {  	[tilespmem:v23+s3+$0x0] =	vst.idx.add.f32.msk $0xffff, v19;
	v59 =	vshll.u32 v53, $0x3;
	v61 =	vshll.u32 v54, $0x3;
	v19 =	vshll.u32 v55, $0x3  }
0x385: {  	[tilespmem:v32+s3+$0x0] =	vst.idx.add.f32.msk $0xffff, v28;
	v23 =	vshll.u32 v57, $0x3;
	v62 =	vshll.u32 v58, $0x3;
	v28 =	vshll.u32 v60, $0x3  }
0x386: {  	[tilespmem:v30+s3+$0x0] =	vst.idx.add.f32.msk $0xffff, v27;
	v63 =	vshll.u32 v29, $0x3;
	v39 =	vand.u32 $0xFFFF0000, v52;
	v27 =	vand.u32 $0xFFFF0000, v53  }
0x387: {  	[tilespmem:v31+s3+$0x0] =	vst.idx.add.f32.msk $0xffff, v13;
	v30 =	vand.u32 $0xFFFF0000, v54;
	v50 =	vand.u32 $0xFFFF0000, v55;
	v13 =	vand.u32 $0xFFFF0000, v57  }
0x388: {  	[tilespmem:v33+s3+$0x0] =	vst.idx.add.f32.msk $0xffff, v26;
	v51 =	vand.u32 $0xFFFF0000, v58;
	v26 =	vand.u32 $0xFFFF0000, v60;
	v53 =	vand.u32 $0xFFFF0000, v29  }
0x389: {  	v52 =	vand.u32 $0x1FFF8, v56;
	v29 =	vand.u32 $0x1FFF8, v59;
	v54 =	vand.u32 $0x1FFF8, v61  }
0x38a: {  	s17 =	simm.s32 $0x145;
	[tilespmem:v34+s3+$0x0] =	vst.idx.add.f32.msk $0xffff, v37;
	v19 =	vand.u32 $0x1FFF8, v19;
	v55 =	vand.u32 $0x1FFF8, v23;
	v33 =	vmul.f32 v39, v18  }
0x38b: {  	s12 =	sand.u32 $0x3FF, s17;
	[tilespmem:v35+s3+$0x0] =	vst.idx.add.f32.msk $0xffff, v38;
	v56 =	vand.u32 $0x1FFF8, v62;
	v31 =	vmul.f32 v27, v18;
	v32 =	vmul.f32 v30, v18  }
0x38c: {  	v58 =	vld [tilespmem:s12+$0x16C20];
	v57 =	vand.u32 $0x1FFF8, v28;
	v30 =	vmul.f32 v50, v18;
	v27 =	vmul.f32 v51, v18  }
0x38d: {  	s8 =	sadd.s32 $0x2, s31;
	[tilespmem:v36+s3+$0x0] =	vst.idx.add.f32.msk $0xffff, v20;
	v20 =	vand.u32 $0x1FFF8, v63;
	v28 =	vmul.f32 v26, v18;
	v24 =	vmul.f32 v53, v18  }
0x38e: {  	s13 =	sadd.s32 $0x13, s8;
	v37 =	vor.u32 v0, v52;
	v38 =	vor.u32 v0, v29;
	v29 =	vmul.f32 v13, v18  }
0x38f: {  	v36 =	vld [tilespmem:s4+$0x16C58];
	v23 =	vor.u32 v0, v54;
	v41 =	vor.u32 v0, v19;
	s4 =	sadd.s32 $0x12, s8;
	v19 =	vmov s13  }
0x390: {  	v39 =	vor.u32 v0, v55;
	v26 =	vmov s4;
	v19 =	vand.u32 $0x7FFFFFFF, v19  }
0x391: {  	v26 =	vand.u32 $0x7FFFFFFE, v26;
	v59 =	vadd.s32 v2, v19;
	v60 =	vperm.xlane v58, v4  }
0x392: {  	v44 =	vadd.s32 v2, v26;
	v26 =	vperm.xlane v58, v5;
	v61 =	vperm.xlane v58, v6  }
0x393: {  	v35 =	vor.u32 v0, v56;
	v62 =	vperm.xlane v58, v7;
	v48 =	vperm.xlane v58, v8  }
0x394: {  	v34 =	vor.u32 v0, v57;
	v49 =	vperm.xlane v58, v9;
	v40 =	vperm.xlane v58, v10  }
0x395: {  	v19 =	vperm.xlane v36, v11;
	v36 =	vor.u32 v0, v20;
	v20 =	vperm.xlane v58, v3  }
0x396: {  	v51 =	vand.u32 $0xFFFF0000, v60;
	v52 =	vand.u32 $0xFFFF0000, v26;
	v53 =	vand.u32 $0xFFFF0000, v61;
	v42 =	vld.idx.msk [tilespmem:v59+s14+$0x0], $0xffff  }
0x397: {  	v54 =	vand.u32 $0xFFFF0000, v62;
	v43 =	vshll.u32 v60, $0x3;
	v63 =	vshll.u32 v26, $0x3  }
0x398: {  	v45 =	vshll.u32 v61, $0x3;
	v50 =	vand.u32 $0xFFFF0000, v20;
	v20 =	vshll.u32 v20, $0x3  }
0x399: {  	v47 =	vshll.u32 v62, $0x3;
	v56 =	vshll.u32 v48, $0x3;
	v20 =	vand.u32 $0x1FFF8, v20  }
0x39a: {  	v60 =	vshll.u32 v49, $0x3;
	v43 =	vand.u32 $0x1FFF8, v43;
	v20 =	vor.u32 v0, v20  }
0x39b: {  	s17 =	simm.s32 $0x104;
	v62 =	vand.u32 $0x1FFF8, v63;
	v61 =	vor.u32 v0, v43;
	v26 =	vperm.xlane v42, v1  }
0x39c: {  	s4 =	sand.u32 $0x3FE, s17;
	v45 =	vand.u32 $0x1FFF8, v45;
	v63 =	vshll.u32 v40, $0x3;
	v43 =	vor.u32 v0, v62  }
0x39d: {  	v58 =	vld [tilespmem:s4+$0x16C20];
	v47 =	vand.u32 $0x1FFF8, v47;
	v45 =	vor.u32 v0, v45;
	v50 =	vmul.f32 v50, v26  }
0x39e: {  	v56 =	vand.u32 $0x1FFF8, v56;
	v47 =	vor.u32 v0, v47;
	v44 =	vld.idx.msk [tilespmem:v44+s14+$0x0], $0xffff;
	v51 =	vmul.f32 v51, v26  }
0x39f: {  	v59 =	vand.u32 $0x1FFF8, v60;
	[tilespmem:v20+s3+$0x0] =	vst.idx.add.f32.msk $0xffff, v50;
	v20 =	vmul.f32 v52, v26;
	v50 =	vor.u32 v0, v56  }
0x3a0: {  	v62 =	vand.u32 $0x1FFF8, v63;
	v60 =	vmul.f32 v53, v26;
	[tilespmem:v61+s3+$0x0] =	vst.idx.add.f32.msk $0xffff, v51;
	v61 =	vor.u32 v0, v59  }
0x3a1: {  	v63 =	vand.u32 $0xFFFF0000, v48;
	v56 =	vor.u32 v0, v62;
	[tilespmem:v43+s3+$0x0] =	vst.idx.add.f32.msk $0xffff, v20;
	v20 =	vmul.f32 v54, v26  }
0x3a2: {  	v40 =	vand.u32 $0xFFFF0000, v40;
	v57 =	vmul.f32 v63, v26;
	v59 =	vand.u32 $0xFFFF0000, v49;
	[tilespmem:v45+s3+$0x0] =	vst.idx.add.f32.msk $0xffff, v60  }
0x3a3: {  	v40 =	vmul.f32 v40, v26;
	[tilespmem:v47+s3+$0x0] =	vst.idx.add.f32.msk $0xffff, v20;
	v20 =	vmul.f32 v59, v26  }
0x3a4: {  	v46 =	vshll.u32 v19, $0x3;
	v63 =	vperm.xlane v58, v10;
	v52 =	vperm.xlane v58, v3;
	[tilespmem:v50+s3+$0x0] =	vst.idx.add.f32.msk $0xffff, v57  }
0x3a5: {  	v62 =	vperm.xlane v58, v9;
	v49 =	vperm.xlane v58, v6;
	v43 =	vand.u32 $0x1FFF8, v46;
	[tilespmem:v61+s3+$0x0] =	vst.idx.add.f32.msk $0xffff, v20  }
0x3a6: {  	v46 =	vperm.xlane v58, v5;
	v42 =	vshll.u32 v52, $0x3;
	v45 =	vperm.xlane v58, v4;
	[tilespmem:v56+s3+$0x0] =	vst.idx.add.f32.msk $0xffff, v40  }
0x3a7: {  	v52 =	vand.u32 $0xFFFF0000, v52;
	v54 =	vand.u32 $0xFFFF0000, v63;
	v60 =	vperm.xlane v58, v7;
	v48 =	vld [tilespmem:s12+$0x16C30]  }
0x3a8: {  	[tilespmem:v37+s3+$0x0] =	vst.idx.add.f32.msk $0xffff, v33;
	v51 =	vshll.u32 v46, $0x3;
	v46 =	vand.u32 $0xFFFF0000, v46;
	v47 =	vshll.u32 v45, $0x3  }
0x3a9: {  	[tilespmem:v38+s3+$0x0] =	vst.idx.add.f32.msk $0xffff, v31;
	v55 =	vshll.u32 v60, $0x3;
	v57 =	vshll.u32 v62, $0x3;
	v20 =	vperm.xlane v44, v1  }
0x3aa: {  	[tilespmem:v23+s3+$0x0] =	vst.idx.add.f32.msk $0xffff, v32;
	v50 =	vand.u32 $0xFFFF0000, v60;
	v61 =	vperm.xlane v58, v8;
	v44 =	vshll.u32 v49, $0x3  }
0x3ab: {  	[tilespmem:v41+s3+$0x0] =	vst.idx.add.f32.msk $0xffff, v30;
	v58 =	vshll.u32 v63, $0x3;
	v49 =	vand.u32 $0xFFFF0000, v49;
	v52 =	vmul.f32 v52, v20  }
0x3ac: {  	[tilespmem:v39+s3+$0x0] =	vst.idx.add.f32.msk $0xffff, v29;
	v56 =	vshll.u32 v61, $0x3;
	v39 =	vmul.f32 v49, v20;
	v59 =	vperm.xlane v48, v3  }
0x3ad: {  	v53 =	vand.u32 $0xFFFF0000, v61;
	v60 =	vperm.xlane v48, v4;
	v61 =	vperm.xlane v48, v5  }
0x3ae: {  	v40 =	vand.u32 $0xFFFF0000, v62;
	v62 =	vperm.xlane v48, v6;
	v63 =	vperm.xlane v48, v7  }
0x3af: {  	v45 =	vand.u32 $0xFFFF0000, v45;
	v13 =	vperm.xlane v48, v8;
	v21 =	vperm.xlane v48, v9  }
0x3b0: {  	v48 =	vperm.xlane v48, v10;
	v33 =	vand.u32 $0xFFFF0000, v59;
	v37 =	vand.u32 $0xFFFF0000, v60  }
0x3b1: {  	v31 =	vand.u32 $0xFFFF0000, v61;
	v38 =	vand.u32 $0xFFFF0000, v62;
	v22 =	vand.u32 $0xFFFF0000, v63  }
0x3b2: {  	v23 =	vshll.u32 v59, $0x3;
	v60 =	vshll.u32 v60, $0x3;
	v61 =	vshll.u32 v61, $0x3  }
0x3b3: {  	v30 =	vshll.u32 v62, $0x3;
	v63 =	vshll.u32 v63, $0x3;
	v23 =	vand.u32 $0x1FFF8, v23  }
0x3b4: {  	[tilespmem:v35+s3+$0x0] =	vst.idx.add.f32.msk $0xffff, v27;
	v29 =	vand.u32 $0x1FFF8, v60;
	v60 =	vshll.u32 v13, $0x3;
	v23 =	vor.u32 v0, v23  }
0x3b5: {  	[tilespmem:v34+s3+$0x0] =	vst.idx.add.f32.msk $0xffff, v28;
	v27 =	vand.u32 $0x1FFF8, v61;
	v61 =	vshll.u32 v21, $0x3;
	v29 =	vor.u32 v0, v29  }
0x3b6: {  	[tilespmem:v36+s3+$0x0] =	vst.idx.add.f32.msk $0xffff, v24;
	v24 =	vmul.f32 v33, v26;
	v28 =	vor.u32 v0, v27;
	v27 =	vand.u32 $0x1FFF8, v30  }
0x3b7: {  	v63 =	vand.u32 $0x1FFF8, v63;
	v41 =	vmul.f32 v37, v26;
	v62 =	vor.u32 v0, v27  }
0x3b8: {  	v30 =	vshll.u32 v48, $0x3;
	v34 =	vor.u32 v0, v63;
	v32 =	vand.u32 $0x1FFF8, v60;
	v27 =	vld [tilespmem:s1+$0x16C50]  }
0x3b9: {  	[tilespmem:v23+s3+$0x0] =	vst.idx.add.f32.msk $0xffff, v24;
	v23 =	vmul.f32 v31, v26;
	v24 =	vor.u32 v0, v32;
	v31 =	vand.u32 $0x1FFF8, v61  }
0x3ba: {  	v30 =	vand.u32 $0x1FFF8, v30;
	[tilespmem:v29+s3+$0x0] =	vst.idx.add.f32.msk $0xffff, v41;
	v29 =	vmul.f32 v38, v26;
	v31 =	vor.u32 v0, v31  }
0x3bb: {  	v22 =	vmul.f32 v22, v26;
	v13 =	vand.u32 $0xFFFF0000, v13;
	[tilespmem:v28+s3+$0x0] =	vst.idx.add.f32.msk $0xffff, v23;
	v23 =	vor.u32 v0, v30  }
0x3bc: {  	v40 =	vmul.f32 v40, v20;
	v21 =	vand.u32 $0xFFFF0000, v21;
	v13 =	vmul.f32 v13, v26;
	[tilespmem:v62+s3+$0x0] =	vst.idx.add.f32.msk $0xffff, v29  }
0x3bd: {  	v37 =	vmul.f32 v45, v20;
	v21 =	vmul.f32 v21, v26;
	[tilespmem:v34+s3+$0x0] =	vst.idx.add.f32.msk $0xffff, v22;
	v22 =	vand.u32 $0xFFFF0000, v48  }
0x3be: {  	v42 =	vand.u32 $0x1FFF8, v42;
	v38 =	vmul.f32 v46, v20;
	[tilespmem:v24+s3+$0x0] =	vst.idx.add.f32.msk $0xffff, v13;
	v13 =	vmul.f32 v22, v26  }
0x3bf: {  	v51 =	vand.u32 $0x1FFF8, v51;
	v41 =	vmul.f32 v53, v20;
	v36 =	vperm.xlane v27, v3;
	[tilespmem:v31+s3+$0x0] =	vst.idx.add.f32.msk $0xffff, v21  }
0x3c0: {  	v47 =	vand.u32 $0x1FFF8, v47;
	v35 =	vperm.xlane v27, v4;
	v32 =	vperm.xlane v27, v6;
	[tilespmem:v23+s3+$0x0] =	vst.idx.add.f32.msk $0xffff, v13  }
0x3c1: {  	v33 =	vperm.xlane v27, v7;
	v28 =	vand.u32 $0x1FFF8, v44;
	v29 =	vand.u32 $0x1FFF8, v57;
	v44 =	vld [tilespmem:s12+$0x16C40]  }
0x3c2: {  	v57 =	vor.u32 v0, v51;
	v25 =	vshll.u32 v36, $0x3;
	v34 =	vperm.xlane v27, v5  }
0x3c3: {  	v22 =	vand.u32 $0x1FFF8, v55;
	v24 =	vmul.f32 v50, v20;
	v21 =	vand.u32 $0x1FFF8, v56  }
0x3c4: {  	v31 =	vor.u32 v0, v42;
	v42 =	vor.u32 v0, v47;
	v22 =	vor.u32 v0, v22  }
0x3c5: {  	v47 =	vor.u32 v0, v29;
	v13 =	vmul.f32 v54, v20;
	v23 =	vand.u32 $0x1FFF8, v58  }
0x3c6: {  	v58 =	vor.u32 v0, v28;
	v21 =	vor.u32 v0, v21;
	v59 =	vperm.xlane v44, v3  }
0x3c7: {  	[tilespmem:$0x1FF50] =	vst v25;
	v25 =	vshll.u32 v35, $0x3;
	v60 =	vperm.xlane v44, v4;
	v61 =	vperm.xlane v44, v5  }
0x3c8: {  	v48 =	vor.u32 v0, v23;
	[tilespmem:$0x1FF60] =	vst v25;
	v62 =	vperm.xlane v44, v6;
	v63 =	vperm.xlane v44, v7  }
0x3c9: {  	[tilespmem:v31+s3+$0x0] =	vst.idx.add.f32.msk $0xffff, v52;
	v52 =	vperm.xlane v44, v8;
	v54 =	vperm.xlane v44, v9  }
0x3ca: {  	[tilespmem:v42+s3+$0x0] =	vst.idx.add.f32.msk $0xffff, v37;
	v44 =	vperm.xlane v44, v10;
	v37 =	vand.u32 $0xFFFF0000, v59;
	v42 =	vand.u32 $0xFFFF0000, v60  }
0x3cb: {  	[tilespmem:v57+s3+$0x0] =	vst.idx.add.f32.msk $0xffff, v38;
	v38 =	vand.u32 $0xFFFF0000, v61;
	v45 =	vand.u32 $0xFFFF0000, v62;
	v55 =	vand.u32 $0xFFFF0000, v63  }
0x3cc: {  	[tilespmem:v58+s3+$0x0] =	vst.idx.add.f32.msk $0xffff, v39;
	v56 =	vshll.u32 v59, $0x3;
	v57 =	vshll.u32 v60, $0x3;
	v58 =	vshll.u32 v61, $0x3  }
0x3cd: {  	[tilespmem:v22+s3+$0x0] =	vst.idx.add.f32.msk $0xffff, v24;
	v24 =	vshll.u32 v62, $0x3;
	v59 =	vshll.u32 v63, $0x3;
	v22 =	vand.u32 $0x1FFF8, v56  }
0x3ce: {  	v60 =	vshll.u32 v52, $0x3;
	[tilespmem:v21+s3+$0x0] =	vst.idx.add.f32.msk $0xffff, v41;
	v21 =	vor.u32 v0, v22;
	v22 =	vand.u32 $0x1FFF8, v57  }
0x3cf: {  	v62 =	vshll.u32 v54, $0x3;
	v61 =	vand.u32 $0x1FFF8, v58;
	[tilespmem:v47+s3+$0x0] =	vst.idx.add.f32.msk $0xffff, v40;
	v22 =	vor.u32 v0, v22  }
0x3d0: {  	v63 =	vshll.u32 v44, $0x3;
	v24 =	vand.u32 $0x1FFF8, v24;
	[tilespmem:v48+s3+$0x0] =	vst.idx.add.f32.msk $0xffff, v13;
	v13 =	vor.u32 v0, v61  }
0x3d1: {  	v37 =	vmul.f32 v37, v26;
	v39 =	vand.u32 $0x1FFF8, v59;
	v24 =	vor.u32 v0, v24  }
0x3d2: {  	v42 =	vmul.f32 v42, v26;
	v41 =	vand.u32 $0x1FFF8, v60;
	v39 =	vor.u32 v0, v39;
	v48 =	vld [tilespmem:s4+$0x16C30]  }
0x3d3: {  	v50 =	vand.u32 $0x1FFF8, v62;
	v49 =	vor.u32 v0, v41;
	[tilespmem:v21+s3+$0x0] =	vst.idx.add.f32.msk $0xffff, v37;
	v21 =	vmul.f32 v38, v26  }
0x3d4: {  	v40 =	vand.u32 $0x1FFF8, v63;
	v38 =	vor.u32 v0, v50;
	[tilespmem:v22+s3+$0x0] =	vst.idx.add.f32.msk $0xffff, v42;
	v22 =	vmul.f32 v45, v26  }
0x3d5: {  	v40 =	vor.u32 v0, v40;
	[tilespmem:v13+s3+$0x0] =	vst.idx.add.f32.msk $0xffff, v21;
	v13 =	vmul.f32 v55, v26;
	v21 =	vand.u32 $0xFFFF0000, v52  }
0x3d6: {  	v23 =	vor.u32 v0, v43;
	[tilespmem:v24+s3+$0x0] =	vst.idx.add.f32.msk $0xffff, v22;
	v21 =	vmul.f32 v21, v26;
	v22 =	vand.u32 $0xFFFF0000, v54  }
0x3d7: {  	v51 =	vperm.xlane v48, v3;
	[tilespmem:v39+s3+$0x0] =	vst.idx.add.f32.msk $0xffff, v13;
	v13 =	vmul.f32 v22, v26;
	v22 =	vand.u32 $0xFFFF0000, v44  }
0x3d8: {  	v53 =	vperm.xlane v48, v5;
	[tilespmem:v49+s3+$0x0] =	vst.idx.add.f32.msk $0xffff, v21;
	v21 =	vmul.f32 v22, v26  }
0x3d9: {  	v55 =	vperm.xlane v48, v7;
	v56 =	vperm.xlane v48, v8;
	[tilespmem:v38+s3+$0x0] =	vst.idx.add.f32.msk $0xffff, v13  }
0x3da: {  	v57 =	vperm.xlane v48, v9;
	v59 =	vperm.xlane v48, v10;
	[tilespmem:v40+s3+$0x0] =	vst.idx.add.f32.msk $0xffff, v21  }
0x3db: {  	v24 =	vperm.xlane v48, v4;
	v54 =	vperm.xlane v48, v6;
	v52 =	vshll.u32 v51, $0x3;
	v60 =	vld [tilespmem:s12+$0x16C50]  }
0x3dc: {  	v58 =	vshll.u32 v55, $0x3;
	v41 =	vand.u32 $0xFFFF0000, v51;
	v61 =	vshll.u32 v56, $0x3  }
0x3dd: {  	v48 =	vshll.u32 v57, $0x3;
	v42 =	vand.u32 $0xFFFF0000, v53;
	v43 =	vand.u32 $0xFFFF0000, v55  }
0x3de: {  	v44 =	vand.u32 $0xFFFF0000, v57;
	v45 =	vand.u32 $0xFFFF0000, v59;
	v49 =	vshll.u32 v59, $0x3  }
0x3df: {  	v37 =	vand.u32 $0xFFFF0000, v54;
	v39 =	vand.u32 $0x1FFF8, v52;
	v47 =	vand.u32 $0x1FFF8, v61  }
0x3e0: {  	v13 =	vshll.u32 v53, $0x3;
	v38 =	vand.u32 $0xFFFF0000, v56;
	v50 =	vperm.xlane v60, v3  }
0x3e1: {  	v21 =	vshll.u32 v54, $0x3;
	v51 =	vperm.xlane v60, v4;
	v52 =	vperm.xlane v60, v5  }
0x3e2: {  	v25 =	vand.u32 $0x1FFF8, v13;
	v53 =	vperm.xlane v60, v6;
	v54 =	vperm.xlane v60, v7  }
0x3e3: {  	v40 =	vand.u32 $0x1FFF8, v58;
	v55 =	vperm.xlane v60, v8;
	v56 =	vperm.xlane v60, v9  }
0x3e4: {  	v46 =	vperm.xlane v60, v10;
	v57 =	vand.u32 $0xFFFF0000, v50;
	v58 =	vand.u32 $0xFFFF0000, v51  }
0x3e5: {  	v59 =	vand.u32 $0xFFFF0000, v52;
	v60 =	vand.u32 $0xFFFF0000, v53;
	v61 =	vand.u32 $0xFFFF0000, v54  }
0x3e6: {  	v50 =	vshll.u32 v50, $0x3;
	v51 =	vshll.u32 v51, $0x3;
	v52 =	vshll.u32 v52, $0x3  }
0x3e7: {  	v53 =	vshll.u32 v53, $0x3;
	v54 =	vshll.u32 v54, $0x3;
	v50 =	vand.u32 $0x1FFF8, v50  }
0x3e8: {  	v62 =	vshll.u32 v55, $0x3;
	v51 =	vand.u32 $0x1FFF8, v51;
	v50 =	vor.u32 v0, v50  }
0x3e9: {  	v63 =	vshll.u32 v56, $0x3;
	v52 =	vand.u32 $0x1FFF8, v52;
	v51 =	vor.u32 v0, v51  }
0x3ea: {  	v13 =	vshll.u32 v46, $0x3;
	v53 =	vand.u32 $0x1FFF8, v53;
	v52 =	vor.u32 v0, v52  }
0x3eb: {  	v28 =	vld [tilespmem:$0x1FF30];
	v57 =	vmul.f32 v57, v26;
	v54 =	vand.u32 $0x1FFF8, v54;
	v53 =	vor.u32 v0, v53  }
0x3ec: {  	v29 =	vld [tilespmem:$0x1FF40];
	v58 =	vmul.f32 v58, v26;
	v62 =	vand.u32 $0x1FFF8, v62;
	v54 =	vor.u32 v0, v54  }
0x3ed: {  	[tilespmem:v50+s3+$0x0] =	vst.idx.add.f32.msk $0xffff, v57;
	v50 =	vmul.f32 v59, v26;
	v57 =	vor.u32 v0, v62;
	v62 =	vand.u32 $0x1FFF8, v63  }
0x3ee: {  	v13 =	vand.u32 $0x1FFF8, v13;
	v63 =	vmul.f32 v60, v26;
	[tilespmem:v51+s3+$0x0] =	vst.idx.add.f32.msk $0xffff, v58;
	v58 =	vor.u32 v0, v62  }
0x3ef: {  	v13 =	vor.u32 v0, v13;
	v59 =	vmul.f32 v61, v26;
	v60 =	vand.u32 $0xFFFF0000, v55;
	[tilespmem:v52+s3+$0x0] =	vst.idx.add.f32.msk $0xffff, v50  }
0x3f0: {  	v30 =	vshll.u32 v34, $0x3;
	v61 =	vmul.f32 v60, v26;
	v62 =	vand.u32 $0xFFFF0000, v56;
	[tilespmem:v53+s3+$0x0] =	vst.idx.add.f32.msk $0xffff, v63  }
0x3f1: {  	v34 =	vand.u32 $0xFFFF0000, v34;
	v46 =	vand.u32 $0xFFFF0000, v46;
	v63 =	vmul.f32 v62, v26;
	[tilespmem:v54+s3+$0x0] =	vst.idx.add.f32.msk $0xffff, v59  }
0x3f2: {  	v34 =	vmul.f32 v34, v18;
	v35 =	vand.u32 $0xFFFF0000, v35;
	v46 =	vmul.f32 v46, v26;
	[tilespmem:v57+s3+$0x0] =	vst.idx.add.f32.msk $0xffff, v61  }
0x3f3: {  	v35 =	vmul.f32 v35, v18;
	v31 =	vshll.u32 v32, $0x3;
	v22 =	vshll.u32 v24, $0x3;
	[tilespmem:v58+s3+$0x0] =	vst.idx.add.f32.msk $0xffff, v63  }
0x3f4: {  	v32 =	vand.u32 $0xFFFF0000, v32;
	v22 =	vand.u32 $0x1FFF8, v22;
	[tilespmem:v13+s3+$0x0] =	vst.idx.add.f32.msk $0xffff, v46;
	v13 =	vor.u32 v0, v39  }
0x3f5: {  	v32 =	vmul.f32 v32, v18;
	v24 =	vand.u32 $0xFFFF0000, v24;
	v22 =	vor.u32 v0, v22;
	v54 =	vld [tilespmem:s12+$0x16C58]  }
0x3f6: {  	v41 =	vmul.f32 v41, v20;
	v21 =	vand.u32 $0x1FFF8, v21;
	v25 =	vor.u32 v0, v25  }
0x3f7: {  	v42 =	vmul.f32 v42, v20;
	v43 =	vmul.f32 v43, v20;
	v21 =	vor.u32 v0, v21  }
0x3f8: {  	v44 =	vmul.f32 v44, v20;
	v24 =	vmul.f32 v24, v20;
	[tilespmem:v28+s3+$0x0] =	vst.idx.add.f32.msk $0xff, v29  }
0x3f9: {  	v36 =	vand.u32 $0xFFFF0000, v36;
	v45 =	vmul.f32 v45, v20;
	v40 =	vor.u32 v0, v40;
	[tilespmem:v13+s3+$0x0] =	vst.idx.add.f32.msk $0xffff, v41  }
0x3fa: {  	v48 =	vand.u32 $0x1FFF8, v48;
	v37 =	vmul.f32 v37, v20;
	v13 =	vperm.xlane v54, v11;
	[tilespmem:v22+s3+$0x0] =	vst.idx.add.f32.msk $0xffff, v24  }
0x3fb: {  	v49 =	vand.u32 $0x1FFF8, v49;
	v38 =	vmul.f32 v38, v20;
	v55 =	vor.u32 v0, v47;
	[tilespmem:v25+s3+$0x0] =	vst.idx.add.f32.msk $0xffff, v42  }
0x3fc: {  	v29 =	vand.u32 $0x1FFF8, v30;
	v56 =	vor.u32 v0, v48;
	v25 =	vshll.u32 v13, $0x3;
	[tilespmem:v21+s3+$0x0] =	vst.idx.add.f32.msk $0xffff, v37  }
0x3fd: {  	v30 =	vand.u32 $0x1FFF8, v31;
	v57 =	vor.u32 v0, v49;
	v21 =	vand.u32 $0x1FFF8, v25;
	v25 =	vld [tilespmem:$0x1FF50]  }
0x3fe: {  	v29 =	vor.u32 v0, v29;
	v51 =	vshll.u32 v33, $0x3;
	v59 =	vperm.xlane v27, v9;
	[tilespmem:v40+s3+$0x0] =	vst.idx.add.f32.msk $0xffff, v43  }
0x3ff: {  	v30 =	vor.u32 v0, v30;
	v31 =	vand.u32 $0x1FFF8, v51;
	v50 =	vmul.f32 v36, v18;
	v28 =	vld [tilespmem:$0x1FF60]  }
0x400: {  	v58 =	vperm.xlane v27, v8;
	v27 =	vperm.xlane v27, v10;
	v63 =	vand.u32 $0xFFFF0000, v59;
	[tilespmem:v55+s3+$0x0] =	vst.idx.add.f32.msk $0xffff, v38  }
0x401: {  	v31 =	vor.u32 v0, v31;
	v52 =	vmul.f32 v63, v18;
	[tilespmem:v56+s3+$0x0] =	vst.idx.add.f32.msk $0xffff, v44  }
0x402: {  	v60 =	vshll.u32 v58, $0x3;
	v61 =	vshll.u32 v27, $0x3;
	v62 =	vand.u32 $0xFFFF0000, v58;
	[tilespmem:v57+s3+$0x0] =	vst.idx.add.f32.msk $0xffff, v45  }
0x403: {  	v27 =	vand.u32 $0xFFFF0000, v27;
	v49 =	vand.u32 $0x1FFF8, v60;
	v24 =	vshll.u32 v59, $0x3;
	v51 =	vld [tilespmem:s4+$0x16C40]  }
0x404: {  	v27 =	vmul.f32 v27, v18;
	v22 =	vand.u32 $0xFFFF0000, v33;
	v24 =	vand.u32 $0x1FFF8, v24  }
0x405: {  	v22 =	vmul.f32 v22, v18;
	v13 =	vand.u32 $0xFFFF0000, v13;
	v37 =	vor.u32 v0, v49  }
0x406: {  	v53 =	vor.u32 v0, v24;
	v13 =	vmul.f32 v13, v26;
	v21 =	vor.u32 v0, v21;
	v44 =	vld [tilespmem:$0x1FF70]  }
0x407: {  	v26 =	vand.u32 $0x1FFF8, v61;
	v38 =	vmul.f32 v62, v18;
	v25 =	vand.u32 $0x1FFF8, v25  }
0x408: {  	v26 =	vor.u32 v0, v26;
	v25 =	vor.u32 v0, v25;
	v24 =	vperm.xlane v51, v3  }
0x409: {  	v45 =	vld [tilespmem:$0x1FF80];
	v28 =	vand.u32 $0x1FFF8, v28;
	v54 =	vperm.xlane v51, v4;
	v55 =	vperm.xlane v51, v5  }
0x40a: {  	v28 =	vor.u32 v0, v28;
	v56 =	vperm.xlane v51, v6;
	v58 =	vperm.xlane v51, v7  }
0x40b: {  	v19 =	vand.u32 $0xFFFF0000, v19;
	[tilespmem:v21+s3+$0x0] =	vst.idx.add.f32.msk $0xff, v13;
	v59 =	vperm.xlane v51, v8;
	v21 =	vperm.xlane v51, v9  }
0x40c: {  	v36 =	vperm.xlane v51, v10;
	v57 =	vshll.u32 v24, $0x3;
	v13 =	vshll.u32 v54, $0x3  }
0x40d: {  	[tilespmem:v25+s3+$0x0] =	vst.idx.add.f32.msk $0xffff, v50;
	v25 =	vshll.u32 v55, $0x3;
	v60 =	vshll.u32 v56, $0x3;
	v61 =	vshll.u32 v58, $0x3  }
0x40e: {  	v62 =	vshll.u32 v21, $0x3;
	v63 =	vshll.u32 v36, $0x3;
	v41 =	vand.u32 $0xFFFF0000, v54;
	[tilespmem:v44+s3+$0x0] =	vst.idx.add.f32.msk $0xff, v45  }
0x40f: {  	v42 =	vand.u32 $0xFFFF0000, v55;
	v43 =	vand.u32 $0xFFFF0000, v56;
	v46 =	vand.u32 $0xFFFF0000, v59;
	[tilespmem:v28+s3+$0x0] =	vst.idx.add.f32.msk $0xffff, v35  }
0x410: {  	v28 =	vshll.u32 v59, $0x3;
	v45 =	vand.u32 $0xFFFF0000, v58;
	v44 =	vand.u32 $0x1FFF8, v57;
	[tilespmem:v29+s3+$0x0] =	vst.idx.add.f32.msk $0xffff, v34  }
0x411: {  	v13 =	vand.u32 $0x1FFF8, v13;
	v33 =	vand.u32 $0x1FFF8, v63;
	v29 =	vand.u32 $0xFFFF0000, v24;
	[tilespmem:v30+s3+$0x0] =	vst.idx.add.f32.msk $0xffff, v32  }
0x412: {  	v24 =	vand.u32 $0xFFFF0000, v21;
	v34 =	vand.u32 $0x1FFF8, v61;
	v35 =	vand.u32 $0x1FFF8, v28;
	[tilespmem:v31+s3+$0x0] =	vst.idx.add.f32.msk $0xffff, v22  }
0x413: {  	v28 =	vmul.f32 v41, v20;
	v30 =	vand.u32 $0x1FFF8, v62;
	v32 =	vmul.f32 v29, v20;
	[tilespmem:v37+s3+$0x0] =	vst.idx.add.f32.msk $0xffff, v38  }
0x414: {  	v29 =	vmul.f32 v42, v20;
	v22 =	vand.u32 $0xFFFF0000, v36;
	v36 =	vand.u32 $0x1FFF8, v25;
	[tilespmem:v53+s3+$0x0] =	vst.idx.add.f32.msk $0xffff, v52  }
0x415: {  	v31 =	vand.u32 $0x1FFF8, v60;
	v25 =	vmul.f32 v46, v20;
	v37 =	vor.u32 v0, v44;
	[tilespmem:v26+s3+$0x0] =	vst.idx.add.f32.msk $0xffff, v27  }
0x416: {  	s12 =	simm.s32 $0x4;
	v38 =	vor.u32 v0, v13;
	v26 =	vmul.f32 v43, v20;
	v27 =	vmul.f32 v45, v20;
	v21 =	vld [tilespmem:s1+$0x16C58];
	s1 =	simm.s32 $0x1C7  }
.LBB2_5:
0x417: {  	s7 =	sadd.s32 s12, s31;
	s13 =	sadd.s32 $0xFFFFFFBF, s1;
	s17 =	sand.u32 $0x3FF, s1;
	v13 =	vor.u32 v0, v36;
	v36 =	vmul.f32 v24, v20;
	v22 =	vmul.f32 v22, v20  }
0x418: {  	v31 =	vor.u32 v0, v31;
	v34 =	vor.u32 v0, v34;
	v35 =	vor.u32 v0, v35;
	s8 =	sadd.s32 $0x12, s7;
	s13 =	sand.u32 $0x3FE, s13;
	s7 =	sadd.s32 $0x13, s7;
	v24 =	vld [tilespmem:s17+$0x16C20]  }
0x419: {  	v30 =	vor.u32 v0, v30;
	v39 =	vmov s8;
	v40 =	vld [tilespmem:s13+$0x16C20];
	v41 =	vmov s7  }
0x41a: {  	v39 =	vand.u32 $0x7FFFFFFE, v39;
	v41 =	vand.u32 $0x7FFFFFFF, v41;
	[tilespmem:v37+s3+$0x0] =	vst.idx.add.f32.msk $0xffff, v32;
	v32 =	vor.u32 v0, v33  }
0x41b: {  	v33 =	vadd.s32 v2, v39;
	v37 =	vadd.s32 v2, v41;
	[tilespmem:v38+s3+$0x0] =	vst.idx.add.f32.msk $0xffff, v28  }
0x41c: {  	[tilespmem:v13+s3+$0x0] =	vst.idx.add.f32.msk $0xffff, v29;
	v13 =	vperm.xlane v21, v11;
	v21 =	vmul.f32 v19, v17;
	v17 =	vmov v18  }
0x41d: {  	v18 =	vmov v20;
	v28 =	vperm.xlane v24, v3;
	v29 =	vperm.xlane v24, v4;
	[tilespmem:v31+s3+$0x0] =	vst.idx.add.f32.msk $0xffff, v26  }
0x41e: {  	v20 =	vperm.xlane v24, v5;
	v26 =	vperm.xlane v24, v6;
	[tilespmem:v34+s3+$0x0] =	vst.idx.add.f32.msk $0xffff, v27;
	v27 =	vshll.u32 v13, $0x3  }
0x41f: {  	v31 =	vperm.xlane v24, v7;
	v34 =	vperm.xlane v24, v8;
	v19 =	vand.u32 $0xFFFF0000, v13;
	[tilespmem:v35+s3+$0x0] =	vst.idx.add.f32.msk $0xffff, v25  }
0x420: {  	v25 =	vperm.xlane v24, v9;
	v35 =	vperm.xlane v24, v10;
	v24 =	vand.u32 $0x1FFF8, v27;
	v13 =	vld.idx.msk [tilespmem:v37+s14+$0x0], $0xffff  }
0x421: {  	v38 =	vand.u32 $0xFFFF0000, v20;
	v37 =	vand.u32 $0xFFFF0000, v29;
	v27 =	vld.idx.msk [tilespmem:v33+s14+$0x0], $0xffff;
	v33 =	vand.u32 $0xFFFF0000, v28  }
0x422: {  	v39 =	vand.u32 $0xFFFF0000, v26;
	v41 =	vand.u32 $0xFFFF0000, v31;
	v28 =	vshll.u32 v28, $0x3;
	[tilespmem:v30+s3+$0x0] =	vst.idx.add.f32.msk $0xffff, v36  }
0x423: {  	v20 =	vshll.u32 v20, $0x3;
	v26 =	vshll.u32 v26, $0x3;
	v29 =	vshll.u32 v29, $0x3;
	[tilespmem:v32+s3+$0x0] =	vst.idx.add.f32.msk $0xffff, v22  }
0x424: {  	v28 =	vand.u32 $0x1FFF8, v28;
	v30 =	vshll.u32 v31, $0x3;
	v31 =	vshll.u32 v34, $0x3;
	v22 =	vld [tilespmem:s4+$0x16C50]  }
0x425: {  	v29 =	vand.u32 $0x1FFF8, v29;
	v28 =	vor.u32 v0, v28;
	v32 =	vshll.u32 v25, $0x3;
	[tilespmem:v23+s3+$0x0] =	vst.idx.add.f32.msk $0xff, v21  }
0x426: {  	v20 =	vand.u32 $0x1FFF8, v20;
	v21 =	vperm.xlane v13, v1;
	v13 =	vor.u32 v0, v29  }
0x427: {  	v20 =	vor.u32 v0, v20;
	v23 =	vand.u32 $0x1FFF8, v26;
	v26 =	vshll.u32 v35, $0x3  }
0x428: {  	v30 =	vand.u32 $0x1FFF8, v30;
	v23 =	vor.u32 v0, v23;
	v29 =	vmul.f32 v33, v21  }
0x429: {  	v31 =	vand.u32 $0x1FFF8, v31;
	v30 =	vor.u32 v0, v30;
	v33 =	vmul.f32 v37, v21  }
0x42a: {  	[tilespmem:v28+s3+$0x0] =	vst.idx.add.f32.msk $0xffff, v29;
	v28 =	vmul.f32 v38, v21;
	v29 =	vor.u32 v0, v31;
	v31 =	vand.u32 $0x1FFF8, v32  }
0x42b: {  	v26 =	vand.u32 $0x1FFF8, v26;
	[tilespmem:v13+s3+$0x0] =	vst.idx.add.f32.msk $0xffff, v33;
	v13 =	vmul.f32 v39, v21;
	v31 =	vor.u32 v0, v31  }
0x42c: {  	v26 =	vor.u32 v0, v26;
	[tilespmem:v20+s3+$0x0] =	vst.idx.add.f32.msk $0xffff, v28;
	v20 =	vmul.f32 v41, v21;
	v28 =	vand.u32 $0xFFFF0000, v34  }
0x42d: {  	v32 =	vperm.xlane v40, v3;
	[tilespmem:v23+s3+$0x0] =	vst.idx.add.f32.msk $0xffff, v13;
	v13 =	vmul.f32 v28, v21;
	v23 =	vand.u32 $0xFFFF0000, v25  }
0x42e: {  	v25 =	vperm.xlane v40, v4;
	[tilespmem:v30+s3+$0x0] =	vst.idx.add.f32.msk $0xffff, v20;
	v20 =	vmul.f32 v23, v21;
	v23 =	vand.u32 $0xFFFF0000, v35  }
0x42f: {  	v28 =	vshll.u32 v32, $0x3;
	v30 =	vperm.xlane v40, v5;
	[tilespmem:v29+s3+$0x0] =	vst.idx.add.f32.msk $0xffff, v13;
	v13 =	vmul.f32 v23, v21  }
0x430: {  	v33 =	vperm.xlane v40, v7;
	v23 =	vshll.u32 v25, $0x3;
	v29 =	vperm.xlane v40, v6;
	[tilespmem:v31+s3+$0x0] =	vst.idx.add.f32.msk $0xffff, v20  }
0x431: {  	v34 =	vperm.xlane v40, v8;
	v35 =	vperm.xlane v40, v9;
	v31 =	vshll.u32 v30, $0x3;
	[tilespmem:v26+s3+$0x0] =	vst.idx.add.f32.msk $0xffff, v13  }
0x432: {  	v20 =	vperm.xlane v27, v1;
	v13 =	vshll.u32 v29, $0x3;
	v26 =	vperm.xlane v40, v10;
	v27 =	vld [tilespmem:s17+$0x16C30]  }
0x433: {  	v36 =	vshll.u32 v33, $0x3;
	v37 =	vshll.u32 v34, $0x3;
	v38 =	vshll.u32 v35, $0x3  }
0x434: {  	v32 =	vand.u32 $0xFFFF0000, v32;
	v25 =	vand.u32 $0xFFFF0000, v25;
	v39 =	vshll.u32 v26, $0x3  }
0x435: {  	v33 =	vand.u32 $0xFFFF0000, v33;
	v30 =	vand.u32 $0xFFFF0000, v30;
	v29 =	vand.u32 $0xFFFF0000, v29  }
0x436: {  	v34 =	vand.u32 $0xFFFF0000, v34;
	v35 =	vand.u32 $0xFFFF0000, v35;
	v26 =	vand.u32 $0xFFFF0000, v26  }
0x437: {  	v28 =	vand.u32 $0x1FFF8, v28;
	v40 =	vmul.f32 v32, v20;
	v32 =	vperm.xlane v27, v3  }
0x438: {  	v23 =	vand.u32 $0x1FFF8, v23;
	v41 =	vperm.xlane v27, v4;
	v42 =	vperm.xlane v27, v5  }
0x439: {  	v31 =	vand.u32 $0x1FFF8, v31;
	v43 =	vperm.xlane v27, v6;
	v44 =	vperm.xlane v27, v7  }
0x43a: {  	v13 =	vand.u32 $0x1FFF8, v13;
	v45 =	vperm.xlane v27, v8;
	v46 =	vperm.xlane v27, v9  }
0x43b: {  	v27 =	vperm.xlane v27, v10;
	v47 =	vand.u32 $0xFFFF0000, v32;
	v48 =	vand.u32 $0xFFFF0000, v41  }
0x43c: {  	v49 =	vand.u32 $0xFFFF0000, v42;
	v50 =	vand.u32 $0xFFFF0000, v43;
	v51 =	vand.u32 $0xFFFF0000, v44  }
0x43d: {  	v32 =	vshll.u32 v32, $0x3;
	v41 =	vshll.u32 v41, $0x3;
	v42 =	vshll.u32 v42, $0x3  }
0x43e: {  	v43 =	vshll.u32 v43, $0x3;
	v44 =	vshll.u32 v44, $0x3;
	v32 =	vand.u32 $0x1FFF8, v32  }
0x43f: {  	s12 =	sadd.s32 $0x2, s12;
	v52 =	vshll.u32 v45, $0x3;
	v41 =	vand.u32 $0x1FFF8, v41;
	v32 =	vor.u32 v0, v32  }
0x440: {  	p0 =	slt.u32 s12, $0xE;
	v53 =	vshll.u32 v46, $0x3;
	v42 =	vand.u32 $0x1FFF8, v42;
	v41 =	vor.u32 v0, v41  }
0x441: {  	v54 =	vshll.u32 v27, $0x3;
	v43 =	vand.u32 $0x1FFF8, v43;
	v42 =	vor.u32 v0, v42  }
0x442: {  	v47 =	vmul.f32 v47, v21;
	v44 =	vand.u32 $0x1FFF8, v44;
	v43 =	vor.u32 v0, v43  }
0x443: {  	v48 =	vmul.f32 v48, v21;
	v52 =	vand.u32 $0x1FFF8, v52;
	v44 =	vor.u32 v0, v44  }
0x444: {  	[tilespmem:v32+s3+$0x0] =	vst.idx.add.f32.msk $0xffff, v47;
	v32 =	vmul.f32 v49, v21;
	v47 =	vor.u32 v0, v52;
	v49 =	vand.u32 $0x1FFF8, v53  }
0x445: {  	[tilespmem:v41+s3+$0x0] =	vst.idx.add.f32.msk $0xffff, v48;
	v41 =	vmul.f32 v50, v21;
	v48 =	vor.u32 v0, v49;
	v49 =	vand.u32 $0x1FFF8, v54  }
0x446: {  	[tilespmem:v42+s3+$0x0] =	vst.idx.add.f32.msk $0xffff, v32;
	v32 =	vmul.f32 v51, v21;
	v42 =	vand.u32 $0xFFFF0000, v45;
	v45 =	vor.u32 v0, v49  }
0x447: {  	v25 =	vmul.f32 v25, v20;
	[tilespmem:v43+s3+$0x0] =	vst.idx.add.f32.msk $0xffff, v41;
	v41 =	vmul.f32 v42, v21;
	v42 =	vand.u32 $0xFFFF0000, v46  }
0x448: {  	v27 =	vand.u32 $0xFFFF0000, v27;
	v43 =	vmul.f32 v30, v20;
	[tilespmem:v44+s3+$0x0] =	vst.idx.add.f32.msk $0xffff, v32;
	v30 =	vmul.f32 v42, v21  }
0x449: {  	v27 =	vmul.f32 v27, v21;
	v42 =	vmul.f32 v29, v20;
	v29 =	vand.u32 $0x1FFF8, v36;
	[tilespmem:v47+s3+$0x0] =	vst.idx.add.f32.msk $0xffff, v41  }
0x44a: {  	v33 =	vmul.f32 v33, v20;
	v34 =	vmul.f32 v34, v20;
	v32 =	vand.u32 $0x1FFF8, v37;
	[tilespmem:v48+s3+$0x0] =	vst.idx.add.f32.msk $0xffff, v30  }
0x44b: {  	v35 =	vmul.f32 v35, v20;
	v36 =	vmul.f32 v26, v20;
	v30 =	vand.u32 $0x1FFF8, v38;
	[tilespmem:v45+s3+$0x0] =	vst.idx.add.f32.msk $0xffff, v27  }
0x44c: {  	v26 =	vor.u32 v0, v28;
	v27 =	vor.u32 v0, v23;
	v23 =	vand.u32 $0x1FFF8, v39;
	v37 =	vld [tilespmem:s17+$0x16C40]  }
0x44d: {  	v13 =	vor.u32 v0, v13;
	v38 =	vor.u32 v0, v31;
	v39 =	vor.u32 v0, v29  }
0x44e: {  	v41 =	vor.u32 v0, v32;
	v44 =	vor.u32 v0, v30;
	v45 =	vor.u32 v0, v23  }
0x44f: {  	v32 =	vperm.xlane v22, v3;
	v31 =	vperm.xlane v22, v4;
	v23 =	vor.u32 v0, v24  }
0x450: {  	v28 =	vperm.xlane v22, v6;
	v30 =	vperm.xlane v22, v5  }
0x451: {  	v29 =	vperm.xlane v22, v7;
	v24 =	vshll.u32 v32, $0x3;
	[tilespmem:v26+s3+$0x0] =	vst.idx.add.f32.msk $0xffff, v40;
	v40 =	vperm.xlane v37, v3  }
0x452: {  	v46 =	vperm.xlane v37, v4;
	v47 =	vperm.xlane v37, v5;
	[tilespmem:v27+s3+$0x0] =	vst.idx.add.f32.msk $0xffff, v25;
	v25 =	vshll.u32 v31, $0x3  }
0x453: {  	v26 =	vshll.u32 v30, $0x3;
	[tilespmem:v38+s3+$0x0] =	vst.idx.add.f32.msk $0xffff, v43;
	v38 =	vperm.xlane v37, v6;
	v43 =	vperm.xlane v37, v7  }
0x454: {  	v27 =	vshll.u32 v28, $0x3;
	[tilespmem:v13+s3+$0x0] =	vst.idx.add.f32.msk $0xffff, v42;
	v13 =	vperm.xlane v37, v8;
	v42 =	vperm.xlane v37, v9  }
0x455: {  	v37 =	vperm.xlane v37, v10;
	[tilespmem:v39+s3+$0x0] =	vst.idx.add.f32.msk $0xffff, v33;
	v33 =	vand.u32 $0xFFFF0000, v40;
	v39 =	vand.u32 $0xFFFF0000, v46  }
0x456: {  	v48 =	vand.u32 $0xFFFF0000, v43;
	[tilespmem:v41+s3+$0x0] =	vst.idx.add.f32.msk $0xffff, v34;
	v34 =	vand.u32 $0xFFFF0000, v47;
	v41 =	vand.u32 $0xFFFF0000, v38  }
0x457: {  	[tilespmem:v44+s3+$0x0] =	vst.idx.add.f32.msk $0xffff, v35;
	v35 =	vshll.u32 v40, $0x3;
	v40 =	vshll.u32 v46, $0x3;
	v44 =	vshll.u32 v47, $0x3  }
0x458: {  	[tilespmem:v45+s3+$0x0] =	vst.idx.add.f32.msk $0xffff, v36;
	v35 =	vand.u32 $0x1FFF8, v35;
	v36 =	vshll.u32 v38, $0x3;
	v38 =	vshll.u32 v43, $0x3  }
0x459: {  	v40 =	vand.u32 $0x1FFF8, v40;
	v45 =	vshll.u32 v13, $0x3;
	v43 =	vld [tilespmem:s13+$0x16C30];
	v35 =	vor.u32 v0, v35  }
0x45a: {  	v46 =	vshll.u32 v42, $0x3;
	v44 =	vand.u32 $0x1FFF8, v44;
	v40 =	vor.u32 v0, v40  }
0x45b: {  	v47 =	vshll.u32 v37, $0x3;
	v44 =	vor.u32 v0, v44;
	v36 =	vand.u32 $0x1FFF8, v36  }
0x45c: {  	v33 =	vmul.f32 v33, v21;
	v38 =	vand.u32 $0x1FFF8, v38;
	v36 =	vor.u32 v0, v36  }
0x45d: {  	v39 =	vmul.f32 v39, v21;
	v45 =	vand.u32 $0x1FFF8, v45;
	v38 =	vor.u32 v0, v38  }
0x45e: {  	[tilespmem:v35+s3+$0x0] =	vst.idx.add.f32.msk $0xffff, v33;
	v33 =	vmul.f32 v34, v21;
	v34 =	vor.u32 v0, v45;
	v35 =	vand.u32 $0x1FFF8, v46  }
0x45f: {  	[tilespmem:v40+s3+$0x0] =	vst.idx.add.f32.msk $0xffff, v39;
	v39 =	vmul.f32 v41, v21;
	v35 =	vor.u32 v0, v35;
	v40 =	vand.u32 $0x1FFF8, v47  }
0x460: {  	v13 =	vand.u32 $0xFFFF0000, v13;
	[tilespmem:v44+s3+$0x0] =	vst.idx.add.f32.msk $0xffff, v33;
	v33 =	vmul.f32 v48, v21;
	v40 =	vor.u32 v0, v40  }
0x461: {  	v13 =	vmul.f32 v13, v21;
	v41 =	vperm.xlane v43, v3;
	[tilespmem:v36+s3+$0x0] =	vst.idx.add.f32.msk $0xffff, v39;
	v36 =	vand.u32 $0xFFFF0000, v42  }
0x462: {  	v39 =	vperm.xlane v43, v4;
	[tilespmem:v38+s3+$0x0] =	vst.idx.add.f32.msk $0xffff, v33;
	v33 =	vmul.f32 v36, v21;
	v36 =	vand.u32 $0xFFFF0000, v37  }
0x463: {  	v37 =	vshll.u32 v41, $0x3;
	v38 =	vperm.xlane v43, v5;
	[tilespmem:v34+s3+$0x0] =	vst.idx.add.f32.msk $0xffff, v13;
	v13 =	vmul.f32 v36, v21  }
0x464: {  	v42 =	vperm.xlane v43, v7;
	v34 =	vshll.u32 v39, $0x3;
	v36 =	vperm.xlane v43, v6;
	[tilespmem:v35+s3+$0x0] =	vst.idx.add.f32.msk $0xffff, v33  }
0x465: {  	v44 =	vperm.xlane v43, v9;
	v33 =	vshll.u32 v38, $0x3;
	v35 =	vperm.xlane v43, v8;
	[tilespmem:v40+s3+$0x0] =	vst.idx.add.f32.msk $0xffff, v13  }
0x466: {  	v43 =	vperm.xlane v43, v10;
	v13 =	vshll.u32 v36, $0x3;
	v40 =	vshll.u32 v42, $0x3;
	v45 =	vld [tilespmem:s17+$0x16C50]  }
0x467: {  	v41 =	vand.u32 $0xFFFF0000, v41;
	v47 =	vshll.u32 v44, $0x3;
	v46 =	vshll.u32 v35, $0x3  }
0x468: {  	v39 =	vand.u32 $0xFFFF0000, v39;
	v38 =	vand.u32 $0xFFFF0000, v38;
	v48 =	vshll.u32 v43, $0x3  }
0x469: {  	v36 =	vand.u32 $0xFFFF0000, v36;
	v42 =	vand.u32 $0xFFFF0000, v42;
	v35 =	vand.u32 $0xFFFF0000, v35  }
0x46a: {  	v44 =	vand.u32 $0xFFFF0000, v44;
	v37 =	vand.u32 $0x1FFF8, v37;
	v43 =	vand.u32 $0xFFFF0000, v43  }
0x46b: {  	v34 =	vand.u32 $0x1FFF8, v34;
	v33 =	vand.u32 $0x1FFF8, v33;
	v49 =	vperm.xlane v45, v3  }
0x46c: {  	v13 =	vand.u32 $0x1FFF8, v13;
	v50 =	vperm.xlane v45, v4;
	v51 =	vperm.xlane v45, v5  }
0x46d: {  	v40 =	vand.u32 $0x1FFF8, v40;
	v52 =	vperm.xlane v45, v6;
	v53 =	vperm.xlane v45, v7  }
0x46e: {  	v46 =	vand.u32 $0x1FFF8, v46;
	v54 =	vperm.xlane v45, v8;
	v55 =	vperm.xlane v45, v9  }
0x46f: {  	v45 =	vperm.xlane v45, v10;
	v56 =	vand.u32 $0xFFFF0000, v49;
	v57 =	vand.u32 $0xFFFF0000, v50  }
0x470: {  	v58 =	vand.u32 $0xFFFF0000, v51;
	v59 =	vand.u32 $0xFFFF0000, v52;
	v60 =	vand.u32 $0xFFFF0000, v53  }
0x471: {  	v49 =	vshll.u32 v49, $0x3;
	v50 =	vshll.u32 v50, $0x3;
	v51 =	vshll.u32 v51, $0x3  }
0x472: {  	v52 =	vshll.u32 v52, $0x3;
	v53 =	vshll.u32 v53, $0x3;
	v49 =	vand.u32 $0x1FFF8, v49  }
0x473: {  	v61 =	vshll.u32 v54, $0x3;
	v50 =	vand.u32 $0x1FFF8, v50;
	v49 =	vor.u32 v0, v49  }
0x474: {  	v62 =	vshll.u32 v55, $0x3;
	v51 =	vand.u32 $0x1FFF8, v51;
	v50 =	vor.u32 v0, v50  }
0x475: {  	v63 =	vshll.u32 v45, $0x3;
	v52 =	vand.u32 $0x1FFF8, v52;
	v51 =	vor.u32 v0, v51  }
0x476: {  	v56 =	vmul.f32 v56, v21;
	v53 =	vand.u32 $0x1FFF8, v53;
	v52 =	vor.u32 v0, v52  }
0x477: {  	v57 =	vmul.f32 v57, v21;
	v61 =	vand.u32 $0x1FFF8, v61;
	v53 =	vor.u32 v0, v53  }
0x478: {  	[tilespmem:v49+s3+$0x0] =	vst.idx.add.f32.msk $0xffff, v56;
	v49 =	vmul.f32 v58, v21;
	v56 =	vor.u32 v0, v61;
	v58 =	vand.u32 $0x1FFF8, v62  }
0x479: {  	[tilespmem:v50+s3+$0x0] =	vst.idx.add.f32.msk $0xffff, v57;
	v50 =	vmul.f32 v59, v21;
	v57 =	vor.u32 v0, v58;
	v58 =	vand.u32 $0x1FFF8, v63  }
0x47a: {  	[tilespmem:v51+s3+$0x0] =	vst.idx.add.f32.msk $0xffff, v49;
	v49 =	vmul.f32 v60, v21;
	v51 =	vand.u32 $0xFFFF0000, v54;
	v54 =	vor.u32 v0, v58  }
0x47b: {  	v47 =	vand.u32 $0x1FFF8, v47;
	[tilespmem:v52+s3+$0x0] =	vst.idx.add.f32.msk $0xffff, v50;
	v50 =	vmul.f32 v51, v21;
	v51 =	vand.u32 $0xFFFF0000, v55  }
0x47c: {  	v48 =	vand.u32 $0x1FFF8, v48;
	v45 =	vand.u32 $0xFFFF0000, v45;
	[tilespmem:v53+s3+$0x0] =	vst.idx.add.f32.msk $0xffff, v49;
	v49 =	vmul.f32 v51, v21  }
0x47d: {  	v41 =	vmul.f32 v41, v20;
	v45 =	vmul.f32 v45, v21;
	[tilespmem:v56+s3+$0x0] =	vst.idx.add.f32.msk $0xffff, v50;
	v50 =	vshll.u32 v29, $0x3  }
0x47e: {  	v32 =	vand.u32 $0xFFFF0000, v32;
	v39 =	vmul.f32 v39, v20;
	v38 =	vmul.f32 v38, v20;
	[tilespmem:v57+s3+$0x0] =	vst.idx.add.f32.msk $0xffff, v49  }
0x47f: {  	v31 =	vand.u32 $0xFFFF0000, v31;
	v36 =	vmul.f32 v36, v20;
	v42 =	vmul.f32 v42, v20;
	[tilespmem:v54+s3+$0x0] =	vst.idx.add.f32.msk $0xffff, v45  }
0x480: {  	v44 =	vmul.f32 v44, v20;
	v37 =	vor.u32 v0, v37;
	v35 =	vmul.f32 v35, v20;
	v45 =	vld [tilespmem:s17+$0x16C58]  }
0x481: {  	v34 =	vor.u32 v0, v34;
	v33 =	vor.u32 v0, v33;
	v43 =	vmul.f32 v43, v20  }
0x482: {  	v13 =	vor.u32 v0, v13;
	v40 =	vor.u32 v0, v40;
	v46 =	vor.u32 v0, v46  }
0x483: {  	v47 =	vor.u32 v0, v47;
	v48 =	vor.u32 v0, v48;
	v49 =	vperm.xlane v22, v8  }
0x484: {  	v30 =	vand.u32 $0xFFFF0000, v30;
	v51 =	vperm.xlane v22, v9;
	v22 =	vperm.xlane v22, v10  }
0x485: {  	v28 =	vand.u32 $0xFFFF0000, v28;
	[tilespmem:v37+s3+$0x0] =	vst.idx.add.f32.msk $0xffff, v41;
	v37 =	vperm.xlane v45, v11;
	v41 =	vshll.u32 v49, $0x3  }
0x486: {  	v29 =	vand.u32 $0xFFFF0000, v29;
	[tilespmem:v34+s3+$0x0] =	vst.idx.add.f32.msk $0xffff, v39;
	v34 =	vshll.u32 v51, $0x3;
	v39 =	vshll.u32 v22, $0x3  }
0x487: {  	v45 =	vand.u32 $0xFFFF0000, v51;
	[tilespmem:v33+s3+$0x0] =	vst.idx.add.f32.msk $0xffff, v38;
	v33 =	vshll.u32 v37, $0x3;
	v38 =	vand.u32 $0xFFFF0000, v49  }
0x488: {  	v24 =	vand.u32 $0x1FFF8, v24;
	v22 =	vand.u32 $0xFFFF0000, v22;
	[tilespmem:v13+s3+$0x0] =	vst.idx.add.f32.msk $0xffff, v36;
	v13 =	vand.u32 $0x1FFF8, v33  }
0x489: {  	v26 =	vand.u32 $0x1FFF8, v26;
	v25 =	vand.u32 $0x1FFF8, v25;
	[tilespmem:v40+s3+$0x0] =	vst.idx.add.f32.msk $0xffff, v42;
	v13 =	vor.u32 v0, v13  }
0x48a: {  	v27 =	vand.u32 $0x1FFF8, v27;
	v33 =	vand.u32 $0x1FFF8, v50;
	[tilespmem:v46+s3+$0x0] =	vst.idx.add.f32.msk $0xffff, v35;
	v35 =	vand.u32 $0x1FFF8, v41  }
0x48b: {  	v34 =	vand.u32 $0x1FFF8, v34;
	v36 =	vand.u32 $0xFFFF0000, v37;
	v37 =	vand.u32 $0x1FFF8, v39;
	[tilespmem:v47+s3+$0x0] =	vst.idx.add.f32.msk $0xffff, v44  }
0x48c: {  	v32 =	vmul.f32 v32, v18;
	v21 =	vmul.f32 v36, v21;
	[tilespmem:v48+s3+$0x0] =	vst.idx.add.f32.msk $0xffff, v43  }
0x48d: {  	v24 =	vor.u32 v0, v24;
	v30 =	vmul.f32 v30, v18;
	v31 =	vmul.f32 v31, v18;
	v36 =	vld [tilespmem:s13+$0x16C40]  }
0x48e: {  	[tilespmem:v13+s3+$0x0] =	vst.idx.add.f32.msk $0xff, v21;
	v13 =	vmul.f32 v28, v18;
	v21 =	vmul.f32 v29, v18  }
0x48f: {  	v25 =	vor.u32 v0, v25;
	v28 =	vmul.f32 v38, v18;
	v29 =	vmul.f32 v45, v18  }
0x490: {  	v26 =	vor.u32 v0, v26;
	v27 =	vor.u32 v0, v27;
	v38 =	vmul.f32 v22, v18  }
0x491: {  	v34 =	vor.u32 v0, v34;
	v22 =	vor.u32 v0, v33;
	v33 =	vor.u32 v0, v35  }
0x492: {  	v37 =	vor.u32 v0, v37;
	v35 =	vperm.xlane v36, v3;
	v39 =	vperm.xlane v36, v4  }
0x493: {  	v40 =	vperm.xlane v36, v5;
	v41 =	vperm.xlane v36, v6;
	[tilespmem:v24+s3+$0x0] =	vst.idx.add.f32.msk $0xffff, v32  }
0x494: {  	v42 =	vperm.xlane v36, v8;
	v32 =	vperm.xlane v36, v7;
	v24 =	vshll.u32 v35, $0x3;
	[tilespmem:v25+s3+$0x0] =	vst.idx.add.f32.msk $0xffff, v31  }
0x495: {  	v25 =	vshll.u32 v39, $0x3;
	v31 =	vperm.xlane v36, v9;
	v36 =	vperm.xlane v36, v10;
	[tilespmem:v26+s3+$0x0] =	vst.idx.add.f32.msk $0xffff, v30  }
0x496: {  	v26 =	vshll.u32 v40, $0x3;
	v30 =	vshll.u32 v41, $0x3;
	v43 =	vshll.u32 v32, $0x3;
	[tilespmem:v27+s3+$0x0] =	vst.idx.add.f32.msk $0xffff, v13  }
0x497: {  	v13 =	vshll.u32 v42, $0x3;
	v27 =	vshll.u32 v31, $0x3;
	v44 =	vshll.u32 v36, $0x3;
	[tilespmem:v22+s3+$0x0] =	vst.idx.add.f32.msk $0xffff, v21  }
0x498: {  	v45 =	vand.u32 $0xFFFF0000, v35;
	v39 =	vand.u32 $0xFFFF0000, v39;
	v40 =	vand.u32 $0xFFFF0000, v40;
	[tilespmem:v33+s3+$0x0] =	vst.idx.add.f32.msk $0xffff, v28  }
0x499: {  	v41 =	vand.u32 $0xFFFF0000, v41;
	v46 =	vand.u32 $0xFFFF0000, v32;
	v42 =	vand.u32 $0xFFFF0000, v42;
	[tilespmem:v34+s3+$0x0] =	vst.idx.add.f32.msk $0xffff, v29  }
0x49a: {  	v22 =	vand.u32 $0xFFFF0000, v36;
	v29 =	vand.u32 $0x1FFF8, v24;
	v24 =	vand.u32 $0xFFFF0000, v31;
	[tilespmem:v37+s3+$0x0] =	vst.idx.add.f32.msk $0xffff, v38  }
.Ltmp1:
0x49b: {  	v25 =	vand.u32 $0x1FFF8, v25;
	v36 =	vand.u32 $0x1FFF8, v26;
	v31 =	vand.u32 $0x1FFF8, v30;
	v21 =	vld [tilespmem:s4+$0x16C58];
	s4 =	smov.u32 s13;
	(pc) =	sbr.rel @p0 .LBB2_5-.Ltmp1, $4  }
0x49c: {  	v35 =	vand.u32 $0x1FFF8, v13;
	v34 =	vand.u32 $0x1FFF8, v43;
	v30 =	vand.u32 $0x1FFF8, v27  }
0x49d: {  	v32 =	vmul.f32 v45, v20;
	v28 =	vmul.f32 v39, v20;
	v33 =	vand.u32 $0x1FFF8, v44  }
0x49e: {  	v26 =	vmul.f32 v41, v20;
	v37 =	vor.u32 v0, v29;
	v29 =	vmul.f32 v40, v20  }
0x49f: {  	s1 =	sadd.s32 $0x82, s1;
	v27 =	vmul.f32 v46, v20;
	v38 =	vor.u32 v0, v25;
	v25 =	vmul.f32 v42, v20  }
0x4a0: {  	_ = 	snop  }
0x4a1: {  	v13 =	vor.u32 v0, v36  }
0x4a2: {  	v31 =	vor.u32 v0, v31  }
0x4a3: {  	v34 =	vor.u32 v0, v34  }
0x4a4: {  	v35 =	vor.u32 v0, v35;
	[tilespmem:v37+s3+$0x0] =	vst.idx.add.f32.msk $0xffff, v32  }
0x4a5: {  	v30 =	vor.u32 v0, v30;
	[tilespmem:v38+s3+$0x0] =	vst.idx.add.f32.msk $0xffff, v28  }
0x4a6: {  	v42 =	vor.u32 v0, v33;
	[tilespmem:v13+s3+$0x0] =	vst.idx.add.f32.msk $0xffff, v29  }
0x4a7: {  	[tilespmem:v31+s3+$0x0] =	vst.idx.add.f32.msk $0xffff, v26  }
0x4a8: {  	v13 =	vmul.f32 v24, v20;
	[tilespmem:v34+s3+$0x0] =	vst.idx.add.f32.msk $0xffff, v27  }
0x4a9: {  	v22 =	vmul.f32 v22, v20;
	[tilespmem:v35+s3+$0x0] =	vst.idx.add.f32.msk $0xffff, v25  }
0x4aa: {  	[tilespmem:v30+s3+$0x0] =	vst.idx.add.f32.msk $0xffff, v13  }
0x4ab: {  	[tilespmem:v42+s3+$0x0] =	vst.idx.add.f32.msk $0xffff, v22  }
0x4ac: {  	v13 =	vld [tilespmem:s4+$0x16C50];
	_ =	sdelay $0x4  }
0x4ad: {  	v43 =	vperm.xlane v13, v3  }
0x4ae: {  	v44 =	vperm.xlane v13, v4;
	v45 =	vperm.xlane v13, v5  }
0x4af: {  	v46 =	vperm.xlane v13, v6;
	v47 =	vperm.xlane v13, v7  }
0x4b0: {  	v53 =	vperm.xlane v13, v8;
	v54 =	vperm.xlane v13, v9  }
0x4b1: {  	v13 =	vperm.xlane v13, v10;
	v48 =	vshll.u32 v43, $0x3;
	v49 =	vshll.u32 v44, $0x3  }
0x4b2: {  	v50 =	vshll.u32 v45, $0x3;
	v51 =	vshll.u32 v46, $0x3;
	v52 =	vshll.u32 v47, $0x3  }
0x4b3: {  	v22 =	vand.u32 $0xFFFF0000, v43;
	v24 =	vand.u32 $0xFFFF0000, v44;
	v25 =	vand.u32 $0xFFFF0000, v45  }
0x4b4: {  	v26 =	vand.u32 $0xFFFF0000, v46;
	v55 =	vshll.u32 v53, $0x3;
	v28 =	vand.u32 $0x1FFF8, v48  }
0x4b5: {  	v27 =	vand.u32 $0xFFFF0000, v47;
	v29 =	vand.u32 $0x1FFF8, v49;
	v28 =	vor.u32 v0, v28  }
0x4b6: {  	v56 =	vshll.u32 v54, $0x3;
	v30 =	vand.u32 $0x1FFF8, v50;
	v29 =	vor.u32 v0, v29  }
0x4b7: {  	v57 =	vshll.u32 v13, $0x3;
	v31 =	vand.u32 $0x1FFF8, v51;
	v30 =	vor.u32 v0, v30  }
0x4b8: {  	v32 =	vand.u32 $0x1FFF8, v52;
	v22 =	vmul.f32 v22, v20;
	v31 =	vor.u32 v0, v31  }
0x4b9: {  	v35 =	vand.u32 $0x1FFF8, v55;
	v24 =	vmul.f32 v24, v20;
	v32 =	vor.u32 v0, v32  }
0x4ba: {  	v36 =	vand.u32 $0x1FFF8, v56;
	v25 =	vmul.f32 v25, v20;
	v35 =	vor.u32 v0, v35;
	[tilespmem:v28+s3+$0x0] =	vst.idx.add.f32.msk $0xffff, v22  }
0x4bb: {  	v58 =	vand.u32 $0x1FFF8, v57;
	v26 =	vmul.f32 v26, v20;
	v59 =	vor.u32 v0, v36;
	[tilespmem:v29+s3+$0x0] =	vst.idx.add.f32.msk $0xffff, v24  }
0x4bc: {  	v60 =	vand.u32 $0xFFFF0000, v53;
	v27 =	vmul.f32 v27, v20;
	v22 =	vor.u32 v0, v58;
	[tilespmem:v30+s3+$0x0] =	vst.idx.add.f32.msk $0xffff, v25  }
0x4bd: {  	v61 =	vand.u32 $0xFFFF0000, v54;
	v24 =	vmul.f32 v60, v20;
	[tilespmem:v31+s3+$0x0] =	vst.idx.add.f32.msk $0xffff, v26  }
0x4be: {  	v13 =	vand.u32 $0xFFFF0000, v13;
	v25 =	vmul.f32 v61, v20;
	[tilespmem:v32+s3+$0x0] =	vst.idx.add.f32.msk $0xffff, v27  }
0x4bf: {  	v13 =	vmul.f32 v13, v20;
	[tilespmem:v35+s3+$0x0] =	vst.idx.add.f32.msk $0xffff, v24  }
0x4c0: {  	[tilespmem:v59+s3+$0x0] =	vst.idx.add.f32.msk $0xffff, v25  }
0x4c1: {  	[tilespmem:v22+s3+$0x0] =	vst.idx.add.f32.msk $0xffff, v13  }
0x4c2: {  	v13 =	vld [tilespmem:s4+$0x16C58];
	_ =	sdelay $0x3  }
0x4c3: {  	v21 =	vperm.xlane v21, v11  }
0x4c4: {  	v13 =	vperm.xlane v13, v11  }
0x4c5: {  	v62 =	vshll.u32 v21, $0x3  }
0x4c6: {  	v22 =	vand.u32 $0x1FFF8, v62;
	v63 =	vshll.u32 v13, $0x3  }
0x4c7: {  	s2 =	sadd.s32 $0x1, s2;
	v22 =	vor.u32 v0, v22;
	v24 =	vand.u32 $0x1FFF8, v63  }
0x4c8: {  	p0 =	sne.s32 s2, $0x14;
	v24 =	vor.u32 v0, v24  }
.Ltmp2:
0x4c9: {  	v17 =	vmul.f32 v19, v17;
	v19 =	vand.u32 $0xFFFF0000, v21;
	(pc) =	sbr.rel @p0 .LBB2_2-.Ltmp2, $4  }
0x4ca: {  	v18 =	vmul.f32 v19, v18;
	v13 =	vand.u32 $0xFFFF0000, v13  }
0x4cb: {  	[tilespmem:v23+s3+$0x0] =	vst.idx.add.f32.msk $0xff, v17;
	v13 =	vmul.f32 v13, v20  }
0x4cc: {  	[tilespmem:v22+s3+$0x0] =	vst.idx.add.f32.msk $0xff, v18  }
0x4cd: {  	s31 =	sadd.s32 $0x20, s31;
	[tilespmem:v24+s3+$0x0] =	vst.idx.add.f32.msk $0xff, v13  }
0x4ce: {  	s1 =	simm.s32 $0x0;
	s2 =	simm.s32 $0x40;
	v19 =	vld [tilespmem:$0x1FFF0]  }
.LBB2_8:
0x4cf: {  	s4 =	simm.s32 $0x0  }
0x4d0: {  	v13 =	vmov s4  }
0x4d1: {  	v13 =	vshrl.u32 v13, $0x3  }
0x4d2: {  	v13 =	vshll.u32 v13, v12  }
0x4d3: {  	v13 =	vbroadcast v13, $0x0;
	_ =	sdelay $0x1  }
0x4d4: {  	v17 =	vld [tilespmem:s2+$0xFFFFFFC0];
	s31 =	simm.s32 $0x2;
	v13 =	vadd.s32 v19, v13  }
0x4d5: {  	v18 =	vmov s31  }
0x4d6: {  	v18 =	vshrl.u32 v18, $0x3  }
0x4d7: {  	v18 =	vshll.u32 v18, v12  }
0x4d8: {  	v18 =	vbroadcast v18, $0x0  }
0x4d9: {  	[tilespmem:v13+s21+$0x0] =	vst.idx.msk $0xffff, v17  }
0x4da: {  	s7 =	simm.s32 $0x4;
	v17 =	vadd.s32 v14, v18;
	v13 =	vld [tilespmem:s2+$0xFFFFFFD0]  }
0x4db: {  	v18 =	vmov s7  }
0x4dc: {  	v18 =	vshrl.u32 v18, $0x3  }
0x4dd: {  	v18 =	vshll.u32 v18, v12  }
0x4de: {  	v18 =	vbroadcast v18, $0x0  }
0x4df: {  	[tilespmem:v17+s21+$0x0] =	vst.idx.msk $0xffff, v13  }
0x4e0: {  	s8 =	simm.s32 $0x6;
	v17 =	vadd.s32 v15, v18;
	v13 =	vld [tilespmem:s2+$0xFFFFFFE0]  }
0x4e1: {  	v18 =	vmov s8  }
0x4e2: {  	v18 =	vshrl.u32 v18, $0x3  }
0x4e3: {  	v18 =	vshll.u32 v18, v12  }
0x4e4: {  	v18 =	vbroadcast v18, $0x0  }
0x4e5: {  	[tilespmem:v17+s21+$0x0] =	vst.idx.msk $0xffff, v13  }
0x4e6: {  	s12 =	simm.s32 $0x8;
	v17 =	vadd.s32 v16, v18;
	v13 =	vld [tilespmem:s2+$0xFFFFFFF0]  }
0x4e7: {  	v18 =	vmov s12  }
0x4e8: {  	v18 =	vshrl.u32 v18, $0x3  }
0x4e9: {  	v18 =	vshll.u32 v18, v12  }
0x4ea: {  	v18 =	vbroadcast v18, $0x0  }
0x4eb: {  	[tilespmem:v17+s21+$0x0] =	vst.idx.msk $0xffff, v13  }
0x4ec: {  	s13 =	simm.s32 $0xA;
	v17 =	vadd.s32 v19, v18;
	v13 =	vld [tilespmem:s2+$0x0]  }
0x4ed: {  	v18 =	vmov s13  }
0x4ee: {  	v18 =	vshrl.u32 v18, $0x3  }
0x4ef: {  	v18 =	vshll.u32 v18, v12  }
0x4f0: {  	v18 =	vbroadcast v18, $0x0  }
0x4f1: {  	[tilespmem:v17+s21+$0x0] =	vst.idx.msk $0xffff, v13  }
0x4f2: {  	s17 =	simm.s32 $0xC;
	v17 =	vadd.s32 v14, v18;
	v13 =	vld [tilespmem:s2+$0x10]  }
0x4f3: {  	v18 =	vmov s17  }
0x4f4: {  	v18 =	vshrl.u32 v18, $0x3  }
0x4f5: {  	v18 =	vshll.u32 v18, v12  }
0x4f6: {  	v18 =	vbroadcast v18, $0x0  }
0x4f7: {  	[tilespmem:v17+s21+$0x0] =	vst.idx.msk $0xffff, v13  }
0x4f8: {  	s31 =	simm.s32 $0xE;
	v17 =	vadd.s32 v15, v18;
	v13 =	vld [tilespmem:s2+$0x20]  }
0x4f9: {  	v18 =	vmov s31  }
0x4fa: {  	v18 =	vshrl.u32 v18, $0x3  }
0x4fb: {  	v18 =	vshll.u32 v18, v12  }
0x4fc: {  	v18 =	vbroadcast v18, $0x0  }
0x4fd: {  	s4 =	sshll.u32 s1, $0xB;
	s7 =	simm.s32 $0x1E;
	[tilespmem:v17+s21+$0x0] =	vst.idx.msk $0xffff, v13  }
0x4fe: {  	s12 =	smov.u32 s2;
	s13 =	simm.s32 $0x2E;
	s17 =	simm.s32 $0x10;
	v18 =	vadd.s32 v16, v18;
	v17 =	vld [tilespmem:s2+$0x30]  }
.LBB2_9:
0x4ff: {  	p0 =	sne.s32 s13, $0x7FE;
	v13 =	vmov s17  }
0x500: {  	v13 =	vshrl.u32 v13, $0x3  }
0x501: {  	v13 =	vshll.u32 v13, v12  }
0x502: {  	v13 =	vbroadcast v13, $0x0  }
0x503: {  	s12 =	sadd.s32 $0x80, s12;
	[tilespmem:v18+s21+$0x0] =	vst.idx.msk $0xffff, v17  }
0x504: {  	s8 =	sadd.s32 $0xFFFFFFF4, s7;
	v17 =	vld [tilespmem:s12+$0xFFFFFFC0];
	v13 =	vadd.s32 v19, v13  }
0x505: {  	v18 =	vmov s8  }
0x506: {  	v18 =	vshrl.u32 v18, $0x3  }
0x507: {  	v18 =	vshll.u32 v18, v12  }
0x508: {  	v18 =	vbroadcast v18, $0x0  }
0x509: {  	[tilespmem:v13+s21+$0x0] =	vst.idx.msk $0xffff, v17  }
0x50a: {  	s8 =	sadd.s32 $0xFFFFFFF6, s7;
	v17 =	vadd.s32 v14, v18;
	v13 =	vld [tilespmem:s12+$0xFFFFFFD0]  }
0x50b: {  	v18 =	vmov s8  }
0x50c: {  	v18 =	vshrl.u32 v18, $0x3  }
0x50d: {  	v18 =	vshll.u32 v18, v12  }
0x50e: {  	v18 =	vbroadcast v18, $0x0  }
0x50f: {  	[tilespmem:v17+s21+$0x0] =	vst.idx.msk $0xffff, v13  }
0x510: {  	s8 =	sadd.s32 $0xFFFFFFF8, s7;
	v17 =	vadd.s32 v15, v18;
	v13 =	vld [tilespmem:s12+$0xFFFFFFE0]  }
0x511: {  	v18 =	vmov s8  }
0x512: {  	v18 =	vshrl.u32 v18, $0x3  }
0x513: {  	v18 =	vshll.u32 v18, v12  }
0x514: {  	v18 =	vbroadcast v18, $0x0  }
0x515: {  	[tilespmem:v17+s21+$0x0] =	vst.idx.msk $0xffff, v13  }
0x516: {  	s8 =	sadd.s32 $0xFFFFFFFA, s7;
	v17 =	vadd.s32 v16, v18;
	v13 =	vld [tilespmem:s12+$0xFFFFFFF0]  }
0x517: {  	v18 =	vmov s8  }
0x518: {  	v18 =	vshrl.u32 v18, $0x3  }
0x519: {  	v18 =	vshll.u32 v18, v12  }
0x51a: {  	v18 =	vbroadcast v18, $0x0  }
0x51b: {  	[tilespmem:v17+s21+$0x0] =	vst.idx.msk $0xffff, v13  }
0x51c: {  	s8 =	sadd.s32 $0xFFFFFFFC, s7;
	v17 =	vadd.s32 v19, v18;
	v13 =	vld [tilespmem:s12+$0x0]  }
0x51d: {  	v18 =	vmov s8  }
0x51e: {  	v18 =	vshrl.u32 v18, $0x3  }
0x51f: {  	v18 =	vshll.u32 v18, v12  }
0x520: {  	v18 =	vbroadcast v18, $0x0  }
0x521: {  	[tilespmem:v17+s21+$0x0] =	vst.idx.msk $0xffff, v13  }
0x522: {  	s8 =	sadd.s32 $0xFFFFFFFE, s7;
	v17 =	vadd.s32 v14, v18;
	v13 =	vld [tilespmem:s12+$0x10]  }
0x523: {  	v18 =	vmov s8  }
0x524: {  	v18 =	vshrl.u32 v18, $0x3  }
0x525: {  	v18 =	vshll.u32 v18, v12  }
0x526: {  	v18 =	vbroadcast v18, $0x0  }
0x527: {  	[tilespmem:v17+s21+$0x0] =	vst.idx.msk $0xffff, v13  }
0x528: {  	v17 =	vadd.s32 v15, v18;
	v13 =	vld [tilespmem:s12+$0x20]  }
0x529: {  	v18 =	vmov s7;
	s7 =	smov.u32 s13  }
.Ltmp3:
0x52a: {  	v18 =	vshrl.u32 v18, $0x3;
	(pc) =	sbr.rel @p0 .LBB2_9-.Ltmp3, $4  }
0x52b: {  	v18 =	vshll.u32 v18, v12  }
0x52c: {  	v18 =	vbroadcast v18, $0x0  }
0x52d: {  	[tilespmem:v17+s21+$0x0] =	vst.idx.msk $0xffff, v13  }
0x52e: {  	s13 =	sadd.s32 $0x10, s13;
	s17 =	sadd.s32 $0xFFFFFFF2, s7;
	v18 =	vadd.s32 v16, v18;
	v17 =	vld [tilespmem:s12+$0x30]  }
0x52f: {  	v13 =	vmov s17  }
0x530: {  	v13 =	vshrl.u32 v13, $0x3  }
0x531: {  	v13 =	vshll.u32 v13, v12  }
0x532: {  	v13 =	vbroadcast v13, $0x0  }
0x533: {  	s8 =	sadd.s32 $0x80, s12;
	[tilespmem:v18+s21+$0x0] =	vst.idx.msk $0xffff, v17  }
0x534: {  	s31 =	sadd.s32 $0xFFFFFFF4, s7;
	v17 =	vld [tilespmem:s8+$0xFFFFFFC0];
	v13 =	vadd.s32 v19, v13  }
0x535: {  	v18 =	vmov s31  }
0x536: {  	v18 =	vshrl.u32 v18, $0x3  }
0x537: {  	v18 =	vshll.u32 v18, v12  }
0x538: {  	v18 =	vbroadcast v18, $0x0  }
0x539: {  	[tilespmem:v13+s21+$0x0] =	vst.idx.msk $0xffff, v17  }
0x53a: {  	s13 =	sadd.s32 $0xFFFFFFF6, s7;
	v17 =	vadd.s32 v14, v18;
	v13 =	vld [tilespmem:s8+$0xFFFFFFD0]  }
0x53b: {  	v18 =	vmov s13  }
0x53c: {  	v18 =	vshrl.u32 v18, $0x3  }
0x53d: {  	v18 =	vshll.u32 v18, v12  }
0x53e: {  	v18 =	vbroadcast v18, $0x0  }
0x53f: {  	[tilespmem:v17+s21+$0x0] =	vst.idx.msk $0xffff, v13  }
0x540: {  	s17 =	sadd.s32 $0xFFFFFFF8, s7;
	v17 =	vadd.s32 v15, v18;
	v13 =	vld [tilespmem:s8+$0xFFFFFFE0]  }
0x541: {  	v18 =	vmov s17  }
0x542: {  	v18 =	vshrl.u32 v18, $0x3  }
0x543: {  	v18 =	vshll.u32 v18, v12  }
0x544: {  	v18 =	vbroadcast v18, $0x0  }
0x545: {  	[tilespmem:v17+s21+$0x0] =	vst.idx.msk $0xffff, v13  }
0x546: {  	s31 =	sadd.s32 $0xFFFFFFFA, s7;
	v17 =	vadd.s32 v16, v18;
	v13 =	vld [tilespmem:s8+$0xFFFFFFF0]  }
0x547: {  	v18 =	vmov s31  }
0x548: {  	v18 =	vshrl.u32 v18, $0x3  }
0x549: {  	v18 =	vshll.u32 v18, v12  }
0x54a: {  	v18 =	vbroadcast v18, $0x0  }
0x54b: {  	[tilespmem:v17+s21+$0x0] =	vst.idx.msk $0xffff, v13  }
0x54c: {  	s13 =	sadd.s32 $0xFFFFFFFC, s7;
	v17 =	vadd.s32 v19, v18;
	v13 =	vld [tilespmem:s8+$0x0]  }
0x54d: {  	v18 =	vmov s13  }
0x54e: {  	v18 =	vshrl.u32 v18, $0x3  }
0x54f: {  	v18 =	vshll.u32 v18, v12  }
0x550: {  	v18 =	vbroadcast v18, $0x0  }
0x551: {  	[tilespmem:v17+s21+$0x0] =	vst.idx.msk $0xffff, v13  }
0x552: {  	s17 =	sadd.s32 $0xFFFFFFFE, s7;
	v17 =	vadd.s32 v14, v18;
	v13 =	vld [tilespmem:s8+$0x10]  }
0x553: {  	v18 =	vmov s17  }
0x554: {  	v18 =	vshrl.u32 v18, $0x3  }
0x555: {  	v18 =	vshll.u32 v18, v12  }
0x556: {  	v18 =	vbroadcast v18, $0x0  }
0x557: {  	[tilespmem:v17+s21+$0x0] =	vst.idx.msk $0xffff, v13  }
0x558: {  	v17 =	vadd.s32 v15, v18;
	v13 =	vld [tilespmem:s8+$0x20]  }
0x559: {  	v18 =	vmov s7  }
0x55a: {  	v18 =	vshrl.u32 v18, $0x3  }
0x55b: {  	v18 =	vshll.u32 v18, v12  }
0x55c: {  	v18 =	vbroadcast v18, $0x0  }
0x55d: {  	[tilespmem:v17+s21+$0x0] =	vst.idx.msk $0xffff, v13  }
0x55e: {  	v17 =	vadd.s32 v16, v18;
	v13 =	vld [tilespmem:s8+$0x30];
	_ =	sdelay $0x2  }
0x55f: {  	s4 =	sadd.s32 s10, s4  }
0x560: {  	s4 =	sshrl.u32 s4, $0x3  }
0x561: {  	s4 =	sadd.s32 s6, s4;
	[tilespmem:v17+s21+$0x0] =	vst.idx.msk $0xffff, v13  }
0x562: {  	[hbm4b:s4+s3] =	stream.linear.scatter [tilespmem:s21], [sflag:$0x4], $0x800, $0x38;
	[tilespmem:$0x1B0C0] =	vst v63  }
0x563: {  	s31 =	sadd.s32 $0x500, s4  }
0x564: {  	[hbm4b:s31+s3] =	stream.linear.scatter [tilespmem:s22], [sflag:$0x4], $0x800, $0x38;
	[tilespmem:$0x1B0C0] =	vst v63  }
0x565: {  	s8 =	sadd.s32 $0xA00, s4  }
0x566: {  	[hbm4b:s8+s3] =	stream.linear.scatter [tilespmem:s23], [sflag:$0x4], $0x800, $0x38;
	[tilespmem:$0x1B0C0] =	vst v63  }
0x567: {  	s12 =	sadd.s32 $0xF00, s4  }
0x568: {  	[hbm4b:s12+s3] =	stream.linear.scatter [tilespmem:s24], [sflag:$0x4], $0x800, $0x38;
	[tilespmem:$0x1B0C0] =	vst v63  }
0x569: {  	s13 =	sadd.s32 $0x1400, s4  }
0x56a: {  	[hbm4b:s13+s3] =	stream.linear.scatter [tilespmem:s25], [sflag:$0x4], $0x800, $0x38;
	[tilespmem:$0x1B0C0] =	vst v63  }
0x56b: {  	s1 =	sadd.s32 $0x1, s1;
	s17 =	sadd.s32 $0x1900, s4  }
0x56c: {  	[hbm4b:s17+s3] =	stream.linear.scatter [tilespmem:s26], [sflag:$0x4], $0x800, $0x38;
	[tilespmem:$0x1B0C0] =	vst v63  }
0x56d: {  	p0 =	sne.s32 s1, $0x5;
	s31 =	sadd.s32 $0x1E00, s4  }
0x56e: {  	[hbm4b:s31+s3] =	stream.linear.scatter [tilespmem:s28], [sflag:$0x4], $0x800, $0x38;
	[tilespmem:$0x1B0C0] =	vst v63  }
.Ltmp4:
0x56f: {  	s4 =	sadd.s32 $0x2300, s4;
	(pc) =	sbr.rel @p0 .LBB2_8-.Ltmp4, $4  }
0x570: {  	[hbm4b:s4+s3] =	stream.linear.scatter [tilespmem:s29], [sflag:$0x4], $0x800, $0x38;
	[tilespmem:$0x1B0C0] =	vst v63  }
0x571: {  	_ =	swait.ge [sflag:s15], $0x4000  }
0x572: {  	[sflag:s15] =	ssyncset.done $0x0  }
0x573: {  	s2 =	sadd.s32 $0x4000, s2;
	[sflag:s15] =	ssyncadd.s32 $0xFFFFC000  }
0x574: {  	s30 =	sadd.s32 $0x1, s30  }
0x575: {  	p0 =	sne.s32 s30, s11  }
.Ltmp5:
0x576: {  	_ = 	snop;
	(pc) =	sbr.rel @p0 .LBB2_1-.Ltmp5, $1  }
0x577: {  	_ =	sdelay $0x3  }
0x578: {  	_ =	sfence.sel $0x180000  }
0x579: {  	[bflag:$0x0] =	sbarrier.arrive $0xFFFF  }
0x57a: {  	_ =	strace $0x90000047  }
0x57b: {  	s0 =	stileid.u32;
	[bflag:$0x2] =	sbarrier.arrive $0xFFFF  }
0x57c: {  	p0 =	sne.s32 s0, $0x0;
	s0 =	rddreg [dreg:$0x4]  }
0x57d: {  	s0 =	sadd.s32 @!p0 $0x100000, s0  }
0x57e: {  	[sflag:s0] =	ssyncadd.tile.s32 @!p0 $0x1;
	_ =	shalt  }
.Lfunc_end2:
_tile_overlayer_lowered:
.L_overlay_start_2:
0x57f: {  	(tag) =	ssettag $0x2  }
0x580: {  	s0 =	rddreg [dreg:$0x0];
	s2 =	stileid.u32  }
0x581: {  	s1 =	rddreg [dreg:$0x1];
	p0 =	sne.s32 s2, $0x0  }
0x582: {  	s3 =	rddreg [dreg:$0x2];
	[bflag:$0x3] =	sbarrier.arrive $0xFFFF;
	s2 =	simm.s32 @!p0 $0x1C04  }
0x583: {  	[timem:s3], [sflag:s2] =	dma.local @!p0 [hbm:s0], s1  }
0x584: {  	s0 =	simm.s32 @!p0 $0x4  }
0x585: {  	_ =	swait.ge @!p0 [sflag:s0], s1  }
0x586: {  	s1 =	ssub.s32 @!p0 $0x0, s1;
	[sflag:s0] =	ssyncset.done @!p0 $0x0  }
0x587: {  	[sflag:s0] =	ssyncadd.s32 @!p0 s1  }
0x588: {  	[bflag:$0x3] =	sbarrier.arrive $0xFFFF  }
0x589: {  	_ =	shalt  }

</sc_bundles>
